<compile_context>
chip_gen: v7x
topology: tpu7x:2x2x1
jax: 0.10.2.dev20260603
libtpu: 0.0.44.dev20260713+nightly
codegen_flags: <defaults>
</compile_context>

<pallas_src>
import functools

import jax
import jax.numpy as jnp
from jax import lax
from jax.experimental import pallas as pl
from jax.experimental.pallas import tpu as pltpu
from jax.experimental.pallas import tpu_sc as plsc

N = 10000
E = 320000
D = 128
DH = 64

NC = 2
NS = 16
NW = NC * NS

K = 128
NP = 10240
EP = 327680
EPW = EP // NW
NCHUNK = EPW // K
EPT = EP // NS
NCHUNK2 = EPT // K
RPT = NP // NS

BM = 1024
GRID = NP // BM

_mesh = plsc.VectorSubcoreMesh(core_axis_name="c", subcore_axis_name="s")


def _make_segsum(table_rows, nchunk):

    @functools.partial(
        pl.kernel,
        out_type=jax.ShapeDtypeStruct((2 * NP, DH), jnp.float32),
        mesh=_mesh,
        compiler_params=pltpu.CompilerParams(use_tc_tiling_on_sc=False),
        scratch_types=[
            pltpu.VMEM((nchunk, K), jnp.int32),
            pltpu.VMEM((nchunk, K), jnp.int32),
            pltpu.VMEM((K, DH), jnp.float32),
            pltpu.VMEM((K, DH), jnp.float32),
            pltpu.VMEM_SHARED((NP, DH), jnp.float32),
            pltpu.SemaphoreType.DMA,
            pltpu.SemaphoreType.DMA,
        ],
    )
    def segsum(m_hbm, src_hbm, dst_hbm, zero_hbm, out_hbm,
               src_v, dst_v, rows0, rows1, acc, sem0, sem1):
        cid = lax.axis_index("c")
        sid = lax.axis_index("s")
        pltpu.sync_copy(src_hbm.at[cid, sid], src_v)
        pltpu.sync_copy(dst_hbm.at[cid, sid], dst_v)
        pltpu.sync_copy(zero_hbm.at[pl.ds(sid * RPT, RPT)],
                        acc.at[pl.ds(sid * RPT, RPT)])
        plsc.subcore_barrier()

        pltpu.async_copy(m_hbm.at[src_v.at[0]], rows0, sem0)

        def body(t, carry):
            j0 = 2 * t
            j1 = j0 + 1
            pltpu.make_async_copy(m_hbm.at[src_v.at[j0]], rows0, sem0).wait()
            pltpu.async_copy(m_hbm.at[src_v.at[j1]], rows1, sem1)
            pltpu.sync_copy(rows0, acc.at[dst_v.at[j0]], add=True)
            pltpu.make_async_copy(m_hbm.at[src_v.at[j1]], rows1, sem1).wait()

            @pl.when(t < nchunk // 2 - 1)
            def _():
                pltpu.async_copy(m_hbm.at[src_v.at[j1 + 1]], rows0, sem0)

            pltpu.sync_copy(rows1, acc.at[dst_v.at[j1]], add=True)
            return carry

        lax.fori_loop(0, nchunk // 2, body, 0)
        plsc.subcore_barrier()
        pltpu.sync_copy(acc.at[pl.ds(sid * RPT, RPT)],
                        out_hbm.at[pl.ds(cid * NP + sid * RPT, RPT)])

    return segsum


_seg_split = _make_segsum(NP, NCHUNK)
_seg_pair = _make_segsum(2 * NP, NCHUNK2)


def _dot(a, b):
    return jnp.dot(a, b, preferred_element_type=jnp.float32)



def _embed_body(x_ref, we_ref, be_ref, wg_ref, ma_ref, mb_ref):
    h0 = _dot(x_ref[...], we_ref[...]) + be_ref[...]
    m = _dot(h0, wg_ref[...])
    ma_ref[...] = m[:, :DH]
    mb_ref[...] = m[:, DH:]


_embed_mm = pl.pallas_call(
    _embed_body,
    grid=(GRID,),
    in_specs=[pl.BlockSpec((BM, D), lambda i: (i, 0)),
              pl.BlockSpec((D, D), lambda i: (0, 0)),
              pl.BlockSpec((1, D), lambda i: (0, 0)),
              pl.BlockSpec((D, D), lambda i: (0, 0))],
    out_specs=[pl.BlockSpec((BM, DH), lambda i: (i, 0)),
               pl.BlockSpec((BM, DH), lambda i: (i, 0))],
    out_shape=[jax.ShapeDtypeStruct((NP, DH), jnp.float32),
               jax.ShapeDtypeStruct((NP, DH), jnp.float32)],
)


def _post1_body(pa0_ref, pa1_ref, pb0_ref, pb1_ref, b_ref, w2_ref,
                ma_ref, mb_ref):
    aggA = pa0_ref[...] + pa1_ref[...]
    aggB = pb0_ref[...] + pb1_ref[...]
    h = jnp.maximum(jnp.concatenate([aggA, aggB], axis=1) + b_ref[...], 0.0)
    m = _dot(h, w2_ref[0])
    ma_ref[...] = m[:, :DH]
    mb_ref[...] = m[:, DH:]


_post1 = pl.pallas_call(
    _post1_body,
    grid=(GRID, 2),
    in_specs=[pl.BlockSpec((BM, DH), lambda i, j: (i, 0)),
              pl.BlockSpec((BM, DH), lambda i, j: (i + GRID, 0)),
              pl.BlockSpec((BM, DH), lambda i, j: (i, 0)),
              pl.BlockSpec((BM, DH), lambda i, j: (i + GRID, 0)),
              pl.BlockSpec((1, D), lambda i, j: (0, 0)),
              pl.BlockSpec((1, D, D), lambda i, j: (j, 0, 0))],
    out_specs=[pl.BlockSpec((BM, DH), lambda i, j: (i + j * GRID, 0)),
               pl.BlockSpec((BM, DH), lambda i, j: (i + j * GRID, 0))],
    out_shape=[jax.ShapeDtypeStruct((2 * NP, DH), jnp.float32),
               jax.ShapeDtypeStruct((2 * NP, DH), jnp.float32)],
)


def _post2_body(ga_ref, gb_ref, sa_ref, sb_ref, bg_ref, bs_ref, w2_ref,
                ma_ref, mb_ref, s_ref):
    g = jnp.concatenate([ga_ref[...], gb_ref[...]], axis=1)
    h = jnp.maximum(g + bg_ref[...], 0.0)
    m = _dot(h, w2_ref[0])
    ma_ref[...] = m[:, :DH]
    mb_ref[...] = m[:, DH:]
    sfull = jnp.concatenate([sa_ref[...], sb_ref[...]], axis=1)
    s_ref[...] = jnp.maximum(sfull + bs_ref[...], 0.0)


_post2 = pl.pallas_call(
    _post2_body,
    grid=(GRID, 2),
    in_specs=[pl.BlockSpec((BM, DH), lambda i, j: (i, 0)),
              pl.BlockSpec((BM, DH), lambda i, j: (i, 0)),
              pl.BlockSpec((BM, DH), lambda i, j: (i + GRID, 0)),
              pl.BlockSpec((BM, DH), lambda i, j: (i + GRID, 0)),
              pl.BlockSpec((1, D), lambda i, j: (0, 0)),
              pl.BlockSpec((1, D), lambda i, j: (0, 0)),
              pl.BlockSpec((1, D, D), lambda i, j: (j, 0, 0))],
    out_specs=[pl.BlockSpec((BM, DH), lambda i, j: (i + j * GRID, 0)),
               pl.BlockSpec((BM, DH), lambda i, j: (i + j * GRID, 0)),
               pl.BlockSpec((BM, D), lambda i, j: (i, 0))],
    out_shape=[jax.ShapeDtypeStruct((2 * NP, DH), jnp.float32),
               jax.ShapeDtypeStruct((2 * NP, DH), jnp.float32),
               jax.ShapeDtypeStruct((NP, D), jnp.float32)],
)


def _post3_body(ga_ref, gb_ref, sa_ref, sb_ref, bg_ref, bs_ref, w_ref,
                ma_ref, mb_ref, s_ref):
    g = jnp.concatenate([ga_ref[...], gb_ref[...]], axis=1)
    h = jnp.maximum(g + bg_ref[...], 0.0)
    m = _dot(h, w_ref[...])
    ma_ref[...] = m[:, :DH]
    mb_ref[...] = m[:, DH:]
    sfull = jnp.concatenate([sa_ref[...], sb_ref[...]], axis=1)
    s_ref[...] = jnp.maximum(sfull + bs_ref[...], 0.0)


_post3 = pl.pallas_call(
    _post3_body,
    grid=(GRID,),
    in_specs=[pl.BlockSpec((BM, DH), lambda i: (i, 0)),
              pl.BlockSpec((BM, DH), lambda i: (i, 0)),
              pl.BlockSpec((BM, DH), lambda i: (i + GRID, 0)),
              pl.BlockSpec((BM, DH), lambda i: (i + GRID, 0)),
              pl.BlockSpec((1, D), lambda i: (0, 0)),
              pl.BlockSpec((1, D), lambda i: (0, 0)),
              pl.BlockSpec((D, D), lambda i: (0, 0))],
    out_specs=[pl.BlockSpec((BM, DH), lambda i: (i, 0)),
               pl.BlockSpec((BM, DH), lambda i: (i, 0)),
               pl.BlockSpec((BM, D), lambda i: (i, 0))],
    out_shape=[jax.ShapeDtypeStruct((NP, DH), jnp.float32),
               jax.ShapeDtypeStruct((NP, DH), jnp.float32),
               jax.ShapeDtypeStruct((NP, D), jnp.float32)],
)


def _final_body(pa0_ref, pa1_ref, pb0_ref, pb1_ref, b_ref, s0_ref, s1_ref,
                wro_ref, s2_ref, lg_ref, sg_ref):
    aggA = pa0_ref[...] + pa1_ref[...]
    aggB = pb0_ref[...] + pb1_ref[...]
    s2 = jnp.maximum(jnp.concatenate([aggA, aggB], axis=1) + b_ref[...], 0.0)
    s2_ref[...] = s2
    of = jnp.concatenate([s0_ref[...], s1_ref[...], s2], axis=1)
    lg = _dot(of, wro_ref[...])
    lg_ref[...] = lg
    sg_ref[...] = jax.nn.sigmoid(lg)


_final = pl.pallas_call(
    _final_body,
    grid=(GRID,),
    in_specs=[pl.BlockSpec((BM, DH), lambda i: (i, 0)),
              pl.BlockSpec((BM, DH), lambda i: (i + GRID, 0)),
              pl.BlockSpec((BM, DH), lambda i: (i, 0)),
              pl.BlockSpec((BM, DH), lambda i: (i + GRID, 0)),
              pl.BlockSpec((1, D), lambda i: (0, 0)),
              pl.BlockSpec((BM, D), lambda i: (i, 0)),
              pl.BlockSpec((BM, D), lambda i: (i, 0)),
              pl.BlockSpec((3 * D, 1), lambda i: (0, 0))],
    out_specs=[pl.BlockSpec((BM, D), lambda i: (i, 0)),
               pl.BlockSpec((BM, 1), lambda i: (i, 0)),
               pl.BlockSpec((BM, 1), lambda i: (i, 0))],
    out_shape=[jax.ShapeDtypeStruct((NP, D), jnp.float32),
               jax.ShapeDtypeStruct((NP, 1), jnp.float32),
               jax.ShapeDtypeStruct((NP, 1), jnp.float32)],
)


def kernel(x, edge_index, W_emb, b_emb, Wg0, bg0, Wg1, bg1, Wg2, bg2,
           Wg3, bg3, Ws0, bs0, Ws1, bs1, Ws2, bs2, W_ro):
    ei = edge_index.astype(jnp.int32)
    padi = jnp.full((EP - E,), N, jnp.int32)
    srcp = jnp.concatenate([ei[0], padi])
    dstp = jnp.concatenate([ei[1], padi])
    src_sp = srcp.reshape(2, NS, NCHUNK, K)
    dst_sp = dstp.reshape(2, NS, NCHUNK, K)
    src_pr = jnp.stack([srcp, srcp + NP]).reshape(2, NS, NCHUNK2, K)
    dst_pr = jnp.stack([dstp, dstp]).reshape(2, NS, NCHUNK2, K)
    zeros = jnp.zeros((NP, DH), jnp.float32)
    xp = jnp.pad(x, ((0, NP - N), (0, 0)))

    be = b_emb.reshape(1, D)
    bg0r, bg1r, bg2r = bg0.reshape(1, D), bg1.reshape(1, D), bg2.reshape(1, D)
    bs0r, bs1r, bs2r = bs0.reshape(1, D), bs1.reshape(1, D), bs2.reshape(1, D)

    m0a, m0b = _embed_mm(xp, W_emb, be, Wg0)
    ppA = _seg_split(m0a, src_sp, dst_sp, zeros)
    ppB = _seg_split(m0b, src_sp, dst_sp, zeros)
    m1a, m1b = _post1(ppA, ppA, ppB, ppB, bg0r, jnp.stack([Wg1, Ws0]))
    aaA = _seg_pair(m1a, src_pr, dst_pr, zeros)
    aaB = _seg_pair(m1b, src_pr, dst_pr, zeros)
    m2a, m2b, s0 = _post2(aaA, aaB, aaA, aaB, bg1r, bs0r,
                          jnp.stack([Wg2, Ws1]))
    aaA2 = _seg_pair(m2a, src_pr, dst_pr, zeros)
    aaB2 = _seg_pair(m2b, src_pr, dst_pr, zeros)
    m3a, m3b, s1 = _post3(aaA2, aaB2, aaA2, aaB2, bg2r, bs1r, Ws2)
    pp3A = _seg_split(m3a, src_sp, dst_sp, zeros)
    pp3B = _seg_split(m3b, src_sp, dst_sp, zeros)
    s2, lg, sg = _final(pp3A, pp3A, pp3B, pp3B, bs2r, s0, s1, W_ro)

    out_feat = jnp.concatenate([s0[:N], s1[:N], s2[:N]], axis=1)
    return (out_feat, lg[:N, 0], sg[:N, 0])

# --- scband reference (transcript-rebuilt; emitter-appended) ---
"""Pipeline reference for scband-gcnnet2-38500086841689 (READ-ONLY COPY).

The authoritative reference and input builder live on the scoring server;
editing this copy changes nothing except your own understanding.
"""

import jax, jax.numpy as jnp
import numpy as np

N_NODES = 10000
N_EDGES = 320000
D = 128

def gcn_conv(x, W, b, src, dst, num_nodes):
    # PyG GCNConv with normalize=False, improved=False: linear transform,
    # sum-aggregate messages from src to dst (no self loops, edge weight 1), then add bias.
    h = x @ W
    msg = h[src]
    agg = jax.ops.segment_sum(msg, dst, num_segments=num_nodes)
    return agg + b

def setup_inputs(seed: int = 0) -> dict:
    key = jax.random.key(seed)
    ks = jax.random.split(key, 32)
    x = jax.random.normal(ks[0], (N_NODES, D), dtype=jnp.float32)
    edge_index = jax.random.randint(ks[1], (2, N_EDGES), 0, N_NODES, dtype=jnp.int64 if jax.config.jax_enable_x64 else jnp.int32)
    s = 1.0 / np.sqrt(D)
    inp = {"x": x, "edge_index": edge_index}
    inp["W_emb"] = jax.random.normal(ks[2], (D, D), dtype=jnp.float32) * s
    inp["b_emb"] = jnp.zeros((D,), dtype=jnp.float32)
    for i in range(4):
        inp[f"Wg{i}"] = jax.random.normal(ks[3 + i], (D, D), dtype=jnp.float32) * s
        inp[f"bg{i}"] = jnp.zeros((D,), dtype=jnp.float32)
    for i in range(3):
        inp[f"Ws{i}"] = jax.random.normal(ks[10 + i], (D, D), dtype=jnp.float32) * s
        inp[f"bs{i}"] = jnp.zeros((D,), dtype=jnp.float32)
    inp["W_ro"] = jax.random.normal(ks[20], (3 * D, 1), dtype=jnp.float32) * (1.0 / np.sqrt(3 * D))
    return inp

def reference(x, edge_index, W_emb, b_emb, Wg0, bg0, Wg1, bg1, Wg2, bg2, Wg3, bg3, Ws0, bs0, Ws1, bs1, Ws2, bs2, W_ro):
    num_nodes = x.shape[0]
    src = edge_index[0]
    dst = edge_index[1]
    h = x @ W_emb + b_emb
    feats = [h]
    for (W, b) in [(Wg0, bg0), (Wg1, bg1), (Wg2, bg2), (Wg3, bg3)]:
        h = jax.nn.relu(gcn_conv(h, W, b, src, dst, num_nodes))
        feats.append(h)
    skips = []
    for (W, b, idx) in [(Ws0, bs0, 1), (Ws1, bs1, 2), (Ws2, bs2, 3)]:
        skips.append(jax.nn.relu(gcn_conv(feats[idx], W, b, src, dst, num_nodes)))
    out_feat = jnp.concatenate(skips, axis=1)
    logits = (out_feat @ W_ro).reshape(-1)
    return (out_feat, logits, jax.nn.sigmoid(logits))

if __name__ == "__main__":
    import jax
    _d = setup_inputs()
    print(jax.jit(kernel)(*tuple(_d.values())))

</pallas_src>

<mosaic_0001>
#map = affine_map<(d0, d1) -> (0, 0)>
#map1 = affine_map<(d0, d1) -> (0, 0, 0, 0)>
module attributes {stable_mosaic.version = 14 : i64} {
  func.func @segsum(%arg0: i32, %arg1: i32, %arg2: memref<20480x64xf32, #tpu.memory_space<hbm>>, %arg3: memref<2x16x160x128xi32, #tpu.memory_space<hbm>>, %arg4: memref<2x16x160x128xi32, #tpu.memory_space<hbm>>, %arg5: memref<10240x64xf32, #tpu.memory_space<hbm>>, %arg6: memref<20480x64xf32, #tpu.memory_space<hbm>>, %arg7: memref<160x128xi32, #tpu.memory_space<vmem>>, %arg8: memref<160x128xi32, #tpu.memory_space<vmem>>, %arg9: memref<128x64xf32, #tpu.memory_space<vmem>>, %arg10: memref<128x64xf32, #tpu.memory_space<vmem>>, %arg11: memref<10240x64xf32, #tpu.memory_space<vmem_shared>>, %arg12: memref<!tpu.dma_semaphore, #tpu.memory_space<semaphore_mem>>, %arg13: memref<!tpu.dma_semaphore, #tpu.memory_space<semaphore_mem>>) attributes {dimension_semantics = [#tpu.dimension_semantics<core_parallel>, #tpu.dimension_semantics<subcore_parallel>], iteration_bounds = array<i64: 2, 16>, scalar_prefetch = 0 : i64, scratch_operands = 7 : i64, tpu.core_type = #tpu.core_type<sc_vector_subcore>, window_params = [{transform_indices = #map}, {transform_indices = #map1}, {transform_indices = #map1}, {transform_indices = #map}, {transform_indices = #map}]} {
    "tpu.region"() ({
      %run_scoped3A = tpu.sem_alloc : memref<!tpu.dma_semaphore, #tpu.memory_space<semaphore_mem>>
      %dma_start3A_21 = arith.constant 0 : i32
      %dma_start3A_22 = arith.constant 0 : i32
      %dma_start3A_23 = tpu.memref_slice %arg3[%arg0, %arg1, %dma_start3A_21, %dma_start3A_22] : memref<2x16x160x128xi32, #tpu.memory_space<hbm>> -> memref<1x1x160x128xi32, #tpu.memory_space<hbm>>
      %dma_start3A_24 = tpu.memref_squeeze %dma_start3A_23 : memref<1x1x160x128xi32, #tpu.memory_space<hbm>> -> memref<160x128xi32, #tpu.memory_space<hbm>>
      %dma_start3A_25 = arith.constant 0 : i32
      %dma_start3A_26 = arith.constant 0 : i32
      %dma_start3A_27 = tpu.memref_slice %arg3[%arg0, %arg1, %dma_start3A_25, %dma_start3A_26] : memref<2x16x160x128xi32, #tpu.memory_space<hbm>> -> memref<1x1x160x128xi32, #tpu.memory_space<hbm>>
      %dma_start3A_28 = tpu.memref_squeeze %dma_start3A_27 : memref<1x1x160x128xi32, #tpu.memory_space<hbm>> -> memref<160x128xi32, #tpu.memory_space<hbm>>
      tpu.enqueue_dma source(%dma_start3A_28 : memref<160x128xi32, #tpu.memory_space<hbm>>) target(%arg7 : memref<160x128xi32, #tpu.memory_space<vmem>>) target_semaphore(%run_scoped3A : memref<!tpu.dma_semaphore, #tpu.memory_space<semaphore_mem>>)
      %dma_wait3A = arith.constant 0 : i32
      %dma_wait3A_29 = arith.constant 0 : i32
      %dma_wait3A_30 = tpu.memref_slice %arg3[%arg0, %arg1, %dma_wait3A, %dma_wait3A_29] : memref<2x16x160x128xi32, #tpu.memory_space<hbm>> -> memref<1x1x160x128xi32, #tpu.memory_space<hbm>>
      %dma_wait3A_31 = tpu.memref_squeeze %dma_wait3A_30 : memref<1x1x160x128xi32, #tpu.memory_space<hbm>> -> memref<160x128xi32, #tpu.memory_space<hbm>>
      %dma_wait3A_32 = arith.constant 0 : i32
      %dma_wait3A_33 = arith.constant 0 : i32
      %dma_wait3A_34 = tpu.memref_slice %arg3[%arg0, %arg1, %dma_wait3A_32, %dma_wait3A_33] : memref<2x16x160x128xi32, #tpu.memory_space<hbm>> -> memref<1x1x160x128xi32, #tpu.memory_space<hbm>>
      %dma_wait3A_35 = tpu.memref_squeeze %dma_wait3A_34 : memref<1x1x160x128xi32, #tpu.memory_space<hbm>> -> memref<160x128xi32, #tpu.memory_space<hbm>>
      tpu.wait_dma2 semaphore(%run_scoped3A : memref<!tpu.dma_semaphore, #tpu.memory_space<semaphore_mem>>) src(%dma_wait3A_35 : memref<160x128xi32, #tpu.memory_space<hbm>>) dst(%arg7 : memref<160x128xi32, #tpu.memory_space<vmem>>)
      tpu.yield
    }) : () -> ()
    "tpu.region"() ({
      %run_scoped3A = tpu.sem_alloc : memref<!tpu.dma_semaphore, #tpu.memory_space<semaphore_mem>>
      %dma_start3A_21 = arith.constant 0 : i32
      %dma_start3A_22 = arith.constant 0 : i32
      %dma_start3A_23 = tpu.memref_slice %arg4[%arg0, %arg1, %dma_start3A_21, %dma_start3A_22] : memref<2x16x160x128xi32, #tpu.memory_space<hbm>> -> memref<1x1x160x128xi32, #tpu.memory_space<hbm>>
      %dma_start3A_24 = tpu.memref_squeeze %dma_start3A_23 : memref<1x1x160x128xi32, #tpu.memory_space<hbm>> -> memref<160x128xi32, #tpu.memory_space<hbm>>
      %dma_start3A_25 = arith.constant 0 : i32
      %dma_start3A_26 = arith.constant 0 : i32
      %dma_start3A_27 = tpu.memref_slice %arg4[%arg0, %arg1, %dma_start3A_25, %dma_start3A_26] : memref<2x16x160x128xi32, #tpu.memory_space<hbm>> -> memref<1x1x160x128xi32, #tpu.memory_space<hbm>>
      %dma_start3A_28 = tpu.memref_squeeze %dma_start3A_27 : memref<1x1x160x128xi32, #tpu.memory_space<hbm>> -> memref<160x128xi32, #tpu.memory_space<hbm>>
      tpu.enqueue_dma source(%dma_start3A_28 : memref<160x128xi32, #tpu.memory_space<hbm>>) target(%arg8 : memref<160x128xi32, #tpu.memory_space<vmem>>) target_semaphore(%run_scoped3A : memref<!tpu.dma_semaphore, #tpu.memory_space<semaphore_mem>>)
      %dma_wait3A = arith.constant 0 : i32
      %dma_wait3A_29 = arith.constant 0 : i32
      %dma_wait3A_30 = tpu.memref_slice %arg4[%arg0, %arg1, %dma_wait3A, %dma_wait3A_29] : memref<2x16x160x128xi32, #tpu.memory_space<hbm>> -> memref<1x1x160x128xi32, #tpu.memory_space<hbm>>
      %dma_wait3A_31 = tpu.memref_squeeze %dma_wait3A_30 : memref<1x1x160x128xi32, #tpu.memory_space<hbm>> -> memref<160x128xi32, #tpu.memory_space<hbm>>
      %dma_wait3A_32 = arith.constant 0 : i32
      %dma_wait3A_33 = arith.constant 0 : i32
      %dma_wait3A_34 = tpu.memref_slice %arg4[%arg0, %arg1, %dma_wait3A_32, %dma_wait3A_33] : memref<2x16x160x128xi32, #tpu.memory_space<hbm>> -> memref<1x1x160x128xi32, #tpu.memory_space<hbm>>
      %dma_wait3A_35 = tpu.memref_squeeze %dma_wait3A_34 : memref<1x1x160x128xi32, #tpu.memory_space<hbm>> -> memref<160x128xi32, #tpu.memory_space<hbm>>
      tpu.wait_dma2 semaphore(%run_scoped3A : memref<!tpu.dma_semaphore, #tpu.memory_space<semaphore_mem>>) src(%dma_wait3A_35 : memref<160x128xi32, #tpu.memory_space<hbm>>) dst(%arg8 : memref<160x128xi32, #tpu.memory_space<vmem>>)
      tpu.yield
    }) : () -> ()
    %mul3A = arith.constant 640 : i32
    %mul3A_0 = arith.muli %arg1, %mul3A : i32
    %mul3A_1 = arith.constant 640 : i32
    %mul3A_2 = arith.muli %arg1, %mul3A_1 : i32
    "tpu.region"() ({
      %run_scoped3A = tpu.sem_alloc : memref<!tpu.dma_semaphore, #tpu.memory_space<semaphore_mem>>
      %dma_start3A_21 = arith.constant 0 : i32
      %dma_start3A_22 = tpu.memref_slice %arg11[%mul3A_2, %dma_start3A_21] : memref<10240x64xf32, #tpu.memory_space<vmem_shared>> -> memref<640x64xf32, #tpu.memory_space<vmem_shared>>
      %dma_start3A_23 = arith.constant 0 : i32
      %dma_start3A_24 = tpu.memref_slice %arg5[%mul3A_0, %dma_start3A_23] : memref<10240x64xf32, #tpu.memory_space<hbm>> -> memref<640x64xf32, #tpu.memory_space<hbm>>
      tpu.enqueue_dma source(%dma_start3A_24 : memref<640x64xf32, #tpu.memory_space<hbm>>) target(%dma_start3A_22 : memref<640x64xf32, #tpu.memory_space<vmem_shared>>) target_semaphore(%run_scoped3A : memref<!tpu.dma_semaphore, #tpu.memory_space<semaphore_mem>>)
      %dma_wait3A = arith.constant 0 : i32
      %dma_wait3A_25 = tpu.memref_slice %arg11[%mul3A_2, %dma_wait3A] : memref<10240x64xf32, #tpu.memory_space<vmem_shared>> -> memref<640x64xf32, #tpu.memory_space<vmem_shared>>
      %dma_wait3A_26 = arith.constant 0 : i32
      %dma_wait3A_27 = tpu.memref_slice %arg5[%mul3A_0, %dma_wait3A_26] : memref<10240x64xf32, #tpu.memory_space<hbm>> -> memref<640x64xf32, #tpu.memory_space<hbm>>
      tpu.wait_dma2 semaphore(%run_scoped3A : memref<!tpu.dma_semaphore, #tpu.memory_space<semaphore_mem>>) src(%dma_wait3A_27 : memref<640x64xf32, #tpu.memory_space<hbm>>) dst(%dma_wait3A_25 : memref<640x64xf32, #tpu.memory_space<vmem_shared>>)
      tpu.yield
    }) : () -> ()
    %barrier3A = arith.constant 0 : index
    tpu.barrier barrier_id(%barrier3A)
    %dma_start3A = arith.constant 0 : i32
    %dma_start3A_3 = arith.constant 0 : i32
    %dma_start3A_4 = tpu.memref_slice %arg7[%dma_start3A, %dma_start3A_3] : memref<160x128xi32, #tpu.memory_space<vmem>> -> memref<1x128xi32, #tpu.memory_space<vmem>>
    %dma_start3A_5 = tpu.memref_squeeze %dma_start3A_4 : memref<1x128xi32, #tpu.memory_space<vmem>> -> memref<128xi32, #tpu.memory_space<vmem>>
    %dma_start3A_6 = arith.constant 0 : i32
    %dma_start3A_7 = arith.constant 0 : i32
    %dma_start3A_8 = tpu.memref_slice %arg2[%dma_start3A_6, %dma_start3A_7] : memref<20480x64xf32, #tpu.memory_space<hbm>> -> memref<20480x64xf32, #tpu.memory_space<hbm>>
    tpu.enqueue_indirect_dma source(%dma_start3A_8 : memref<20480x64xf32, #tpu.memory_space<hbm>>) target(%arg9 : memref<128x64xf32, #tpu.memory_space<vmem>>) offsets(%dma_start3A_5 : memref<128xi32, #tpu.memory_space<vmem>>) semaphore(%arg12 : memref<!tpu.dma_semaphore, #tpu.memory_space<semaphore_mem>>)
    %scan3A = arith.constant 0 : i32
    %scan3A_9 = arith.constant 0 : i32
    %scan3A_10 = arith.constant 80 : i32
    %scan3A_11 = arith.addi %scan3A_9, %scan3A_10 : i32
    %scan3A_12 = arith.constant 1 : i32
    scf.for %scan3A_21 = %scan3A_9 to %scan3A_11 step %scan3A_12  : i32 {
      %mul3A_22 = arith.constant 2 : i32
      %mul3A_23 = arith.muli %mul3A_22, %scan3A_21 : i32
      %add3A_24 = arith.constant 1 : i32
      %add3A_25 = arith.addi %mul3A_23, %add3A_24 : i32
      %dma_wait3A = arith.constant 0 : i32
      %dma_wait3A_26 = tpu.memref_slice %arg7[%mul3A_23, %dma_wait3A] : memref<160x128xi32, #tpu.memory_space<vmem>> -> memref<1x128xi32, #tpu.memory_space<vmem>>
      %dma_wait3A_27 = tpu.memref_squeeze %dma_wait3A_26 : memref<1x128xi32, #tpu.memory_space<vmem>> -> memref<128xi32, #tpu.memory_space<vmem>>
      %dma_wait3A_28 = arith.constant 0 : i32
      %dma_wait3A_29 = arith.constant 0 : i32
      %dma_wait3A_30 = tpu.memref_slice %arg2[%dma_wait3A_28, %dma_wait3A_29] : memref<20480x64xf32, #tpu.memory_space<hbm>> -> memref<20480x64xf32, #tpu.memory_space<hbm>>
      tpu.wait_indirect_dma semaphore(%arg12 : memref<!tpu.dma_semaphore, #tpu.memory_space<semaphore_mem>>) src(%dma_wait3A_30 : memref<20480x64xf32, #tpu.memory_space<hbm>>) dst(%arg9 : memref<128x64xf32, #tpu.memory_space<vmem>>)
      %dma_start3A_31 = arith.constant 0 : i32
      %dma_start3A_32 = tpu.memref_slice %arg7[%add3A_25, %dma_start3A_31] : memref<160x128xi32, #tpu.memory_space<vmem>> -> memref<1x128xi32, #tpu.memory_space<vmem>>
      %dma_start3A_33 = tpu.memref_squeeze %dma_start3A_32 : memref<1x128xi32, #tpu.memory_space<vmem>> -> memref<128xi32, #tpu.memory_space<vmem>>
      %dma_start3A_34 = arith.constant 0 : i32
      %dma_start3A_35 = arith.constant 0 : i32
      %dma_start3A_36 = tpu.memref_slice %arg2[%dma_start3A_34, %dma_start3A_35] : memref<20480x64xf32, #tpu.memory_space<hbm>> -> memref<20480x64xf32, #tpu.memory_space<hbm>>
      tpu.enqueue_indirect_dma source(%dma_start3A_36 : memref<20480x64xf32, #tpu.memory_space<hbm>>) target(%arg10 : memref<128x64xf32, #tpu.memory_space<vmem>>) offsets(%dma_start3A_33 : memref<128xi32, #tpu.memory_space<vmem>>) semaphore(%arg13 : memref<!tpu.dma_semaphore, #tpu.memory_space<semaphore_mem>>)
      "tpu.region"() ({
        %run_scoped3A = tpu.sem_alloc : memref<!tpu.dma_semaphore, #tpu.memory_space<semaphore_mem>>
        %dma_start3A_45 = arith.constant 0 : i32
        %dma_start3A_46 = tpu.memref_slice %arg8[%mul3A_23, %dma_start3A_45] : memref<160x128xi32, #tpu.memory_space<vmem>> -> memref<1x128xi32, #tpu.memory_space<vmem>>
        %dma_start3A_47 = tpu.memref_squeeze %dma_start3A_46 : memref<1x128xi32, #tpu.memory_space<vmem>> -> memref<128xi32, #tpu.memory_space<vmem>>
        %dma_start3A_48 = arith.constant 0 : i32
        %dma_start3A_49 = arith.constant 0 : i32
        %dma_start3A_50 = tpu.memref_slice %arg11[%dma_start3A_48, %dma_start3A_49] : memref<10240x64xf32, #tpu.memory_space<vmem_shared>> -> memref<10240x64xf32, #tpu.memory_space<vmem_shared>>
        tpu.enqueue_indirect_dma source(%arg9 : memref<128x64xf32, #tpu.memory_space<vmem>>) target(%dma_start3A_50 : memref<10240x64xf32, #tpu.memory_space<vmem_shared>>) offsets(%dma_start3A_47 : memref<128xi32, #tpu.memory_space<vmem>>) semaphore(%run_scoped3A : memref<!tpu.dma_semaphore, #tpu.memory_space<semaphore_mem>>) {add = true}
        %dma_wait3A_51 = arith.constant 0 : i32
        %dma_wait3A_52 = tpu.memref_slice %arg8[%mul3A_23, %dma_wait3A_51] : memref<160x128xi32, #tpu.memory_space<vmem>> -> memref<1x128xi32, #tpu.memory_space<vmem>>
        %dma_wait3A_53 = tpu.memref_squeeze %dma_wait3A_52 : memref<1x128xi32, #tpu.memory_space<vmem>> -> memref<128xi32, #tpu.memory_space<vmem>>
        %dma_wait3A_54 = arith.constant 0 : i32
        %dma_wait3A_55 = arith.constant 0 : i32
        %dma_wait3A_56 = tpu.memref_slice %arg11[%dma_wait3A_54, %dma_wait3A_55] : memref<10240x64xf32, #tpu.memory_space<vmem_shared>> -> memref<10240x64xf32, #tpu.memory_space<vmem_shared>>
        tpu.wait_indirect_dma semaphore(%run_scoped3A : memref<!tpu.dma_semaphore, #tpu.memory_space<semaphore_mem>>) src(%arg9 : memref<128x64xf32, #tpu.memory_space<vmem>>) dst(%dma_wait3A_56 : memref<10240x64xf32, #tpu.memory_space<vmem_shared>>)
        tpu.yield
      }) : () -> ()
      %dma_wait3A_37 = arith.constant 0 : i32
      %dma_wait3A_38 = tpu.memref_slice %arg7[%add3A_25, %dma_wait3A_37] : memref<160x128xi32, #tpu.memory_space<vmem>> -> memref<1x128xi32, #tpu.memory_space<vmem>>
      %dma_wait3A_39 = tpu.memref_squeeze %dma_wait3A_38 : memref<1x128xi32, #tpu.memory_space<vmem>> -> memref<128xi32, #tpu.memory_space<vmem>>
      %dma_wait3A_40 = arith.constant 0 : i32
      %dma_wait3A_41 = arith.constant 0 : i32
      %dma_wait3A_42 = tpu.memref_slice %arg2[%dma_wait3A_40, %dma_wait3A_41] : memref<20480x64xf32, #tpu.memory_space<hbm>> -> memref<20480x64xf32, #tpu.memory_space<hbm>>
      tpu.wait_indirect_dma semaphore(%arg13 : memref<!tpu.dma_semaphore, #tpu.memory_space<semaphore_mem>>) src(%dma_wait3A_42 : memref<20480x64xf32, #tpu.memory_space<hbm>>) dst(%arg10 : memref<128x64xf32, #tpu.memory_space<vmem>>)
      %lt3A = arith.constant 79 : i32
      %lt3A_43 = arith.cmpi slt, %scan3A_21, %lt3A : i32
      %convert_element_type3A = arith.extui %lt3A_43 : i1 to i32
      %cond3A = arith.constant 0 : i32
      %cond3A_44 = arith.cmpi ne, %convert_element_type3A, %cond3A : i32
      scf.if %cond3A_44 {
        %add3A_45 = arith.constant 1 : i32
        %add3A_46 = arith.addi %add3A_25, %add3A_45 : i32
        %dma_start3A_47 = arith.constant 0 : i32
        %dma_start3A_48 = tpu.memref_slice %arg7[%add3A_46, %dma_start3A_47] : memref<160x128xi32, #tpu.memory_space<vmem>> -> memref<1x128xi32, #tpu.memory_space<vmem>>
        %dma_start3A_49 = tpu.memref_squeeze %dma_start3A_48 : memref<1x128xi32, #tpu.memory_space<vmem>> -> memref<128xi32, #tpu.memory_space<vmem>>
        %dma_start3A_50 = arith.constant 0 : i32
        %dma_start3A_51 = arith.constant 0 : i32
        %dma_start3A_52 = tpu.memref_slice %arg2[%dma_start3A_50, %dma_start3A_51] : memref<20480x64xf32, #tpu.memory_space<hbm>> -> memref<20480x64xf32, #tpu.memory_space<hbm>>
        tpu.enqueue_indirect_dma source(%dma_start3A_52 : memref<20480x64xf32, #tpu.memory_space<hbm>>) target(%arg9 : memref<128x64xf32, #tpu.memory_space<vmem>>) offsets(%dma_start3A_49 : memref<128xi32, #tpu.memory_space<vmem>>) semaphore(%arg12 : memref<!tpu.dma_semaphore, #tpu.memory_space<semaphore_mem>>)
      } else {
      }
      "tpu.region"() ({
        %run_scoped3A = tpu.sem_alloc : memref<!tpu.dma_semaphore, #tpu.memory_space<semaphore_mem>>
        %dma_start3A_45 = arith.constant 0 : i32
        %dma_start3A_46 = tpu.memref_slice %arg8[%add3A_25, %dma_start3A_45] : memref<160x128xi32, #tpu.memory_space<vmem>> -> memref<1x128xi32, #tpu.memory_space<vmem>>
        %dma_start3A_47 = tpu.memref_squeeze %dma_start3A_46 : memref<1x128xi32, #tpu.memory_space<vmem>> -> memref<128xi32, #tpu.memory_space<vmem>>
        %dma_start3A_48 = arith.constant 0 : i32
        %dma_start3A_49 = arith.constant 0 : i32
        %dma_start3A_50 = tpu.memref_slice %arg11[%dma_start3A_48, %dma_start3A_49] : memref<10240x64xf32, #tpu.memory_space<vmem_shared>> -> memref<10240x64xf32, #tpu.memory_space<vmem_shared>>
        tpu.enqueue_indirect_dma source(%arg10 : memref<128x64xf32, #tpu.memory_space<vmem>>) target(%dma_start3A_50 : memref<10240x64xf32, #tpu.memory_space<vmem_shared>>) offsets(%dma_start3A_47 : memref<128xi32, #tpu.memory_space<vmem>>) semaphore(%run_scoped3A : memref<!tpu.dma_semaphore, #tpu.memory_space<semaphore_mem>>) {add = true}
        %dma_wait3A_51 = arith.constant 0 : i32
        %dma_wait3A_52 = tpu.memref_slice %arg8[%add3A_25, %dma_wait3A_51] : memref<160x128xi32, #tpu.memory_space<vmem>> -> memref<1x128xi32, #tpu.memory_space<vmem>>
        %dma_wait3A_53 = tpu.memref_squeeze %dma_wait3A_52 : memref<1x128xi32, #tpu.memory_space<vmem>> -> memref<128xi32, #tpu.memory_space<vmem>>
        %dma_wait3A_54 = arith.constant 0 : i32
        %dma_wait3A_55 = arith.constant 0 : i32
        %dma_wait3A_56 = tpu.memref_slice %arg11[%dma_wait3A_54, %dma_wait3A_55] : memref<10240x64xf32, #tpu.memory_space<vmem_shared>> -> memref<10240x64xf32, #tpu.memory_space<vmem_shared>>
        tpu.wait_indirect_dma semaphore(%run_scoped3A : memref<!tpu.dma_semaphore, #tpu.memory_space<semaphore_mem>>) src(%arg10 : memref<128x64xf32, #tpu.memory_space<vmem>>) dst(%dma_wait3A_56 : memref<10240x64xf32, #tpu.memory_space<vmem_shared>>)
        tpu.yield
      }) : () -> ()
    }
    %scan3A_13 = arith.constant 80 : i32
    %barrier3A_14 = arith.constant 0 : index
    tpu.barrier barrier_id(%barrier3A_14)
    %mul3A_15 = arith.constant 640 : i32
    %mul3A_16 = arith.muli %arg1, %mul3A_15 : i32
    %mul3A_17 = arith.constant 10240 : i32
    %mul3A_18 = arith.muli %arg0, %mul3A_17 : i32
    %mul3A_19 = arith.constant 640 : i32
    %mul3A_20 = arith.muli %arg1, %mul3A_19 : i32
    %add3A = arith.addi %mul3A_18, %mul3A_20 : i32
    "tpu.region"() ({
      %run_scoped3A = tpu.sem_alloc : memref<!tpu.dma_semaphore, #tpu.memory_space<semaphore_mem>>
      %dma_start3A_21 = arith.constant 0 : i32
      %dma_start3A_22 = tpu.memref_slice %arg6[%add3A, %dma_start3A_21] : memref<20480x64xf32, #tpu.memory_space<hbm>> -> memref<640x64xf32, #tpu.memory_space<hbm>>
      %dma_start3A_23 = arith.constant 0 : i32
      %dma_start3A_24 = tpu.memref_slice %arg11[%mul3A_16, %dma_start3A_23] : memref<10240x64xf32, #tpu.memory_space<vmem_shared>> -> memref<640x64xf32, #tpu.memory_space<vmem_shared>>
      tpu.enqueue_dma source(%dma_start3A_24 : memref<640x64xf32, #tpu.memory_space<vmem_shared>>) target(%dma_start3A_22 : memref<640x64xf32, #tpu.memory_space<hbm>>) target_semaphore(%run_scoped3A : memref<!tpu.dma_semaphore, #tpu.memory_space<semaphore_mem>>)
      %dma_wait3A = arith.constant 0 : i32
      %dma_wait3A_25 = tpu.memref_slice %arg6[%add3A, %dma_wait3A] : memref<20480x64xf32, #tpu.memory_space<hbm>> -> memref<640x64xf32, #tpu.memory_space<hbm>>
      %dma_wait3A_26 = arith.constant 0 : i32
      %dma_wait3A_27 = tpu.memref_slice %arg11[%mul3A_16, %dma_wait3A_26] : memref<10240x64xf32, #tpu.memory_space<vmem_shared>> -> memref<640x64xf32, #tpu.memory_space<vmem_shared>>
      tpu.wait_dma2 semaphore(%run_scoped3A : memref<!tpu.dma_semaphore, #tpu.memory_space<semaphore_mem>>) src(%dma_wait3A_27 : memref<640x64xf32, #tpu.memory_space<vmem_shared>>) dst(%dma_wait3A_25 : memref<640x64xf32, #tpu.memory_space<hbm>>)
      tpu.yield
    }) : () -> ()
    return
  }
}

#map = affine_map<(d0, d1) -> (0, 0)>
#map1 = affine_map<(d0, d1) -> (0, 0, 0, 0)>
module attributes {stable_mosaic.version = 14 : i64} {
  func.func @segsum(%arg0: i32, %arg1: i32, %arg2: memref<10240x64xf32, #tpu.memory_space<hbm>>, %arg3: memref<2x16x80x128xi32, #tpu.memory_space<hbm>>, %arg4: memref<2x16x80x128xi32, #tpu.memory_space<hbm>>, %arg5: memref<10240x64xf32, #tpu.memory_space<hbm>>, %arg6: memref<20480x64xf32, #tpu.memory_space<hbm>>, %arg7: memref<80x128xi32, #tpu.memory_space<vmem>>, %arg8: memref<80x128xi32, #tpu.memory_space<vmem>>, %arg9: memref<128x64xf32, #tpu.memory_space<vmem>>, %arg10: memref<128x64xf32, #tpu.memory_space<vmem>>, %arg11: memref<10240x64xf32, #tpu.memory_space<vmem_shared>>, %arg12: memref<!tpu.dma_semaphore, #tpu.memory_space<semaphore_mem>>, %arg13: memref<!tpu.dma_semaphore, #tpu.memory_space<semaphore_mem>>) attributes {dimension_semantics = [#tpu.dimension_semantics<core_parallel>, #tpu.dimension_semantics<subcore_parallel>], iteration_bounds = array<i64: 2, 16>, scalar_prefetch = 0 : i64, scratch_operands = 7 : i64, tpu.core_type = #tpu.core_type<sc_vector_subcore>, window_params = [{transform_indices = #map}, {transform_indices = #map1}, {transform_indices = #map1}, {transform_indices = #map}, {transform_indices = #map}]} {
    "tpu.region"() ({
      %run_scoped3A = tpu.sem_alloc : memref<!tpu.dma_semaphore, #tpu.memory_space<semaphore_mem>>
      %dma_start3A_21 = arith.constant 0 : i32
      %dma_start3A_22 = arith.constant 0 : i32
      %dma_start3A_23 = tpu.memref_slice %arg3[%arg0, %arg1, %dma_start3A_21, %dma_start3A_22] : memref<2x16x80x128xi32, #tpu.memory_space<hbm>> -> memref<1x1x80x128xi32, #tpu.memory_space<hbm>>
      %dma_start3A_24 = tpu.memref_squeeze %dma_start3A_23 : memref<1x1x80x128xi32, #tpu.memory_space<hbm>> -> memref<80x128xi32, #tpu.memory_space<hbm>>
      %dma_start3A_25 = arith.constant 0 : i32
      %dma_start3A_26 = arith.constant 0 : i32
      %dma_start3A_27 = tpu.memref_slice %arg3[%arg0, %arg1, %dma_start3A_25, %dma_start3A_26] : memref<2x16x80x128xi32, #tpu.memory_space<hbm>> -> memref<1x1x80x128xi32, #tpu.memory_space<hbm>>
      %dma_start3A_28 = tpu.memref_squeeze %dma_start3A_27 : memref<1x1x80x128xi32, #tpu.memory_space<hbm>> -> memref<80x128xi32, #tpu.memory_space<hbm>>
      tpu.enqueue_dma source(%dma_start3A_28 : memref<80x128xi32, #tpu.memory_space<hbm>>) target(%arg7 : memref<80x128xi32, #tpu.memory_space<vmem>>) target_semaphore(%run_scoped3A : memref<!tpu.dma_semaphore, #tpu.memory_space<semaphore_mem>>)
      %dma_wait3A = arith.constant 0 : i32
      %dma_wait3A_29 = arith.constant 0 : i32
      %dma_wait3A_30 = tpu.memref_slice %arg3[%arg0, %arg1, %dma_wait3A, %dma_wait3A_29] : memref<2x16x80x128xi32, #tpu.memory_space<hbm>> -> memref<1x1x80x128xi32, #tpu.memory_space<hbm>>
      %dma_wait3A_31 = tpu.memref_squeeze %dma_wait3A_30 : memref<1x1x80x128xi32, #tpu.memory_space<hbm>> -> memref<80x128xi32, #tpu.memory_space<hbm>>
      %dma_wait3A_32 = arith.constant 0 : i32
      %dma_wait3A_33 = arith.constant 0 : i32
      %dma_wait3A_34 = tpu.memref_slice %arg3[%arg0, %arg1, %dma_wait3A_32, %dma_wait3A_33] : memref<2x16x80x128xi32, #tpu.memory_space<hbm>> -> memref<1x1x80x128xi32, #tpu.memory_space<hbm>>
      %dma_wait3A_35 = tpu.memref_squeeze %dma_wait3A_34 : memref<1x1x80x128xi32, #tpu.memory_space<hbm>> -> memref<80x128xi32, #tpu.memory_space<hbm>>
      tpu.wait_dma2 semaphore(%run_scoped3A : memref<!tpu.dma_semaphore, #tpu.memory_space<semaphore_mem>>) src(%dma_wait3A_35 : memref<80x128xi32, #tpu.memory_space<hbm>>) dst(%arg7 : memref<80x128xi32, #tpu.memory_space<vmem>>)
      tpu.yield
    }) : () -> ()
    "tpu.region"() ({
      %run_scoped3A = tpu.sem_alloc : memref<!tpu.dma_semaphore, #tpu.memory_space<semaphore_mem>>
      %dma_start3A_21 = arith.constant 0 : i32
      %dma_start3A_22 = arith.constant 0 : i32
      %dma_start3A_23 = tpu.memref_slice %arg4[%arg0, %arg1, %dma_start3A_21, %dma_start3A_22] : memref<2x16x80x128xi32, #tpu.memory_space<hbm>> -> memref<1x1x80x128xi32, #tpu.memory_space<hbm>>
      %dma_start3A_24 = tpu.memref_squeeze %dma_start3A_23 : memref<1x1x80x128xi32, #tpu.memory_space<hbm>> -> memref<80x128xi32, #tpu.memory_space<hbm>>
      %dma_start3A_25 = arith.constant 0 : i32
      %dma_start3A_26 = arith.constant 0 : i32
      %dma_start3A_27 = tpu.memref_slice %arg4[%arg0, %arg1, %dma_start3A_25, %dma_start3A_26] : memref<2x16x80x128xi32, #tpu.memory_space<hbm>> -> memref<1x1x80x128xi32, #tpu.memory_space<hbm>>
      %dma_start3A_28 = tpu.memref_squeeze %dma_start3A_27 : memref<1x1x80x128xi32, #tpu.memory_space<hbm>> -> memref<80x128xi32, #tpu.memory_space<hbm>>
      tpu.enqueue_dma source(%dma_start3A_28 : memref<80x128xi32, #tpu.memory_space<hbm>>) target(%arg8 : memref<80x128xi32, #tpu.memory_space<vmem>>) target_semaphore(%run_scoped3A : memref<!tpu.dma_semaphore, #tpu.memory_space<semaphore_mem>>)
      %dma_wait3A = arith.constant 0 : i32
      %dma_wait3A_29 = arith.constant 0 : i32
      %dma_wait3A_30 = tpu.memref_slice %arg4[%arg0, %arg1, %dma_wait3A, %dma_wait3A_29] : memref<2x16x80x128xi32, #tpu.memory_space<hbm>> -> memref<1x1x80x128xi32, #tpu.memory_space<hbm>>
      %dma_wait3A_31 = tpu.memref_squeeze %dma_wait3A_30 : memref<1x1x80x128xi32, #tpu.memory_space<hbm>> -> memref<80x128xi32, #tpu.memory_space<hbm>>
      %dma_wait3A_32 = arith.constant 0 : i32
      %dma_wait3A_33 = arith.constant 0 : i32
      %dma_wait3A_34 = tpu.memref_slice %arg4[%arg0, %arg1, %dma_wait3A_32, %dma_wait3A_33] : memref<2x16x80x128xi32, #tpu.memory_space<hbm>> -> memref<1x1x80x128xi32, #tpu.memory_space<hbm>>
      %dma_wait3A_35 = tpu.memref_squeeze %dma_wait3A_34 : memref<1x1x80x128xi32, #tpu.memory_space<hbm>> -> memref<80x128xi32, #tpu.memory_space<hbm>>
      tpu.wait_dma2 semaphore(%run_scoped3A : memref<!tpu.dma_semaphore, #tpu.memory_space<semaphore_mem>>) src(%dma_wait3A_35 : memref<80x128xi32, #tpu.memory_space<hbm>>) dst(%arg8 : memref<80x128xi32, #tpu.memory_space<vmem>>)
      tpu.yield
    }) : () -> ()
    %mul3A = arith.constant 640 : i32
    %mul3A_0 = arith.muli %arg1, %mul3A : i32
    %mul3A_1 = arith.constant 640 : i32
    %mul3A_2 = arith.muli %arg1, %mul3A_1 : i32
    "tpu.region"() ({
      %run_scoped3A = tpu.sem_alloc : memref<!tpu.dma_semaphore, #tpu.memory_space<semaphore_mem>>
      %dma_start3A_21 = arith.constant 0 : i32
      %dma_start3A_22 = tpu.memref_slice %arg11[%mul3A_2, %dma_start3A_21] : memref<10240x64xf32, #tpu.memory_space<vmem_shared>> -> memref<640x64xf32, #tpu.memory_space<vmem_shared>>
      %dma_start3A_23 = arith.constant 0 : i32
      %dma_start3A_24 = tpu.memref_slice %arg5[%mul3A_0, %dma_start3A_23] : memref<10240x64xf32, #tpu.memory_space<hbm>> -> memref<640x64xf32, #tpu.memory_space<hbm>>
      tpu.enqueue_dma source(%dma_start3A_24 : memref<640x64xf32, #tpu.memory_space<hbm>>) target(%dma_start3A_22 : memref<640x64xf32, #tpu.memory_space<vmem_shared>>) target_semaphore(%run_scoped3A : memref<!tpu.dma_semaphore, #tpu.memory_space<semaphore_mem>>)
      %dma_wait3A = arith.constant 0 : i32
      %dma_wait3A_25 = tpu.memref_slice %arg11[%mul3A_2, %dma_wait3A] : memref<10240x64xf32, #tpu.memory_space<vmem_shared>> -> memref<640x64xf32, #tpu.memory_space<vmem_shared>>
      %dma_wait3A_26 = arith.constant 0 : i32
      %dma_wait3A_27 = tpu.memref_slice %arg5[%mul3A_0, %dma_wait3A_26] : memref<10240x64xf32, #tpu.memory_space<hbm>> -> memref<640x64xf32, #tpu.memory_space<hbm>>
      tpu.wait_dma2 semaphore(%run_scoped3A : memref<!tpu.dma_semaphore, #tpu.memory_space<semaphore_mem>>) src(%dma_wait3A_27 : memref<640x64xf32, #tpu.memory_space<hbm>>) dst(%dma_wait3A_25 : memref<640x64xf32, #tpu.memory_space<vmem_shared>>)
      tpu.yield
    }) : () -> ()
    %barrier3A = arith.constant 0 : index
    tpu.barrier barrier_id(%barrier3A)
    %dma_start3A = arith.constant 0 : i32
    %dma_start3A_3 = arith.constant 0 : i32
    %dma_start3A_4 = tpu.memref_slice %arg7[%dma_start3A, %dma_start3A_3] : memref<80x128xi32, #tpu.memory_space<vmem>> -> memref<1x128xi32, #tpu.memory_space<vmem>>
    %dma_start3A_5 = tpu.memref_squeeze %dma_start3A_4 : memref<1x128xi32, #tpu.memory_space<vmem>> -> memref<128xi32, #tpu.memory_space<vmem>>
    %dma_start3A_6 = arith.constant 0 : i32
    %dma_start3A_7 = arith.constant 0 : i32
    %dma_start3A_8 = tpu.memref_slice %arg2[%dma_start3A_6, %dma_start3A_7] : memref<10240x64xf32, #tpu.memory_space<hbm>> -> memref<10240x64xf32, #tpu.memory_space<hbm>>
    tpu.enqueue_indirect_dma source(%dma_start3A_8 : memref<10240x64xf32, #tpu.memory_space<hbm>>) target(%arg9 : memref<128x64xf32, #tpu.memory_space<vmem>>) offsets(%dma_start3A_5 : memref<128xi32, #tpu.memory_space<vmem>>) semaphore(%arg12 : memref<!tpu.dma_semaphore, #tpu.memory_space<semaphore_mem>>)
    %scan3A = arith.constant 0 : i32
    %scan3A_9 = arith.constant 0 : i32
    %scan3A_10 = arith.constant 40 : i32
    %scan3A_11 = arith.addi %scan3A_9, %scan3A_10 : i32
    %scan3A_12 = arith.constant 1 : i32
    scf.for %scan3A_21 = %scan3A_9 to %scan3A_11 step %scan3A_12  : i32 {
      %mul3A_22 = arith.constant 2 : i32
      %mul3A_23 = arith.muli %mul3A_22, %scan3A_21 : i32
      %add3A_24 = arith.constant 1 : i32
      %add3A_25 = arith.addi %mul3A_23, %add3A_24 : i32
      %dma_wait3A = arith.constant 0 : i32
      %dma_wait3A_26 = tpu.memref_slice %arg7[%mul3A_23, %dma_wait3A] : memref<80x128xi32, #tpu.memory_space<vmem>> -> memref<1x128xi32, #tpu.memory_space<vmem>>
      %dma_wait3A_27 = tpu.memref_squeeze %dma_wait3A_26 : memref<1x128xi32, #tpu.memory_space<vmem>> -> memref<128xi32, #tpu.memory_space<vmem>>
      %dma_wait3A_28 = arith.constant 0 : i32
      %dma_wait3A_29 = arith.constant 0 : i32
      %dma_wait3A_30 = tpu.memref_slice %arg2[%dma_wait3A_28, %dma_wait3A_29] : memref<10240x64xf32, #tpu.memory_space<hbm>> -> memref<10240x64xf32, #tpu.memory_space<hbm>>
      tpu.wait_indirect_dma semaphore(%arg12 : memref<!tpu.dma_semaphore, #tpu.memory_space<semaphore_mem>>) src(%dma_wait3A_30 : memref<10240x64xf32, #tpu.memory_space<hbm>>) dst(%arg9 : memref<128x64xf32, #tpu.memory_space<vmem>>)
      %dma_start3A_31 = arith.constant 0 : i32
      %dma_start3A_32 = tpu.memref_slice %arg7[%add3A_25, %dma_start3A_31] : memref<80x128xi32, #tpu.memory_space<vmem>> -> memref<1x128xi32, #tpu.memory_space<vmem>>
      %dma_start3A_33 = tpu.memref_squeeze %dma_start3A_32 : memref<1x128xi32, #tpu.memory_space<vmem>> -> memref<128xi32, #tpu.memory_space<vmem>>
      %dma_start3A_34 = arith.constant 0 : i32
      %dma_start3A_35 = arith.constant 0 : i32
      %dma_start3A_36 = tpu.memref_slice %arg2[%dma_start3A_34, %dma_start3A_35] : memref<10240x64xf32, #tpu.memory_space<hbm>> -> memref<10240x64xf32, #tpu.memory_space<hbm>>
      tpu.enqueue_indirect_dma source(%dma_start3A_36 : memref<10240x64xf32, #tpu.memory_space<hbm>>) target(%arg10 : memref<128x64xf32, #tpu.memory_space<vmem>>) offsets(%dma_start3A_33 : memref<128xi32, #tpu.memory_space<vmem>>) semaphore(%arg13 : memref<!tpu.dma_semaphore, #tpu.memory_space<semaphore_mem>>)
      "tpu.region"() ({
        %run_scoped3A = tpu.sem_alloc : memref<!tpu.dma_semaphore, #tpu.memory_space<semaphore_mem>>
        %dma_start3A_45 = arith.constant 0 : i32
        %dma_start3A_46 = tpu.memref_slice %arg8[%mul3A_23, %dma_start3A_45] : memref<80x128xi32, #tpu.memory_space<vmem>> -> memref<1x128xi32, #tpu.memory_space<vmem>>
        %dma_start3A_47 = tpu.memref_squeeze %dma_start3A_46 : memref<1x128xi32, #tpu.memory_space<vmem>> -> memref<128xi32, #tpu.memory_space<vmem>>
        %dma_start3A_48 = arith.constant 0 : i32
        %dma_start3A_49 = arith.constant 0 : i32
        %dma_start3A_50 = tpu.memref_slice %arg11[%dma_start3A_48, %dma_start3A_49] : memref<10240x64xf32, #tpu.memory_space<vmem_shared>> -> memref<10240x64xf32, #tpu.memory_space<vmem_shared>>
        tpu.enqueue_indirect_dma source(%arg9 : memref<128x64xf32, #tpu.memory_space<vmem>>) target(%dma_start3A_50 : memref<10240x64xf32, #tpu.memory_space<vmem_shared>>) offsets(%dma_start3A_47 : memref<128xi32, #tpu.memory_space<vmem>>) semaphore(%run_scoped3A : memref<!tpu.dma_semaphore, #tpu.memory_space<semaphore_mem>>) {add = true}
        %dma_wait3A_51 = arith.constant 0 : i32
        %dma_wait3A_52 = tpu.memref_slice %arg8[%mul3A_23, %dma_wait3A_51] : memref<80x128xi32, #tpu.memory_space<vmem>> -> memref<1x128xi32, #tpu.memory_space<vmem>>
        %dma_wait3A_53 = tpu.memref_squeeze %dma_wait3A_52 : memref<1x128xi32, #tpu.memory_space<vmem>> -> memref<128xi32, #tpu.memory_space<vmem>>
        %dma_wait3A_54 = arith.constant 0 : i32
        %dma_wait3A_55 = arith.constant 0 : i32
        %dma_wait3A_56 = tpu.memref_slice %arg11[%dma_wait3A_54, %dma_wait3A_55] : memref<10240x64xf32, #tpu.memory_space<vmem_shared>> -> memref<10240x64xf32, #tpu.memory_space<vmem_shared>>
        tpu.wait_indirect_dma semaphore(%run_scoped3A : memref<!tpu.dma_semaphore, #tpu.memory_space<semaphore_mem>>) src(%arg9 : memref<128x64xf32, #tpu.memory_space<vmem>>) dst(%dma_wait3A_56 : memref<10240x64xf32, #tpu.memory_space<vmem_shared>>)
        tpu.yield
      }) : () -> ()
      %dma_wait3A_37 = arith.constant 0 : i32
      %dma_wait3A_38 = tpu.memref_slice %arg7[%add3A_25, %dma_wait3A_37] : memref<80x128xi32, #tpu.memory_space<vmem>> -> memref<1x128xi32, #tpu.memory_space<vmem>>
      %dma_wait3A_39 = tpu.memref_squeeze %dma_wait3A_38 : memref<1x128xi32, #tpu.memory_space<vmem>> -> memref<128xi32, #tpu.memory_space<vmem>>
      %dma_wait3A_40 = arith.constant 0 : i32
      %dma_wait3A_41 = arith.constant 0 : i32
      %dma_wait3A_42 = tpu.memref_slice %arg2[%dma_wait3A_40, %dma_wait3A_41] : memref<10240x64xf32, #tpu.memory_space<hbm>> -> memref<10240x64xf32, #tpu.memory_space<hbm>>
      tpu.wait_indirect_dma semaphore(%arg13 : memref<!tpu.dma_semaphore, #tpu.memory_space<semaphore_mem>>) src(%dma_wait3A_42 : memref<10240x64xf32, #tpu.memory_space<hbm>>) dst(%arg10 : memref<128x64xf32, #tpu.memory_space<vmem>>)
      %lt3A = arith.constant 39 : i32
      %lt3A_43 = arith.cmpi slt, %scan3A_21, %lt3A : i32
      %convert_element_type3A = arith.extui %lt3A_43 : i1 to i32
      %cond3A = arith.constant 0 : i32
      %cond3A_44 = arith.cmpi ne, %convert_element_type3A, %cond3A : i32
      scf.if %cond3A_44 {
        %add3A_45 = arith.constant 1 : i32
        %add3A_46 = arith.addi %add3A_25, %add3A_45 : i32
        %dma_start3A_47 = arith.constant 0 : i32
        %dma_start3A_48 = tpu.memref_slice %arg7[%add3A_46, %dma_start3A_47] : memref<80x128xi32, #tpu.memory_space<vmem>> -> memref<1x128xi32, #tpu.memory_space<vmem>>
        %dma_start3A_49 = tpu.memref_squeeze %dma_start3A_48 : memref<1x128xi32, #tpu.memory_space<vmem>> -> memref<128xi32, #tpu.memory_space<vmem>>
        %dma_start3A_50 = arith.constant 0 : i32
        %dma_start3A_51 = arith.constant 0 : i32
        %dma_start3A_52 = tpu.memref_slice %arg2[%dma_start3A_50, %dma_start3A_51] : memref<10240x64xf32, #tpu.memory_space<hbm>> -> memref<10240x64xf32, #tpu.memory_space<hbm>>
        tpu.enqueue_indirect_dma source(%dma_start3A_52 : memref<10240x64xf32, #tpu.memory_space<hbm>>) target(%arg9 : memref<128x64xf32, #tpu.memory_space<vmem>>) offsets(%dma_start3A_49 : memref<128xi32, #tpu.memory_space<vmem>>) semaphore(%arg12 : memref<!tpu.dma_semaphore, #tpu.memory_space<semaphore_mem>>)
      } else {
      }
      "tpu.region"() ({
        %run_scoped3A = tpu.sem_alloc : memref<!tpu.dma_semaphore, #tpu.memory_space<semaphore_mem>>
        %dma_start3A_45 = arith.constant 0 : i32
        %dma_start3A_46 = tpu.memref_slice %arg8[%add3A_25, %dma_start3A_45] : memref<80x128xi32, #tpu.memory_space<vmem>> -> memref<1x128xi32, #tpu.memory_space<vmem>>
        %dma_start3A_47 = tpu.memref_squeeze %dma_start3A_46 : memref<1x128xi32, #tpu.memory_space<vmem>> -> memref<128xi32, #tpu.memory_space<vmem>>
        %dma_start3A_48 = arith.constant 0 : i32
        %dma_start3A_49 = arith.constant 0 : i32
        %dma_start3A_50 = tpu.memref_slice %arg11[%dma_start3A_48, %dma_start3A_49] : memref<10240x64xf32, #tpu.memory_space<vmem_shared>> -> memref<10240x64xf32, #tpu.memory_space<vmem_shared>>
        tpu.enqueue_indirect_dma source(%arg10 : memref<128x64xf32, #tpu.memory_space<vmem>>) target(%dma_start3A_50 : memref<10240x64xf32, #tpu.memory_space<vmem_shared>>) offsets(%dma_start3A_47 : memref<128xi32, #tpu.memory_space<vmem>>) semaphore(%run_scoped3A : memref<!tpu.dma_semaphore, #tpu.memory_space<semaphore_mem>>) {add = true}
        %dma_wait3A_51 = arith.constant 0 : i32
        %dma_wait3A_52 = tpu.memref_slice %arg8[%add3A_25, %dma_wait3A_51] : memref<80x128xi32, #tpu.memory_space<vmem>> -> memref<1x128xi32, #tpu.memory_space<vmem>>
        %dma_wait3A_53 = tpu.memref_squeeze %dma_wait3A_52 : memref<1x128xi32, #tpu.memory_space<vmem>> -> memref<128xi32, #tpu.memory_space<vmem>>
        %dma_wait3A_54 = arith.constant 0 : i32
        %dma_wait3A_55 = arith.constant 0 : i32
        %dma_wait3A_56 = tpu.memref_slice %arg11[%dma_wait3A_54, %dma_wait3A_55] : memref<10240x64xf32, #tpu.memory_space<vmem_shared>> -> memref<10240x64xf32, #tpu.memory_space<vmem_shared>>
        tpu.wait_indirect_dma semaphore(%run_scoped3A : memref<!tpu.dma_semaphore, #tpu.memory_space<semaphore_mem>>) src(%arg10 : memref<128x64xf32, #tpu.memory_space<vmem>>) dst(%dma_wait3A_56 : memref<10240x64xf32, #tpu.memory_space<vmem_shared>>)
        tpu.yield
      }) : () -> ()
    }
    %scan3A_13 = arith.constant 40 : i32
    %barrier3A_14 = arith.constant 0 : index
    tpu.barrier barrier_id(%barrier3A_14)
    %mul3A_15 = arith.constant 640 : i32
    %mul3A_16 = arith.muli %arg1, %mul3A_15 : i32
    %mul3A_17 = arith.constant 10240 : i32
    %mul3A_18 = arith.muli %arg0, %mul3A_17 : i32
    %mul3A_19 = arith.constant 640 : i32
    %mul3A_20 = arith.muli %arg1, %mul3A_19 : i32
    %add3A = arith.addi %mul3A_18, %mul3A_20 : i32
    "tpu.region"() ({
      %run_scoped3A = tpu.sem_alloc : memref<!tpu.dma_semaphore, #tpu.memory_space<semaphore_mem>>
      %dma_start3A_21 = arith.constant 0 : i32
      %dma_start3A_22 = tpu.memref_slice %arg6[%add3A, %dma_start3A_21] : memref<20480x64xf32, #tpu.memory_space<hbm>> -> memref<640x64xf32, #tpu.memory_space<hbm>>
      %dma_start3A_23 = arith.constant 0 : i32
      %dma_start3A_24 = tpu.memref_slice %arg11[%mul3A_16, %dma_start3A_23] : memref<10240x64xf32, #tpu.memory_space<vmem_shared>> -> memref<640x64xf32, #tpu.memory_space<vmem_shared>>
      tpu.enqueue_dma source(%dma_start3A_24 : memref<640x64xf32, #tpu.memory_space<vmem_shared>>) target(%dma_start3A_22 : memref<640x64xf32, #tpu.memory_space<hbm>>) target_semaphore(%run_scoped3A : memref<!tpu.dma_semaphore, #tpu.memory_space<semaphore_mem>>)
      %dma_wait3A = arith.constant 0 : i32
      %dma_wait3A_25 = tpu.memref_slice %arg6[%add3A, %dma_wait3A] : memref<20480x64xf32, #tpu.memory_space<hbm>> -> memref<640x64xf32, #tpu.memory_space<hbm>>
      %dma_wait3A_26 = arith.constant 0 : i32
      %dma_wait3A_27 = tpu.memref_slice %arg11[%mul3A_16, %dma_wait3A_26] : memref<10240x64xf32, #tpu.memory_space<vmem_shared>> -> memref<640x64xf32, #tpu.memory_space<vmem_shared>>
      tpu.wait_dma2 semaphore(%run_scoped3A : memref<!tpu.dma_semaphore, #tpu.memory_space<semaphore_mem>>) src(%dma_wait3A_27 : memref<640x64xf32, #tpu.memory_space<vmem_shared>>) dst(%dma_wait3A_25 : memref<640x64xf32, #tpu.memory_space<hbm>>)
      tpu.yield
    }) : () -> ()
    return
  }
}

#map = affine_map<(d0, d1) -> (0, 0)>
#map1 = affine_map<(d0, d1) -> (0, 0, 0, 0)>
module attributes {stable_mosaic.version = 14 : i64} {
  func.func @segsum(%arg0: i32, %arg1: i32, %arg2: memref<20480x64xf32, #tpu.memory_space<hbm>>, %arg3: memref<2x16x160x128xi32, #tpu.memory_space<hbm>>, %arg4: memref<2x16x160x128xi32, #tpu.memory_space<hbm>>, %arg5: memref<10240x64xf32, #tpu.memory_space<hbm>>, %arg6: memref<20480x64xf32, #tpu.memory_space<hbm>>, %arg7: memref<160x128xi32, #tpu.memory_space<vmem>>, %arg8: memref<160x128xi32, #tpu.memory_space<vmem>>, %arg9: memref<128x64xf32, #tpu.memory_space<vmem>>, %arg10: memref<128x64xf32, #tpu.memory_space<vmem>>, %arg11: memref<10240x64xf32, #tpu.memory_space<vmem_shared>>, %arg12: memref<!tpu.dma_semaphore, #tpu.memory_space<semaphore_mem>>, %arg13: memref<!tpu.dma_semaphore, #tpu.memory_space<semaphore_mem>>) attributes {dimension_semantics = [#tpu.dimension_semantics<core_parallel>, #tpu.dimension_semantics<subcore_parallel>], iteration_bounds = array<i64: 2, 16>, scalar_prefetch = 0 : i64, scratch_operands = 7 : i64, tpu.core_type = #tpu.core_type<sc_vector_subcore>, window_params = [{transform_indices = #map}, {transform_indices = #map1}, {transform_indices = #map1}, {transform_indices = #map}, {transform_indices = #map}]} {
    "tpu.region"() ({
      %run_scoped3A = tpu.sem_alloc : memref<!tpu.dma_semaphore, #tpu.memory_space<semaphore_mem>>
      %dma_start3A_21 = arith.constant 0 : i32
      %dma_start3A_22 = arith.constant 0 : i32
      %dma_start3A_23 = tpu.memref_slice %arg3[%arg0, %arg1, %dma_start3A_21, %dma_start3A_22] : memref<2x16x160x128xi32, #tpu.memory_space<hbm>> -> memref<1x1x160x128xi32, #tpu.memory_space<hbm>>
      %dma_start3A_24 = tpu.memref_squeeze %dma_start3A_23 : memref<1x1x160x128xi32, #tpu.memory_space<hbm>> -> memref<160x128xi32, #tpu.memory_space<hbm>>
      %dma_start3A_25 = arith.constant 0 : i32
      %dma_start3A_26 = arith.constant 0 : i32
      %dma_start3A_27 = tpu.memref_slice %arg3[%arg0, %arg1, %dma_start3A_25, %dma_start3A_26] : memref<2x16x160x128xi32, #tpu.memory_space<hbm>> -> memref<1x1x160x128xi32, #tpu.memory_space<hbm>>
      %dma_start3A_28 = tpu.memref_squeeze %dma_start3A_27 : memref<1x1x160x128xi32, #tpu.memory_space<hbm>> -> memref<160x128xi32, #tpu.memory_space<hbm>>
      tpu.enqueue_dma source(%dma_start3A_28 : memref<160x128xi32, #tpu.memory_space<hbm>>) target(%arg7 : memref<160x128xi32, #tpu.memory_space<vmem>>) target_semaphore(%run_scoped3A : memref<!tpu.dma_semaphore, #tpu.memory_space<semaphore_mem>>)
      %dma_wait3A = arith.constant 0 : i32
      %dma_wait3A_29 = arith.constant 0 : i32
      %dma_wait3A_30 = tpu.memref_slice %arg3[%arg0, %arg1, %dma_wait3A, %dma_wait3A_29] : memref<2x16x160x128xi32, #tpu.memory_space<hbm>> -> memref<1x1x160x128xi32, #tpu.memory_space<hbm>>
      %dma_wait3A_31 = tpu.memref_squeeze %dma_wait3A_30 : memref<1x1x160x128xi32, #tpu.memory_space<hbm>> -> memref<160x128xi32, #tpu.memory_space<hbm>>
      %dma_wait3A_32 = arith.constant 0 : i32
      %dma_wait3A_33 = arith.constant 0 : i32
      %dma_wait3A_34 = tpu.memref_slice %arg3[%arg0, %arg1, %dma_wait3A_32, %dma_wait3A_33] : memref<2x16x160x128xi32, #tpu.memory_space<hbm>> -> memref<1x1x160x128xi32, #tpu.memory_space<hbm>>
      %dma_wait3A_35 = tpu.memref_squeeze %dma_wait3A_34 : memref<1x1x160x128xi32, #tpu.memory_space<hbm>> -> memref<160x128xi32, #tpu.memory_space<hbm>>
      tpu.wait_dma2 semaphore(%run_scoped3A : memref<!tpu.dma_semaphore, #tpu.memory_space<semaphore_mem>>) src(%dma_wait3A_35 : memref<160x128xi32, #tpu.memory_space<hbm>>) dst(%arg7 : memref<160x128xi32, #tpu.memory_space<vmem>>)
      tpu.yield
    }) : () -> ()
    "tpu.region"() ({
      %run_scoped3A = tpu.sem_alloc : memref<!tpu.dma_semaphore, #tpu.memory_space<semaphore_mem>>
      %dma_start3A_21 = arith.constant 0 : i32
      %dma_start3A_22 = arith.constant 0 : i32
      %dma_start3A_23 = tpu.memref_slice %arg4[%arg0, %arg1, %dma_start3A_21, %dma_start3A_22] : memref<2x16x160x128xi32, #tpu.memory_space<hbm>> -> memref<1x1x160x128xi32, #tpu.memory_space<hbm>>
      %dma_start3A_24 = tpu.memref_squeeze %dma_start3A_23 : memref<1x1x160x128xi32, #tpu.memory_space<hbm>> -> memref<160x128xi32, #tpu.memory_space<hbm>>
      %dma_start3A_25 = arith.constant 0 : i32
      %dma_start3A_26 = arith.constant 0 : i32
      %dma_start3A_27 = tpu.memref_slice %arg4[%arg0, %arg1, %dma_start3A_25, %dma_start3A_26] : memref<2x16x160x128xi32, #tpu.memory_space<hbm>> -> memref<1x1x160x128xi32, #tpu.memory_space<hbm>>
      %dma_start3A_28 = tpu.memref_squeeze %dma_start3A_27 : memref<1x1x160x128xi32, #tpu.memory_space<hbm>> -> memref<160x128xi32, #tpu.memory_space<hbm>>
      tpu.enqueue_dma source(%dma_start3A_28 : memref<160x128xi32, #tpu.memory_space<hbm>>) target(%arg8 : memref<160x128xi32, #tpu.memory_space<vmem>>) target_semaphore(%run_scoped3A : memref<!tpu.dma_semaphore, #tpu.memory_space<semaphore_mem>>)
      %dma_wait3A = arith.constant 0 : i32
      %dma_wait3A_29 = arith.constant 0 : i32
      %dma_wait3A_30 = tpu.memref_slice %arg4[%arg0, %arg1, %dma_wait3A, %dma_wait3A_29] : memref<2x16x160x128xi32, #tpu.memory_space<hbm>> -> memref<1x1x160x128xi32, #tpu.memory_space<hbm>>
      %dma_wait3A_31 = tpu.memref_squeeze %dma_wait3A_30 : memref<1x1x160x128xi32, #tpu.memory_space<hbm>> -> memref<160x128xi32, #tpu.memory_space<hbm>>
      %dma_wait3A_32 = arith.constant 0 : i32
      %dma_wait3A_33 = arith.constant 0 : i32
      %dma_wait3A_34 = tpu.memref_slice %arg4[%arg0, %arg1, %dma_wait3A_32, %dma_wait3A_33] : memref<2x16x160x128xi32, #tpu.memory_space<hbm>> -> memref<1x1x160x128xi32, #tpu.memory_space<hbm>>
      %dma_wait3A_35 = tpu.memref_squeeze %dma_wait3A_34 : memref<1x1x160x128xi32, #tpu.memory_space<hbm>> -> memref<160x128xi32, #tpu.memory_space<hbm>>
      tpu.wait_dma2 semaphore(%run_scoped3A : memref<!tpu.dma_semaphore, #tpu.memory_space<semaphore_mem>>) src(%dma_wait3A_35 : memref<160x128xi32, #tpu.memory_space<hbm>>) dst(%arg8 : memref<160x128xi32, #tpu.memory_space<vmem>>)
      tpu.yield
    }) : () -> ()
    %mul3A = arith.constant 640 : i32
    %mul3A_0 = arith.muli %arg1, %mul3A : i32
    %mul3A_1 = arith.constant 640 : i32
    %mul3A_2 = arith.muli %arg1, %mul3A_1 : i32
    "tpu.region"() ({
      %run_scoped3A = tpu.sem_alloc : memref<!tpu.dma_semaphore, #tpu.memory_space<semaphore_mem>>
      %dma_start3A_21 = arith.constant 0 : i32
      %dma_start3A_22 = tpu.memref_slice %arg11[%mul3A_2, %dma_start3A_21] : memref<10240x64xf32, #tpu.memory_space<vmem_shared>> -> memref<640x64xf32, #tpu.memory_space<vmem_shared>>
      %dma_start3A_23 = arith.constant 0 : i32
      %dma_start3A_24 = tpu.memref_slice %arg5[%mul3A_0, %dma_start3A_23] : memref<10240x64xf32, #tpu.memory_space<hbm>> -> memref<640x64xf32, #tpu.memory_space<hbm>>
      tpu.enqueue_dma source(%dma_start3A_24 : memref<640x64xf32, #tpu.memory_space<hbm>>) target(%dma_start3A_22 : memref<640x64xf32, #tpu.memory_space<vmem_shared>>) target_semaphore(%run_scoped3A : memref<!tpu.dma_semaphore, #tpu.memory_space<semaphore_mem>>)
      %dma_wait3A = arith.constant 0 : i32
      %dma_wait3A_25 = tpu.memref_slice %arg11[%mul3A_2, %dma_wait3A] : memref<10240x64xf32, #tpu.memory_space<vmem_shared>> -> memref<640x64xf32, #tpu.memory_space<vmem_shared>>
      %dma_wait3A_26 = arith.constant 0 : i32
      %dma_wait3A_27 = tpu.memref_slice %arg5[%mul3A_0, %dma_wait3A_26] : memref<10240x64xf32, #tpu.memory_space<hbm>> -> memref<640x64xf32, #tpu.memory_space<hbm>>
      tpu.wait_dma2 semaphore(%run_scoped3A : memref<!tpu.dma_semaphore, #tpu.memory_space<semaphore_mem>>) src(%dma_wait3A_27 : memref<640x64xf32, #tpu.memory_space<hbm>>) dst(%dma_wait3A_25 : memref<640x64xf32, #tpu.memory_space<vmem_shared>>)
      tpu.yield
    }) : () -> ()
    %barrier3A = arith.constant 0 : index
    tpu.barrier barrier_id(%barrier3A)
    %dma_start3A = arith.constant 0 : i32
    %dma_start3A_3 = arith.constant 0 : i32
    %dma_start3A_4 = tpu.memref_slice %arg7[%dma_start3A, %dma_start3A_3] : memref<160x128xi32, #tpu.memory_space<vmem>> -> memref<1x128xi32, #tpu.memory_space<vmem>>
    %dma_start3A_5 = tpu.memref_squeeze %dma_start3A_4 : memref<1x128xi32, #tpu.memory_space<vmem>> -> memref<128xi32, #tpu.memory_space<vmem>>
    %dma_start3A_6 = arith.constant 0 : i32
    %dma_start3A_7 = arith.constant 0 : i32
    %dma_start3A_8 = tpu.memref_slice %arg2[%dma_start3A_6, %dma_start3A_7] : memref<20480x64xf32, #tpu.memory_space<hbm>> -> memref<20480x64xf32, #tpu.memory_space<hbm>>
    tpu.enqueue_indirect_dma source(%dma_start3A_8 : memref<20480x64xf32, #tpu.memory_space<hbm>>) target(%arg9 : memref<128x64xf32, #tpu.memory_space<vmem>>) offsets(%dma_start3A_5 : memref<128xi32, #tpu.memory_space<vmem>>) semaphore(%arg12 : memref<!tpu.dma_semaphore, #tpu.memory_space<semaphore_mem>>)
    %scan3A = arith.constant 0 : i32
    %scan3A_9 = arith.constant 0 : i32
    %scan3A_10 = arith.constant 80 : i32
    %scan3A_11 = arith.addi %scan3A_9, %scan3A_10 : i32
    %scan3A_12 = arith.constant 1 : i32
    scf.for %scan3A_21 = %scan3A_9 to %scan3A_11 step %scan3A_12  : i32 {
      %mul3A_22 = arith.constant 2 : i32
      %mul3A_23 = arith.muli %mul3A_22, %scan3A_21 : i32
      %add3A_24 = arith.constant 1 : i32
      %add3A_25 = arith.addi %mul3A_23, %add3A_24 : i32
      %dma_wait3A = arith.constant 0 : i32
      %dma_wait3A_26 = tpu.memref_slice %arg7[%mul3A_23, %dma_wait3A] : memref<160x128xi32, #tpu.memory_space<vmem>> -> memref<1x128xi32, #tpu.memory_space<vmem>>
      %dma_wait3A_27 = tpu.memref_squeeze %dma_wait3A_26 : memref<1x128xi32, #tpu.memory_space<vmem>> -> memref<128xi32, #tpu.memory_space<vmem>>
      %dma_wait3A_28 = arith.constant 0 : i32
      %dma_wait3A_29 = arith.constant 0 : i32
      %dma_wait3A_30 = tpu.memref_slice %arg2[%dma_wait3A_28, %dma_wait3A_29] : memref<20480x64xf32, #tpu.memory_space<hbm>> -> memref<20480x64xf32, #tpu.memory_space<hbm>>
      tpu.wait_indirect_dma semaphore(%arg12 : memref<!tpu.dma_semaphore, #tpu.memory_space<semaphore_mem>>) src(%dma_wait3A_30 : memref<20480x64xf32, #tpu.memory_space<hbm>>) dst(%arg9 : memref<128x64xf32, #tpu.memory_space<vmem>>)
      %dma_start3A_31 = arith.constant 0 : i32
      %dma_start3A_32 = tpu.memref_slice %arg7[%add3A_25, %dma_start3A_31] : memref<160x128xi32, #tpu.memory_space<vmem>> -> memref<1x128xi32, #tpu.memory_space<vmem>>
      %dma_start3A_33 = tpu.memref_squeeze %dma_start3A_32 : memref<1x128xi32, #tpu.memory_space<vmem>> -> memref<128xi32, #tpu.memory_space<vmem>>
      %dma_start3A_34 = arith.constant 0 : i32
      %dma_start3A_35 = arith.constant 0 : i32
      %dma_start3A_36 = tpu.memref_slice %arg2[%dma_start3A_34, %dma_start3A_35] : memref<20480x64xf32, #tpu.memory_space<hbm>> -> memref<20480x64xf32, #tpu.memory_space<hbm>>
      tpu.enqueue_indirect_dma source(%dma_start3A_36 : memref<20480x64xf32, #tpu.memory_space<hbm>>) target(%arg10 : memref<128x64xf32, #tpu.memory_space<vmem>>) offsets(%dma_start3A_33 : memref<128xi32, #tpu.memory_space<vmem>>) semaphore(%arg13 : memref<!tpu.dma_semaphore, #tpu.memory_space<semaphore_mem>>)
      "tpu.region"() ({
        %run_scoped3A = tpu.sem_alloc : memref<!tpu.dma_semaphore, #tpu.memory_space<semaphore_mem>>
        %dma_start3A_45 = arith.constant 0 : i32
        %dma_start3A_46 = tpu.memref_slice %arg8[%mul3A_23, %dma_start3A_45] : memref<160x128xi32, #tpu.memory_space<vmem>> -> memref<1x128xi32, #tpu.memory_space<vmem>>
        %dma_start3A_47 = tpu.memref_squeeze %dma_start3A_46 : memref<1x128xi32, #tpu.memory_space<vmem>> -> memref<128xi32, #tpu.memory_space<vmem>>
        %dma_start3A_48 = arith.constant 0 : i32
        %dma_start3A_49 = arith.constant 0 : i32
        %dma_start3A_50 = tpu.memref_slice %arg11[%dma_start3A_48, %dma_start3A_49] : memref<10240x64xf32, #tpu.memory_space<vmem_shared>> -> memref<10240x64xf32, #tpu.memory_space<vmem_shared>>
        tpu.enqueue_indirect_dma source(%arg9 : memref<128x64xf32, #tpu.memory_space<vmem>>) target(%dma_start3A_50 : memref<10240x64xf32, #tpu.memory_space<vmem_shared>>) offsets(%dma_start3A_47 : memref<128xi32, #tpu.memory_space<vmem>>) semaphore(%run_scoped3A : memref<!tpu.dma_semaphore, #tpu.memory_space<semaphore_mem>>) {add = true}
        %dma_wait3A_51 = arith.constant 0 : i32
        %dma_wait3A_52 = tpu.memref_slice %arg8[%mul3A_23, %dma_wait3A_51] : memref<160x128xi32, #tpu.memory_space<vmem>> -> memref<1x128xi32, #tpu.memory_space<vmem>>
        %dma_wait3A_53 = tpu.memref_squeeze %dma_wait3A_52 : memref<1x128xi32, #tpu.memory_space<vmem>> -> memref<128xi32, #tpu.memory_space<vmem>>
        %dma_wait3A_54 = arith.constant 0 : i32
        %dma_wait3A_55 = arith.constant 0 : i32
        %dma_wait3A_56 = tpu.memref_slice %arg11[%dma_wait3A_54, %dma_wait3A_55] : memref<10240x64xf32, #tpu.memory_space<vmem_shared>> -> memref<10240x64xf32, #tpu.memory_space<vmem_shared>>
        tpu.wait_indirect_dma semaphore(%run_scoped3A : memref<!tpu.dma_semaphore, #tpu.memory_space<semaphore_mem>>) src(%arg9 : memref<128x64xf32, #tpu.memory_space<vmem>>) dst(%dma_wait3A_56 : memref<10240x64xf32, #tpu.memory_space<vmem_shared>>)
        tpu.yield
      }) : () -> ()
      %dma_wait3A_37 = arith.constant 0 : i32
      %dma_wait3A_38 = tpu.memref_slice %arg7[%add3A_25, %dma_wait3A_37] : memref<160x128xi32, #tpu.memory_space<vmem>> -> memref<1x128xi32, #tpu.memory_space<vmem>>
      %dma_wait3A_39 = tpu.memref_squeeze %dma_wait3A_38 : memref<1x128xi32, #tpu.memory_space<vmem>> -> memref<128xi32, #tpu.memory_space<vmem>>
      %dma_wait3A_40 = arith.constant 0 : i32
      %dma_wait3A_41 = arith.constant 0 : i32
      %dma_wait3A_42 = tpu.memref_slice %arg2[%dma_wait3A_40, %dma_wait3A_41] : memref<20480x64xf32, #tpu.memory_space<hbm>> -> memref<20480x64xf32, #tpu.memory_space<hbm>>
      tpu.wait_indirect_dma semaphore(%arg13 : memref<!tpu.dma_semaphore, #tpu.memory_space<semaphore_mem>>) src(%dma_wait3A_42 : memref<20480x64xf32, #tpu.memory_space<hbm>>) dst(%arg10 : memref<128x64xf32, #tpu.memory_space<vmem>>)
      %lt3A = arith.constant 79 : i32
      %lt3A_43 = arith.cmpi slt, %scan3A_21, %lt3A : i32
      %convert_element_type3A = arith.extui %lt3A_43 : i1 to i32
      %cond3A = arith.constant 0 : i32
      %cond3A_44 = arith.cmpi ne, %convert_element_type3A, %cond3A : i32
      scf.if %cond3A_44 {
        %add3A_45 = arith.constant 1 : i32
        %add3A_46 = arith.addi %add3A_25, %add3A_45 : i32
        %dma_start3A_47 = arith.constant 0 : i32
        %dma_start3A_48 = tpu.memref_slice %arg7[%add3A_46, %dma_start3A_47] : memref<160x128xi32, #tpu.memory_space<vmem>> -> memref<1x128xi32, #tpu.memory_space<vmem>>
        %dma_start3A_49 = tpu.memref_squeeze %dma_start3A_48 : memref<1x128xi32, #tpu.memory_space<vmem>> -> memref<128xi32, #tpu.memory_space<vmem>>
        %dma_start3A_50 = arith.constant 0 : i32
        %dma_start3A_51 = arith.constant 0 : i32
        %dma_start3A_52 = tpu.memref_slice %arg2[%dma_start3A_50, %dma_start3A_51] : memref<20480x64xf32, #tpu.memory_space<hbm>> -> memref<20480x64xf32, #tpu.memory_space<hbm>>
        tpu.enqueue_indirect_dma source(%dma_start3A_52 : memref<20480x64xf32, #tpu.memory_space<hbm>>) target(%arg9 : memref<128x64xf32, #tpu.memory_space<vmem>>) offsets(%dma_start3A_49 : memref<128xi32, #tpu.memory_space<vmem>>) semaphore(%arg12 : memref<!tpu.dma_semaphore, #tpu.memory_space<semaphore_mem>>)
      } else {
      }
      "tpu.region"() ({
        %run_scoped3A = tpu.sem_alloc : memref<!tpu.dma_semaphore, #tpu.memory_space<semaphore_mem>>
        %dma_start3A_45 = arith.constant 0 : i32
        %dma_start3A_46 = tpu.memref_slice %arg8[%add3A_25, %dma_start3A_45] : memref<160x128xi32, #tpu.memory_space<vmem>> -> memref<1x128xi32, #tpu.memory_space<vmem>>
        %dma_start3A_47 = tpu.memref_squeeze %dma_start3A_46 : memref<1x128xi32, #tpu.memory_space<vmem>> -> memref<128xi32, #tpu.memory_space<vmem>>
        %dma_start3A_48 = arith.constant 0 : i32
        %dma_start3A_49 = arith.constant 0 : i32
        %dma_start3A_50 = tpu.memref_slice %arg11[%dma_start3A_48, %dma_start3A_49] : memref<10240x64xf32, #tpu.memory_space<vmem_shared>> -> memref<10240x64xf32, #tpu.memory_space<vmem_shared>>
        tpu.enqueue_indirect_dma source(%arg10 : memref<128x64xf32, #tpu.memory_space<vmem>>) target(%dma_start3A_50 : memref<10240x64xf32, #tpu.memory_space<vmem_shared>>) offsets(%dma_start3A_47 : memref<128xi32, #tpu.memory_space<vmem>>) semaphore(%run_scoped3A : memref<!tpu.dma_semaphore, #tpu.memory_space<semaphore_mem>>) {add = true}
        %dma_wait3A_51 = arith.constant 0 : i32
        %dma_wait3A_52 = tpu.memref_slice %arg8[%add3A_25, %dma_wait3A_51] : memref<160x128xi32, #tpu.memory_space<vmem>> -> memref<1x128xi32, #tpu.memory_space<vmem>>
        %dma_wait3A_53 = tpu.memref_squeeze %dma_wait3A_52 : memref<1x128xi32, #tpu.memory_space<vmem>> -> memref<128xi32, #tpu.memory_space<vmem>>
        %dma_wait3A_54 = arith.constant 0 : i32
        %dma_wait3A_55 = arith.constant 0 : i32
        %dma_wait3A_56 = tpu.memref_slice %arg11[%dma_wait3A_54, %dma_wait3A_55] : memref<10240x64xf32, #tpu.memory_space<vmem_shared>> -> memref<10240x64xf32, #tpu.memory_space<vmem_shared>>
        tpu.wait_indirect_dma semaphore(%run_scoped3A : memref<!tpu.dma_semaphore, #tpu.memory_space<semaphore_mem>>) src(%arg10 : memref<128x64xf32, #tpu.memory_space<vmem>>) dst(%dma_wait3A_56 : memref<10240x64xf32, #tpu.memory_space<vmem_shared>>)
        tpu.yield
      }) : () -> ()
    }
    %scan3A_13 = arith.constant 80 : i32
    %barrier3A_14 = arith.constant 0 : index
    tpu.barrier barrier_id(%barrier3A_14)
    %mul3A_15 = arith.constant 640 : i32
    %mul3A_16 = arith.muli %arg1, %mul3A_15 : i32
    %mul3A_17 = arith.constant 10240 : i32
    %mul3A_18 = arith.muli %arg0, %mul3A_17 : i32
    %mul3A_19 = arith.constant 640 : i32
    %mul3A_20 = arith.muli %arg1, %mul3A_19 : i32
    %add3A = arith.addi %mul3A_18, %mul3A_20 : i32
    "tpu.region"() ({
      %run_scoped3A = tpu.sem_alloc : memref<!tpu.dma_semaphore, #tpu.memory_space<semaphore_mem>>
      %dma_start3A_21 = arith.constant 0 : i32
      %dma_start3A_22 = tpu.memref_slice %arg6[%add3A, %dma_start3A_21] : memref<20480x64xf32, #tpu.memory_space<hbm>> -> memref<640x64xf32, #tpu.memory_space<hbm>>
      %dma_start3A_23 = arith.constant 0 : i32
      %dma_start3A_24 = tpu.memref_slice %arg11[%mul3A_16, %dma_start3A_23] : memref<10240x64xf32, #tpu.memory_space<vmem_shared>> -> memref<640x64xf32, #tpu.memory_space<vmem_shared>>
      tpu.enqueue_dma source(%dma_start3A_24 : memref<640x64xf32, #tpu.memory_space<vmem_shared>>) target(%dma_start3A_22 : memref<640x64xf32, #tpu.memory_space<hbm>>) target_semaphore(%run_scoped3A : memref<!tpu.dma_semaphore, #tpu.memory_space<semaphore_mem>>)
      %dma_wait3A = arith.constant 0 : i32
      %dma_wait3A_25 = tpu.memref_slice %arg6[%add3A, %dma_wait3A] : memref<20480x64xf32, #tpu.memory_space<hbm>> -> memref<640x64xf32, #tpu.memory_space<hbm>>
      %dma_wait3A_26 = arith.constant 0 : i32
      %dma_wait3A_27 = tpu.memref_slice %arg11[%mul3A_16, %dma_wait3A_26] : memref<10240x64xf32, #tpu.memory_space<vmem_shared>> -> memref<640x64xf32, #tpu.memory_space<vmem_shared>>
      tpu.wait_dma2 semaphore(%run_scoped3A : memref<!tpu.dma_semaphore, #tpu.memory_space<semaphore_mem>>) src(%dma_wait3A_27 : memref<640x64xf32, #tpu.memory_space<vmem_shared>>) dst(%dma_wait3A_25 : memref<640x64xf32, #tpu.memory_space<hbm>>)
      tpu.yield
    }) : () -> ()
    return
  }
}

#map = affine_map<(d0, d1) -> (0, 0)>
#map1 = affine_map<(d0, d1) -> (0, 0, 0, 0)>
module attributes {stable_mosaic.version = 14 : i64} {
  func.func @segsum(%arg0: i32, %arg1: i32, %arg2: memref<10240x64xf32, #tpu.memory_space<hbm>>, %arg3: memref<2x16x80x128xi32, #tpu.memory_space<hbm>>, %arg4: memref<2x16x80x128xi32, #tpu.memory_space<hbm>>, %arg5: memref<10240x64xf32, #tpu.memory_space<hbm>>, %arg6: memref<20480x64xf32, #tpu.memory_space<hbm>>, %arg7: memref<80x128xi32, #tpu.memory_space<vmem>>, %arg8: memref<80x128xi32, #tpu.memory_space<vmem>>, %arg9: memref<128x64xf32, #tpu.memory_space<vmem>>, %arg10: memref<128x64xf32, #tpu.memory_space<vmem>>, %arg11: memref<10240x64xf32, #tpu.memory_space<vmem_shared>>, %arg12: memref<!tpu.dma_semaphore, #tpu.memory_space<semaphore_mem>>, %arg13: memref<!tpu.dma_semaphore, #tpu.memory_space<semaphore_mem>>) attributes {dimension_semantics = [#tpu.dimension_semantics<core_parallel>, #tpu.dimension_semantics<subcore_parallel>], iteration_bounds = array<i64: 2, 16>, scalar_prefetch = 0 : i64, scratch_operands = 7 : i64, tpu.core_type = #tpu.core_type<sc_vector_subcore>, window_params = [{transform_indices = #map}, {transform_indices = #map1}, {transform_indices = #map1}, {transform_indices = #map}, {transform_indices = #map}]} {
    "tpu.region"() ({
      %run_scoped3A = tpu.sem_alloc : memref<!tpu.dma_semaphore, #tpu.memory_space<semaphore_mem>>
      %dma_start3A_21 = arith.constant 0 : i32
      %dma_start3A_22 = arith.constant 0 : i32
      %dma_start3A_23 = tpu.memref_slice %arg3[%arg0, %arg1, %dma_start3A_21, %dma_start3A_22] : memref<2x16x80x128xi32, #tpu.memory_space<hbm>> -> memref<1x1x80x128xi32, #tpu.memory_space<hbm>>
      %dma_start3A_24 = tpu.memref_squeeze %dma_start3A_23 : memref<1x1x80x128xi32, #tpu.memory_space<hbm>> -> memref<80x128xi32, #tpu.memory_space<hbm>>
      %dma_start3A_25 = arith.constant 0 : i32
      %dma_start3A_26 = arith.constant 0 : i32
      %dma_start3A_27 = tpu.memref_slice %arg3[%arg0, %arg1, %dma_start3A_25, %dma_start3A_26] : memref<2x16x80x128xi32, #tpu.memory_space<hbm>> -> memref<1x1x80x128xi32, #tpu.memory_space<hbm>>
      %dma_start3A_28 = tpu.memref_squeeze %dma_start3A_27 : memref<1x1x80x128xi32, #tpu.memory_space<hbm>> -> memref<80x128xi32, #tpu.memory_space<hbm>>
      tpu.enqueue_dma source(%dma_start3A_28 : memref<80x128xi32, #tpu.memory_space<hbm>>) target(%arg7 : memref<80x128xi32, #tpu.memory_space<vmem>>) target_semaphore(%run_scoped3A : memref<!tpu.dma_semaphore, #tpu.memory_space<semaphore_mem>>)
      %dma_wait3A = arith.constant 0 : i32
      %dma_wait3A_29 = arith.constant 0 : i32
      %dma_wait3A_30 = tpu.memref_slice %arg3[%arg0, %arg1, %dma_wait3A, %dma_wait3A_29] : memref<2x16x80x128xi32, #tpu.memory_space<hbm>> -> memref<1x1x80x128xi32, #tpu.memory_space<hbm>>
      %dma_wait3A_31 = tpu.memref_squeeze %dma_wait3A_30 : memref<1x1x80x128xi32, #tpu.memory_space<hbm>> -> memref<80x128xi32, #tpu.memory_space<hbm>>
      %dma_wait3A_32 = arith.constant 0 : i32
      %dma_wait3A_33 = arith.constant 0 : i32
      %dma_wait3A_34 = tpu.memref_slice %arg3[%arg0, %arg1, %dma_wait3A_32, %dma_wait3A_33] : memref<2x16x80x128xi32, #tpu.memory_space<hbm>> -> memref<1x1x80x128xi32, #tpu.memory_space<hbm>>
      %dma_wait3A_35 = tpu.memref_squeeze %dma_wait3A_34 : memref<1x1x80x128xi32, #tpu.memory_space<hbm>> -> memref<80x128xi32, #tpu.memory_space<hbm>>
      tpu.wait_dma2 semaphore(%run_scoped3A : memref<!tpu.dma_semaphore, #tpu.memory_space<semaphore_mem>>) src(%dma_wait3A_35 : memref<80x128xi32, #tpu.memory_space<hbm>>) dst(%arg7 : memref<80x128xi32, #tpu.memory_space<vmem>>)
      tpu.yield
    }) : () -> ()
    "tpu.region"() ({
      %run_scoped3A = tpu.sem_alloc : memref<!tpu.dma_semaphore, #tpu.memory_space<semaphore_mem>>
      %dma_start3A_21 = arith.constant 0 : i32
      %dma_start3A_22 = arith.constant 0 : i32
      %dma_start3A_23 = tpu.memref_slice %arg4[%arg0, %arg1, %dma_start3A_21, %dma_start3A_22] : memref<2x16x80x128xi32, #tpu.memory_space<hbm>> -> memref<1x1x80x128xi32, #tpu.memory_space<hbm>>
      %dma_start3A_24 = tpu.memref_squeeze %dma_start3A_23 : memref<1x1x80x128xi32, #tpu.memory_space<hbm>> -> memref<80x128xi32, #tpu.memory_space<hbm>>
      %dma_start3A_25 = arith.constant 0 : i32
      %dma_start3A_26 = arith.constant 0 : i32
      %dma_start3A_27 = tpu.memref_slice %arg4[%arg0, %arg1, %dma_start3A_25, %dma_start3A_26] : memref<2x16x80x128xi32, #tpu.memory_space<hbm>> -> memref<1x1x80x128xi32, #tpu.memory_space<hbm>>
      %dma_start3A_28 = tpu.memref_squeeze %dma_start3A_27 : memref<1x1x80x128xi32, #tpu.memory_space<hbm>> -> memref<80x128xi32, #tpu.memory_space<hbm>>
      tpu.enqueue_dma source(%dma_start3A_28 : memref<80x128xi32, #tpu.memory_space<hbm>>) target(%arg8 : memref<80x128xi32, #tpu.memory_space<vmem>>) target_semaphore(%run_scoped3A : memref<!tpu.dma_semaphore, #tpu.memory_space<semaphore_mem>>)
      %dma_wait3A = arith.constant 0 : i32
      %dma_wait3A_29 = arith.constant 0 : i32
      %dma_wait3A_30 = tpu.memref_slice %arg4[%arg0, %arg1, %dma_wait3A, %dma_wait3A_29] : memref<2x16x80x128xi32, #tpu.memory_space<hbm>> -> memref<1x1x80x128xi32, #tpu.memory_space<hbm>>
      %dma_wait3A_31 = tpu.memref_squeeze %dma_wait3A_30 : memref<1x1x80x128xi32, #tpu.memory_space<hbm>> -> memref<80x128xi32, #tpu.memory_space<hbm>>
      %dma_wait3A_32 = arith.constant 0 : i32
      %dma_wait3A_33 = arith.constant 0 : i32
      %dma_wait3A_34 = tpu.memref_slice %arg4[%arg0, %arg1, %dma_wait3A_32, %dma_wait3A_33] : memref<2x16x80x128xi32, #tpu.memory_space<hbm>> -> memref<1x1x80x128xi32, #tpu.memory_space<hbm>>
      %dma_wait3A_35 = tpu.memref_squeeze %dma_wait3A_34 : memref<1x1x80x128xi32, #tpu.memory_space<hbm>> -> memref<80x128xi32, #tpu.memory_space<hbm>>
      tpu.wait_dma2 semaphore(%run_scoped3A : memref<!tpu.dma_semaphore, #tpu.memory_space<semaphore_mem>>) src(%dma_wait3A_35 : memref<80x128xi32, #tpu.memory_space<hbm>>) dst(%arg8 : memref<80x128xi32, #tpu.memory_space<vmem>>)
      tpu.yield
    }) : () -> ()
    %mul3A = arith.constant 640 : i32
    %mul3A_0 = arith.muli %arg1, %mul3A : i32
    %mul3A_1 = arith.constant 640 : i32
    %mul3A_2 = arith.muli %arg1, %mul3A_1 : i32
    "tpu.region"() ({
      %run_scoped3A = tpu.sem_alloc : memref<!tpu.dma_semaphore, #tpu.memory_space<semaphore_mem>>
      %dma_start3A_21 = arith.constant 0 : i32
      %dma_start3A_22 = tpu.memref_slice %arg11[%mul3A_2, %dma_start3A_21] : memref<10240x64xf32, #tpu.memory_space<vmem_shared>> -> memref<640x64xf32, #tpu.memory_space<vmem_shared>>
      %dma_start3A_23 = arith.constant 0 : i32
      %dma_start3A_24 = tpu.memref_slice %arg5[%mul3A_0, %dma_start3A_23] : memref<10240x64xf32, #tpu.memory_space<hbm>> -> memref<640x64xf32, #tpu.memory_space<hbm>>
      tpu.enqueue_dma source(%dma_start3A_24 : memref<640x64xf32, #tpu.memory_space<hbm>>) target(%dma_start3A_22 : memref<640x64xf32, #tpu.memory_space<vmem_shared>>) target_semaphore(%run_scoped3A : memref<!tpu.dma_semaphore, #tpu.memory_space<semaphore_mem>>)
      %dma_wait3A = arith.constant 0 : i32
      %dma_wait3A_25 = tpu.memref_slice %arg11[%mul3A_2, %dma_wait3A] : memref<10240x64xf32, #tpu.memory_space<vmem_shared>> -> memref<640x64xf32, #tpu.memory_space<vmem_shared>>
      %dma_wait3A_26 = arith.constant 0 : i32
      %dma_wait3A_27 = tpu.memref_slice %arg5[%mul3A_0, %dma_wait3A_26] : memref<10240x64xf32, #tpu.memory_space<hbm>> -> memref<640x64xf32, #tpu.memory_space<hbm>>
      tpu.wait_dma2 semaphore(%run_scoped3A : memref<!tpu.dma_semaphore, #tpu.memory_space<semaphore_mem>>) src(%dma_wait3A_27 : memref<640x64xf32, #tpu.memory_space<hbm>>) dst(%dma_wait3A_25 : memref<640x64xf32, #tpu.memory_space<vmem_shared>>)
      tpu.yield
    }) : () -> ()
    %barrier3A = arith.constant 0 : index
    tpu.barrier barrier_id(%barrier3A)
    %dma_start3A = arith.constant 0 : i32
    %dma_start3A_3 = arith.constant 0 : i32
    %dma_start3A_4 = tpu.memref_slice %arg7[%dma_start3A, %dma_start3A_3] : memref<80x128xi32, #tpu.memory_space<vmem>> -> memref<1x128xi32, #tpu.memory_space<vmem>>
    %dma_start3A_5 = tpu.memref_squeeze %dma_start3A_4 : memref<1x128xi32, #tpu.memory_space<vmem>> -> memref<128xi32, #tpu.memory_space<vmem>>
    %dma_start3A_6 = arith.constant 0 : i32
    %dma_start3A_7 = arith.constant 0 : i32
    %dma_start3A_8 = tpu.memref_slice %arg2[%dma_start3A_6, %dma_start3A_7] : memref<10240x64xf32, #tpu.memory_space<hbm>> -> memref<10240x64xf32, #tpu.memory_space<hbm>>
    tpu.enqueue_indirect_dma source(%dma_start3A_8 : memref<10240x64xf32, #tpu.memory_space<hbm>>) target(%arg9 : memref<128x64xf32, #tpu.memory_space<vmem>>) offsets(%dma_start3A_5 : memref<128xi32, #tpu.memory_space<vmem>>) semaphore(%arg12 : memref<!tpu.dma_semaphore, #tpu.memory_space<semaphore_mem>>)
    %scan3A = arith.constant 0 : i32
    %scan3A_9 = arith.constant 0 : i32
    %scan3A_10 = arith.constant 40 : i32
    %scan3A_11 = arith.addi %scan3A_9, %scan3A_10 : i32
    %scan3A_12 = arith.constant 1 : i32
    scf.for %scan3A_21 = %scan3A_9 to %scan3A_11 step %scan3A_12  : i32 {
      %mul3A_22 = arith.constant 2 : i32
      %mul3A_23 = arith.muli %mul3A_22, %scan3A_21 : i32
      %add3A_24 = arith.constant 1 : i32
      %add3A_25 = arith.addi %mul3A_23, %add3A_24 : i32
      %dma_wait3A = arith.constant 0 : i32
      %dma_wait3A_26 = tpu.memref_slice %arg7[%mul3A_23, %dma_wait3A] : memref<80x128xi32, #tpu.memory_space<vmem>> -> memref<1x128xi32, #tpu.memory_space<vmem>>
      %dma_wait3A_27 = tpu.memref_squeeze %dma_wait3A_26 : memref<1x128xi32, #tpu.memory_space<vmem>> -> memref<128xi32, #tpu.memory_space<vmem>>
      %dma_wait3A_28 = arith.constant 0 : i32
      %dma_wait3A_29 = arith.constant 0 : i32
      %dma_wait3A_30 = tpu.memref_slice %arg2[%dma_wait3A_28, %dma_wait3A_29] : memref<10240x64xf32, #tpu.memory_space<hbm>> -> memref<10240x64xf32, #tpu.memory_space<hbm>>
      tpu.wait_indirect_dma semaphore(%arg12 : memref<!tpu.dma_semaphore, #tpu.memory_space<semaphore_mem>>) src(%dma_wait3A_30 : memref<10240x64xf32, #tpu.memory_space<hbm>>) dst(%arg9 : memref<128x64xf32, #tpu.memory_space<vmem>>)
      %dma_start3A_31 = arith.constant 0 : i32
      %dma_start3A_32 = tpu.memref_slice %arg7[%add3A_25, %dma_start3A_31] : memref<80x128xi32, #tpu.memory_space<vmem>> -> memref<1x128xi32, #tpu.memory_space<vmem>>
      %dma_start3A_33 = tpu.memref_squeeze %dma_start3A_32 : memref<1x128xi32, #tpu.memory_space<vmem>> -> memref<128xi32, #tpu.memory_space<vmem>>
      %dma_start3A_34 = arith.constant 0 : i32
      %dma_start3A_35 = arith.constant 0 : i32
      %dma_start3A_36 = tpu.memref_slice %arg2[%dma_start3A_34, %dma_start3A_35] : memref<10240x64xf32, #tpu.memory_space<hbm>> -> memref<10240x64xf32, #tpu.memory_space<hbm>>
      tpu.enqueue_indirect_dma source(%dma_start3A_36 : memref<10240x64xf32, #tpu.memory_space<hbm>>) target(%arg10 : memref<128x64xf32, #tpu.memory_space<vmem>>) offsets(%dma_start3A_33 : memref<128xi32, #tpu.memory_space<vmem>>) semaphore(%arg13 : memref<!tpu.dma_semaphore, #tpu.memory_space<semaphore_mem>>)
      "tpu.region"() ({
        %run_scoped3A = tpu.sem_alloc : memref<!tpu.dma_semaphore, #tpu.memory_space<semaphore_mem>>
        %dma_start3A_45 = arith.constant 0 : i32
        %dma_start3A_46 = tpu.memref_slice %arg8[%mul3A_23, %dma_start3A_45] : memref<80x128xi32, #tpu.memory_space<vmem>> -> memref<1x128xi32, #tpu.memory_space<vmem>>
        %dma_start3A_47 = tpu.memref_squeeze %dma_start3A_46 : memref<1x128xi32, #tpu.memory_space<vmem>> -> memref<128xi32, #tpu.memory_space<vmem>>
        %dma_start3A_48 = arith.constant 0 : i32
        %dma_start3A_49 = arith.constant 0 : i32
        %dma_start3A_50 = tpu.memref_slice %arg11[%dma_start3A_48, %dma_start3A_49] : memref<10240x64xf32, #tpu.memory_space<vmem_shared>> -> memref<10240x64xf32, #tpu.memory_space<vmem_shared>>
        tpu.enqueue_indirect_dma source(%arg9 : memref<128x64xf32, #tpu.memory_space<vmem>>) target(%dma_start3A_50 : memref<10240x64xf32, #tpu.memory_space<vmem_shared>>) offsets(%dma_start3A_47 : memref<128xi32, #tpu.memory_space<vmem>>) semaphore(%run_scoped3A : memref<!tpu.dma_semaphore, #tpu.memory_space<semaphore_mem>>) {add = true}
        %dma_wait3A_51 = arith.constant 0 : i32
        %dma_wait3A_52 = tpu.memref_slice %arg8[%mul3A_23, %dma_wait3A_51] : memref<80x128xi32, #tpu.memory_space<vmem>> -> memref<1x128xi32, #tpu.memory_space<vmem>>
        %dma_wait3A_53 = tpu.memref_squeeze %dma_wait3A_52 : memref<1x128xi32, #tpu.memory_space<vmem>> -> memref<128xi32, #tpu.memory_space<vmem>>
        %dma_wait3A_54 = arith.constant 0 : i32
        %dma_wait3A_55 = arith.constant 0 : i32
        %dma_wait3A_56 = tpu.memref_slice %arg11[%dma_wait3A_54, %dma_wait3A_55] : memref<10240x64xf32, #tpu.memory_space<vmem_shared>> -> memref<10240x64xf32, #tpu.memory_space<vmem_shared>>
        tpu.wait_indirect_dma semaphore(%run_scoped3A : memref<!tpu.dma_semaphore, #tpu.memory_space<semaphore_mem>>) src(%arg9 : memref<128x64xf32, #tpu.memory_space<vmem>>) dst(%dma_wait3A_56 : memref<10240x64xf32, #tpu.memory_space<vmem_shared>>)
        tpu.yield
      }) : () -> ()
      %dma_wait3A_37 = arith.constant 0 : i32
      %dma_wait3A_38 = tpu.memref_slice %arg7[%add3A_25, %dma_wait3A_37] : memref<80x128xi32, #tpu.memory_space<vmem>> -> memref<1x128xi32, #tpu.memory_space<vmem>>
      %dma_wait3A_39 = tpu.memref_squeeze %dma_wait3A_38 : memref<1x128xi32, #tpu.memory_space<vmem>> -> memref<128xi32, #tpu.memory_space<vmem>>
      %dma_wait3A_40 = arith.constant 0 : i32
      %dma_wait3A_41 = arith.constant 0 : i32
      %dma_wait3A_42 = tpu.memref_slice %arg2[%dma_wait3A_40, %dma_wait3A_41] : memref<10240x64xf32, #tpu.memory_space<hbm>> -> memref<10240x64xf32, #tpu.memory_space<hbm>>
      tpu.wait_indirect_dma semaphore(%arg13 : memref<!tpu.dma_semaphore, #tpu.memory_space<semaphore_mem>>) src(%dma_wait3A_42 : memref<10240x64xf32, #tpu.memory_space<hbm>>) dst(%arg10 : memref<128x64xf32, #tpu.memory_space<vmem>>)
      %lt3A = arith.constant 39 : i32
      %lt3A_43 = arith.cmpi slt, %scan3A_21, %lt3A : i32
      %convert_element_type3A = arith.extui %lt3A_43 : i1 to i32
      %cond3A = arith.constant 0 : i32
      %cond3A_44 = arith.cmpi ne, %convert_element_type3A, %cond3A : i32
      scf.if %cond3A_44 {
        %add3A_45 = arith.constant 1 : i32
        %add3A_46 = arith.addi %add3A_25, %add3A_45 : i32
        %dma_start3A_47 = arith.constant 0 : i32
        %dma_start3A_48 = tpu.memref_slice %arg7[%add3A_46, %dma_start3A_47] : memref<80x128xi32, #tpu.memory_space<vmem>> -> memref<1x128xi32, #tpu.memory_space<vmem>>
        %dma_start3A_49 = tpu.memref_squeeze %dma_start3A_48 : memref<1x128xi32, #tpu.memory_space<vmem>> -> memref<128xi32, #tpu.memory_space<vmem>>
        %dma_start3A_50 = arith.constant 0 : i32
        %dma_start3A_51 = arith.constant 0 : i32
        %dma_start3A_52 = tpu.memref_slice %arg2[%dma_start3A_50, %dma_start3A_51] : memref<10240x64xf32, #tpu.memory_space<hbm>> -> memref<10240x64xf32, #tpu.memory_space<hbm>>
        tpu.enqueue_indirect_dma source(%dma_start3A_52 : memref<10240x64xf32, #tpu.memory_space<hbm>>) target(%arg9 : memref<128x64xf32, #tpu.memory_space<vmem>>) offsets(%dma_start3A_49 : memref<128xi32, #tpu.memory_space<vmem>>) semaphore(%arg12 : memref<!tpu.dma_semaphore, #tpu.memory_space<semaphore_mem>>)
      } else {
      }
      "tpu.region"() ({
        %run_scoped3A = tpu.sem_alloc : memref<!tpu.dma_semaphore, #tpu.memory_space<semaphore_mem>>
        %dma_start3A_45 = arith.constant 0 : i32
        %dma_start3A_46 = tpu.memref_slice %arg8[%add3A_25, %dma_start3A_45] : memref<80x128xi32, #tpu.memory_space<vmem>> -> memref<1x128xi32, #tpu.memory_space<vmem>>
        %dma_start3A_47 = tpu.memref_squeeze %dma_start3A_46 : memref<1x128xi32, #tpu.memory_space<vmem>> -> memref<128xi32, #tpu.memory_space<vmem>>
        %dma_start3A_48 = arith.constant 0 : i32
        %dma_start3A_49 = arith.constant 0 : i32
        %dma_start3A_50 = tpu.memref_slice %arg11[%dma_start3A_48, %dma_start3A_49] : memref<10240x64xf32, #tpu.memory_space<vmem_shared>> -> memref<10240x64xf32, #tpu.memory_space<vmem_shared>>
        tpu.enqueue_indirect_dma source(%arg10 : memref<128x64xf32, #tpu.memory_space<vmem>>) target(%dma_start3A_50 : memref<10240x64xf32, #tpu.memory_space<vmem_shared>>) offsets(%dma_start3A_47 : memref<128xi32, #tpu.memory_space<vmem>>) semaphore(%run_scoped3A : memref<!tpu.dma_semaphore, #tpu.memory_space<semaphore_mem>>) {add = true}
        %dma_wait3A_51 = arith.constant 0 : i32
        %dma_wait3A_52 = tpu.memref_slice %arg8[%add3A_25, %dma_wait3A_51] : memref<80x128xi32, #tpu.memory_space<vmem>> -> memref<1x128xi32, #tpu.memory_space<vmem>>
        %dma_wait3A_53 = tpu.memref_squeeze %dma_wait3A_52 : memref<1x128xi32, #tpu.memory_space<vmem>> -> memref<128xi32, #tpu.memory_space<vmem>>
        %dma_wait3A_54 = arith.constant 0 : i32
        %dma_wait3A_55 = arith.constant 0 : i32
        %dma_wait3A_56 = tpu.memref_slice %arg11[%dma_wait3A_54, %dma_wait3A_55] : memref<10240x64xf32, #tpu.memory_space<vmem_shared>> -> memref<10240x64xf32, #tpu.memory_space<vmem_shared>>
        tpu.wait_indirect_dma semaphore(%run_scoped3A : memref<!tpu.dma_semaphore, #tpu.memory_space<semaphore_mem>>) src(%arg10 : memref<128x64xf32, #tpu.memory_space<vmem>>) dst(%dma_wait3A_56 : memref<10240x64xf32, #tpu.memory_space<vmem_shared>>)
        tpu.yield
      }) : () -> ()
    }
    %scan3A_13 = arith.constant 40 : i32
    %barrier3A_14 = arith.constant 0 : index
    tpu.barrier barrier_id(%barrier3A_14)
    %mul3A_15 = arith.constant 640 : i32
    %mul3A_16 = arith.muli %arg1, %mul3A_15 : i32
    %mul3A_17 = arith.constant 10240 : i32
    %mul3A_18 = arith.muli %arg0, %mul3A_17 : i32
    %mul3A_19 = arith.constant 640 : i32
    %mul3A_20 = arith.muli %arg1, %mul3A_19 : i32
    %add3A = arith.addi %mul3A_18, %mul3A_20 : i32
    "tpu.region"() ({
      %run_scoped3A = tpu.sem_alloc : memref<!tpu.dma_semaphore, #tpu.memory_space<semaphore_mem>>
      %dma_start3A_21 = arith.constant 0 : i32
      %dma_start3A_22 = tpu.memref_slice %arg6[%add3A, %dma_start3A_21] : memref<20480x64xf32, #tpu.memory_space<hbm>> -> memref<640x64xf32, #tpu.memory_space<hbm>>
      %dma_start3A_23 = arith.constant 0 : i32
      %dma_start3A_24 = tpu.memref_slice %arg11[%mul3A_16, %dma_start3A_23] : memref<10240x64xf32, #tpu.memory_space<vmem_shared>> -> memref<640x64xf32, #tpu.memory_space<vmem_shared>>
      tpu.enqueue_dma source(%dma_start3A_24 : memref<640x64xf32, #tpu.memory_space<vmem_shared>>) target(%dma_start3A_22 : memref<640x64xf32, #tpu.memory_space<hbm>>) target_semaphore(%run_scoped3A : memref<!tpu.dma_semaphore, #tpu.memory_space<semaphore_mem>>)
      %dma_wait3A = arith.constant 0 : i32
      %dma_wait3A_25 = tpu.memref_slice %arg6[%add3A, %dma_wait3A] : memref<20480x64xf32, #tpu.memory_space<hbm>> -> memref<640x64xf32, #tpu.memory_space<hbm>>
      %dma_wait3A_26 = arith.constant 0 : i32
      %dma_wait3A_27 = tpu.memref_slice %arg11[%mul3A_16, %dma_wait3A_26] : memref<10240x64xf32, #tpu.memory_space<vmem_shared>> -> memref<640x64xf32, #tpu.memory_space<vmem_shared>>
      tpu.wait_dma2 semaphore(%run_scoped3A : memref<!tpu.dma_semaphore, #tpu.memory_space<semaphore_mem>>) src(%dma_wait3A_27 : memref<640x64xf32, #tpu.memory_space<vmem_shared>>) dst(%dma_wait3A_25 : memref<640x64xf32, #tpu.memory_space<hbm>>)
      tpu.yield
    }) : () -> ()
    return
  }
}

#map = affine_map<(d0, d1) -> (0, 0)>
#map1 = affine_map<(d0, d1) -> (0, 0, 0, 0)>
module attributes {stable_mosaic.version = 14 : i64} {
  func.func @segsum(%arg0: i32, %arg1: i32, %arg2: memref<20480x64xf32, #tpu.memory_space<hbm>>, %arg3: memref<2x16x160x128xi32, #tpu.memory_space<hbm>>, %arg4: memref<2x16x160x128xi32, #tpu.memory_space<hbm>>, %arg5: memref<10240x64xf32, #tpu.memory_space<hbm>>, %arg6: memref<20480x64xf32, #tpu.memory_space<hbm>>, %arg7: memref<160x128xi32, #tpu.memory_space<vmem>>, %arg8: memref<160x128xi32, #tpu.memory_space<vmem>>, %arg9: memref<128x64xf32, #tpu.memory_space<vmem>>, %arg10: memref<128x64xf32, #tpu.memory_space<vmem>>, %arg11: memref<10240x64xf32, #tpu.memory_space<vmem_shared>>, %arg12: memref<!tpu.dma_semaphore, #tpu.memory_space<semaphore_mem>>, %arg13: memref<!tpu.dma_semaphore, #tpu.memory_space<semaphore_mem>>) attributes {dimension_semantics = [#tpu.dimension_semantics<core_parallel>, #tpu.dimension_semantics<subcore_parallel>], iteration_bounds = array<i64: 2, 16>, scalar_prefetch = 0 : i64, scratch_operands = 7 : i64, tpu.core_type = #tpu.core_type<sc_vector_subcore>, window_params = [{transform_indices = #map}, {transform_indices = #map1}, {transform_indices = #map1}, {transform_indices = #map}, {transform_indices = #map}]} {
    "tpu.region"() ({
      %run_scoped3A = tpu.sem_alloc : memref<!tpu.dma_semaphore, #tpu.memory_space<semaphore_mem>>
      %dma_start3A_21 = arith.constant 0 : i32
      %dma_start3A_22 = arith.constant 0 : i32
      %dma_start3A_23 = tpu.memref_slice %arg3[%arg0, %arg1, %dma_start3A_21, %dma_start3A_22] : memref<2x16x160x128xi32, #tpu.memory_space<hbm>> -> memref<1x1x160x128xi32, #tpu.memory_space<hbm>>
      %dma_start3A_24 = tpu.memref_squeeze %dma_start3A_23 : memref<1x1x160x128xi32, #tpu.memory_space<hbm>> -> memref<160x128xi32, #tpu.memory_space<hbm>>
      %dma_start3A_25 = arith.constant 0 : i32
      %dma_start3A_26 = arith.constant 0 : i32
      %dma_start3A_27 = tpu.memref_slice %arg3[%arg0, %arg1, %dma_start3A_25, %dma_start3A_26] : memref<2x16x160x128xi32, #tpu.memory_space<hbm>> -> memref<1x1x160x128xi32, #tpu.memory_space<hbm>>
      %dma_start3A_28 = tpu.memref_squeeze %dma_start3A_27 : memref<1x1x160x128xi32, #tpu.memory_space<hbm>> -> memref<160x128xi32, #tpu.memory_space<hbm>>
      tpu.enqueue_dma source(%dma_start3A_28 : memref<160x128xi32, #tpu.memory_space<hbm>>) target(%arg7 : memref<160x128xi32, #tpu.memory_space<vmem>>) target_semaphore(%run_scoped3A : memref<!tpu.dma_semaphore, #tpu.memory_space<semaphore_mem>>)
      %dma_wait3A = arith.constant 0 : i32
      %dma_wait3A_29 = arith.constant 0 : i32
      %dma_wait3A_30 = tpu.memref_slice %arg3[%arg0, %arg1, %dma_wait3A, %dma_wait3A_29] : memref<2x16x160x128xi32, #tpu.memory_space<hbm>> -> memref<1x1x160x128xi32, #tpu.memory_space<hbm>>
      %dma_wait3A_31 = tpu.memref_squeeze %dma_wait3A_30 : memref<1x1x160x128xi32, #tpu.memory_space<hbm>> -> memref<160x128xi32, #tpu.memory_space<hbm>>
      %dma_wait3A_32 = arith.constant 0 : i32
      %dma_wait3A_33 = arith.constant 0 : i32
      %dma_wait3A_34 = tpu.memref_slice %arg3[%arg0, %arg1, %dma_wait3A_32, %dma_wait3A_33] : memref<2x16x160x128xi32, #tpu.memory_space<hbm>> -> memref<1x1x160x128xi32, #tpu.memory_space<hbm>>
      %dma_wait3A_35 = tpu.memref_squeeze %dma_wait3A_34 : memref<1x1x160x128xi32, #tpu.memory_space<hbm>> -> memref<160x128xi32, #tpu.memory_space<hbm>>
      tpu.wait_dma2 semaphore(%run_scoped3A : memref<!tpu.dma_semaphore, #tpu.memory_space<semaphore_mem>>) src(%dma_wait3A_35 : memref<160x128xi32, #tpu.memory_space<hbm>>) dst(%arg7 : memref<160x128xi32, #tpu.memory_space<vmem>>)
      tpu.yield
    }) : () -> ()
    "tpu.region"() ({
      %run_scoped3A = tpu.sem_alloc : memref<!tpu.dma_semaphore, #tpu.memory_space<semaphore_mem>>
      %dma_start3A_21 = arith.constant 0 : i32
      %dma_start3A_22 = arith.constant 0 : i32
      %dma_start3A_23 = tpu.memref_slice %arg4[%arg0, %arg1, %dma_start3A_21, %dma_start3A_22] : memref<2x16x160x128xi32, #tpu.memory_space<hbm>> -> memref<1x1x160x128xi32, #tpu.memory_space<hbm>>
      %dma_start3A_24 = tpu.memref_squeeze %dma_start3A_23 : memref<1x1x160x128xi32, #tpu.memory_space<hbm>> -> memref<160x128xi32, #tpu.memory_space<hbm>>
      %dma_start3A_25 = arith.constant 0 : i32
      %dma_start3A_26 = arith.constant 0 : i32
      %dma_start3A_27 = tpu.memref_slice %arg4[%arg0, %arg1, %dma_start3A_25, %dma_start3A_26] : memref<2x16x160x128xi32, #tpu.memory_space<hbm>> -> memref<1x1x160x128xi32, #tpu.memory_space<hbm>>
      %dma_start3A_28 = tpu.memref_squeeze %dma_start3A_27 : memref<1x1x160x128xi32, #tpu.memory_space<hbm>> -> memref<160x128xi32, #tpu.memory_space<hbm>>
      tpu.enqueue_dma source(%dma_start3A_28 : memref<160x128xi32, #tpu.memory_space<hbm>>) target(%arg8 : memref<160x128xi32, #tpu.memory_space<vmem>>) target_semaphore(%run_scoped3A : memref<!tpu.dma_semaphore, #tpu.memory_space<semaphore_mem>>)
      %dma_wait3A = arith.constant 0 : i32
      %dma_wait3A_29 = arith.constant 0 : i32
      %dma_wait3A_30 = tpu.memref_slice %arg4[%arg0, %arg1, %dma_wait3A, %dma_wait3A_29] : memref<2x16x160x128xi32, #tpu.memory_space<hbm>> -> memref<1x1x160x128xi32, #tpu.memory_space<hbm>>
      %dma_wait3A_31 = tpu.memref_squeeze %dma_wait3A_30 : memref<1x1x160x128xi32, #tpu.memory_space<hbm>> -> memref<160x128xi32, #tpu.memory_space<hbm>>
      %dma_wait3A_32 = arith.constant 0 : i32
      %dma_wait3A_33 = arith.constant 0 : i32
      %dma_wait3A_34 = tpu.memref_slice %arg4[%arg0, %arg1, %dma_wait3A_32, %dma_wait3A_33] : memref<2x16x160x128xi32, #tpu.memory_space<hbm>> -> memref<1x1x160x128xi32, #tpu.memory_space<hbm>>
      %dma_wait3A_35 = tpu.memref_squeeze %dma_wait3A_34 : memref<1x1x160x128xi32, #tpu.memory_space<hbm>> -> memref<160x128xi32, #tpu.memory_space<hbm>>
      tpu.wait_dma2 semaphore(%run_scoped3A : memref<!tpu.dma_semaphore, #tpu.memory_space<semaphore_mem>>) src(%dma_wait3A_35 : memref<160x128xi32, #tpu.memory_space<hbm>>) dst(%arg8 : memref<160x128xi32, #tpu.memory_space<vmem>>)
      tpu.yield
    }) : () -> ()
    %mul3A = arith.constant 640 : i32
    %mul3A_0 = arith.muli %arg1, %mul3A : i32
    %mul3A_1 = arith.constant 640 : i32
    %mul3A_2 = arith.muli %arg1, %mul3A_1 : i32
    "tpu.region"() ({
      %run_scoped3A = tpu.sem_alloc : memref<!tpu.dma_semaphore, #tpu.memory_space<semaphore_mem>>
      %dma_start3A_21 = arith.constant 0 : i32
      %dma_start3A_22 = tpu.memref_slice %arg11[%mul3A_2, %dma_start3A_21] : memref<10240x64xf32, #tpu.memory_space<vmem_shared>> -> memref<640x64xf32, #tpu.memory_space<vmem_shared>>
      %dma_start3A_23 = arith.constant 0 : i32
      %dma_start3A_24 = tpu.memref_slice %arg5[%mul3A_0, %dma_start3A_23] : memref<10240x64xf32, #tpu.memory_space<hbm>> -> memref<640x64xf32, #tpu.memory_space<hbm>>
      tpu.enqueue_dma source(%dma_start3A_24 : memref<640x64xf32, #tpu.memory_space<hbm>>) target(%dma_start3A_22 : memref<640x64xf32, #tpu.memory_space<vmem_shared>>) target_semaphore(%run_scoped3A : memref<!tpu.dma_semaphore, #tpu.memory_space<semaphore_mem>>)
      %dma_wait3A = arith.constant 0 : i32
      %dma_wait3A_25 = tpu.memref_slice %arg11[%mul3A_2, %dma_wait3A] : memref<10240x64xf32, #tpu.memory_space<vmem_shared>> -> memref<640x64xf32, #tpu.memory_space<vmem_shared>>
      %dma_wait3A_26 = arith.constant 0 : i32
      %dma_wait3A_27 = tpu.memref_slice %arg5[%mul3A_0, %dma_wait3A_26] : memref<10240x64xf32, #tpu.memory_space<hbm>> -> memref<640x64xf32, #tpu.memory_space<hbm>>
      tpu.wait_dma2 semaphore(%run_scoped3A : memref<!tpu.dma_semaphore, #tpu.memory_space<semaphore_mem>>) src(%dma_wait3A_27 : memref<640x64xf32, #tpu.memory_space<hbm>>) dst(%dma_wait3A_25 : memref<640x64xf32, #tpu.memory_space<vmem_shared>>)
      tpu.yield
    }) : () -> ()
    %barrier3A = arith.constant 0 : index
    tpu.barrier barrier_id(%barrier3A)
    %dma_start3A = arith.constant 0 : i32
    %dma_start3A_3 = arith.constant 0 : i32
    %dma_start3A_4 = tpu.memref_slice %arg7[%dma_start3A, %dma_start3A_3] : memref<160x128xi32, #tpu.memory_space<vmem>> -> memref<1x128xi32, #tpu.memory_space<vmem>>
    %dma_start3A_5 = tpu.memref_squeeze %dma_start3A_4 : memref<1x128xi32, #tpu.memory_space<vmem>> -> memref<128xi32, #tpu.memory_space<vmem>>
    %dma_start3A_6 = arith.constant 0 : i32
    %dma_start3A_7 = arith.constant 0 : i32
    %dma_start3A_8 = tpu.memref_slice %arg2[%dma_start3A_6, %dma_start3A_7] : memref<20480x64xf32, #tpu.memory_space<hbm>> -> memref<20480x64xf32, #tpu.memory_space<hbm>>
    tpu.enqueue_indirect_dma source(%dma_start3A_8 : memref<20480x64xf32, #tpu.memory_space<hbm>>) target(%arg9 : memref<128x64xf32, #tpu.memory_space<vmem>>) offsets(%dma_start3A_5 : memref<128xi32, #tpu.memory_space<vmem>>) semaphore(%arg12 : memref<!tpu.dma_semaphore, #tpu.memory_space<semaphore_mem>>)
    %scan3A = arith.constant 0 : i32
    %scan3A_9 = arith.constant 0 : i32
    %scan3A_10 = arith.constant 80 : i32
    %scan3A_11 = arith.addi %scan3A_9, %scan3A_10 : i32
    %scan3A_12 = arith.constant 1 : i32
    scf.for %scan3A_21 = %scan3A_9 to %scan3A_11 step %scan3A_12  : i32 {
      %mul3A_22 = arith.constant 2 : i32
      %mul3A_23 = arith.muli %mul3A_22, %scan3A_21 : i32
      %add3A_24 = arith.constant 1 : i32
      %add3A_25 = arith.addi %mul3A_23, %add3A_24 : i32
      %dma_wait3A = arith.constant 0 : i32
      %dma_wait3A_26 = tpu.memref_slice %arg7[%mul3A_23, %dma_wait3A] : memref<160x128xi32, #tpu.memory_space<vmem>> -> memref<1x128xi32, #tpu.memory_space<vmem>>
      %dma_wait3A_27 = tpu.memref_squeeze %dma_wait3A_26 : memref<1x128xi32, #tpu.memory_space<vmem>> -> memref<128xi32, #tpu.memory_space<vmem>>
      %dma_wait3A_28 = arith.constant 0 : i32
      %dma_wait3A_29 = arith.constant 0 : i32
      %dma_wait3A_30 = tpu.memref_slice %arg2[%dma_wait3A_28, %dma_wait3A_29] : memref<20480x64xf32, #tpu.memory_space<hbm>> -> memref<20480x64xf32, #tpu.memory_space<hbm>>
      tpu.wait_indirect_dma semaphore(%arg12 : memref<!tpu.dma_semaphore, #tpu.memory_space<semaphore_mem>>) src(%dma_wait3A_30 : memref<20480x64xf32, #tpu.memory_space<hbm>>) dst(%arg9 : memref<128x64xf32, #tpu.memory_space<vmem>>)
      %dma_start3A_31 = arith.constant 0 : i32
      %dma_start3A_32 = tpu.memref_slice %arg7[%add3A_25, %dma_start3A_31] : memref<160x128xi32, #tpu.memory_space<vmem>> -> memref<1x128xi32, #tpu.memory_space<vmem>>
      %dma_start3A_33 = tpu.memref_squeeze %dma_start3A_32 : memref<1x128xi32, #tpu.memory_space<vmem>> -> memref<128xi32, #tpu.memory_space<vmem>>
      %dma_start3A_34 = arith.constant 0 : i32
      %dma_start3A_35 = arith.constant 0 : i32
      %dma_start3A_36 = tpu.memref_slice %arg2[%dma_start3A_34, %dma_start3A_35] : memref<20480x64xf32, #tpu.memory_space<hbm>> -> memref<20480x64xf32, #tpu.memory_space<hbm>>
      tpu.enqueue_indirect_dma source(%dma_start3A_36 : memref<20480x64xf32, #tpu.memory_space<hbm>>) target(%arg10 : memref<128x64xf32, #tpu.memory_space<vmem>>) offsets(%dma_start3A_33 : memref<128xi32, #tpu.memory_space<vmem>>) semaphore(%arg13 : memref<!tpu.dma_semaphore, #tpu.memory_space<semaphore_mem>>)
      "tpu.region"() ({
        %run_scoped3A = tpu.sem_alloc : memref<!tpu.dma_semaphore, #tpu.memory_space<semaphore_mem>>
        %dma_start3A_45 = arith.constant 0 : i32
        %dma_start3A_46 = tpu.memref_slice %arg8[%mul3A_23, %dma_start3A_45] : memref<160x128xi32, #tpu.memory_space<vmem>> -> memref<1x128xi32, #tpu.memory_space<vmem>>
        %dma_start3A_47 = tpu.memref_squeeze %dma_start3A_46 : memref<1x128xi32, #tpu.memory_space<vmem>> -> memref<128xi32, #tpu.memory_space<vmem>>
        %dma_start3A_48 = arith.constant 0 : i32
        %dma_start3A_49 = arith.constant 0 : i32
        %dma_start3A_50 = tpu.memref_slice %arg11[%dma_start3A_48, %dma_start3A_49] : memref<10240x64xf32, #tpu.memory_space<vmem_shared>> -> memref<10240x64xf32, #tpu.memory_space<vmem_shared>>
        tpu.enqueue_indirect_dma source(%arg9 : memref<128x64xf32, #tpu.memory_space<vmem>>) target(%dma_start3A_50 : memref<10240x64xf32, #tpu.memory_space<vmem_shared>>) offsets(%dma_start3A_47 : memref<128xi32, #tpu.memory_space<vmem>>) semaphore(%run_scoped3A : memref<!tpu.dma_semaphore, #tpu.memory_space<semaphore_mem>>) {add = true}
        %dma_wait3A_51 = arith.constant 0 : i32
        %dma_wait3A_52 = tpu.memref_slice %arg8[%mul3A_23, %dma_wait3A_51] : memref<160x128xi32, #tpu.memory_space<vmem>> -> memref<1x128xi32, #tpu.memory_space<vmem>>
        %dma_wait3A_53 = tpu.memref_squeeze %dma_wait3A_52 : memref<1x128xi32, #tpu.memory_space<vmem>> -> memref<128xi32, #tpu.memory_space<vmem>>
        %dma_wait3A_54 = arith.constant 0 : i32
        %dma_wait3A_55 = arith.constant 0 : i32
        %dma_wait3A_56 = tpu.memref_slice %arg11[%dma_wait3A_54, %dma_wait3A_55] : memref<10240x64xf32, #tpu.memory_space<vmem_shared>> -> memref<10240x64xf32, #tpu.memory_space<vmem_shared>>
        tpu.wait_indirect_dma semaphore(%run_scoped3A : memref<!tpu.dma_semaphore, #tpu.memory_space<semaphore_mem>>) src(%arg9 : memref<128x64xf32, #tpu.memory_space<vmem>>) dst(%dma_wait3A_56 : memref<10240x64xf32, #tpu.memory_space<vmem_shared>>)
        tpu.yield
      }) : () -> ()
      %dma_wait3A_37 = arith.constant 0 : i32
      %dma_wait3A_38 = tpu.memref_slice %arg7[%add3A_25, %dma_wait3A_37] : memref<160x128xi32, #tpu.memory_space<vmem>> -> memref<1x128xi32, #tpu.memory_space<vmem>>
      %dma_wait3A_39 = tpu.memref_squeeze %dma_wait3A_38 : memref<1x128xi32, #tpu.memory_space<vmem>> -> memref<128xi32, #tpu.memory_space<vmem>>
      %dma_wait3A_40 = arith.constant 0 : i32
      %dma_wait3A_41 = arith.constant 0 : i32
      %dma_wait3A_42 = tpu.memref_slice %arg2[%dma_wait3A_40, %dma_wait3A_41] : memref<20480x64xf32, #tpu.memory_space<hbm>> -> memref<20480x64xf32, #tpu.memory_space<hbm>>
      tpu.wait_indirect_dma semaphore(%arg13 : memref<!tpu.dma_semaphore, #tpu.memory_space<semaphore_mem>>) src(%dma_wait3A_42 : memref<20480x64xf32, #tpu.memory_space<hbm>>) dst(%arg10 : memref<128x64xf32, #tpu.memory_space<vmem>>)
      %lt3A = arith.constant 79 : i32
      %lt3A_43 = arith.cmpi slt, %scan3A_21, %lt3A : i32
      %convert_element_type3A = arith.extui %lt3A_43 : i1 to i32
      %cond3A = arith.constant 0 : i32
      %cond3A_44 = arith.cmpi ne, %convert_element_type3A, %cond3A : i32
      scf.if %cond3A_44 {
        %add3A_45 = arith.constant 1 : i32
        %add3A_46 = arith.addi %add3A_25, %add3A_45 : i32
        %dma_start3A_47 = arith.constant 0 : i32
        %dma_start3A_48 = tpu.memref_slice %arg7[%add3A_46, %dma_start3A_47] : memref<160x128xi32, #tpu.memory_space<vmem>> -> memref<1x128xi32, #tpu.memory_space<vmem>>
        %dma_start3A_49 = tpu.memref_squeeze %dma_start3A_48 : memref<1x128xi32, #tpu.memory_space<vmem>> -> memref<128xi32, #tpu.memory_space<vmem>>
        %dma_start3A_50 = arith.constant 0 : i32
        %dma_start3A_51 = arith.constant 0 : i32
        %dma_start3A_52 = tpu.memref_slice %arg2[%dma_start3A_50, %dma_start3A_51] : memref<20480x64xf32, #tpu.memory_space<hbm>> -> memref<20480x64xf32, #tpu.memory_space<hbm>>
        tpu.enqueue_indirect_dma source(%dma_start3A_52 : memref<20480x64xf32, #tpu.memory_space<hbm>>) target(%arg9 : memref<128x64xf32, #tpu.memory_space<vmem>>) offsets(%dma_start3A_49 : memref<128xi32, #tpu.memory_space<vmem>>) semaphore(%arg12 : memref<!tpu.dma_semaphore, #tpu.memory_space<semaphore_mem>>)
      } else {
      }
      "tpu.region"() ({
        %run_scoped3A = tpu.sem_alloc : memref<!tpu.dma_semaphore, #tpu.memory_space<semaphore_mem>>
        %dma_start3A_45 = arith.constant 0 : i32
        %dma_start3A_46 = tpu.memref_slice %arg8[%add3A_25, %dma_start3A_45] : memref<160x128xi32, #tpu.memory_space<vmem>> -> memref<1x128xi32, #tpu.memory_space<vmem>>
        %dma_start3A_47 = tpu.memref_squeeze %dma_start3A_46 : memref<1x128xi32, #tpu.memory_space<vmem>> -> memref<128xi32, #tpu.memory_space<vmem>>
        %dma_start3A_48 = arith.constant 0 : i32
        %dma_start3A_49 = arith.constant 0 : i32
        %dma_start3A_50 = tpu.memref_slice %arg11[%dma_start3A_48, %dma_start3A_49] : memref<10240x64xf32, #tpu.memory_space<vmem_shared>> -> memref<10240x64xf32, #tpu.memory_space<vmem_shared>>
        tpu.enqueue_indirect_dma source(%arg10 : memref<128x64xf32, #tpu.memory_space<vmem>>) target(%dma_start3A_50 : memref<10240x64xf32, #tpu.memory_space<vmem_shared>>) offsets(%dma_start3A_47 : memref<128xi32, #tpu.memory_space<vmem>>) semaphore(%run_scoped3A : memref<!tpu.dma_semaphore, #tpu.memory_space<semaphore_mem>>) {add = true}
        %dma_wait3A_51 = arith.constant 0 : i32
        %dma_wait3A_52 = tpu.memref_slice %arg8[%add3A_25, %dma_wait3A_51] : memref<160x128xi32, #tpu.memory_space<vmem>> -> memref<1x128xi32, #tpu.memory_space<vmem>>
        %dma_wait3A_53 = tpu.memref_squeeze %dma_wait3A_52 : memref<1x128xi32, #tpu.memory_space<vmem>> -> memref<128xi32, #tpu.memory_space<vmem>>
        %dma_wait3A_54 = arith.constant 0 : i32
        %dma_wait3A_55 = arith.constant 0 : i32
        %dma_wait3A_56 = tpu.memref_slice %arg11[%dma_wait3A_54, %dma_wait3A_55] : memref<10240x64xf32, #tpu.memory_space<vmem_shared>> -> memref<10240x64xf32, #tpu.memory_space<vmem_shared>>
        tpu.wait_indirect_dma semaphore(%run_scoped3A : memref<!tpu.dma_semaphore, #tpu.memory_space<semaphore_mem>>) src(%arg10 : memref<128x64xf32, #tpu.memory_space<vmem>>) dst(%dma_wait3A_56 : memref<10240x64xf32, #tpu.memory_space<vmem_shared>>)
        tpu.yield
      }) : () -> ()
    }
    %scan3A_13 = arith.constant 80 : i32
    %barrier3A_14 = arith.constant 0 : index
    tpu.barrier barrier_id(%barrier3A_14)
    %mul3A_15 = arith.constant 640 : i32
    %mul3A_16 = arith.muli %arg1, %mul3A_15 : i32
    %mul3A_17 = arith.constant 10240 : i32
    %mul3A_18 = arith.muli %arg0, %mul3A_17 : i32
    %mul3A_19 = arith.constant 640 : i32
    %mul3A_20 = arith.muli %arg1, %mul3A_19 : i32
    %add3A = arith.addi %mul3A_18, %mul3A_20 : i32
    "tpu.region"() ({
      %run_scoped3A = tpu.sem_alloc : memref<!tpu.dma_semaphore, #tpu.memory_space<semaphore_mem>>
      %dma_start3A_21 = arith.constant 0 : i32
      %dma_start3A_22 = tpu.memref_slice %arg6[%add3A, %dma_start3A_21] : memref<20480x64xf32, #tpu.memory_space<hbm>> -> memref<640x64xf32, #tpu.memory_space<hbm>>
      %dma_start3A_23 = arith.constant 0 : i32
      %dma_start3A_24 = tpu.memref_slice %arg11[%mul3A_16, %dma_start3A_23] : memref<10240x64xf32, #tpu.memory_space<vmem_shared>> -> memref<640x64xf32, #tpu.memory_space<vmem_shared>>
      tpu.enqueue_dma source(%dma_start3A_24 : memref<640x64xf32, #tpu.memory_space<vmem_shared>>) target(%dma_start3A_22 : memref<640x64xf32, #tpu.memory_space<hbm>>) target_semaphore(%run_scoped3A : memref<!tpu.dma_semaphore, #tpu.memory_space<semaphore_mem>>)
      %dma_wait3A = arith.constant 0 : i32
      %dma_wait3A_25 = tpu.memref_slice %arg6[%add3A, %dma_wait3A] : memref<20480x64xf32, #tpu.memory_space<hbm>> -> memref<640x64xf32, #tpu.memory_space<hbm>>
      %dma_wait3A_26 = arith.constant 0 : i32
      %dma_wait3A_27 = tpu.memref_slice %arg11[%mul3A_16, %dma_wait3A_26] : memref<10240x64xf32, #tpu.memory_space<vmem_shared>> -> memref<640x64xf32, #tpu.memory_space<vmem_shared>>
      tpu.wait_dma2 semaphore(%run_scoped3A : memref<!tpu.dma_semaphore, #tpu.memory_space<semaphore_mem>>) src(%dma_wait3A_27 : memref<640x64xf32, #tpu.memory_space<vmem_shared>>) dst(%dma_wait3A_25 : memref<640x64xf32, #tpu.memory_space<hbm>>)
      tpu.yield
    }) : () -> ()
    return
  }
}

#map = affine_map<(d0, d1) -> (0, 0)>
#map1 = affine_map<(d0, d1) -> (0, 0, 0, 0)>
module attributes {stable_mosaic.version = 14 : i64} {
  func.func @segsum(%arg0: i32, %arg1: i32, %arg2: memref<20480x64xf32, #tpu.memory_space<hbm>>, %arg3: memref<2x16x160x128xi32, #tpu.memory_space<hbm>>, %arg4: memref<2x16x160x128xi32, #tpu.memory_space<hbm>>, %arg5: memref<10240x64xf32, #tpu.memory_space<hbm>>, %arg6: memref<20480x64xf32, #tpu.memory_space<hbm>>, %arg7: memref<160x128xi32, #tpu.memory_space<vmem>>, %arg8: memref<160x128xi32, #tpu.memory_space<vmem>>, %arg9: memref<128x64xf32, #tpu.memory_space<vmem>>, %arg10: memref<128x64xf32, #tpu.memory_space<vmem>>, %arg11: memref<10240x64xf32, #tpu.memory_space<vmem_shared>>, %arg12: memref<!tpu.dma_semaphore, #tpu.memory_space<semaphore_mem>>, %arg13: memref<!tpu.dma_semaphore, #tpu.memory_space<semaphore_mem>>) attributes {dimension_semantics = [#tpu.dimension_semantics<core_parallel>, #tpu.dimension_semantics<subcore_parallel>], iteration_bounds = array<i64: 2, 16>, scalar_prefetch = 0 : i64, scratch_operands = 7 : i64, tpu.core_type = #tpu.core_type<sc_vector_subcore>, window_params = [{transform_indices = #map}, {transform_indices = #map1}, {transform_indices = #map1}, {transform_indices = #map}, {transform_indices = #map}]} {
    "tpu.region"() ({
      %run_scoped3A = tpu.sem_alloc : memref<!tpu.dma_semaphore, #tpu.memory_space<semaphore_mem>>
      %dma_start3A_21 = arith.constant 0 : i32
      %dma_start3A_22 = arith.constant 0 : i32
      %dma_start3A_23 = tpu.memref_slice %arg3[%arg0, %arg1, %dma_start3A_21, %dma_start3A_22] : memref<2x16x160x128xi32, #tpu.memory_space<hbm>> -> memref<1x1x160x128xi32, #tpu.memory_space<hbm>>
      %dma_start3A_24 = tpu.memref_squeeze %dma_start3A_23 : memref<1x1x160x128xi32, #tpu.memory_space<hbm>> -> memref<160x128xi32, #tpu.memory_space<hbm>>
      %dma_start3A_25 = arith.constant 0 : i32
      %dma_start3A_26 = arith.constant 0 : i32
      %dma_start3A_27 = tpu.memref_slice %arg3[%arg0, %arg1, %dma_start3A_25, %dma_start3A_26] : memref<2x16x160x128xi32, #tpu.memory_space<hbm>> -> memref<1x1x160x128xi32, #tpu.memory_space<hbm>>
      %dma_start3A_28 = tpu.memref_squeeze %dma_start3A_27 : memref<1x1x160x128xi32, #tpu.memory_space<hbm>> -> memref<160x128xi32, #tpu.memory_space<hbm>>
      tpu.enqueue_dma source(%dma_start3A_28 : memref<160x128xi32, #tpu.memory_space<hbm>>) target(%arg7 : memref<160x128xi32, #tpu.memory_space<vmem>>) target_semaphore(%run_scoped3A : memref<!tpu.dma_semaphore, #tpu.memory_space<semaphore_mem>>)
      %dma_wait3A = arith.constant 0 : i32
      %dma_wait3A_29 = arith.constant 0 : i32
      %dma_wait3A_30 = tpu.memref_slice %arg3[%arg0, %arg1, %dma_wait3A, %dma_wait3A_29] : memref<2x16x160x128xi32, #tpu.memory_space<hbm>> -> memref<1x1x160x128xi32, #tpu.memory_space<hbm>>
      %dma_wait3A_31 = tpu.memref_squeeze %dma_wait3A_30 : memref<1x1x160x128xi32, #tpu.memory_space<hbm>> -> memref<160x128xi32, #tpu.memory_space<hbm>>
      %dma_wait3A_32 = arith.constant 0 : i32
      %dma_wait3A_33 = arith.constant 0 : i32
      %dma_wait3A_34 = tpu.memref_slice %arg3[%arg0, %arg1, %dma_wait3A_32, %dma_wait3A_33] : memref<2x16x160x128xi32, #tpu.memory_space<hbm>> -> memref<1x1x160x128xi32, #tpu.memory_space<hbm>>
      %dma_wait3A_35 = tpu.memref_squeeze %dma_wait3A_34 : memref<1x1x160x128xi32, #tpu.memory_space<hbm>> -> memref<160x128xi32, #tpu.memory_space<hbm>>
      tpu.wait_dma2 semaphore(%run_scoped3A : memref<!tpu.dma_semaphore, #tpu.memory_space<semaphore_mem>>) src(%dma_wait3A_35 : memref<160x128xi32, #tpu.memory_space<hbm>>) dst(%arg7 : memref<160x128xi32, #tpu.memory_space<vmem>>)
      tpu.yield
    }) : () -> ()
    "tpu.region"() ({
      %run_scoped3A = tpu.sem_alloc : memref<!tpu.dma_semaphore, #tpu.memory_space<semaphore_mem>>
      %dma_start3A_21 = arith.constant 0 : i32
      %dma_start3A_22 = arith.constant 0 : i32
      %dma_start3A_23 = tpu.memref_slice %arg4[%arg0, %arg1, %dma_start3A_21, %dma_start3A_22] : memref<2x16x160x128xi32, #tpu.memory_space<hbm>> -> memref<1x1x160x128xi32, #tpu.memory_space<hbm>>
      %dma_start3A_24 = tpu.memref_squeeze %dma_start3A_23 : memref<1x1x160x128xi32, #tpu.memory_space<hbm>> -> memref<160x128xi32, #tpu.memory_space<hbm>>
      %dma_start3A_25 = arith.constant 0 : i32
      %dma_start3A_26 = arith.constant 0 : i32
      %dma_start3A_27 = tpu.memref_slice %arg4[%arg0, %arg1, %dma_start3A_25, %dma_start3A_26] : memref<2x16x160x128xi32, #tpu.memory_space<hbm>> -> memref<1x1x160x128xi32, #tpu.memory_space<hbm>>
      %dma_start3A_28 = tpu.memref_squeeze %dma_start3A_27 : memref<1x1x160x128xi32, #tpu.memory_space<hbm>> -> memref<160x128xi32, #tpu.memory_space<hbm>>
      tpu.enqueue_dma source(%dma_start3A_28 : memref<160x128xi32, #tpu.memory_space<hbm>>) target(%arg8 : memref<160x128xi32, #tpu.memory_space<vmem>>) target_semaphore(%run_scoped3A : memref<!tpu.dma_semaphore, #tpu.memory_space<semaphore_mem>>)
      %dma_wait3A = arith.constant 0 : i32
      %dma_wait3A_29 = arith.constant 0 : i32
      %dma_wait3A_30 = tpu.memref_slice %arg4[%arg0, %arg1, %dma_wait3A, %dma_wait3A_29] : memref<2x16x160x128xi32, #tpu.memory_space<hbm>> -> memref<1x1x160x128xi32, #tpu.memory_space<hbm>>
      %dma_wait3A_31 = tpu.memref_squeeze %dma_wait3A_30 : memref<1x1x160x128xi32, #tpu.memory_space<hbm>> -> memref<160x128xi32, #tpu.memory_space<hbm>>
      %dma_wait3A_32 = arith.constant 0 : i32
      %dma_wait3A_33 = arith.constant 0 : i32
      %dma_wait3A_34 = tpu.memref_slice %arg4[%arg0, %arg1, %dma_wait3A_32, %dma_wait3A_33] : memref<2x16x160x128xi32, #tpu.memory_space<hbm>> -> memref<1x1x160x128xi32, #tpu.memory_space<hbm>>
      %dma_wait3A_35 = tpu.memref_squeeze %dma_wait3A_34 : memref<1x1x160x128xi32, #tpu.memory_space<hbm>> -> memref<160x128xi32, #tpu.memory_space<hbm>>
      tpu.wait_dma2 semaphore(%run_scoped3A : memref<!tpu.dma_semaphore, #tpu.memory_space<semaphore_mem>>) src(%dma_wait3A_35 : memref<160x128xi32, #tpu.memory_space<hbm>>) dst(%arg8 : memref<160x128xi32, #tpu.memory_space<vmem>>)
      tpu.yield
    }) : () -> ()
    %mul3A = arith.constant 640 : i32
    %mul3A_0 = arith.muli %arg1, %mul3A : i32
    %mul3A_1 = arith.constant 640 : i32
    %mul3A_2 = arith.muli %arg1, %mul3A_1 : i32
    "tpu.region"() ({
      %run_scoped3A = tpu.sem_alloc : memref<!tpu.dma_semaphore, #tpu.memory_space<semaphore_mem>>
      %dma_start3A_21 = arith.constant 0 : i32
      %dma_start3A_22 = tpu.memref_slice %arg11[%mul3A_2, %dma_start3A_21] : memref<10240x64xf32, #tpu.memory_space<vmem_shared>> -> memref<640x64xf32, #tpu.memory_space<vmem_shared>>
      %dma_start3A_23 = arith.constant 0 : i32
      %dma_start3A_24 = tpu.memref_slice %arg5[%mul3A_0, %dma_start3A_23] : memref<10240x64xf32, #tpu.memory_space<hbm>> -> memref<640x64xf32, #tpu.memory_space<hbm>>
      tpu.enqueue_dma source(%dma_start3A_24 : memref<640x64xf32, #tpu.memory_space<hbm>>) target(%dma_start3A_22 : memref<640x64xf32, #tpu.memory_space<vmem_shared>>) target_semaphore(%run_scoped3A : memref<!tpu.dma_semaphore, #tpu.memory_space<semaphore_mem>>)
      %dma_wait3A = arith.constant 0 : i32
      %dma_wait3A_25 = tpu.memref_slice %arg11[%mul3A_2, %dma_wait3A] : memref<10240x64xf32, #tpu.memory_space<vmem_shared>> -> memref<640x64xf32, #tpu.memory_space<vmem_shared>>
      %dma_wait3A_26 = arith.constant 0 : i32
      %dma_wait3A_27 = tpu.memref_slice %arg5[%mul3A_0, %dma_wait3A_26] : memref<10240x64xf32, #tpu.memory_space<hbm>> -> memref<640x64xf32, #tpu.memory_space<hbm>>
      tpu.wait_dma2 semaphore(%run_scoped3A : memref<!tpu.dma_semaphore, #tpu.memory_space<semaphore_mem>>) src(%dma_wait3A_27 : memref<640x64xf32, #tpu.memory_space<hbm>>) dst(%dma_wait3A_25 : memref<640x64xf32, #tpu.memory_space<vmem_shared>>)
      tpu.yield
    }) : () -> ()
    %barrier3A = arith.constant 0 : index
    tpu.barrier barrier_id(%barrier3A)
    %dma_start3A = arith.constant 0 : i32
    %dma_start3A_3 = arith.constant 0 : i32
    %dma_start3A_4 = tpu.memref_slice %arg7[%dma_start3A, %dma_start3A_3] : memref<160x128xi32, #tpu.memory_space<vmem>> -> memref<1x128xi32, #tpu.memory_space<vmem>>
    %dma_start3A_5 = tpu.memref_squeeze %dma_start3A_4 : memref<1x128xi32, #tpu.memory_space<vmem>> -> memref<128xi32, #tpu.memory_space<vmem>>
    %dma_start3A_6 = arith.constant 0 : i32
    %dma_start3A_7 = arith.constant 0 : i32
    %dma_start3A_8 = tpu.memref_slice %arg2[%dma_start3A_6, %dma_start3A_7] : memref<20480x64xf32, #tpu.memory_space<hbm>> -> memref<20480x64xf32, #tpu.memory_space<hbm>>
    tpu.enqueue_indirect_dma source(%dma_start3A_8 : memref<20480x64xf32, #tpu.memory_space<hbm>>) target(%arg9 : memref<128x64xf32, #tpu.memory_space<vmem>>) offsets(%dma_start3A_5 : memref<128xi32, #tpu.memory_space<vmem>>) semaphore(%arg12 : memref<!tpu.dma_semaphore, #tpu.memory_space<semaphore_mem>>)
    %scan3A = arith.constant 0 : i32
    %scan3A_9 = arith.constant 0 : i32
    %scan3A_10 = arith.constant 80 : i32
    %scan3A_11 = arith.addi %scan3A_9, %scan3A_10 : i32
    %scan3A_12 = arith.constant 1 : i32
    scf.for %scan3A_21 = %scan3A_9 to %scan3A_11 step %scan3A_12  : i32 {
      %mul3A_22 = arith.constant 2 : i32
      %mul3A_23 = arith.muli %mul3A_22, %scan3A_21 : i32
      %add3A_24 = arith.constant 1 : i32
      %add3A_25 = arith.addi %mul3A_23, %add3A_24 : i32
      %dma_wait3A = arith.constant 0 : i32
      %dma_wait3A_26 = tpu.memref_slice %arg7[%mul3A_23, %dma_wait3A] : memref<160x128xi32, #tpu.memory_space<vmem>> -> memref<1x128xi32, #tpu.memory_space<vmem>>
      %dma_wait3A_27 = tpu.memref_squeeze %dma_wait3A_26 : memref<1x128xi32, #tpu.memory_space<vmem>> -> memref<128xi32, #tpu.memory_space<vmem>>
      %dma_wait3A_28 = arith.constant 0 : i32
      %dma_wait3A_29 = arith.constant 0 : i32
      %dma_wait3A_30 = tpu.memref_slice %arg2[%dma_wait3A_28, %dma_wait3A_29] : memref<20480x64xf32, #tpu.memory_space<hbm>> -> memref<20480x64xf32, #tpu.memory_space<hbm>>
      tpu.wait_indirect_dma semaphore(%arg12 : memref<!tpu.dma_semaphore, #tpu.memory_space<semaphore_mem>>) src(%dma_wait3A_30 : memref<20480x64xf32, #tpu.memory_space<hbm>>) dst(%arg9 : memref<128x64xf32, #tpu.memory_space<vmem>>)
      %dma_start3A_31 = arith.constant 0 : i32
      %dma_start3A_32 = tpu.memref_slice %arg7[%add3A_25, %dma_start3A_31] : memref<160x128xi32, #tpu.memory_space<vmem>> -> memref<1x128xi32, #tpu.memory_space<vmem>>
      %dma_start3A_33 = tpu.memref_squeeze %dma_start3A_32 : memref<1x128xi32, #tpu.memory_space<vmem>> -> memref<128xi32, #tpu.memory_space<vmem>>
      %dma_start3A_34 = arith.constant 0 : i32
      %dma_start3A_35 = arith.constant 0 : i32
      %dma_start3A_36 = tpu.memref_slice %arg2[%dma_start3A_34, %dma_start3A_35] : memref<20480x64xf32, #tpu.memory_space<hbm>> -> memref<20480x64xf32, #tpu.memory_space<hbm>>
      tpu.enqueue_indirect_dma source(%dma_start3A_36 : memref<20480x64xf32, #tpu.memory_space<hbm>>) target(%arg10 : memref<128x64xf32, #tpu.memory_space<vmem>>) offsets(%dma_start3A_33 : memref<128xi32, #tpu.memory_space<vmem>>) semaphore(%arg13 : memref<!tpu.dma_semaphore, #tpu.memory_space<semaphore_mem>>)
      "tpu.region"() ({
        %run_scoped3A = tpu.sem_alloc : memref<!tpu.dma_semaphore, #tpu.memory_space<semaphore_mem>>
        %dma_start3A_45 = arith.constant 0 : i32
        %dma_start3A_46 = tpu.memref_slice %arg8[%mul3A_23, %dma_start3A_45] : memref<160x128xi32, #tpu.memory_space<vmem>> -> memref<1x128xi32, #tpu.memory_space<vmem>>
        %dma_start3A_47 = tpu.memref_squeeze %dma_start3A_46 : memref<1x128xi32, #tpu.memory_space<vmem>> -> memref<128xi32, #tpu.memory_space<vmem>>
        %dma_start3A_48 = arith.constant 0 : i32
        %dma_start3A_49 = arith.constant 0 : i32
        %dma_start3A_50 = tpu.memref_slice %arg11[%dma_start3A_48, %dma_start3A_49] : memref<10240x64xf32, #tpu.memory_space<vmem_shared>> -> memref<10240x64xf32, #tpu.memory_space<vmem_shared>>
        tpu.enqueue_indirect_dma source(%arg9 : memref<128x64xf32, #tpu.memory_space<vmem>>) target(%dma_start3A_50 : memref<10240x64xf32, #tpu.memory_space<vmem_shared>>) offsets(%dma_start3A_47 : memref<128xi32, #tpu.memory_space<vmem>>) semaphore(%run_scoped3A : memref<!tpu.dma_semaphore, #tpu.memory_space<semaphore_mem>>) {add = true}
        %dma_wait3A_51 = arith.constant 0 : i32
        %dma_wait3A_52 = tpu.memref_slice %arg8[%mul3A_23, %dma_wait3A_51] : memref<160x128xi32, #tpu.memory_space<vmem>> -> memref<1x128xi32, #tpu.memory_space<vmem>>
        %dma_wait3A_53 = tpu.memref_squeeze %dma_wait3A_52 : memref<1x128xi32, #tpu.memory_space<vmem>> -> memref<128xi32, #tpu.memory_space<vmem>>
        %dma_wait3A_54 = arith.constant 0 : i32
        %dma_wait3A_55 = arith.constant 0 : i32
        %dma_wait3A_56 = tpu.memref_slice %arg11[%dma_wait3A_54, %dma_wait3A_55] : memref<10240x64xf32, #tpu.memory_space<vmem_shared>> -> memref<10240x64xf32, #tpu.memory_space<vmem_shared>>
        tpu.wait_indirect_dma semaphore(%run_scoped3A : memref<!tpu.dma_semaphore, #tpu.memory_space<semaphore_mem>>) src(%arg9 : memref<128x64xf32, #tpu.memory_space<vmem>>) dst(%dma_wait3A_56 : memref<10240x64xf32, #tpu.memory_space<vmem_shared>>)
        tpu.yield
      }) : () -> ()
      %dma_wait3A_37 = arith.constant 0 : i32
      %dma_wait3A_38 = tpu.memref_slice %arg7[%add3A_25, %dma_wait3A_37] : memref<160x128xi32, #tpu.memory_space<vmem>> -> memref<1x128xi32, #tpu.memory_space<vmem>>
      %dma_wait3A_39 = tpu.memref_squeeze %dma_wait3A_38 : memref<1x128xi32, #tpu.memory_space<vmem>> -> memref<128xi32, #tpu.memory_space<vmem>>
      %dma_wait3A_40 = arith.constant 0 : i32
      %dma_wait3A_41 = arith.constant 0 : i32
      %dma_wait3A_42 = tpu.memref_slice %arg2[%dma_wait3A_40, %dma_wait3A_41] : memref<20480x64xf32, #tpu.memory_space<hbm>> -> memref<20480x64xf32, #tpu.memory_space<hbm>>
      tpu.wait_indirect_dma semaphore(%arg13 : memref<!tpu.dma_semaphore, #tpu.memory_space<semaphore_mem>>) src(%dma_wait3A_42 : memref<20480x64xf32, #tpu.memory_space<hbm>>) dst(%arg10 : memref<128x64xf32, #tpu.memory_space<vmem>>)
      %lt3A = arith.constant 79 : i32
      %lt3A_43 = arith.cmpi slt, %scan3A_21, %lt3A : i32
      %convert_element_type3A = arith.extui %lt3A_43 : i1 to i32
      %cond3A = arith.constant 0 : i32
      %cond3A_44 = arith.cmpi ne, %convert_element_type3A, %cond3A : i32
      scf.if %cond3A_44 {
        %add3A_45 = arith.constant 1 : i32
        %add3A_46 = arith.addi %add3A_25, %add3A_45 : i32
        %dma_start3A_47 = arith.constant 0 : i32
        %dma_start3A_48 = tpu.memref_slice %arg7[%add3A_46, %dma_start3A_47] : memref<160x128xi32, #tpu.memory_space<vmem>> -> memref<1x128xi32, #tpu.memory_space<vmem>>
        %dma_start3A_49 = tpu.memref_squeeze %dma_start3A_48 : memref<1x128xi32, #tpu.memory_space<vmem>> -> memref<128xi32, #tpu.memory_space<vmem>>
        %dma_start3A_50 = arith.constant 0 : i32
        %dma_start3A_51 = arith.constant 0 : i32
        %dma_start3A_52 = tpu.memref_slice %arg2[%dma_start3A_50, %dma_start3A_51] : memref<20480x64xf32, #tpu.memory_space<hbm>> -> memref<20480x64xf32, #tpu.memory_space<hbm>>
        tpu.enqueue_indirect_dma source(%dma_start3A_52 : memref<20480x64xf32, #tpu.memory_space<hbm>>) target(%arg9 : memref<128x64xf32, #tpu.memory_space<vmem>>) offsets(%dma_start3A_49 : memref<128xi32, #tpu.memory_space<vmem>>) semaphore(%arg12 : memref<!tpu.dma_semaphore, #tpu.memory_space<semaphore_mem>>)
      } else {
      }
      "tpu.region"() ({
        %run_scoped3A = tpu.sem_alloc : memref<!tpu.dma_semaphore, #tpu.memory_space<semaphore_mem>>
        %dma_start3A_45 = arith.constant 0 : i32
        %dma_start3A_46 = tpu.memref_slice %arg8[%add3A_25, %dma_start3A_45] : memref<160x128xi32, #tpu.memory_space<vmem>> -> memref<1x128xi32, #tpu.memory_space<vmem>>
        %dma_start3A_47 = tpu.memref_squeeze %dma_start3A_46 : memref<1x128xi32, #tpu.memory_space<vmem>> -> memref<128xi32, #tpu.memory_space<vmem>>
        %dma_start3A_48 = arith.constant 0 : i32
        %dma_start3A_49 = arith.constant 0 : i32
        %dma_start3A_50 = tpu.memref_slice %arg11[%dma_start3A_48, %dma_start3A_49] : memref<10240x64xf32, #tpu.memory_space<vmem_shared>> -> memref<10240x64xf32, #tpu.memory_space<vmem_shared>>
        tpu.enqueue_indirect_dma source(%arg10 : memref<128x64xf32, #tpu.memory_space<vmem>>) target(%dma_start3A_50 : memref<10240x64xf32, #tpu.memory_space<vmem_shared>>) offsets(%dma_start3A_47 : memref<128xi32, #tpu.memory_space<vmem>>) semaphore(%run_scoped3A : memref<!tpu.dma_semaphore, #tpu.memory_space<semaphore_mem>>) {add = true}
        %dma_wait3A_51 = arith.constant 0 : i32
        %dma_wait3A_52 = tpu.memref_slice %arg8[%add3A_25, %dma_wait3A_51] : memref<160x128xi32, #tpu.memory_space<vmem>> -> memref<1x128xi32, #tpu.memory_space<vmem>>
        %dma_wait3A_53 = tpu.memref_squeeze %dma_wait3A_52 : memref<1x128xi32, #tpu.memory_space<vmem>> -> memref<128xi32, #tpu.memory_space<vmem>>
        %dma_wait3A_54 = arith.constant 0 : i32
        %dma_wait3A_55 = arith.constant 0 : i32
        %dma_wait3A_56 = tpu.memref_slice %arg11[%dma_wait3A_54, %dma_wait3A_55] : memref<10240x64xf32, #tpu.memory_space<vmem_shared>> -> memref<10240x64xf32, #tpu.memory_space<vmem_shared>>
        tpu.wait_indirect_dma semaphore(%run_scoped3A : memref<!tpu.dma_semaphore, #tpu.memory_space<semaphore_mem>>) src(%arg10 : memref<128x64xf32, #tpu.memory_space<vmem>>) dst(%dma_wait3A_56 : memref<10240x64xf32, #tpu.memory_space<vmem_shared>>)
        tpu.yield
      }) : () -> ()
    }
    %scan3A_13 = arith.constant 80 : i32
    %barrier3A_14 = arith.constant 0 : index
    tpu.barrier barrier_id(%barrier3A_14)
    %mul3A_15 = arith.constant 640 : i32
    %mul3A_16 = arith.muli %arg1, %mul3A_15 : i32
    %mul3A_17 = arith.constant 10240 : i32
    %mul3A_18 = arith.muli %arg0, %mul3A_17 : i32
    %mul3A_19 = arith.constant 640 : i32
    %mul3A_20 = arith.muli %arg1, %mul3A_19 : i32
    %add3A = arith.addi %mul3A_18, %mul3A_20 : i32
    "tpu.region"() ({
      %run_scoped3A = tpu.sem_alloc : memref<!tpu.dma_semaphore, #tpu.memory_space<semaphore_mem>>
      %dma_start3A_21 = arith.constant 0 : i32
      %dma_start3A_22 = tpu.memref_slice %arg6[%add3A, %dma_start3A_21] : memref<20480x64xf32, #tpu.memory_space<hbm>> -> memref<640x64xf32, #tpu.memory_space<hbm>>
      %dma_start3A_23 = arith.constant 0 : i32
      %dma_start3A_24 = tpu.memref_slice %arg11[%mul3A_16, %dma_start3A_23] : memref<10240x64xf32, #tpu.memory_space<vmem_shared>> -> memref<640x64xf32, #tpu.memory_space<vmem_shared>>
      tpu.enqueue_dma source(%dma_start3A_24 : memref<640x64xf32, #tpu.memory_space<vmem_shared>>) target(%dma_start3A_22 : memref<640x64xf32, #tpu.memory_space<hbm>>) target_semaphore(%run_scoped3A : memref<!tpu.dma_semaphore, #tpu.memory_space<semaphore_mem>>)
      %dma_wait3A = arith.constant 0 : i32
      %dma_wait3A_25 = tpu.memref_slice %arg6[%add3A, %dma_wait3A] : memref<20480x64xf32, #tpu.memory_space<hbm>> -> memref<640x64xf32, #tpu.memory_space<hbm>>
      %dma_wait3A_26 = arith.constant 0 : i32
      %dma_wait3A_27 = tpu.memref_slice %arg11[%mul3A_16, %dma_wait3A_26] : memref<10240x64xf32, #tpu.memory_space<vmem_shared>> -> memref<640x64xf32, #tpu.memory_space<vmem_shared>>
      tpu.wait_dma2 semaphore(%run_scoped3A : memref<!tpu.dma_semaphore, #tpu.memory_space<semaphore_mem>>) src(%dma_wait3A_27 : memref<640x64xf32, #tpu.memory_space<vmem_shared>>) dst(%dma_wait3A_25 : memref<640x64xf32, #tpu.memory_space<hbm>>)
      tpu.yield
    }) : () -> ()
    return
  }
}

#map = affine_map<(d0, d1) -> (0, 0)>
#map1 = affine_map<(d0, d1) -> (0, 0, 0, 0)>
module attributes {stable_mosaic.version = 14 : i64} {
  func.func @segsum(%arg0: i32, %arg1: i32, %arg2: memref<10240x64xf32, #tpu.memory_space<hbm>>, %arg3: memref<2x16x80x128xi32, #tpu.memory_space<hbm>>, %arg4: memref<2x16x80x128xi32, #tpu.memory_space<hbm>>, %arg5: memref<10240x64xf32, #tpu.memory_space<hbm>>, %arg6: memref<20480x64xf32, #tpu.memory_space<hbm>>, %arg7: memref<80x128xi32, #tpu.memory_space<vmem>>, %arg8: memref<80x128xi32, #tpu.memory_space<vmem>>, %arg9: memref<128x64xf32, #tpu.memory_space<vmem>>, %arg10: memref<128x64xf32, #tpu.memory_space<vmem>>, %arg11: memref<10240x64xf32, #tpu.memory_space<vmem_shared>>, %arg12: memref<!tpu.dma_semaphore, #tpu.memory_space<semaphore_mem>>, %arg13: memref<!tpu.dma_semaphore, #tpu.memory_space<semaphore_mem>>) attributes {dimension_semantics = [#tpu.dimension_semantics<core_parallel>, #tpu.dimension_semantics<subcore_parallel>], iteration_bounds = array<i64: 2, 16>, scalar_prefetch = 0 : i64, scratch_operands = 7 : i64, tpu.core_type = #tpu.core_type<sc_vector_subcore>, window_params = [{transform_indices = #map}, {transform_indices = #map1}, {transform_indices = #map1}, {transform_indices = #map}, {transform_indices = #map}]} {
    "tpu.region"() ({
      %run_scoped3A = tpu.sem_alloc : memref<!tpu.dma_semaphore, #tpu.memory_space<semaphore_mem>>
      %dma_start3A_21 = arith.constant 0 : i32
      %dma_start3A_22 = arith.constant 0 : i32
      %dma_start3A_23 = tpu.memref_slice %arg3[%arg0, %arg1, %dma_start3A_21, %dma_start3A_22] : memref<2x16x80x128xi32, #tpu.memory_space<hbm>> -> memref<1x1x80x128xi32, #tpu.memory_space<hbm>>
      %dma_start3A_24 = tpu.memref_squeeze %dma_start3A_23 : memref<1x1x80x128xi32, #tpu.memory_space<hbm>> -> memref<80x128xi32, #tpu.memory_space<hbm>>
      %dma_start3A_25 = arith.constant 0 : i32
      %dma_start3A_26 = arith.constant 0 : i32
      %dma_start3A_27 = tpu.memref_slice %arg3[%arg0, %arg1, %dma_start3A_25, %dma_start3A_26] : memref<2x16x80x128xi32, #tpu.memory_space<hbm>> -> memref<1x1x80x128xi32, #tpu.memory_space<hbm>>
      %dma_start3A_28 = tpu.memref_squeeze %dma_start3A_27 : memref<1x1x80x128xi32, #tpu.memory_space<hbm>> -> memref<80x128xi32, #tpu.memory_space<hbm>>
      tpu.enqueue_dma source(%dma_start3A_28 : memref<80x128xi32, #tpu.memory_space<hbm>>) target(%arg7 : memref<80x128xi32, #tpu.memory_space<vmem>>) target_semaphore(%run_scoped3A : memref<!tpu.dma_semaphore, #tpu.memory_space<semaphore_mem>>)
      %dma_wait3A = arith.constant 0 : i32
      %dma_wait3A_29 = arith.constant 0 : i32
      %dma_wait3A_30 = tpu.memref_slice %arg3[%arg0, %arg1, %dma_wait3A, %dma_wait3A_29] : memref<2x16x80x128xi32, #tpu.memory_space<hbm>> -> memref<1x1x80x128xi32, #tpu.memory_space<hbm>>
      %dma_wait3A_31 = tpu.memref_squeeze %dma_wait3A_30 : memref<1x1x80x128xi32, #tpu.memory_space<hbm>> -> memref<80x128xi32, #tpu.memory_space<hbm>>
      %dma_wait3A_32 = arith.constant 0 : i32
      %dma_wait3A_33 = arith.constant 0 : i32
      %dma_wait3A_34 = tpu.memref_slice %arg3[%arg0, %arg1, %dma_wait3A_32, %dma_wait3A_33] : memref<2x16x80x128xi32, #tpu.memory_space<hbm>> -> memref<1x1x80x128xi32, #tpu.memory_space<hbm>>
      %dma_wait3A_35 = tpu.memref_squeeze %dma_wait3A_34 : memref<1x1x80x128xi32, #tpu.memory_space<hbm>> -> memref<80x128xi32, #tpu.memory_space<hbm>>
      tpu.wait_dma2 semaphore(%run_scoped3A : memref<!tpu.dma_semaphore, #tpu.memory_space<semaphore_mem>>) src(%dma_wait3A_35 : memref<80x128xi32, #tpu.memory_space<hbm>>) dst(%arg7 : memref<80x128xi32, #tpu.memory_space<vmem>>)
      tpu.yield
    }) : () -> ()
    "tpu.region"() ({
      %run_scoped3A = tpu.sem_alloc : memref<!tpu.dma_semaphore, #tpu.memory_space<semaphore_mem>>
      %dma_start3A_21 = arith.constant 0 : i32
      %dma_start3A_22 = arith.constant 0 : i32
      %dma_start3A_23 = tpu.memref_slice %arg4[%arg0, %arg1, %dma_start3A_21, %dma_start3A_22] : memref<2x16x80x128xi32, #tpu.memory_space<hbm>> -> memref<1x1x80x128xi32, #tpu.memory_space<hbm>>
      %dma_start3A_24 = tpu.memref_squeeze %dma_start3A_23 : memref<1x1x80x128xi32, #tpu.memory_space<hbm>> -> memref<80x128xi32, #tpu.memory_space<hbm>>
      %dma_start3A_25 = arith.constant 0 : i32
      %dma_start3A_26 = arith.constant 0 : i32
      %dma_start3A_27 = tpu.memref_slice %arg4[%arg0, %arg1, %dma_start3A_25, %dma_start3A_26] : memref<2x16x80x128xi32, #tpu.memory_space<hbm>> -> memref<1x1x80x128xi32, #tpu.memory_space<hbm>>
      %dma_start3A_28 = tpu.memref_squeeze %dma_start3A_27 : memref<1x1x80x128xi32, #tpu.memory_space<hbm>> -> memref<80x128xi32, #tpu.memory_space<hbm>>
      tpu.enqueue_dma source(%dma_start3A_28 : memref<80x128xi32, #tpu.memory_space<hbm>>) target(%arg8 : memref<80x128xi32, #tpu.memory_space<vmem>>) target_semaphore(%run_scoped3A : memref<!tpu.dma_semaphore, #tpu.memory_space<semaphore_mem>>)
      %dma_wait3A = arith.constant 0 : i32
      %dma_wait3A_29 = arith.constant 0 : i32
      %dma_wait3A_30 = tpu.memref_slice %arg4[%arg0, %arg1, %dma_wait3A, %dma_wait3A_29] : memref<2x16x80x128xi32, #tpu.memory_space<hbm>> -> memref<1x1x80x128xi32, #tpu.memory_space<hbm>>
      %dma_wait3A_31 = tpu.memref_squeeze %dma_wait3A_30 : memref<1x1x80x128xi32, #tpu.memory_space<hbm>> -> memref<80x128xi32, #tpu.memory_space<hbm>>
      %dma_wait3A_32 = arith.constant 0 : i32
      %dma_wait3A_33 = arith.constant 0 : i32
      %dma_wait3A_34 = tpu.memref_slice %arg4[%arg0, %arg1, %dma_wait3A_32, %dma_wait3A_33] : memref<2x16x80x128xi32, #tpu.memory_space<hbm>> -> memref<1x1x80x128xi32, #tpu.memory_space<hbm>>
      %dma_wait3A_35 = tpu.memref_squeeze %dma_wait3A_34 : memref<1x1x80x128xi32, #tpu.memory_space<hbm>> -> memref<80x128xi32, #tpu.memory_space<hbm>>
      tpu.wait_dma2 semaphore(%run_scoped3A : memref<!tpu.dma_semaphore, #tpu.memory_space<semaphore_mem>>) src(%dma_wait3A_35 : memref<80x128xi32, #tpu.memory_space<hbm>>) dst(%arg8 : memref<80x128xi32, #tpu.memory_space<vmem>>)
      tpu.yield
    }) : () -> ()
    %mul3A = arith.constant 640 : i32
    %mul3A_0 = arith.muli %arg1, %mul3A : i32
    %mul3A_1 = arith.constant 640 : i32
    %mul3A_2 = arith.muli %arg1, %mul3A_1 : i32
    "tpu.region"() ({
      %run_scoped3A = tpu.sem_alloc : memref<!tpu.dma_semaphore, #tpu.memory_space<semaphore_mem>>
      %dma_start3A_21 = arith.constant 0 : i32
      %dma_start3A_22 = tpu.memref_slice %arg11[%mul3A_2, %dma_start3A_21] : memref<10240x64xf32, #tpu.memory_space<vmem_shared>> -> memref<640x64xf32, #tpu.memory_space<vmem_shared>>
      %dma_start3A_23 = arith.constant 0 : i32
      %dma_start3A_24 = tpu.memref_slice %arg5[%mul3A_0, %dma_start3A_23] : memref<10240x64xf32, #tpu.memory_space<hbm>> -> memref<640x64xf32, #tpu.memory_space<hbm>>
      tpu.enqueue_dma source(%dma_start3A_24 : memref<640x64xf32, #tpu.memory_space<hbm>>) target(%dma_start3A_22 : memref<640x64xf32, #tpu.memory_space<vmem_shared>>) target_semaphore(%run_scoped3A : memref<!tpu.dma_semaphore, #tpu.memory_space<semaphore_mem>>)
      %dma_wait3A = arith.constant 0 : i32
      %dma_wait3A_25 = tpu.memref_slice %arg11[%mul3A_2, %dma_wait3A] : memref<10240x64xf32, #tpu.memory_space<vmem_shared>> -> memref<640x64xf32, #tpu.memory_space<vmem_shared>>
      %dma_wait3A_26 = arith.constant 0 : i32
      %dma_wait3A_27 = tpu.memref_slice %arg5[%mul3A_0, %dma_wait3A_26] : memref<10240x64xf32, #tpu.memory_space<hbm>> -> memref<640x64xf32, #tpu.memory_space<hbm>>
      tpu.wait_dma2 semaphore(%run_scoped3A : memref<!tpu.dma_semaphore, #tpu.memory_space<semaphore_mem>>) src(%dma_wait3A_27 : memref<640x64xf32, #tpu.memory_space<hbm>>) dst(%dma_wait3A_25 : memref<640x64xf32, #tpu.memory_space<vmem_shared>>)
      tpu.yield
    }) : () -> ()
    %barrier3A = arith.constant 0 : index
    tpu.barrier barrier_id(%barrier3A)
    %dma_start3A = arith.constant 0 : i32
    %dma_start3A_3 = arith.constant 0 : i32
    %dma_start3A_4 = tpu.memref_slice %arg7[%dma_start3A, %dma_start3A_3] : memref<80x128xi32, #tpu.memory_space<vmem>> -> memref<1x128xi32, #tpu.memory_space<vmem>>
    %dma_start3A_5 = tpu.memref_squeeze %dma_start3A_4 : memref<1x128xi32, #tpu.memory_space<vmem>> -> memref<128xi32, #tpu.memory_space<vmem>>
    %dma_start3A_6 = arith.constant 0 : i32
    %dma_start3A_7 = arith.constant 0 : i32
    %dma_start3A_8 = tpu.memref_slice %arg2[%dma_start3A_6, %dma_start3A_7] : memref<10240x64xf32, #tpu.memory_space<hbm>> -> memref<10240x64xf32, #tpu.memory_space<hbm>>
    tpu.enqueue_indirect_dma source(%dma_start3A_8 : memref<10240x64xf32, #tpu.memory_space<hbm>>) target(%arg9 : memref<128x64xf32, #tpu.memory_space<vmem>>) offsets(%dma_start3A_5 : memref<128xi32, #tpu.memory_space<vmem>>) semaphore(%arg12 : memref<!tpu.dma_semaphore, #tpu.memory_space<semaphore_mem>>)
    %scan3A = arith.constant 0 : i32
    %scan3A_9 = arith.constant 0 : i32
    %scan3A_10 = arith.constant 40 : i32
    %scan3A_11 = arith.addi %scan3A_9, %scan3A_10 : i32
    %scan3A_12 = arith.constant 1 : i32
    scf.for %scan3A_21 = %scan3A_9 to %scan3A_11 step %scan3A_12  : i32 {
      %mul3A_22 = arith.constant 2 : i32
      %mul3A_23 = arith.muli %mul3A_22, %scan3A_21 : i32
      %add3A_24 = arith.constant 1 : i32
      %add3A_25 = arith.addi %mul3A_23, %add3A_24 : i32
      %dma_wait3A = arith.constant 0 : i32
      %dma_wait3A_26 = tpu.memref_slice %arg7[%mul3A_23, %dma_wait3A] : memref<80x128xi32, #tpu.memory_space<vmem>> -> memref<1x128xi32, #tpu.memory_space<vmem>>
      %dma_wait3A_27 = tpu.memref_squeeze %dma_wait3A_26 : memref<1x128xi32, #tpu.memory_space<vmem>> -> memref<128xi32, #tpu.memory_space<vmem>>
      %dma_wait3A_28 = arith.constant 0 : i32
      %dma_wait3A_29 = arith.constant 0 : i32
      %dma_wait3A_30 = tpu.memref_slice %arg2[%dma_wait3A_28, %dma_wait3A_29] : memref<10240x64xf32, #tpu.memory_space<hbm>> -> memref<10240x64xf32, #tpu.memory_space<hbm>>
      tpu.wait_indirect_dma semaphore(%arg12 : memref<!tpu.dma_semaphore, #tpu.memory_space<semaphore_mem>>) src(%dma_wait3A_30 : memref<10240x64xf32, #tpu.memory_space<hbm>>) dst(%arg9 : memref<128x64xf32, #tpu.memory_space<vmem>>)
      %dma_start3A_31 = arith.constant 0 : i32
      %dma_start3A_32 = tpu.memref_slice %arg7[%add3A_25, %dma_start3A_31] : memref<80x128xi32, #tpu.memory_space<vmem>> -> memref<1x128xi32, #tpu.memory_space<vmem>>
      %dma_start3A_33 = tpu.memref_squeeze %dma_start3A_32 : memref<1x128xi32, #tpu.memory_space<vmem>> -> memref<128xi32, #tpu.memory_space<vmem>>
      %dma_start3A_34 = arith.constant 0 : i32
      %dma_start3A_35 = arith.constant 0 : i32
      %dma_start3A_36 = tpu.memref_slice %arg2[%dma_start3A_34, %dma_start3A_35] : memref<10240x64xf32, #tpu.memory_space<hbm>> -> memref<10240x64xf32, #tpu.memory_space<hbm>>
      tpu.enqueue_indirect_dma source(%dma_start3A_36 : memref<10240x64xf32, #tpu.memory_space<hbm>>) target(%arg10 : memref<128x64xf32, #tpu.memory_space<vmem>>) offsets(%dma_start3A_33 : memref<128xi32, #tpu.memory_space<vmem>>) semaphore(%arg13 : memref<!tpu.dma_semaphore, #tpu.memory_space<semaphore_mem>>)
      "tpu.region"() ({
        %run_scoped3A = tpu.sem_alloc : memref<!tpu.dma_semaphore, #tpu.memory_space<semaphore_mem>>
        %dma_start3A_45 = arith.constant 0 : i32
        %dma_start3A_46 = tpu.memref_slice %arg8[%mul3A_23, %dma_start3A_45] : memref<80x128xi32, #tpu.memory_space<vmem>> -> memref<1x128xi32, #tpu.memory_space<vmem>>
        %dma_start3A_47 = tpu.memref_squeeze %dma_start3A_46 : memref<1x128xi32, #tpu.memory_space<vmem>> -> memref<128xi32, #tpu.memory_space<vmem>>
        %dma_start3A_48 = arith.constant 0 : i32
        %dma_start3A_49 = arith.constant 0 : i32
        %dma_start3A_50 = tpu.memref_slice %arg11[%dma_start3A_48, %dma_start3A_49] : memref<10240x64xf32, #tpu.memory_space<vmem_shared>> -> memref<10240x64xf32, #tpu.memory_space<vmem_shared>>
        tpu.enqueue_indirect_dma source(%arg9 : memref<128x64xf32, #tpu.memory_space<vmem>>) target(%dma_start3A_50 : memref<10240x64xf32, #tpu.memory_space<vmem_shared>>) offsets(%dma_start3A_47 : memref<128xi32, #tpu.memory_space<vmem>>) semaphore(%run_scoped3A : memref<!tpu.dma_semaphore, #tpu.memory_space<semaphore_mem>>) {add = true}
        %dma_wait3A_51 = arith.constant 0 : i32
        %dma_wait3A_52 = tpu.memref_slice %arg8[%mul3A_23, %dma_wait3A_51] : memref<80x128xi32, #tpu.memory_space<vmem>> -> memref<1x128xi32, #tpu.memory_space<vmem>>
        %dma_wait3A_53 = tpu.memref_squeeze %dma_wait3A_52 : memref<1x128xi32, #tpu.memory_space<vmem>> -> memref<128xi32, #tpu.memory_space<vmem>>
        %dma_wait3A_54 = arith.constant 0 : i32
        %dma_wait3A_55 = arith.constant 0 : i32
        %dma_wait3A_56 = tpu.memref_slice %arg11[%dma_wait3A_54, %dma_wait3A_55] : memref<10240x64xf32, #tpu.memory_space<vmem_shared>> -> memref<10240x64xf32, #tpu.memory_space<vmem_shared>>
        tpu.wait_indirect_dma semaphore(%run_scoped3A : memref<!tpu.dma_semaphore, #tpu.memory_space<semaphore_mem>>) src(%arg9 : memref<128x64xf32, #tpu.memory_space<vmem>>) dst(%dma_wait3A_56 : memref<10240x64xf32, #tpu.memory_space<vmem_shared>>)
        tpu.yield
      }) : () -> ()
      %dma_wait3A_37 = arith.constant 0 : i32
      %dma_wait3A_38 = tpu.memref_slice %arg7[%add3A_25, %dma_wait3A_37] : memref<80x128xi32, #tpu.memory_space<vmem>> -> memref<1x128xi32, #tpu.memory_space<vmem>>
      %dma_wait3A_39 = tpu.memref_squeeze %dma_wait3A_38 : memref<1x128xi32, #tpu.memory_space<vmem>> -> memref<128xi32, #tpu.memory_space<vmem>>
      %dma_wait3A_40 = arith.constant 0 : i32
      %dma_wait3A_41 = arith.constant 0 : i32
      %dma_wait3A_42 = tpu.memref_slice %arg2[%dma_wait3A_40, %dma_wait3A_41] : memref<10240x64xf32, #tpu.memory_space<hbm>> -> memref<10240x64xf32, #tpu.memory_space<hbm>>
      tpu.wait_indirect_dma semaphore(%arg13 : memref<!tpu.dma_semaphore, #tpu.memory_space<semaphore_mem>>) src(%dma_wait3A_42 : memref<10240x64xf32, #tpu.memory_space<hbm>>) dst(%arg10 : memref<128x64xf32, #tpu.memory_space<vmem>>)
      %lt3A = arith.constant 39 : i32
      %lt3A_43 = arith.cmpi slt, %scan3A_21, %lt3A : i32
      %convert_element_type3A = arith.extui %lt3A_43 : i1 to i32
      %cond3A = arith.constant 0 : i32
      %cond3A_44 = arith.cmpi ne, %convert_element_type3A, %cond3A : i32
      scf.if %cond3A_44 {
        %add3A_45 = arith.constant 1 : i32
        %add3A_46 = arith.addi %add3A_25, %add3A_45 : i32
        %dma_start3A_47 = arith.constant 0 : i32
        %dma_start3A_48 = tpu.memref_slice %arg7[%add3A_46, %dma_start3A_47] : memref<80x128xi32, #tpu.memory_space<vmem>> -> memref<1x128xi32, #tpu.memory_space<vmem>>
        %dma_start3A_49 = tpu.memref_squeeze %dma_start3A_48 : memref<1x128xi32, #tpu.memory_space<vmem>> -> memref<128xi32, #tpu.memory_space<vmem>>
        %dma_start3A_50 = arith.constant 0 : i32
        %dma_start3A_51 = arith.constant 0 : i32
        %dma_start3A_52 = tpu.memref_slice %arg2[%dma_start3A_50, %dma_start3A_51] : memref<10240x64xf32, #tpu.memory_space<hbm>> -> memref<10240x64xf32, #tpu.memory_space<hbm>>
        tpu.enqueue_indirect_dma source(%dma_start3A_52 : memref<10240x64xf32, #tpu.memory_space<hbm>>) target(%arg9 : memref<128x64xf32, #tpu.memory_space<vmem>>) offsets(%dma_start3A_49 : memref<128xi32, #tpu.memory_space<vmem>>) semaphore(%arg12 : memref<!tpu.dma_semaphore, #tpu.memory_space<semaphore_mem>>)
      } else {
      }
      "tpu.region"() ({
        %run_scoped3A = tpu.sem_alloc : memref<!tpu.dma_semaphore, #tpu.memory_space<semaphore_mem>>
        %dma_start3A_45 = arith.constant 0 : i32
        %dma_start3A_46 = tpu.memref_slice %arg8[%add3A_25, %dma_start3A_45] : memref<80x128xi32, #tpu.memory_space<vmem>> -> memref<1x128xi32, #tpu.memory_space<vmem>>
        %dma_start3A_47 = tpu.memref_squeeze %dma_start3A_46 : memref<1x128xi32, #tpu.memory_space<vmem>> -> memref<128xi32, #tpu.memory_space<vmem>>
        %dma_start3A_48 = arith.constant 0 : i32
        %dma_start3A_49 = arith.constant 0 : i32
        %dma_start3A_50 = tpu.memref_slice %arg11[%dma_start3A_48, %dma_start3A_49] : memref<10240x64xf32, #tpu.memory_space<vmem_shared>> -> memref<10240x64xf32, #tpu.memory_space<vmem_shared>>
        tpu.enqueue_indirect_dma source(%arg10 : memref<128x64xf32, #tpu.memory_space<vmem>>) target(%dma_start3A_50 : memref<10240x64xf32, #tpu.memory_space<vmem_shared>>) offsets(%dma_start3A_47 : memref<128xi32, #tpu.memory_space<vmem>>) semaphore(%run_scoped3A : memref<!tpu.dma_semaphore, #tpu.memory_space<semaphore_mem>>) {add = true}
        %dma_wait3A_51 = arith.constant 0 : i32
        %dma_wait3A_52 = tpu.memref_slice %arg8[%add3A_25, %dma_wait3A_51] : memref<80x128xi32, #tpu.memory_space<vmem>> -> memref<1x128xi32, #tpu.memory_space<vmem>>
        %dma_wait3A_53 = tpu.memref_squeeze %dma_wait3A_52 : memref<1x128xi32, #tpu.memory_space<vmem>> -> memref<128xi32, #tpu.memory_space<vmem>>
        %dma_wait3A_54 = arith.constant 0 : i32
        %dma_wait3A_55 = arith.constant 0 : i32
        %dma_wait3A_56 = tpu.memref_slice %arg11[%dma_wait3A_54, %dma_wait3A_55] : memref<10240x64xf32, #tpu.memory_space<vmem_shared>> -> memref<10240x64xf32, #tpu.memory_space<vmem_shared>>
        tpu.wait_indirect_dma semaphore(%run_scoped3A : memref<!tpu.dma_semaphore, #tpu.memory_space<semaphore_mem>>) src(%arg10 : memref<128x64xf32, #tpu.memory_space<vmem>>) dst(%dma_wait3A_56 : memref<10240x64xf32, #tpu.memory_space<vmem_shared>>)
        tpu.yield
      }) : () -> ()
    }
    %scan3A_13 = arith.constant 40 : i32
    %barrier3A_14 = arith.constant 0 : index
    tpu.barrier barrier_id(%barrier3A_14)
    %mul3A_15 = arith.constant 640 : i32
    %mul3A_16 = arith.muli %arg1, %mul3A_15 : i32
    %mul3A_17 = arith.constant 10240 : i32
    %mul3A_18 = arith.muli %arg0, %mul3A_17 : i32
    %mul3A_19 = arith.constant 640 : i32
    %mul3A_20 = arith.muli %arg1, %mul3A_19 : i32
    %add3A = arith.addi %mul3A_18, %mul3A_20 : i32
    "tpu.region"() ({
      %run_scoped3A = tpu.sem_alloc : memref<!tpu.dma_semaphore, #tpu.memory_space<semaphore_mem>>
      %dma_start3A_21 = arith.constant 0 : i32
      %dma_start3A_22 = tpu.memref_slice %arg6[%add3A, %dma_start3A_21] : memref<20480x64xf32, #tpu.memory_space<hbm>> -> memref<640x64xf32, #tpu.memory_space<hbm>>
      %dma_start3A_23 = arith.constant 0 : i32
      %dma_start3A_24 = tpu.memref_slice %arg11[%mul3A_16, %dma_start3A_23] : memref<10240x64xf32, #tpu.memory_space<vmem_shared>> -> memref<640x64xf32, #tpu.memory_space<vmem_shared>>
      tpu.enqueue_dma source(%dma_start3A_24 : memref<640x64xf32, #tpu.memory_space<vmem_shared>>) target(%dma_start3A_22 : memref<640x64xf32, #tpu.memory_space<hbm>>) target_semaphore(%run_scoped3A : memref<!tpu.dma_semaphore, #tpu.memory_space<semaphore_mem>>)
      %dma_wait3A = arith.constant 0 : i32
      %dma_wait3A_25 = tpu.memref_slice %arg6[%add3A, %dma_wait3A] : memref<20480x64xf32, #tpu.memory_space<hbm>> -> memref<640x64xf32, #tpu.memory_space<hbm>>
      %dma_wait3A_26 = arith.constant 0 : i32
      %dma_wait3A_27 = tpu.memref_slice %arg11[%mul3A_16, %dma_wait3A_26] : memref<10240x64xf32, #tpu.memory_space<vmem_shared>> -> memref<640x64xf32, #tpu.memory_space<vmem_shared>>
      tpu.wait_dma2 semaphore(%run_scoped3A : memref<!tpu.dma_semaphore, #tpu.memory_space<semaphore_mem>>) src(%dma_wait3A_27 : memref<640x64xf32, #tpu.memory_space<vmem_shared>>) dst(%dma_wait3A_25 : memref<640x64xf32, #tpu.memory_space<hbm>>)
      tpu.yield
    }) : () -> ()
    return
  }
}

#map = affine_map<(d0, d1) -> (0, 0)>
#map1 = affine_map<(d0, d1) -> (0, 0, 0, 0)>
module attributes {stable_mosaic.version = 14 : i64} {
  func.func @segsum(%arg0: i32, %arg1: i32, %arg2: memref<10240x64xf32, #tpu.memory_space<hbm>>, %arg3: memref<2x16x80x128xi32, #tpu.memory_space<hbm>>, %arg4: memref<2x16x80x128xi32, #tpu.memory_space<hbm>>, %arg5: memref<10240x64xf32, #tpu.memory_space<hbm>>, %arg6: memref<20480x64xf32, #tpu.memory_space<hbm>>, %arg7: memref<80x128xi32, #tpu.memory_space<vmem>>, %arg8: memref<80x128xi32, #tpu.memory_space<vmem>>, %arg9: memref<128x64xf32, #tpu.memory_space<vmem>>, %arg10: memref<128x64xf32, #tpu.memory_space<vmem>>, %arg11: memref<10240x64xf32, #tpu.memory_space<vmem_shared>>, %arg12: memref<!tpu.dma_semaphore, #tpu.memory_space<semaphore_mem>>, %arg13: memref<!tpu.dma_semaphore, #tpu.memory_space<semaphore_mem>>) attributes {dimension_semantics = [#tpu.dimension_semantics<core_parallel>, #tpu.dimension_semantics<subcore_parallel>], iteration_bounds = array<i64: 2, 16>, scalar_prefetch = 0 : i64, scratch_operands = 7 : i64, tpu.core_type = #tpu.core_type<sc_vector_subcore>, window_params = [{transform_indices = #map}, {transform_indices = #map1}, {transform_indices = #map1}, {transform_indices = #map}, {transform_indices = #map}]} {
    "tpu.region"() ({
      %run_scoped3A = tpu.sem_alloc : memref<!tpu.dma_semaphore, #tpu.memory_space<semaphore_mem>>
      %dma_start3A_21 = arith.constant 0 : i32
      %dma_start3A_22 = arith.constant 0 : i32
      %dma_start3A_23 = tpu.memref_slice %arg3[%arg0, %arg1, %dma_start3A_21, %dma_start3A_22] : memref<2x16x80x128xi32, #tpu.memory_space<hbm>> -> memref<1x1x80x128xi32, #tpu.memory_space<hbm>>
      %dma_start3A_24 = tpu.memref_squeeze %dma_start3A_23 : memref<1x1x80x128xi32, #tpu.memory_space<hbm>> -> memref<80x128xi32, #tpu.memory_space<hbm>>
      %dma_start3A_25 = arith.constant 0 : i32
      %dma_start3A_26 = arith.constant 0 : i32
      %dma_start3A_27 = tpu.memref_slice %arg3[%arg0, %arg1, %dma_start3A_25, %dma_start3A_26] : memref<2x16x80x128xi32, #tpu.memory_space<hbm>> -> memref<1x1x80x128xi32, #tpu.memory_space<hbm>>
      %dma_start3A_28 = tpu.memref_squeeze %dma_start3A_27 : memref<1x1x80x128xi32, #tpu.memory_space<hbm>> -> memref<80x128xi32, #tpu.memory_space<hbm>>
      tpu.enqueue_dma source(%dma_start3A_28 : memref<80x128xi32, #tpu.memory_space<hbm>>) target(%arg7 : memref<80x128xi32, #tpu.memory_space<vmem>>) target_semaphore(%run_scoped3A : memref<!tpu.dma_semaphore, #tpu.memory_space<semaphore_mem>>)
      %dma_wait3A = arith.constant 0 : i32
      %dma_wait3A_29 = arith.constant 0 : i32
      %dma_wait3A_30 = tpu.memref_slice %arg3[%arg0, %arg1, %dma_wait3A, %dma_wait3A_29] : memref<2x16x80x128xi32, #tpu.memory_space<hbm>> -> memref<1x1x80x128xi32, #tpu.memory_space<hbm>>
      %dma_wait3A_31 = tpu.memref_squeeze %dma_wait3A_30 : memref<1x1x80x128xi32, #tpu.memory_space<hbm>> -> memref<80x128xi32, #tpu.memory_space<hbm>>
      %dma_wait3A_32 = arith.constant 0 : i32
      %dma_wait3A_33 = arith.constant 0 : i32
      %dma_wait3A_34 = tpu.memref_slice %arg3[%arg0, %arg1, %dma_wait3A_32, %dma_wait3A_33] : memref<2x16x80x128xi32, #tpu.memory_space<hbm>> -> memref<1x1x80x128xi32, #tpu.memory_space<hbm>>
      %dma_wait3A_35 = tpu.memref_squeeze %dma_wait3A_34 : memref<1x1x80x128xi32, #tpu.memory_space<hbm>> -> memref<80x128xi32, #tpu.memory_space<hbm>>
      tpu.wait_dma2 semaphore(%run_scoped3A : memref<!tpu.dma_semaphore, #tpu.memory_space<semaphore_mem>>) src(%dma_wait3A_35 : memref<80x128xi32, #tpu.memory_space<hbm>>) dst(%arg7 : memref<80x128xi32, #tpu.memory_space<vmem>>)
      tpu.yield
    }) : () -> ()
    "tpu.region"() ({
      %run_scoped3A = tpu.sem_alloc : memref<!tpu.dma_semaphore, #tpu.memory_space<semaphore_mem>>
      %dma_start3A_21 = arith.constant 0 : i32
      %dma_start3A_22 = arith.constant 0 : i32
      %dma_start3A_23 = tpu.memref_slice %arg4[%arg0, %arg1, %dma_start3A_21, %dma_start3A_22] : memref<2x16x80x128xi32, #tpu.memory_space<hbm>> -> memref<1x1x80x128xi32, #tpu.memory_space<hbm>>
      %dma_start3A_24 = tpu.memref_squeeze %dma_start3A_23 : memref<1x1x80x128xi32, #tpu.memory_space<hbm>> -> memref<80x128xi32, #tpu.memory_space<hbm>>
      %dma_start3A_25 = arith.constant 0 : i32
      %dma_start3A_26 = arith.constant 0 : i32
      %dma_start3A_27 = tpu.memref_slice %arg4[%arg0, %arg1, %dma_start3A_25, %dma_start3A_26] : memref<2x16x80x128xi32, #tpu.memory_space<hbm>> -> memref<1x1x80x128xi32, #tpu.memory_space<hbm>>
      %dma_start3A_28 = tpu.memref_squeeze %dma_start3A_27 : memref<1x1x80x128xi32, #tpu.memory_space<hbm>> -> memref<80x128xi32, #tpu.memory_space<hbm>>
      tpu.enqueue_dma source(%dma_start3A_28 : memref<80x128xi32, #tpu.memory_space<hbm>>) target(%arg8 : memref<80x128xi32, #tpu.memory_space<vmem>>) target_semaphore(%run_scoped3A : memref<!tpu.dma_semaphore, #tpu.memory_space<semaphore_mem>>)
      %dma_wait3A = arith.constant 0 : i32
      %dma_wait3A_29 = arith.constant 0 : i32
      %dma_wait3A_30 = tpu.memref_slice %arg4[%arg0, %arg1, %dma_wait3A, %dma_wait3A_29] : memref<2x16x80x128xi32, #tpu.memory_space<hbm>> -> memref<1x1x80x128xi32, #tpu.memory_space<hbm>>
      %dma_wait3A_31 = tpu.memref_squeeze %dma_wait3A_30 : memref<1x1x80x128xi32, #tpu.memory_space<hbm>> -> memref<80x128xi32, #tpu.memory_space<hbm>>
      %dma_wait3A_32 = arith.constant 0 : i32
      %dma_wait3A_33 = arith.constant 0 : i32
      %dma_wait3A_34 = tpu.memref_slice %arg4[%arg0, %arg1, %dma_wait3A_32, %dma_wait3A_33] : memref<2x16x80x128xi32, #tpu.memory_space<hbm>> -> memref<1x1x80x128xi32, #tpu.memory_space<hbm>>
      %dma_wait3A_35 = tpu.memref_squeeze %dma_wait3A_34 : memref<1x1x80x128xi32, #tpu.memory_space<hbm>> -> memref<80x128xi32, #tpu.memory_space<hbm>>
      tpu.wait_dma2 semaphore(%run_scoped3A : memref<!tpu.dma_semaphore, #tpu.memory_space<semaphore_mem>>) src(%dma_wait3A_35 : memref<80x128xi32, #tpu.memory_space<hbm>>) dst(%arg8 : memref<80x128xi32, #tpu.memory_space<vmem>>)
      tpu.yield
    }) : () -> ()
    %mul3A = arith.constant 640 : i32
    %mul3A_0 = arith.muli %arg1, %mul3A : i32
    %mul3A_1 = arith.constant 640 : i32
    %mul3A_2 = arith.muli %arg1, %mul3A_1 : i32
    "tpu.region"() ({
      %run_scoped3A = tpu.sem_alloc : memref<!tpu.dma_semaphore, #tpu.memory_space<semaphore_mem>>
      %dma_start3A_21 = arith.constant 0 : i32
      %dma_start3A_22 = tpu.memref_slice %arg11[%mul3A_2, %dma_start3A_21] : memref<10240x64xf32, #tpu.memory_space<vmem_shared>> -> memref<640x64xf32, #tpu.memory_space<vmem_shared>>
      %dma_start3A_23 = arith.constant 0 : i32
      %dma_start3A_24 = tpu.memref_slice %arg5[%mul3A_0, %dma_start3A_23] : memref<10240x64xf32, #tpu.memory_space<hbm>> -> memref<640x64xf32, #tpu.memory_space<hbm>>
      tpu.enqueue_dma source(%dma_start3A_24 : memref<640x64xf32, #tpu.memory_space<hbm>>) target(%dma_start3A_22 : memref<640x64xf32, #tpu.memory_space<vmem_shared>>) target_semaphore(%run_scoped3A : memref<!tpu.dma_semaphore, #tpu.memory_space<semaphore_mem>>)
      %dma_wait3A = arith.constant 0 : i32
      %dma_wait3A_25 = tpu.memref_slice %arg11[%mul3A_2, %dma_wait3A] : memref<10240x64xf32, #tpu.memory_space<vmem_shared>> -> memref<640x64xf32, #tpu.memory_space<vmem_shared>>
      %dma_wait3A_26 = arith.constant 0 : i32
      %dma_wait3A_27 = tpu.memref_slice %arg5[%mul3A_0, %dma_wait3A_26] : memref<10240x64xf32, #tpu.memory_space<hbm>> -> memref<640x64xf32, #tpu.memory_space<hbm>>
      tpu.wait_dma2 semaphore(%run_scoped3A : memref<!tpu.dma_semaphore, #tpu.memory_space<semaphore_mem>>) src(%dma_wait3A_27 : memref<640x64xf32, #tpu.memory_space<hbm>>) dst(%dma_wait3A_25 : memref<640x64xf32, #tpu.memory_space<vmem_shared>>)
      tpu.yield
    }) : () -> ()
    %barrier3A = arith.constant 0 : index
    tpu.barrier barrier_id(%barrier3A)
    %dma_start3A = arith.constant 0 : i32
    %dma_start3A_3 = arith.constant 0 : i32
    %dma_start3A_4 = tpu.memref_slice %arg7[%dma_start3A, %dma_start3A_3] : memref<80x128xi32, #tpu.memory_space<vmem>> -> memref<1x128xi32, #tpu.memory_space<vmem>>
    %dma_start3A_5 = tpu.memref_squeeze %dma_start3A_4 : memref<1x128xi32, #tpu.memory_space<vmem>> -> memref<128xi32, #tpu.memory_space<vmem>>
    %dma_start3A_6 = arith.constant 0 : i32
    %dma_start3A_7 = arith.constant 0 : i32
    %dma_start3A_8 = tpu.memref_slice %arg2[%dma_start3A_6, %dma_start3A_7] : memref<10240x64xf32, #tpu.memory_space<hbm>> -> memref<10240x64xf32, #tpu.memory_space<hbm>>
    tpu.enqueue_indirect_dma source(%dma_start3A_8 : memref<10240x64xf32, #tpu.memory_space<hbm>>) target(%arg9 : memref<128x64xf32, #tpu.memory_space<vmem>>) offsets(%dma_start3A_5 : memref<128xi32, #tpu.memory_space<vmem>>) semaphore(%arg12 : memref<!tpu.dma_semaphore, #tpu.memory_space<semaphore_mem>>)
    %scan3A = arith.constant 0 : i32
    %scan3A_9 = arith.constant 0 : i32
    %scan3A_10 = arith.constant 40 : i32
    %scan3A_11 = arith.addi %scan3A_9, %scan3A_10 : i32
    %scan3A_12 = arith.constant 1 : i32
    scf.for %scan3A_21 = %scan3A_9 to %scan3A_11 step %scan3A_12  : i32 {
      %mul3A_22 = arith.constant 2 : i32
      %mul3A_23 = arith.muli %mul3A_22, %scan3A_21 : i32
      %add3A_24 = arith.constant 1 : i32
      %add3A_25 = arith.addi %mul3A_23, %add3A_24 : i32
      %dma_wait3A = arith.constant 0 : i32
      %dma_wait3A_26 = tpu.memref_slice %arg7[%mul3A_23, %dma_wait3A] : memref<80x128xi32, #tpu.memory_space<vmem>> -> memref<1x128xi32, #tpu.memory_space<vmem>>
      %dma_wait3A_27 = tpu.memref_squeeze %dma_wait3A_26 : memref<1x128xi32, #tpu.memory_space<vmem>> -> memref<128xi32, #tpu.memory_space<vmem>>
      %dma_wait3A_28 = arith.constant 0 : i32
      %dma_wait3A_29 = arith.constant 0 : i32
      %dma_wait3A_30 = tpu.memref_slice %arg2[%dma_wait3A_28, %dma_wait3A_29] : memref<10240x64xf32, #tpu.memory_space<hbm>> -> memref<10240x64xf32, #tpu.memory_space<hbm>>
      tpu.wait_indirect_dma semaphore(%arg12 : memref<!tpu.dma_semaphore, #tpu.memory_space<semaphore_mem>>) src(%dma_wait3A_30 : memref<10240x64xf32, #tpu.memory_space<hbm>>) dst(%arg9 : memref<128x64xf32, #tpu.memory_space<vmem>>)
      %dma_start3A_31 = arith.constant 0 : i32
      %dma_start3A_32 = tpu.memref_slice %arg7[%add3A_25, %dma_start3A_31] : memref<80x128xi32, #tpu.memory_space<vmem>> -> memref<1x128xi32, #tpu.memory_space<vmem>>
      %dma_start3A_33 = tpu.memref_squeeze %dma_start3A_32 : memref<1x128xi32, #tpu.memory_space<vmem>> -> memref<128xi32, #tpu.memory_space<vmem>>
      %dma_start3A_34 = arith.constant 0 : i32
      %dma_start3A_35 = arith.constant 0 : i32
      %dma_start3A_36 = tpu.memref_slice %arg2[%dma_start3A_34, %dma_start3A_35] : memref<10240x64xf32, #tpu.memory_space<hbm>> -> memref<10240x64xf32, #tpu.memory_space<hbm>>
      tpu.enqueue_indirect_dma source(%dma_start3A_36 : memref<10240x64xf32, #tpu.memory_space<hbm>>) target(%arg10 : memref<128x64xf32, #tpu.memory_space<vmem>>) offsets(%dma_start3A_33 : memref<128xi32, #tpu.memory_space<vmem>>) semaphore(%arg13 : memref<!tpu.dma_semaphore, #tpu.memory_space<semaphore_mem>>)
      "tpu.region"() ({
        %run_scoped3A = tpu.sem_alloc : memref<!tpu.dma_semaphore, #tpu.memory_space<semaphore_mem>>
        %dma_start3A_45 = arith.constant 0 : i32
        %dma_start3A_46 = tpu.memref_slice %arg8[%mul3A_23, %dma_start3A_45] : memref<80x128xi32, #tpu.memory_space<vmem>> -> memref<1x128xi32, #tpu.memory_space<vmem>>
        %dma_start3A_47 = tpu.memref_squeeze %dma_start3A_46 : memref<1x128xi32, #tpu.memory_space<vmem>> -> memref<128xi32, #tpu.memory_space<vmem>>
        %dma_start3A_48 = arith.constant 0 : i32
        %dma_start3A_49 = arith.constant 0 : i32
        %dma_start3A_50 = tpu.memref_slice %arg11[%dma_start3A_48, %dma_start3A_49] : memref<10240x64xf32, #tpu.memory_space<vmem_shared>> -> memref<10240x64xf32, #tpu.memory_space<vmem_shared>>
        tpu.enqueue_indirect_dma source(%arg9 : memref<128x64xf32, #tpu.memory_space<vmem>>) target(%dma_start3A_50 : memref<10240x64xf32, #tpu.memory_space<vmem_shared>>) offsets(%dma_start3A_47 : memref<128xi32, #tpu.memory_space<vmem>>) semaphore(%run_scoped3A : memref<!tpu.dma_semaphore, #tpu.memory_space<semaphore_mem>>) {add = true}
        %dma_wait3A_51 = arith.constant 0 : i32
        %dma_wait3A_52 = tpu.memref_slice %arg8[%mul3A_23, %dma_wait3A_51] : memref<80x128xi32, #tpu.memory_space<vmem>> -> memref<1x128xi32, #tpu.memory_space<vmem>>
        %dma_wait3A_53 = tpu.memref_squeeze %dma_wait3A_52 : memref<1x128xi32, #tpu.memory_space<vmem>> -> memref<128xi32, #tpu.memory_space<vmem>>
        %dma_wait3A_54 = arith.constant 0 : i32
        %dma_wait3A_55 = arith.constant 0 : i32
        %dma_wait3A_56 = tpu.memref_slice %arg11[%dma_wait3A_54, %dma_wait3A_55] : memref<10240x64xf32, #tpu.memory_space<vmem_shared>> -> memref<10240x64xf32, #tpu.memory_space<vmem_shared>>
        tpu.wait_indirect_dma semaphore(%run_scoped3A : memref<!tpu.dma_semaphore, #tpu.memory_space<semaphore_mem>>) src(%arg9 : memref<128x64xf32, #tpu.memory_space<vmem>>) dst(%dma_wait3A_56 : memref<10240x64xf32, #tpu.memory_space<vmem_shared>>)
        tpu.yield
      }) : () -> ()
      %dma_wait3A_37 = arith.constant 0 : i32
      %dma_wait3A_38 = tpu.memref_slice %arg7[%add3A_25, %dma_wait3A_37] : memref<80x128xi32, #tpu.memory_space<vmem>> -> memref<1x128xi32, #tpu.memory_space<vmem>>
      %dma_wait3A_39 = tpu.memref_squeeze %dma_wait3A_38 : memref<1x128xi32, #tpu.memory_space<vmem>> -> memref<128xi32, #tpu.memory_space<vmem>>
      %dma_wait3A_40 = arith.constant 0 : i32
      %dma_wait3A_41 = arith.constant 0 : i32
      %dma_wait3A_42 = tpu.memref_slice %arg2[%dma_wait3A_40, %dma_wait3A_41] : memref<10240x64xf32, #tpu.memory_space<hbm>> -> memref<10240x64xf32, #tpu.memory_space<hbm>>
      tpu.wait_indirect_dma semaphore(%arg13 : memref<!tpu.dma_semaphore, #tpu.memory_space<semaphore_mem>>) src(%dma_wait3A_42 : memref<10240x64xf32, #tpu.memory_space<hbm>>) dst(%arg10 : memref<128x64xf32, #tpu.memory_space<vmem>>)
      %lt3A = arith.constant 39 : i32
      %lt3A_43 = arith.cmpi slt, %scan3A_21, %lt3A : i32
      %convert_element_type3A = arith.extui %lt3A_43 : i1 to i32
      %cond3A = arith.constant 0 : i32
      %cond3A_44 = arith.cmpi ne, %convert_element_type3A, %cond3A : i32
      scf.if %cond3A_44 {
        %add3A_45 = arith.constant 1 : i32
        %add3A_46 = arith.addi %add3A_25, %add3A_45 : i32
        %dma_start3A_47 = arith.constant 0 : i32
        %dma_start3A_48 = tpu.memref_slice %arg7[%add3A_46, %dma_start3A_47] : memref<80x128xi32, #tpu.memory_space<vmem>> -> memref<1x128xi32, #tpu.memory_space<vmem>>
        %dma_start3A_49 = tpu.memref_squeeze %dma_start3A_48 : memref<1x128xi32, #tpu.memory_space<vmem>> -> memref<128xi32, #tpu.memory_space<vmem>>
        %dma_start3A_50 = arith.constant 0 : i32
        %dma_start3A_51 = arith.constant 0 : i32
        %dma_start3A_52 = tpu.memref_slice %arg2[%dma_start3A_50, %dma_start3A_51] : memref<10240x64xf32, #tpu.memory_space<hbm>> -> memref<10240x64xf32, #tpu.memory_space<hbm>>
        tpu.enqueue_indirect_dma source(%dma_start3A_52 : memref<10240x64xf32, #tpu.memory_space<hbm>>) target(%arg9 : memref<128x64xf32, #tpu.memory_space<vmem>>) offsets(%dma_start3A_49 : memref<128xi32, #tpu.memory_space<vmem>>) semaphore(%arg12 : memref<!tpu.dma_semaphore, #tpu.memory_space<semaphore_mem>>)
      } else {
      }
      "tpu.region"() ({
        %run_scoped3A = tpu.sem_alloc : memref<!tpu.dma_semaphore, #tpu.memory_space<semaphore_mem>>
        %dma_start3A_45 = arith.constant 0 : i32
        %dma_start3A_46 = tpu.memref_slice %arg8[%add3A_25, %dma_start3A_45] : memref<80x128xi32, #tpu.memory_space<vmem>> -> memref<1x128xi32, #tpu.memory_space<vmem>>
        %dma_start3A_47 = tpu.memref_squeeze %dma_start3A_46 : memref<1x128xi32, #tpu.memory_space<vmem>> -> memref<128xi32, #tpu.memory_space<vmem>>
        %dma_start3A_48 = arith.constant 0 : i32
        %dma_start3A_49 = arith.constant 0 : i32
        %dma_start3A_50 = tpu.memref_slice %arg11[%dma_start3A_48, %dma_start3A_49] : memref<10240x64xf32, #tpu.memory_space<vmem_shared>> -> memref<10240x64xf32, #tpu.memory_space<vmem_shared>>
        tpu.enqueue_indirect_dma source(%arg10 : memref<128x64xf32, #tpu.memory_space<vmem>>) target(%dma_start3A_50 : memref<10240x64xf32, #tpu.memory_space<vmem_shared>>) offsets(%dma_start3A_47 : memref<128xi32, #tpu.memory_space<vmem>>) semaphore(%run_scoped3A : memref<!tpu.dma_semaphore, #tpu.memory_space<semaphore_mem>>) {add = true}
        %dma_wait3A_51 = arith.constant 0 : i32
        %dma_wait3A_52 = tpu.memref_slice %arg8[%add3A_25, %dma_wait3A_51] : memref<80x128xi32, #tpu.memory_space<vmem>> -> memref<1x128xi32, #tpu.memory_space<vmem>>
        %dma_wait3A_53 = tpu.memref_squeeze %dma_wait3A_52 : memref<1x128xi32, #tpu.memory_space<vmem>> -> memref<128xi32, #tpu.memory_space<vmem>>
        %dma_wait3A_54 = arith.constant 0 : i32
        %dma_wait3A_55 = arith.constant 0 : i32
        %dma_wait3A_56 = tpu.memref_slice %arg11[%dma_wait3A_54, %dma_wait3A_55] : memref<10240x64xf32, #tpu.memory_space<vmem_shared>> -> memref<10240x64xf32, #tpu.memory_space<vmem_shared>>
        tpu.wait_indirect_dma semaphore(%run_scoped3A : memref<!tpu.dma_semaphore, #tpu.memory_space<semaphore_mem>>) src(%arg10 : memref<128x64xf32, #tpu.memory_space<vmem>>) dst(%dma_wait3A_56 : memref<10240x64xf32, #tpu.memory_space<vmem_shared>>)
        tpu.yield
      }) : () -> ()
    }
    %scan3A_13 = arith.constant 40 : i32
    %barrier3A_14 = arith.constant 0 : index
    tpu.barrier barrier_id(%barrier3A_14)
    %mul3A_15 = arith.constant 640 : i32
    %mul3A_16 = arith.muli %arg1, %mul3A_15 : i32
    %mul3A_17 = arith.constant 10240 : i32
    %mul3A_18 = arith.muli %arg0, %mul3A_17 : i32
    %mul3A_19 = arith.constant 640 : i32
    %mul3A_20 = arith.muli %arg1, %mul3A_19 : i32
    %add3A = arith.addi %mul3A_18, %mul3A_20 : i32
    "tpu.region"() ({
      %run_scoped3A = tpu.sem_alloc : memref<!tpu.dma_semaphore, #tpu.memory_space<semaphore_mem>>
      %dma_start3A_21 = arith.constant 0 : i32
      %dma_start3A_22 = tpu.memref_slice %arg6[%add3A, %dma_start3A_21] : memref<20480x64xf32, #tpu.memory_space<hbm>> -> memref<640x64xf32, #tpu.memory_space<hbm>>
      %dma_start3A_23 = arith.constant 0 : i32
      %dma_start3A_24 = tpu.memref_slice %arg11[%mul3A_16, %dma_start3A_23] : memref<10240x64xf32, #tpu.memory_space<vmem_shared>> -> memref<640x64xf32, #tpu.memory_space<vmem_shared>>
      tpu.enqueue_dma source(%dma_start3A_24 : memref<640x64xf32, #tpu.memory_space<vmem_shared>>) target(%dma_start3A_22 : memref<640x64xf32, #tpu.memory_space<hbm>>) target_semaphore(%run_scoped3A : memref<!tpu.dma_semaphore, #tpu.memory_space<semaphore_mem>>)
      %dma_wait3A = arith.constant 0 : i32
      %dma_wait3A_25 = tpu.memref_slice %arg6[%add3A, %dma_wait3A] : memref<20480x64xf32, #tpu.memory_space<hbm>> -> memref<640x64xf32, #tpu.memory_space<hbm>>
      %dma_wait3A_26 = arith.constant 0 : i32
      %dma_wait3A_27 = tpu.memref_slice %arg11[%mul3A_16, %dma_wait3A_26] : memref<10240x64xf32, #tpu.memory_space<vmem_shared>> -> memref<640x64xf32, #tpu.memory_space<vmem_shared>>
      tpu.wait_dma2 semaphore(%run_scoped3A : memref<!tpu.dma_semaphore, #tpu.memory_space<semaphore_mem>>) src(%dma_wait3A_27 : memref<640x64xf32, #tpu.memory_space<vmem_shared>>) dst(%dma_wait3A_25 : memref<640x64xf32, #tpu.memory_space<hbm>>)
      tpu.yield
    }) : () -> ()
    return
  }
}

module attributes {stable_mosaic.version = 14 : i64} {
  func.func @_embed_body(%arg0: i32, %arg1: memref<1024x128xf32, #tpu.memory_space<vmem>>, %arg2: memref<128x128xf32, #tpu.memory_space<vmem>>, %arg3: memref<1x128xf32, #tpu.memory_space<vmem>>, %arg4: memref<128x128xf32, #tpu.memory_space<vmem>>, %arg5: memref<1024x64xf32, #tpu.memory_space<vmem>>, %arg6: memref<1024x64xf32, #tpu.memory_space<vmem>>) attributes {dimension_semantics = [#tpu.dimension_semantics<arbitrary>], iteration_bounds = array<i64: 10>, scalar_prefetch = 0 : i64, scratch_operands = 0 : i64, tpu.core_type = #tpu.core_type<tc>, window_params = [{transform_indices = @transform_0, window_bounds = array<i64: 1024, 128>}, {pipeline_mode = #tpu.pipeline_mode<synchronous>, transform_indices = @transform_1, window_bounds = array<i64: 128, 128>}, {pipeline_mode = #tpu.pipeline_mode<synchronous>, transform_indices = @transform_2, window_bounds = array<i64: 1, 128>}, {pipeline_mode = #tpu.pipeline_mode<synchronous>, transform_indices = @transform_3, window_bounds = array<i64: 128, 128>}, {transform_indices = @transform_4, window_bounds = array<i64: 1024, 64>}, {transform_indices = @transform_5, window_bounds = array<i64: 1024, 64>}]} {
    %get3A = arith.constant 0 : index
    %get3A_0 = arith.constant 0 : index
    %get3A_1 = vector.load %arg1[%get3A, %get3A_0] : memref<1024x128xf32, #tpu.memory_space<vmem>>, vector<1024x128xf32>
    %get3A_2 = arith.constant 0 : index
    %get3A_3 = arith.constant 0 : index
    %get3A_4 = vector.load %arg2[%get3A_2, %get3A_3] : memref<128x128xf32, #tpu.memory_space<vmem>>, vector<128x128xf32>
    %dot_general3A = arith.constant dense<0.000000e+00> : vector<1024x128xf32>
    %dot_general3A_5 = tpu.matmul %get3A_1, %get3A_4, %dot_general3A {dimension_numbers = #tpu.dot_dimension_numbers<[1], [0], [0], [1], [0, 0, 1, 1], [], []>, transpose_lhs_hint = false} : vector<1024x128xf32>, vector<128x128xf32>, vector<1024x128xf32> -> vector<1024x128xf32>
    %get3A_6 = arith.constant 0 : index
    %get3A_7 = arith.constant 0 : index
    %get3A_8 = vector.load %arg3[%get3A_6, %get3A_7] : memref<1x128xf32, #tpu.memory_space<vmem>>, vector<1x128xf32>
    %add3A = vector.broadcast %get3A_8 : vector<1x128xf32> to vector<1024x128xf32>
    %add3A_9 = arith.addf %dot_general3A_5, %add3A : vector<1024x128xf32>
    %get3A_10 = arith.constant 0 : index
    %get3A_11 = arith.constant 0 : index
    %get3A_12 = vector.load %arg4[%get3A_10, %get3A_11] : memref<128x128xf32, #tpu.memory_space<vmem>>, vector<128x128xf32>
    %dot_general3A_13 = arith.constant dense<0.000000e+00> : vector<1024x128xf32>
    %dot_general3A_14 = tpu.matmul %add3A_9, %get3A_12, %dot_general3A_13 {dimension_numbers = #tpu.dot_dimension_numbers<[1], [0], [0], [1], [0, 0, 1, 1], [], []>, transpose_lhs_hint = false} : vector<1024x128xf32>, vector<128x128xf32>, vector<1024x128xf32> -> vector<1024x128xf32>
    %slice3A = vector.extract_strided_slice %dot_general3A_14 {offsets = [0, 0], sizes = [1024, 64], strides = [1, 1]} : vector<1024x128xf32> to vector<1024x64xf32>
    %swap3A = arith.constant 0 : index
    %swap3A_15 = arith.constant 0 : index
    %swap3A_16 = vector.load %arg5[%swap3A, %swap3A_15] : memref<1024x64xf32, #tpu.memory_space<vmem>>, vector<1024x64xf32>
    tpu.vector_store %arg5[%swap3A, %swap3A_15], %slice3A {strides = array<i32>} : memref<1024x64xf32, #tpu.memory_space<vmem>>, vector<1024x64xf32>,
    %slice3A_17 = vector.extract_strided_slice %dot_general3A_14 {offsets = [0, 64], sizes = [1024, 64], strides = [1, 1]} : vector<1024x128xf32> to vector<1024x64xf32>
    %swap3A_18 = arith.constant 0 : index
    %swap3A_19 = arith.constant 0 : index
    %swap3A_20 = vector.load %arg6[%swap3A_18, %swap3A_19] : memref<1024x64xf32, #tpu.memory_space<vmem>>, vector<1024x64xf32>
    tpu.vector_store %arg6[%swap3A_18, %swap3A_19], %slice3A_17 {strides = array<i32>} : memref<1024x64xf32, #tpu.memory_space<vmem>>, vector<1024x64xf32>,
    return
  }
  func.func @transform_0(%arg0: i32) -> (i32, i32) {
    %c0_i32 = arith.constant 0 : i32
    %c0_i32_0 = arith.constant 0 : i32
    return %arg0, %c0_i32 : i32, i32
  }
  func.func @transform_1(%arg0: i32) -> (i32, i32) {
    %c0_i32 = arith.constant 0 : i32
    %c0_i32_0 = arith.constant 0 : i32
    %c0_i32_1 = arith.constant 0 : i32
    return %c0_i32, %c0_i32_0 : i32, i32
  }
  func.func @transform_2(%arg0: i32) -> (i32, i32) {
    %c0_i32 = arith.constant 0 : i32
    %c0_i32_0 = arith.constant 0 : i32
    %c0_i32_1 = arith.constant 0 : i32
    return %c0_i32, %c0_i32_0 : i32, i32
  }
  func.func @transform_3(%arg0: i32) -> (i32, i32) {
    %c0_i32 = arith.constant 0 : i32
    %c0_i32_0 = arith.constant 0 : i32
    %c0_i32_1 = arith.constant 0 : i32
    return %c0_i32, %c0_i32_0 : i32, i32
  }
  func.func @transform_4(%arg0: i32) -> (i32, i32) {
    %c0_i32 = arith.constant 0 : i32
    %c0_i32_0 = arith.constant 0 : i32
    return %arg0, %c0_i32 : i32, i32
  }
  func.func @transform_5(%arg0: i32) -> (i32, i32) {
    %c0_i32 = arith.constant 0 : i32
    %c0_i32_0 = arith.constant 0 : i32
    return %arg0, %c0_i32 : i32, i32
  }
}

module attributes {stable_mosaic.version = 14 : i64} {
  func.func @_post1_body(%arg0: i32, %arg1: i32, %arg2: memref<1024x64xf32, #tpu.memory_space<vmem>>, %arg3: memref<1024x64xf32, #tpu.memory_space<vmem>>, %arg4: memref<1024x64xf32, #tpu.memory_space<vmem>>, %arg5: memref<1024x64xf32, #tpu.memory_space<vmem>>, %arg6: memref<1x128xf32, #tpu.memory_space<vmem>>, %arg7: memref<1x128x128xf32, #tpu.memory_space<vmem>>, %arg8: memref<1024x64xf32, #tpu.memory_space<vmem>>, %arg9: memref<1024x64xf32, #tpu.memory_space<vmem>>) attributes {dimension_semantics = [#tpu.dimension_semantics<arbitrary>, #tpu.dimension_semantics<arbitrary>], iteration_bounds = array<i64: 10, 2>, scalar_prefetch = 0 : i64, scratch_operands = 0 : i64, tpu.core_type = #tpu.core_type<tc>, window_params = [{transform_indices = @transform_0, window_bounds = array<i64: 1024, 64>}, {transform_indices = @transform_1, window_bounds = array<i64: 1024, 64>}, {transform_indices = @transform_2, window_bounds = array<i64: 1024, 64>}, {transform_indices = @transform_3, window_bounds = array<i64: 1024, 64>}, {pipeline_mode = #tpu.pipeline_mode<synchronous>, transform_indices = @transform_4, window_bounds = array<i64: 1, 128>}, {transform_indices = @transform_5, window_bounds = array<i64: 1, 128, 128>}, {transform_indices = @transform_6, window_bounds = array<i64: 1024, 64>}, {transform_indices = @transform_7, window_bounds = array<i64: 1024, 64>}]} {
    %get3A = arith.constant 0 : index
    %get3A_0 = arith.constant 0 : index
    %get3A_1 = vector.load %arg2[%get3A, %get3A_0] : memref<1024x64xf32, #tpu.memory_space<vmem>>, vector<1024x64xf32>
    %get3A_2 = arith.constant 0 : index
    %get3A_3 = arith.constant 0 : index
    %get3A_4 = vector.load %arg3[%get3A_2, %get3A_3] : memref<1024x64xf32, #tpu.memory_space<vmem>>, vector<1024x64xf32>
    %add3A = arith.addf %get3A_1, %get3A_4 : vector<1024x64xf32>
    %get3A_5 = arith.constant 0 : index
    %get3A_6 = arith.constant 0 : index
    %get3A_7 = vector.load %arg4[%get3A_5, %get3A_6] : memref<1024x64xf32, #tpu.memory_space<vmem>>, vector<1024x64xf32>
    %get3A_8 = arith.constant 0 : index
    %get3A_9 = arith.constant 0 : index
    %get3A_10 = vector.load %arg5[%get3A_8, %get3A_9] : memref<1024x64xf32, #tpu.memory_space<vmem>>, vector<1024x64xf32>
    %add3A_11 = arith.addf %get3A_7, %get3A_10 : vector<1024x64xf32>
    %concatenate3A = tpu.concatenate %add3A, %add3A_11 in 1 : vector<1024x64xf32>, vector<1024x64xf32> -> vector<1024x128xf32>
    %get3A_12 = arith.constant 0 : index
    %get3A_13 = arith.constant 0 : index
    %get3A_14 = vector.load %arg6[%get3A_12, %get3A_13] : memref<1x128xf32, #tpu.memory_space<vmem>>, vector<1x128xf32>
    %add3A_15 = vector.broadcast %get3A_14 : vector<1x128xf32> to vector<1024x128xf32>
    %add3A_16 = arith.addf %concatenate3A, %add3A_15 : vector<1024x128xf32>
    %max3A = arith.constant 0.000000e+00 : f32
    %max3A_17 = vector.broadcast %max3A : f32 to vector<1024x128xf32>
    %max3A_18 = arith.maximumf %add3A_16, %max3A_17 : vector<1024x128xf32>
    %get3A_19 = arith.constant 0 : index
    %get3A_20 = arith.constant 0 : index
    %get3A_21 = arith.constant 0 : index
    %get3A_22 = vector.load %arg7[%get3A_19, %get3A_20, %get3A_21] : memref<1x128x128xf32, #tpu.memory_space<vmem>>, vector<1x128x128xf32>
    %get3A_23 = vector.shape_cast %get3A_22 : vector<1x128x128xf32> to vector<128x128xf32>
    %dot_general3A = arith.constant dense<0.000000e+00> : vector<1024x128xf32>
    %dot_general3A_24 = tpu.matmul %max3A_18, %get3A_23, %dot_general3A {dimension_numbers = #tpu.dot_dimension_numbers<[1], [0], [0], [1], [0, 0, 1, 1], [], []>, transpose_lhs_hint = false} : vector<1024x128xf32>, vector<128x128xf32>, vector<1024x128xf32> -> vector<1024x128xf32>
    %slice3A = vector.extract_strided_slice %dot_general3A_24 {offsets = [0, 0], sizes = [1024, 64], strides = [1, 1]} : vector<1024x128xf32> to vector<1024x64xf32>
    %swap3A = arith.constant 0 : index
    %swap3A_25 = arith.constant 0 : index
    %swap3A_26 = vector.load %arg8[%swap3A, %swap3A_25] : memref<1024x64xf32, #tpu.memory_space<vmem>>, vector<1024x64xf32>
    tpu.vector_store %arg8[%swap3A, %swap3A_25], %slice3A {strides = array<i32>} : memref<1024x64xf32, #tpu.memory_space<vmem>>, vector<1024x64xf32>,
    %slice3A_27 = vector.extract_strided_slice %dot_general3A_24 {offsets = [0, 64], sizes = [1024, 64], strides = [1, 1]} : vector<1024x128xf32> to vector<1024x64xf32>
    %swap3A_28 = arith.constant 0 : index
    %swap3A_29 = arith.constant 0 : index
    %swap3A_30 = vector.load %arg9[%swap3A_28, %swap3A_29] : memref<1024x64xf32, #tpu.memory_space<vmem>>, vector<1024x64xf32>
    tpu.vector_store %arg9[%swap3A_28, %swap3A_29], %slice3A_27 {strides = array<i32>} : memref<1024x64xf32, #tpu.memory_space<vmem>>, vector<1024x64xf32>,
    return
  }
  func.func @transform_0(%arg0: i32, %arg1: i32) -> (i32, i32) {
    %c0_i32 = arith.constant 0 : i32
    %c0_i32_0 = arith.constant 0 : i32
    return %arg0, %c0_i32 : i32, i32
  }
  func.func @transform_1(%arg0: i32, %arg1: i32) -> (i32, i32) {
    %add3A = arith.constant 10 : i32
    %add3A_0 = arith.addi %arg0, %add3A : i32
    %c0_i32 = arith.constant 0 : i32
    %c0_i32_1 = arith.constant 0 : i32
    return %add3A_0, %c0_i32 : i32, i32
  }
  func.func @transform_2(%arg0: i32, %arg1: i32) -> (i32, i32) {
    %c0_i32 = arith.constant 0 : i32
    %c0_i32_0 = arith.constant 0 : i32
    return %arg0, %c0_i32 : i32, i32
  }
  func.func @transform_3(%arg0: i32, %arg1: i32) -> (i32, i32) {
    %add3A = arith.constant 10 : i32
    %add3A_0 = arith.addi %arg0, %add3A : i32
    %c0_i32 = arith.constant 0 : i32
    %c0_i32_1 = arith.constant 0 : i32
    return %add3A_0, %c0_i32 : i32, i32
  }
  func.func @transform_4(%arg0: i32, %arg1: i32) -> (i32, i32) {
    %c0_i32 = arith.constant 0 : i32
    %c0_i32_0 = arith.constant 0 : i32
    %c0_i32_1 = arith.constant 0 : i32
    return %c0_i32, %c0_i32_0 : i32, i32
  }
  func.func @transform_5(%arg0: i32, %arg1: i32) -> (i32, i32, i32) {
    %c0_i32 = arith.constant 0 : i32
    %c0_i32_0 = arith.constant 0 : i32
    %c0_i32_1 = arith.constant 0 : i32
    return %arg1, %c0_i32, %c0_i32_0 : i32, i32, i32
  }
  func.func @transform_6(%arg0: i32, %arg1: i32) -> (i32, i32) {
    %mul3A = arith.constant 10 : i32
    %mul3A_0 = arith.muli %arg1, %mul3A : i32
    %add3A = arith.addi %arg0, %mul3A_0 : i32
    %c0_i32 = arith.constant 0 : i32
    %c0_i32_1 = arith.constant 0 : i32
    return %add3A, %c0_i32 : i32, i32
  }
  func.func @transform_7(%arg0: i32, %arg1: i32) -> (i32, i32) {
    %mul3A = arith.constant 10 : i32
    %mul3A_0 = arith.muli %arg1, %mul3A : i32
    %add3A = arith.addi %arg0, %mul3A_0 : i32
    %c0_i32 = arith.constant 0 : i32
    %c0_i32_1 = arith.constant 0 : i32
    return %add3A, %c0_i32 : i32, i32
  }
}

module attributes {stable_mosaic.version = 14 : i64} {
  func.func @_post2_body(%arg0: i32, %arg1: i32, %arg2: memref<1024x64xf32, #tpu.memory_space<vmem>>, %arg3: memref<1024x64xf32, #tpu.memory_space<vmem>>, %arg4: memref<1024x64xf32, #tpu.memory_space<vmem>>, %arg5: memref<1024x64xf32, #tpu.memory_space<vmem>>, %arg6: memref<1x128xf32, #tpu.memory_space<vmem>>, %arg7: memref<1x128xf32, #tpu.memory_space<vmem>>, %arg8: memref<1x128x128xf32, #tpu.memory_space<vmem>>, %arg9: memref<1024x64xf32, #tpu.memory_space<vmem>>, %arg10: memref<1024x64xf32, #tpu.memory_space<vmem>>, %arg11: memref<1024x128xf32, #tpu.memory_space<vmem>>) attributes {dimension_semantics = [#tpu.dimension_semantics<arbitrary>, #tpu.dimension_semantics<arbitrary>], iteration_bounds = array<i64: 10, 2>, scalar_prefetch = 0 : i64, scratch_operands = 0 : i64, tpu.core_type = #tpu.core_type<tc>, window_params = [{transform_indices = @transform_0, window_bounds = array<i64: 1024, 64>}, {transform_indices = @transform_1, window_bounds = array<i64: 1024, 64>}, {transform_indices = @transform_2, window_bounds = array<i64: 1024, 64>}, {transform_indices = @transform_3, window_bounds = array<i64: 1024, 64>}, {pipeline_mode = #tpu.pipeline_mode<synchronous>, transform_indices = @transform_4, window_bounds = array<i64: 1, 128>}, {pipeline_mode = #tpu.pipeline_mode<synchronous>, transform_indices = @transform_5, window_bounds = array<i64: 1, 128>}, {transform_indices = @transform_6, window_bounds = array<i64: 1, 128, 128>}, {transform_indices = @transform_7, window_bounds = array<i64: 1024, 64>}, {transform_indices = @transform_8, window_bounds = array<i64: 1024, 64>}, {transform_indices = @transform_9, window_bounds = array<i64: 1024, 128>}]} {
    %get3A = arith.constant 0 : index
    %get3A_0 = arith.constant 0 : index
    %get3A_1 = vector.load %arg2[%get3A, %get3A_0] : memref<1024x64xf32, #tpu.memory_space<vmem>>, vector<1024x64xf32>
    %get3A_2 = arith.constant 0 : index
    %get3A_3 = arith.constant 0 : index
    %get3A_4 = vector.load %arg3[%get3A_2, %get3A_3] : memref<1024x64xf32, #tpu.memory_space<vmem>>, vector<1024x64xf32>
    %concatenate3A = tpu.concatenate %get3A_1, %get3A_4 in 1 : vector<1024x64xf32>, vector<1024x64xf32> -> vector<1024x128xf32>
    %get3A_5 = arith.constant 0 : index
    %get3A_6 = arith.constant 0 : index
    %get3A_7 = vector.load %arg6[%get3A_5, %get3A_6] : memref<1x128xf32, #tpu.memory_space<vmem>>, vector<1x128xf32>
    %add3A = vector.broadcast %get3A_7 : vector<1x128xf32> to vector<1024x128xf32>
    %add3A_8 = arith.addf %concatenate3A, %add3A : vector<1024x128xf32>
    %max3A = arith.constant 0.000000e+00 : f32
    %max3A_9 = vector.broadcast %max3A : f32 to vector<1024x128xf32>
    %max3A_10 = arith.maximumf %add3A_8, %max3A_9 : vector<1024x128xf32>
    %get3A_11 = arith.constant 0 : index
    %get3A_12 = arith.constant 0 : index
    %get3A_13 = arith.constant 0 : index
    %get3A_14 = vector.load %arg8[%get3A_11, %get3A_12, %get3A_13] : memref<1x128x128xf32, #tpu.memory_space<vmem>>, vector<1x128x128xf32>
    %get3A_15 = vector.shape_cast %get3A_14 : vector<1x128x128xf32> to vector<128x128xf32>
    %dot_general3A = arith.constant dense<0.000000e+00> : vector<1024x128xf32>
    %dot_general3A_16 = tpu.matmul %max3A_10, %get3A_15, %dot_general3A {dimension_numbers = #tpu.dot_dimension_numbers<[1], [0], [0], [1], [0, 0, 1, 1], [], []>, transpose_lhs_hint = false} : vector<1024x128xf32>, vector<128x128xf32>, vector<1024x128xf32> -> vector<1024x128xf32>
    %slice3A = vector.extract_strided_slice %dot_general3A_16 {offsets = [0, 0], sizes = [1024, 64], strides = [1, 1]} : vector<1024x128xf32> to vector<1024x64xf32>
    %swap3A = arith.constant 0 : index
    %swap3A_17 = arith.constant 0 : index
    %swap3A_18 = vector.load %arg9[%swap3A, %swap3A_17] : memref<1024x64xf32, #tpu.memory_space<vmem>>, vector<1024x64xf32>
    tpu.vector_store %arg9[%swap3A, %swap3A_17], %slice3A {strides = array<i32>} : memref<1024x64xf32, #tpu.memory_space<vmem>>, vector<1024x64xf32>,
    %slice3A_19 = vector.extract_strided_slice %dot_general3A_16 {offsets = [0, 64], sizes = [1024, 64], strides = [1, 1]} : vector<1024x128xf32> to vector<1024x64xf32>
    %swap3A_20 = arith.constant 0 : index
    %swap3A_21 = arith.constant 0 : index
    %swap3A_22 = vector.load %arg10[%swap3A_20, %swap3A_21] : memref<1024x64xf32, #tpu.memory_space<vmem>>, vector<1024x64xf32>
    tpu.vector_store %arg10[%swap3A_20, %swap3A_21], %slice3A_19 {strides = array<i32>} : memref<1024x64xf32, #tpu.memory_space<vmem>>, vector<1024x64xf32>,
    %get3A_23 = arith.constant 0 : index
    %get3A_24 = arith.constant 0 : index
    %get3A_25 = vector.load %arg4[%get3A_23, %get3A_24] : memref<1024x64xf32, #tpu.memory_space<vmem>>, vector<1024x64xf32>
    %get3A_26 = arith.constant 0 : index
    %get3A_27 = arith.constant 0 : index
    %get3A_28 = vector.load %arg5[%get3A_26, %get3A_27] : memref<1024x64xf32, #tpu.memory_space<vmem>>, vector<1024x64xf32>
    %concatenate3A_29 = tpu.concatenate %get3A_25, %get3A_28 in 1 : vector<1024x64xf32>, vector<1024x64xf32> -> vector<1024x128xf32>
    %get3A_30 = arith.constant 0 : index
    %get3A_31 = arith.constant 0 : index
    %get3A_32 = vector.load %arg7[%get3A_30, %get3A_31] : memref<1x128xf32, #tpu.memory_space<vmem>>, vector<1x128xf32>
    %add3A_33 = vector.broadcast %get3A_32 : vector<1x128xf32> to vector<1024x128xf32>
    %add3A_34 = arith.addf %concatenate3A_29, %add3A_33 : vector<1024x128xf32>
    %max3A_35 = arith.constant 0.000000e+00 : f32
    %max3A_36 = vector.broadcast %max3A_35 : f32 to vector<1024x128xf32>
    %max3A_37 = arith.maximumf %add3A_34, %max3A_36 : vector<1024x128xf32>
    %swap3A_38 = arith.constant 0 : index
    %swap3A_39 = arith.constant 0 : index
    %swap3A_40 = vector.load %arg11[%swap3A_38, %swap3A_39] : memref<1024x128xf32, #tpu.memory_space<vmem>>, vector<1024x128xf32>
    tpu.vector_store %arg11[%swap3A_38, %swap3A_39], %max3A_37 {strides = array<i32>} : memref<1024x128xf32, #tpu.memory_space<vmem>>, vector<1024x128xf32>,
    return
  }
  func.func @transform_0(%arg0: i32, %arg1: i32) -> (i32, i32) {
    %c0_i32 = arith.constant 0 : i32
    %c0_i32_0 = arith.constant 0 : i32
    return %arg0, %c0_i32 : i32, i32
  }
  func.func @transform_1(%arg0: i32, %arg1: i32) -> (i32, i32) {
    %c0_i32 = arith.constant 0 : i32
    %c0_i32_0 = arith.constant 0 : i32
    return %arg0, %c0_i32 : i32, i32
  }
  func.func @transform_2(%arg0: i32, %arg1: i32) -> (i32, i32) {
    %add3A = arith.constant 10 : i32
    %add3A_0 = arith.addi %arg0, %add3A : i32
    %c0_i32 = arith.constant 0 : i32
    %c0_i32_1 = arith.constant 0 : i32
    return %add3A_0, %c0_i32 : i32, i32
  }
  func.func @transform_3(%arg0: i32, %arg1: i32) -> (i32, i32) {
    %add3A = arith.constant 10 : i32
    %add3A_0 = arith.addi %arg0, %add3A : i32
    %c0_i32 = arith.constant 0 : i32
    %c0_i32_1 = arith.constant 0 : i32
    return %add3A_0, %c0_i32 : i32, i32
  }
  func.func @transform_4(%arg0: i32, %arg1: i32) -> (i32, i32) {
    %c0_i32 = arith.constant 0 : i32
    %c0_i32_0 = arith.constant 0 : i32
    %c0_i32_1 = arith.constant 0 : i32
    return %c0_i32, %c0_i32_0 : i32, i32
  }
  func.func @transform_5(%arg0: i32, %arg1: i32) -> (i32, i32) {
    %c0_i32 = arith.constant 0 : i32
    %c0_i32_0 = arith.constant 0 : i32
    %c0_i32_1 = arith.constant 0 : i32
    return %c0_i32, %c0_i32_0 : i32, i32
  }
  func.func @transform_6(%arg0: i32, %arg1: i32) -> (i32, i32, i32) {
    %c0_i32 = arith.constant 0 : i32
    %c0_i32_0 = arith.constant 0 : i32
    %c0_i32_1 = arith.constant 0 : i32
    return %arg1, %c0_i32, %c0_i32_0 : i32, i32, i32
  }
  func.func @transform_7(%arg0: i32, %arg1: i32) -> (i32, i32) {
    %mul3A = arith.constant 10 : i32
    %mul3A_0 = arith.muli %arg1, %mul3A : i32
    %add3A = arith.addi %arg0, %mul3A_0 : i32
    %c0_i32 = arith.constant 0 : i32
    %c0_i32_1 = arith.constant 0 : i32
    return %add3A, %c0_i32 : i32, i32
  }
  func.func @transform_8(%arg0: i32, %arg1: i32) -> (i32, i32) {
    %mul3A = arith.constant 10 : i32
    %mul3A_0 = arith.muli %arg1, %mul3A : i32
    %add3A = arith.addi %arg0, %mul3A_0 : i32
    %c0_i32 = arith.constant 0 : i32
    %c0_i32_1 = arith.constant 0 : i32
    return %add3A, %c0_i32 : i32, i32
  }
  func.func @transform_9(%arg0: i32, %arg1: i32) -> (i32, i32) {
    %c0_i32 = arith.constant 0 : i32
    %c0_i32_0 = arith.constant 0 : i32
    return %arg0, %c0_i32 : i32, i32
  }
}

module attributes {stable_mosaic.version = 14 : i64} {
  func.func @_post3_body(%arg0: i32, %arg1: memref<1024x64xf32, #tpu.memory_space<vmem>>, %arg2: memref<1024x64xf32, #tpu.memory_space<vmem>>, %arg3: memref<1024x64xf32, #tpu.memory_space<vmem>>, %arg4: memref<1024x64xf32, #tpu.memory_space<vmem>>, %arg5: memref<1x128xf32, #tpu.memory_space<vmem>>, %arg6: memref<1x128xf32, #tpu.memory_space<vmem>>, %arg7: memref<128x128xf32, #tpu.memory_space<vmem>>, %arg8: memref<1024x64xf32, #tpu.memory_space<vmem>>, %arg9: memref<1024x64xf32, #tpu.memory_space<vmem>>, %arg10: memref<1024x128xf32, #tpu.memory_space<vmem>>) attributes {dimension_semantics = [#tpu.dimension_semantics<arbitrary>], iteration_bounds = array<i64: 10>, scalar_prefetch = 0 : i64, scratch_operands = 0 : i64, tpu.core_type = #tpu.core_type<tc>, window_params = [{transform_indices = @transform_0, window_bounds = array<i64: 1024, 64>}, {transform_indices = @transform_1, window_bounds = array<i64: 1024, 64>}, {transform_indices = @transform_2, window_bounds = array<i64: 1024, 64>}, {transform_indices = @transform_3, window_bounds = array<i64: 1024, 64>}, {pipeline_mode = #tpu.pipeline_mode<synchronous>, transform_indices = @transform_4, window_bounds = array<i64: 1, 128>}, {pipeline_mode = #tpu.pipeline_mode<synchronous>, transform_indices = @transform_5, window_bounds = array<i64: 1, 128>}, {pipeline_mode = #tpu.pipeline_mode<synchronous>, transform_indices = @transform_6, window_bounds = array<i64: 128, 128>}, {transform_indices = @transform_7, window_bounds = array<i64: 1024, 64>}, {transform_indices = @transform_8, window_bounds = array<i64: 1024, 64>}, {transform_indices = @transform_9, window_bounds = array<i64: 1024, 128>}]} {
    %get3A = arith.constant 0 : index
    %get3A_0 = arith.constant 0 : index
    %get3A_1 = vector.load %arg1[%get3A, %get3A_0] : memref<1024x64xf32, #tpu.memory_space<vmem>>, vector<1024x64xf32>
    %get3A_2 = arith.constant 0 : index
    %get3A_3 = arith.constant 0 : index
    %get3A_4 = vector.load %arg2[%get3A_2, %get3A_3] : memref<1024x64xf32, #tpu.memory_space<vmem>>, vector<1024x64xf32>
    %concatenate3A = tpu.concatenate %get3A_1, %get3A_4 in 1 : vector<1024x64xf32>, vector<1024x64xf32> -> vector<1024x128xf32>
    %get3A_5 = arith.constant 0 : index
    %get3A_6 = arith.constant 0 : index
    %get3A_7 = vector.load %arg5[%get3A_5, %get3A_6] : memref<1x128xf32, #tpu.memory_space<vmem>>, vector<1x128xf32>
    %add3A = vector.broadcast %get3A_7 : vector<1x128xf32> to vector<1024x128xf32>
    %add3A_8 = arith.addf %concatenate3A, %add3A : vector<1024x128xf32>
    %max3A = arith.constant 0.000000e+00 : f32
    %max3A_9 = vector.broadcast %max3A : f32 to vector<1024x128xf32>
    %max3A_10 = arith.maximumf %add3A_8, %max3A_9 : vector<1024x128xf32>
    %get3A_11 = arith.constant 0 : index
    %get3A_12 = arith.constant 0 : index
    %get3A_13 = vector.load %arg7[%get3A_11, %get3A_12] : memref<128x128xf32, #tpu.memory_space<vmem>>, vector<128x128xf32>
    %dot_general3A = arith.constant dense<0.000000e+00> : vector<1024x128xf32>
    %dot_general3A_14 = tpu.matmul %max3A_10, %get3A_13, %dot_general3A {dimension_numbers = #tpu.dot_dimension_numbers<[1], [0], [0], [1], [0, 0, 1, 1], [], []>, transpose_lhs_hint = false} : vector<1024x128xf32>, vector<128x128xf32>, vector<1024x128xf32> -> vector<1024x128xf32>
    %slice3A = vector.extract_strided_slice %dot_general3A_14 {offsets = [0, 0], sizes = [1024, 64], strides = [1, 1]} : vector<1024x128xf32> to vector<1024x64xf32>
    %swap3A = arith.constant 0 : index
    %swap3A_15 = arith.constant 0 : index
    %swap3A_16 = vector.load %arg8[%swap3A, %swap3A_15] : memref<1024x64xf32, #tpu.memory_space<vmem>>, vector<1024x64xf32>
    tpu.vector_store %arg8[%swap3A, %swap3A_15], %slice3A {strides = array<i32>} : memref<1024x64xf32, #tpu.memory_space<vmem>>, vector<1024x64xf32>,
    %slice3A_17 = vector.extract_strided_slice %dot_general3A_14 {offsets = [0, 64], sizes = [1024, 64], strides = [1, 1]} : vector<1024x128xf32> to vector<1024x64xf32>
    %swap3A_18 = arith.constant 0 : index
    %swap3A_19 = arith.constant 0 : index
    %swap3A_20 = vector.load %arg9[%swap3A_18, %swap3A_19] : memref<1024x64xf32, #tpu.memory_space<vmem>>, vector<1024x64xf32>
    tpu.vector_store %arg9[%swap3A_18, %swap3A_19], %slice3A_17 {strides = array<i32>} : memref<1024x64xf32, #tpu.memory_space<vmem>>, vector<1024x64xf32>,
    %get3A_21 = arith.constant 0 : index
    %get3A_22 = arith.constant 0 : index
    %get3A_23 = vector.load %arg3[%get3A_21, %get3A_22] : memref<1024x64xf32, #tpu.memory_space<vmem>>, vector<1024x64xf32>
    %get3A_24 = arith.constant 0 : index
    %get3A_25 = arith.constant 0 : index
    %get3A_26 = vector.load %arg4[%get3A_24, %get3A_25] : memref<1024x64xf32, #tpu.memory_space<vmem>>, vector<1024x64xf32>
    %concatenate3A_27 = tpu.concatenate %get3A_23, %get3A_26 in 1 : vector<1024x64xf32>, vector<1024x64xf32> -> vector<1024x128xf32>
    %get3A_28 = arith.constant 0 : index
    %get3A_29 = arith.constant 0 : index
    %get3A_30 = vector.load %arg6[%get3A_28, %get3A_29] : memref<1x128xf32, #tpu.memory_space<vmem>>, vector<1x128xf32>
    %add3A_31 = vector.broadcast %get3A_30 : vector<1x128xf32> to vector<1024x128xf32>
    %add3A_32 = arith.addf %concatenate3A_27, %add3A_31 : vector<1024x128xf32>
    %max3A_33 = arith.constant 0.000000e+00 : f32
    %max3A_34 = vector.broadcast %max3A_33 : f32 to vector<1024x128xf32>
    %max3A_35 = arith.maximumf %add3A_32, %max3A_34 : vector<1024x128xf32>
    %swap3A_36 = arith.constant 0 : index
    %swap3A_37 = arith.constant 0 : index
    %swap3A_38 = vector.load %arg10[%swap3A_36, %swap3A_37] : memref<1024x128xf32, #tpu.memory_space<vmem>>, vector<1024x128xf32>
    tpu.vector_store %arg10[%swap3A_36, %swap3A_37], %max3A_35 {strides = array<i32>} : memref<1024x128xf32, #tpu.memory_space<vmem>>, vector<1024x128xf32>,
    return
  }
  func.func @transform_0(%arg0: i32) -> (i32, i32) {
    %c0_i32 = arith.constant 0 : i32
    %c0_i32_0 = arith.constant 0 : i32
    return %arg0, %c0_i32 : i32, i32
  }
  func.func @transform_1(%arg0: i32) -> (i32, i32) {
    %c0_i32 = arith.constant 0 : i32
    %c0_i32_0 = arith.constant 0 : i32
    return %arg0, %c0_i32 : i32, i32
  }
  func.func @transform_2(%arg0: i32) -> (i32, i32) {
    %add3A = arith.constant 10 : i32
    %add3A_0 = arith.addi %arg0, %add3A : i32
    %c0_i32 = arith.constant 0 : i32
    %c0_i32_1 = arith.constant 0 : i32
    return %add3A_0, %c0_i32 : i32, i32
  }
  func.func @transform_3(%arg0: i32) -> (i32, i32) {
    %add3A = arith.constant 10 : i32
    %add3A_0 = arith.addi %arg0, %add3A : i32
    %c0_i32 = arith.constant 0 : i32
    %c0_i32_1 = arith.constant 0 : i32
    return %add3A_0, %c0_i32 : i32, i32
  }
  func.func @transform_4(%arg0: i32) -> (i32, i32) {
    %c0_i32 = arith.constant 0 : i32
    %c0_i32_0 = arith.constant 0 : i32
    %c0_i32_1 = arith.constant 0 : i32
    return %c0_i32, %c0_i32_0 : i32, i32
  }
  func.func @transform_5(%arg0: i32) -> (i32, i32) {
    %c0_i32 = arith.constant 0 : i32
    %c0_i32_0 = arith.constant 0 : i32
    %c0_i32_1 = arith.constant 0 : i32
    return %c0_i32, %c0_i32_0 : i32, i32
  }
  func.func @transform_6(%arg0: i32) -> (i32, i32) {
    %c0_i32 = arith.constant 0 : i32
    %c0_i32_0 = arith.constant 0 : i32
    %c0_i32_1 = arith.constant 0 : i32
    return %c0_i32, %c0_i32_0 : i32, i32
  }
  func.func @transform_7(%arg0: i32) -> (i32, i32) {
    %c0_i32 = arith.constant 0 : i32
    %c0_i32_0 = arith.constant 0 : i32
    return %arg0, %c0_i32 : i32, i32
  }
  func.func @transform_8(%arg0: i32) -> (i32, i32) {
    %c0_i32 = arith.constant 0 : i32
    %c0_i32_0 = arith.constant 0 : i32
    return %arg0, %c0_i32 : i32, i32
  }
  func.func @transform_9(%arg0: i32) -> (i32, i32) {
    %c0_i32 = arith.constant 0 : i32
    %c0_i32_0 = arith.constant 0 : i32
    return %arg0, %c0_i32 : i32, i32
  }
}

module attributes {stable_mosaic.version = 14 : i64} {
  func.func @_final_body(%arg0: i32, %arg1: memref<1024x64xf32, #tpu.memory_space<vmem>>, %arg2: memref<1024x64xf32, #tpu.memory_space<vmem>>, %arg3: memref<1024x64xf32, #tpu.memory_space<vmem>>, %arg4: memref<1024x64xf32, #tpu.memory_space<vmem>>, %arg5: memref<1x128xf32, #tpu.memory_space<vmem>>, %arg6: memref<1024x128xf32, #tpu.memory_space<vmem>>, %arg7: memref<1024x128xf32, #tpu.memory_space<vmem>>, %arg8: memref<384x1xf32, #tpu.memory_space<vmem>>, %arg9: memref<1024x128xf32, #tpu.memory_space<vmem>>, %arg10: memref<1024x1xf32, #tpu.memory_space<vmem>>, %arg11: memref<1024x1xf32, #tpu.memory_space<vmem>>) attributes {dimension_semantics = [#tpu.dimension_semantics<arbitrary>], iteration_bounds = array<i64: 10>, scalar_prefetch = 0 : i64, scratch_operands = 0 : i64, tpu.core_type = #tpu.core_type<tc>, window_params = [{transform_indices = @transform_0, window_bounds = array<i64: 1024, 64>}, {transform_indices = @transform_1, window_bounds = array<i64: 1024, 64>}, {transform_indices = @transform_2, window_bounds = array<i64: 1024, 64>}, {transform_indices = @transform_3, window_bounds = array<i64: 1024, 64>}, {pipeline_mode = #tpu.pipeline_mode<synchronous>, transform_indices = @transform_4, window_bounds = array<i64: 1, 128>}, {transform_indices = @transform_5, window_bounds = array<i64: 1024, 128>}, {transform_indices = @transform_6, window_bounds = array<i64: 1024, 128>}, {pipeline_mode = #tpu.pipeline_mode<synchronous>, transform_indices = @transform_7, window_bounds = array<i64: 384, 1>}, {transform_indices = @transform_8, window_bounds = array<i64: 1024, 128>}, {transform_indices = @transform_9, window_bounds = array<i64: 1024, 1>}, {transform_indices = @transform_10, window_bounds = array<i64: 1024, 1>}]} {
    %get3A = arith.constant 0 : index
    %get3A_0 = arith.constant 0 : index
    %get3A_1 = vector.load %arg1[%get3A, %get3A_0] : memref<1024x64xf32, #tpu.memory_space<vmem>>, vector<1024x64xf32>
    %get3A_2 = arith.constant 0 : index
    %get3A_3 = arith.constant 0 : index
    %get3A_4 = vector.load %arg2[%get3A_2, %get3A_3] : memref<1024x64xf32, #tpu.memory_space<vmem>>, vector<1024x64xf32>
    %add3A = arith.addf %get3A_1, %get3A_4 : vector<1024x64xf32>
    %get3A_5 = arith.constant 0 : index
    %get3A_6 = arith.constant 0 : index
    %get3A_7 = vector.load %arg3[%get3A_5, %get3A_6] : memref<1024x64xf32, #tpu.memory_space<vmem>>, vector<1024x64xf32>
    %get3A_8 = arith.constant 0 : index
    %get3A_9 = arith.constant 0 : index
    %get3A_10 = vector.load %arg4[%get3A_8, %get3A_9] : memref<1024x64xf32, #tpu.memory_space<vmem>>, vector<1024x64xf32>
    %add3A_11 = arith.addf %get3A_7, %get3A_10 : vector<1024x64xf32>
    %concatenate3A = tpu.concatenate %add3A, %add3A_11 in 1 : vector<1024x64xf32>, vector<1024x64xf32> -> vector<1024x128xf32>
    %get3A_12 = arith.constant 0 : index
    %get3A_13 = arith.constant 0 : index
    %get3A_14 = vector.load %arg5[%get3A_12, %get3A_13] : memref<1x128xf32, #tpu.memory_space<vmem>>, vector<1x128xf32>
    %add3A_15 = vector.broadcast %get3A_14 : vector<1x128xf32> to vector<1024x128xf32>
    %add3A_16 = arith.addf %concatenate3A, %add3A_15 : vector<1024x128xf32>
    %max3A = arith.constant 0.000000e+00 : f32
    %max3A_17 = vector.broadcast %max3A : f32 to vector<1024x128xf32>
    %max3A_18 = arith.maximumf %add3A_16, %max3A_17 : vector<1024x128xf32>
    %swap3A = arith.constant 0 : index
    %swap3A_19 = arith.constant 0 : index
    %swap3A_20 = vector.load %arg9[%swap3A, %swap3A_19] : memref<1024x128xf32, #tpu.memory_space<vmem>>, vector<1024x128xf32>
    tpu.vector_store %arg9[%swap3A, %swap3A_19], %max3A_18 {strides = array<i32>} : memref<1024x128xf32, #tpu.memory_space<vmem>>, vector<1024x128xf32>,
    %get3A_21 = arith.constant 0 : index
    %get3A_22 = arith.constant 0 : index
    %get3A_23 = vector.load %arg6[%get3A_21, %get3A_22] : memref<1024x128xf32, #tpu.memory_space<vmem>>, vector<1024x128xf32>
    %get3A_24 = arith.constant 0 : index
    %get3A_25 = arith.constant 0 : index
    %get3A_26 = vector.load %arg7[%get3A_24, %get3A_25] : memref<1024x128xf32, #tpu.memory_space<vmem>>, vector<1024x128xf32>
    %concatenate3A_27 = tpu.concatenate %get3A_23, %get3A_26, %max3A_18 in 1 : vector<1024x128xf32>, vector<1024x128xf32>, vector<1024x128xf32> -> vector<1024x384xf32>
    %get3A_28 = arith.constant 0 : index
    %get3A_29 = arith.constant 0 : index
    %get3A_30 = vector.load %arg8[%get3A_28, %get3A_29] : memref<384x1xf32, #tpu.memory_space<vmem>>, vector<384x1xf32>
    %dot_general3A = arith.constant dense<0.000000e+00> : vector<1024x1xf32>
    %dot_general3A_31 = tpu.matmul %concatenate3A_27, %get3A_30, %dot_general3A {dimension_numbers = #tpu.dot_dimension_numbers<[1], [0], [0], [1], [0, 0, 1, 1], [], []>, transpose_lhs_hint = false} : vector<1024x384xf32>, vector<384x1xf32>, vector<1024x1xf32> -> vector<1024x1xf32>
    %swap3A_32 = arith.constant 0 : index
    %swap3A_33 = arith.constant 0 : index
    %swap3A_34 = vector.load %arg10[%swap3A_32, %swap3A_33] : memref<1024x1xf32, #tpu.memory_space<vmem>>, vector<1024x1xf32>
    tpu.vector_store %arg10[%swap3A_32, %swap3A_33], %dot_general3A_31 {strides = array<i32>} : memref<1024x1xf32, #tpu.memory_space<vmem>>, vector<1024x1xf32>,
    %logistic3A = arith.negf %dot_general3A_31 : vector<1024x1xf32>
    %logistic3A_35 = math.exp %logistic3A : vector<1024x1xf32>
    %logistic3A_36 = arith.constant 1.000000e+00 : f32
    %logistic3A_37 = vector.broadcast %logistic3A_36 : f32 to vector<1024x1xf32>
    %logistic3A_38 = arith.addf %logistic3A_37, %logistic3A_35 : vector<1024x1xf32>
    %logistic3A_39 = arith.divf %logistic3A_37, %logistic3A_38 : vector<1024x1xf32>
    %swap3A_40 = arith.constant 0 : index
    %swap3A_41 = arith.constant 0 : index
    %swap3A_42 = vector.load %arg11[%swap3A_40, %swap3A_41] : memref<1024x1xf32, #tpu.memory_space<vmem>>, vector<1024x1xf32>
    tpu.vector_store %arg11[%swap3A_40, %swap3A_41], %logistic3A_39 {strides = array<i32>} : memref<1024x1xf32, #tpu.memory_space<vmem>>, vector<1024x1xf32>,
    return
  }
  func.func @transform_0(%arg0: i32) -> (i32, i32) {
    %c0_i32 = arith.constant 0 : i32
    %c0_i32_0 = arith.constant 0 : i32
    return %arg0, %c0_i32 : i32, i32
  }
  func.func @transform_1(%arg0: i32) -> (i32, i32) {
    %add3A = arith.constant 10 : i32
    %add3A_0 = arith.addi %arg0, %add3A : i32
    %c0_i32 = arith.constant 0 : i32
    %c0_i32_1 = arith.constant 0 : i32
    return %add3A_0, %c0_i32 : i32, i32
  }
  func.func @transform_2(%arg0: i32) -> (i32, i32) {
    %c0_i32 = arith.constant 0 : i32
    %c0_i32_0 = arith.constant 0 : i32
    return %arg0, %c0_i32 : i32, i32
  }
  func.func @transform_3(%arg0: i32) -> (i32, i32) {
    %add3A = arith.constant 10 : i32
    %add3A_0 = arith.addi %arg0, %add3A : i32
    %c0_i32 = arith.constant 0 : i32
    %c0_i32_1 = arith.constant 0 : i32
    return %add3A_0, %c0_i32 : i32, i32
  }
  func.func @transform_4(%arg0: i32) -> (i32, i32) {
    %c0_i32 = arith.constant 0 : i32
    %c0_i32_0 = arith.constant 0 : i32
    %c0_i32_1 = arith.constant 0 : i32
    return %c0_i32, %c0_i32_0 : i32, i32
  }
  func.func @transform_5(%arg0: i32) -> (i32, i32) {
    %c0_i32 = arith.constant 0 : i32
    %c0_i32_0 = arith.constant 0 : i32
    return %arg0, %c0_i32 : i32, i32
  }
  func.func @transform_6(%arg0: i32) -> (i32, i32) {
    %c0_i32 = arith.constant 0 : i32
    %c0_i32_0 = arith.constant 0 : i32
    return %arg0, %c0_i32 : i32, i32
  }
  func.func @transform_7(%arg0: i32) -> (i32, i32) {
    %c0_i32 = arith.constant 0 : i32
    %c0_i32_0 = arith.constant 0 : i32
    %c0_i32_1 = arith.constant 0 : i32
    return %c0_i32, %c0_i32_0 : i32, i32
  }
  func.func @transform_8(%arg0: i32) -> (i32, i32) {
    %c0_i32 = arith.constant 0 : i32
    %c0_i32_0 = arith.constant 0 : i32
    return %arg0, %c0_i32 : i32, i32
  }
  func.func @transform_9(%arg0: i32) -> (i32, i32) {
    %c0_i32 = arith.constant 0 : i32
    %c0_i32_0 = arith.constant 0 : i32
    return %arg0, %c0_i32 : i32, i32
  }
  func.func @transform_10(%arg0: i32) -> (i32, i32) {
    %c0_i32 = arith.constant 0 : i32
    %c0_i32_0 = arith.constant 0 : i32
    return %arg0, %c0_i32 : i32, i32
  }
}

</mosaic_0001>

<sc_bundles>
// kernel: kernel.15.cloned.1.call-start
scs
__scs_entry_jumppad:
0x0: {  	(pc) =	sbr.rel $0x88, $3  }
0x1: {  	(tag) =	ssettag $0x0;
	lr =	simm.s32 $0x1  }
0x2: {  	[smem:$0x3F90] =	sst lr;
	_ =	strace $0xD0000000  }
0x3: {  	_ = 	snop  }
0x4: {  	_ = 	snop  }
0x5: {  	_ = 	snop  }
0x6: {  	_ = 	snop  }
0x7: {  	_ = 	snop  }
__scs_overlays_trampoline_lowered:
0x8: {  	[smem:$0x3F9F] =	sst s0  }
0x9: {  	[smem:$0x3FA0] =	sst s1  }
0xa: {  	[smem:$0x3FA1] =	sst s2  }
0xb: {  	[smem:$0x3FA2] =	sst s3  }
0xc: {  	[smem:$0x3FA3] =	sst s4  }
0xd: {  	[smem:$0x3FA4] =	sst s5  }
0xe: {  	[smem:$0x3FA5] =	sst s6  }
0xf: {  	[smem:$0x3FA6] =	sst s7  }
0x10: {  	[smem:$0x3FA7] =	sst s8  }
0x11: {  	[smem:$0x3FA8] =	sst s9;
	s0 =	simm.s32 @!p0 $0x0  }
0x12: {  	s1 =	sld [smem:$0x3F8E];
	s0 =	simm.s32 @p0 $0x1  }
0x13: {  	[smem:$0x3FA9] =	sst s0;
	s0 =	simm.s32 @!p1 $0x0  }
0x14: {  	s2 =	sld [smem:$0x3F8D];
	s0 =	simm.s32 @p1 $0x1  }
0x15: {  	[smem:$0x3FAA] =	sst s0;
	s0 =	simm.s32 @!p2 $0x0  }
0x16: {  	s3 =	sld [smem:$0x3FDB];
	s0 =	simm.s32 @p2 $0x1  }
0x17: {  	s4 =	simm.s32 $0x1BF5;
	[smem:$0x3FAC] =	sst s0  }
0x18: {  	s0 =	sld [smem:$0x3F8F];
	_ =	swait.ge [sflag:s4], $0x0  }
0x19: {  	s7 =	sld [smem:$0x3F90]  }
0x1a: {  	s8 =	sadd.s32 $0xFFFFE003, lr  }
0x1b: {  	s9 =	sadd.s32 $0xFFFFFEF7, lr;
	s5 =	simm.s32 $0xFFFFFFFF;
	p2 =	slt.u32 s8, $0xFFFFF086  }
0x1c: {  	p1 =	slt.u32 s9, $0xF7A;
	s5 =	simm.s32 @!p2 $0x0  }
0x1d: {  	s5 =	simm.s32 @p1 $0x1;
	p0 =	seq.s32 s7, s2  }
0x1e: {  	s7 =	smul.u32 @!p0 $0xF7A, s2;
	p2 =	seq.s32 @!p0 s5, $0x0  }
0x1f: {  	s9 =	smul.u32 $0xF7A, s1;
	s8 =	simm.s32 @!p0 $0x1BF5;
	p2 =	por !p2, p0  }
0x20: {  	[sflag:s8] =	ssyncset.s32 @!p0 $0xFFFFF086;
	s6 =	sadd.s32 @!p0 s3, s7;
	s7 =	simm.s32 @!p0 $0x108  }
0x21: {  	s3 =	sadd.s32 s3, s9;
	s6 =	sadd.s32 @!p0 $0x88, s6;
	s7 =	simm.s32 @p2 $0x1082  }
0x22: {  	[simem:s7], [sflag:s8] =	dma.local @!p0 [hbm:s6], $0xF7A  }
0x23: {  	s9 =	sor.u32 $0xD0000000, s2;
	s6 =	simm.s32 $0x108;
	_ =	swait.ge @!p0 [sflag:s8], $0x0  }
0x24: {  	s3 =	sadd.s32 $0x88, s3;
	s6 =	simm.s32 @!p1 $0x1082;
	[sflag:s4] =	ssyncset.s32 $0xFFFFF086  }
0x25: {  	[simem:s6], [sflag:s4] =	dma.local [hbm:s3], $0xF7A  }
0x26: {  	[smem:$0x3F90] =	sst s1;
	(tag) =	ssettag s2;
	_ =	strace s9  }
0x27: {  	s1 =	sld [smem:$0x3FA0]  }
0x28: {  	s2 =	sld [smem:$0x3FA1]  }
0x29: {  	s4 =	sld [smem:$0x3FA3]  }
0x2a: {  	p0 =	seq.s32 s5, $0x0;
	s5 =	sld [smem:$0x3FA4]  }
0x2b: {  	s6 =	sld [smem:$0x3FA5]  }
0x2c: {  	s7 =	sld [smem:$0x3FA6]  }
0x2d: {  	s3 =	simm.s32 $0x108;
	s8 =	sld [smem:$0x3FA7]  }
0x2e: {  	s3 =	simm.s32 @!p0 $0x1082;
	s9 =	sld [smem:$0x3FA8]  }
0x2f: {  	lr =	sadd.s32 s0, s3;
	s0 =	sld [smem:$0x3F9F]  }
0x30: {  	s3 =	sld [smem:$0x3FA2]  }
0x31: {  	[smem:$0x3FAB] =	sst s10  }
0x32: {  	s10 =	sld [smem:$0x3FA9];
	_ =	sdelay $0x3  }
0x33: {  	p0 =	seq.s32 s10, $0x1;
	s10 =	sld [smem:$0x3FAB];
	_ =	sdelay $0x3  }
0x34: {  	[smem:$0x3FAB] =	sst s10  }
0x35: {  	s10 =	sld [smem:$0x3FAA];
	_ =	sdelay $0x3  }
0x36: {  	p1 =	seq.s32 s10, $0x1;
	s10 =	sld [smem:$0x3FAB];
	_ =	sdelay $0x3  }
0x37: {  	[smem:$0x3FAB] =	sst s10  }
0x38: {  	s10 =	sld [smem:$0x3FAC]  }
0x39: {  	_ = 	snop;
	(pc) =	sbr.ind lr, $3  }
0x3a: {  	_ = 	snop  }
0x3b: {  	_ = 	snop  }
0x3c: {  	p2 =	seq.s32 s10, $0x1;
	s10 =	sld [smem:$0x3FAB]  }
0x3d: {  	_ =	shalt  }
0x3e: {  	_ =	shalt  }
0x3f: {  	_ =	shalt  }
0x40: {  	_ =	shalt  }
0x41: {  	_ =	shalt  }
0x42: {  	_ =	shalt  }
0x43: {  	_ =	shalt  }
0x44: {  	_ =	shalt  }
0x45: {  	_ =	shalt  }
0x46: {  	_ =	shalt  }
0x47: {  	_ =	shalt  }
0x48: {  	_ =	shalt  }
0x49: {  	_ =	shalt  }
0x4a: {  	_ =	shalt  }
0x4b: {  	_ =	shalt  }
0x4c: {  	_ =	shalt  }
0x4d: {  	_ =	shalt  }
0x4e: {  	_ =	shalt  }
0x4f: {  	_ =	shalt  }
0x50: {  	_ =	shalt  }
0x51: {  	_ =	shalt  }
0x52: {  	_ =	shalt  }
0x53: {  	_ =	shalt  }
0x54: {  	_ =	shalt  }
0x55: {  	_ =	shalt  }
0x56: {  	_ =	shalt  }
0x57: {  	_ =	shalt  }
0x58: {  	_ =	shalt  }
0x59: {  	_ =	shalt  }
0x5a: {  	_ =	shalt  }
0x5b: {  	_ =	shalt  }
0x5c: {  	_ =	shalt  }
0x5d: {  	_ =	shalt  }
0x5e: {  	_ =	shalt  }
0x5f: {  	_ =	shalt  }
0x60: {  	_ =	shalt  }
0x61: {  	_ =	shalt  }
0x62: {  	_ =	shalt  }
0x63: {  	_ =	shalt  }
0x64: {  	_ =	shalt  }
0x65: {  	_ =	shalt  }
0x66: {  	_ =	shalt  }
0x67: {  	_ =	shalt  }
0x68: {  	_ =	shalt  }
0x69: {  	_ =	shalt  }
0x6a: {  	_ =	shalt  }
0x6b: {  	_ =	shalt  }
0x6c: {  	_ =	shalt  }
0x6d: {  	_ =	shalt  }
0x6e: {  	_ =	shalt  }
0x6f: {  	_ =	shalt  }
0x70: {  	_ =	shalt  }
0x71: {  	_ =	shalt  }
0x72: {  	_ =	shalt  }
0x73: {  	_ =	shalt  }
0x74: {  	_ =	shalt  }
0x75: {  	_ =	shalt  }
0x76: {  	_ =	shalt  }
0x77: {  	_ =	shalt  }
0x78: {  	_ =	shalt  }
0x79: {  	_ =	shalt  }
0x7a: {  	_ =	shalt  }
0x7b: {  	_ =	shalt  }
0x7c: {  	_ =	shalt  }
0x7d: {  	_ =	shalt  }
0x7e: {  	_ =	shalt  }
0x7f: {  	_ =	shalt  }
0x80: {  	_ =	shalt  }
0x81: {  	_ =	shalt  }
0x82: {  	_ =	shalt  }
0x83: {  	_ =	shalt  }
0x84: {  	_ =	shalt  }
0x85: {  	_ =	shalt  }
0x86: {  	_ =	shalt  }
0x87: {  	_ =	shalt  }
.Lfunc_end0:
.L_simem_size_0:
called_computation_lowered:
.L_overlay_start_0:
0x88: {  	s2 =	sld [smem:$0x3FD9]  }
0x89: {  	s3 =	sld [smem:$0x3FFE];
	_ =	sdelay $0x1  }
0x8a: {  	s1 =	srdreg.scid  }
0x8b: {  	s0 =	sand.u32 $0x1, s1  }
0x8c: {  	s17 =	sshll.u32 s0, $0xA;
	s2 =	sadd.s32 s3, s2  }
0x8d: {  	s2 =	sadd.s32 s2, s17  }
0x8e: {  	[smem:$0x3FB7] =	sst s2  }
0x8f: {  	_ = 	snop  }
0x90: {  	(tm) =	ssettm $0x1  }
0x91: {  	s18 =	sld [smem:$0x3FFB];
	_ =	sdelay $0x3  }
0x92: {  	_ =	strace s18  }
0x93: {  	s2 =	sld [smem:$0x3FFC];
	_ =	sdelay $0x3  }
0x94: {  	_ =	strace s2  }
0x95: {  	s2 =	sld [smem:$0x3FFD];
	_ =	sdelay $0x3  }
0x96: {  	_ =	strace s2  }
0x97: {  	_ =	strace $0x8FFFFFFF  }
0x98: {  	s19 =	sld [smem:$0x3FDB];
	_ =	sdelay $0x1  }
0x99: {  	s20 =	simm.s32 $_scs_section_size  }
0x9a: {  	s4 =	simm.s32 $_size__tile_overlayer_lowered;
	s5 =	simm.s32 $_tile_overlayer_lowered  }
0x9b: {  	s6 =	simm.s32 $0x1BFF;
	s21 =	sshll.u32 s5, $0x1;
	s3 =	sadd.s32 s20, s19  }
0x9c: {  	s22 =	simm.s32 $0x0;
	s4 =	sshll.u32 s4, $0x1;
	s5 =	sadd.s32 s21, s3  }
0x9d: {  	[timem:s22], [sflag:s6] =	dma.local [hbm:s5], s4  }
0x9e: {  	_ =	swait.ge [sflag:s6], s4  }
0x9f: {  	s4 =	ssub.s32 $0x0, s4;
	[sflag:s6] =	ssyncset.done $0x0  }
0xa0: {  	[sflag:s6] =	ssyncadd.s32 s4;
	_ =	sdelay $0x1  }
0xa1: {  	s23 =	simm.s32 $0x1B8B  }
0xa2: {  	_ =	swait.ge [sflag:s23], $0x1  }
0xa3: {  	[sflag:s23] =	ssyncset.done $0x0  }
0xa4: {  	[sflag:s23] =	ssyncadd.s32 $0xFFFFFFFF  }
0xa5: {  	s4 =	sld [smem:$0x0]  }
0xa6: {  	s5 =	sand.u32 $0xFFFFFFFE, s1  }
0xa7: {  	p0 =	sne.s32 s1, s5  }
0xa8: {  	s5 =	sshll.u32 @p0 s5, $0xE  }
0xa9: {  	s5 =	sadd.s32 @p0 $0x11B8D, s5;
	s6 =	sshll.u32 @p0 s4, $0x11  }
0xaa: {  	s5 =	sor.u32 @p0 s6, s5  }
0xab: {  	[sflag:s5] =	ssyncadd.remote.s32 @p0 $0x1;
	_ =	sdelay $0x1  }
0xac: {  	s5 =	simm.s32 @p0 $0x1B8D  }
0xad: {  	_ =	swait.eq @p0 [sflag:s5], $0x1  }
0xae: {  	[sflag:s5] =	ssyncadd.s32 @p0 $0xFFFFFFFF  }
0xaf: {  	s6 =	sshll.u32 @!p0 s1, $0xE  }
0xb0: {  	s6 =	sor.u32 @!p0 $0x4000, s6;
	s5 =	simm.s32 @!p0 $0x1B8D  }
0xb1: {  	s4 =	sshll.u32 @!p0 s4, $0x11;
	s6 =	sadd.s32 @!p0 $0x11B8D, s6;
	_ =	swait.eq @!p0 [sflag:s5], $0x1  }
0xb2: {  	s4 =	sor.u32 @!p0 s4, s6;
	[sflag:s5] =	ssyncadd.s32 @!p0 $0xFFFFFFFF  }
0xb3: {  	s25 =	simm.s32 $0x1B8E;
	s24 =	sld [smem:$0x3FFE];
	[sflag:s4] =	ssyncadd.remote.s32 @!p0 $0x1  }
0xb4: {  	s26 =	simm.s32 $execute0_lowered;
	[smem:$0x3FD2] =	sst s25  }
0xb5: {  	s5 =	sshll.u32 s26, $0x1;
	_ =	strace $0x80000049;
	[dreg:$0x1] =	wrdreg $0xFFFFFFFF  }
0xb6: {  	s28 =	simm.s32 $_size_execute0_lowered;
	s3 =	sadd.s32 s3, s5;
	[dreg:$0x0] =	wrdreg $0x0  }
0xb7: {  	s5 =	sshll.u32 s28, $0x1;
	[dreg:$0x2] =	wrdreg s3  }
0xb8: {  	[dreg:$0x3] =	wrdreg s5  }
0xb9: {  	[dreg:$0x4] =	wrdreg $0xC0  }
0xba: {  	_ =	task [dreg:s22], $0x5FFFF  }
0xbb: {  	[dreg:$0x1] =	wrdreg $0xFFFFFFFF  }
0xbc: {  	[dreg:$0x0] =	wrdreg $0x60  }
0xbd: {  	[dreg:$0x2] =	wrdreg s24  }
0xbe: {  	[dreg:$0x3] =	wrdreg $0x90000  }
0xbf: {  	[dreg:$0x4] =	wrdreg $0x9  }
0xc0: {  	_ =	task.clear_ibuf [dreg:s22], $0x5FFFF;
	_ =	strace $0x90000049  }
0xc1: {  	s29 =	simm.s32 $0x9;
	_ =	strace $0x8000004B  }
0xc2: {  	_ =	swait.ge [sflag:s29], $0x1  }
0xc3: {  	[sflag:s29] =	ssyncadd.s32 $0xFFFFFFFF  }
0xc4: {  	_ =	strace $0x9000004B  }
0xc5: {  	_ =	sfence  }
0xc6: {  	s30 =	sld [smem:$0x0];
	_ =	sdelay $0x2  }
0xc7: {  	s31 =	sshll.u32 s1, $0xD;
	s1 =	sshrl.u32 s1, $0x2  }
0xc8: {  	s4 =	sand.u32 $0x4000, s31;
	s1 =	sadd.s32 s1, s30  }
0xc9: {  	s0 =	sor.u32 s4, s0;
	s1 =	sshll.u32 s1, $0x11  }
0xca: {  	s0 =	sor.u32 s1, s0  }
0xcb: {  	s0 =	sadd.s32 $0x8F2B, s0  }
0xcc: {  	[sflag:s0] =	ssyncadd.remote.s32 $0x1  }
0xcd: {  	_ =	sfence.sel $0xFFFF  }
0xce: {  	[dreg:$0x0] =	wrdreg $0xFFFFFFFF;
	(pc) =	sbr.abs _section_cstart, $3  }
0xcf: {  	[dreg:$0x1] =	wrdreg $0xFFFFFFFF  }
0xd0: {  	_ =	task.clear_ibuf [dreg:s22], $0x2FFFF;
	_ =	strace $0x9FFFFFFF  }
0xd1: {  	(tm) =	ssettm $0x7FFFFFFF  }
tec
execute0_lowered:
.L_overlay_start_1:
0x0: {  	(tag) =	ssettag $0x1  }
0x1: {  	s5 =	rddreg [dreg:$0x0]  }
0x2: {  	s0 =	srdreg.scid;
	s2 =	rddreg [dreg:$0x1]  }
0x3: {  	s1 =	rddreg [dreg:$0x2];
	s3 =	simm.s32 $0x0;
	s14 =	simm.s32 $0x80  }
0x4: {  	s15 =	simm.s32 $0x5000;
	s16 =	simm.s32 $0x1;
	s6 =	sand.u32 $0x1, s0  }
0x5: {  	s17 =	simm.s32 $0x7000;
	s0 =	stileid.u32;
	s4 =	smul.u32 $0x28000, s6  }
0x6: {  	s18 =	simm.s32 $0x2;
	s19 =	simm.s32 $0x2780;
	s7 =	smul.u32 $0x2800, s0  }
0x7: {  	s20 =	simm.s32 $0x4F00;
	s21 =	simm.s32 $0x4F80;
	s8 =	smul.u32 $0xA000, s0  }
0x8: {  	s22 =	simm.s32 $0x0;
	[smem:$0x7FF] =	sst s3;
	s26 =	smul.u32 $0x1400, s0  }
0x9: {  	s10 =	smul.u32 $0x14000, s6;
	_ =	strace $0x8000004A;
	s6 =	ssub.s32 $0x2, s6  }
0xa: {  	s31 =	sshll.u32 s0, $0x6;
	s30 =	sshrl.u32 s6, $0x1;
	s4 =	sadd.s32 s7, s4  }
0xb: {  	s11 =	sshrl.u32 s8, $0x3;
	s7 =	sadd.s32 s26, s10;
	s12 =	ssub.s32 s6, s30  }
0xc: {  	s13 =	sadd.s32 s8, s2;
	s10 =	simm.s32 $0x3;
	s9 =	sshrl.u32 s4, $0x3  }
0xd: {  	s4 =	sadd.s32 $0x40800, s5;
	s28 =	sadd.s32 s11, s5;
	s29 =	sadd.s32 s7, s5  }
0xe: {  	s11 =	simm.s32 $0x2800;
	s13 =	sshrl.u32 s13, $0x3;
	s9 =	sadd.s32 s9, s5  }
0xf: {  	s7 =	sadd.s32 $0x2C800, s28;
	s8 =	sadd.s32 $0x54800, s29;
	s5 =	sadd.s32 $0x4800, s9  }
0x10: {  	s6 =	sadd.s32 $0x22800, s9;
	s9 =	smax.u32 s12, $0x1;
	s12 =	sor.u32 $0x1C03, s31  }
.LBB2_1:
0x11: {  	[tilespmem:s3], [sflag:$0x3] =	stream.linear.gather [hbm4b:s5+s3], $0x2800, $0x38;
	[tilespmem:$0x13000] =	vst v63  }
0x12: {  	_ =	swait.ge [sflag:s10], $0x2800  }
0x13: {  	[sflag:s10] =	ssyncset.done $0x0  }
0x14: {  	[sflag:s10] =	ssyncadd.s32 $0xFFFFD800  }
0x15: {  	[tilespmem:s11], [sflag:$0x3] =	stream.linear.gather [hbm4b:s6+s3], $0x2800, $0x38;
	[tilespmem:$0x13000] =	vst v63  }
0x16: {  	_ =	swait.ge [sflag:s10], $0x2800  }
0x17: {  	[sflag:s10] =	ssyncset.done $0x0  }
0x18: {  	[sflag:s10] =	ssyncadd.s32 $0xFFFFD800  }
0x19: {  	[spmem:s13], [sflag:s12] =	dma.local [hbm:s7], $0x1400  }
0x1a: {  	_ =	swait.ge [sflag:s10], $0x1400  }
0x1b: {  	[sflag:s10] =	ssyncset.done $0x0  }
0x1c: {  	[sflag:s10] =	ssyncadd.s32 $0xFFFFEC00  }
0x1d: {  	[bflag:$0x0] =	sbarrier.arrive $0xFFFF  }
0x1e: {  	[tilespmem:s15], [sflag:$0x1] =	stream.indirect.gather [hbm4b:s4+s14], $0x40, s3, s14, $0xb8;
	[tilespmem:$0x13000] =	vst v63  }
0x1f: {  	_ =	swait.ge [sflag:s16], $0x2000  }
0x20: {  	[sflag:s16] =	ssyncset.done $0x0  }
0x21: {  	s23 =	simm.s32 $0x80;
	[sflag:s16] =	ssyncadd.s32 $0xFFFFE000  }
0x22: {  	[tilespmem:s17], [sflag:$0x2] =	stream.indirect.gather [hbm4b:s4+s14], $0x40, s23, s14, $0xb8;
	[tilespmem:$0x13000] =	vst v63  }
0x23: {  	s29 =	simm.s32 $0x2800  }
0x24: {  	[spmem:s2] =	stream.indirect.scatter.add.f32 [tilespmem:s15], [sflag:$0x3], $0x40, s29, s14, $0xb8;
	[tilespmem:$0x13000] =	vst v63  }
0x25: {  	_ =	swait.ge [sflag:s10], $0x2000  }
0x26: {  	[sflag:s10] =	ssyncset.done $0x0  }
0x27: {  	[sflag:s10] =	ssyncadd.s32 $0xFFFFE000  }
0x28: {  	_ =	swait.ge [sflag:s18], $0x2000  }
0x29: {  	[sflag:s18] =	ssyncset.done $0x0  }
0x2a: {  	s30 =	simm.s32 $0x100;
	[sflag:s18] =	ssyncadd.s32 $0xFFFFE000  }
0x2b: {  	[tilespmem:s15], [sflag:$0x1] =	stream.indirect.gather [hbm4b:s4+s14], $0x40, s30, s14, $0xb8;
	[tilespmem:$0x13000] =	vst v63  }
0x2c: {  	s31 =	simm.s32 $0x2880  }
0x2d: {  	[spmem:s2] =	stream.indirect.scatter.add.f32 [tilespmem:s17], [sflag:$0x3], $0x40, s31, s14, $0xb8;
	[tilespmem:$0x13000] =	vst v63  }
0x2e: {  	_ =	swait.ge [sflag:s10], $0x2000  }
0x2f: {  	s23 =	simm.s32 $0x400;
	[sflag:s10] =	ssyncset.done $0x0  }
.LBB2_2:
0x30: {  	p0 =	sne.s32 s23, $0x9800  }
0x31: {  	[sflag:s10] =	ssyncadd.s32 $0xFFFFE000;
	s24 =	smov.u32 s23;
	s23 =	sadd.s32 $0x400, s23  }
0x32: {  	_ = 	snop  }
0x33: {  	_ =	swait.ge [sflag:s16], $0x2000  }
0x34: {  	s24 =	sshra.s32 s24, $0x2;
	[sflag:s16] =	ssyncset.done $0x0  }
0x35: {  	s25 =	sadd.s32 $0x80, s24;
	[sflag:s16] =	ssyncadd.s32 $0xFFFFE000  }
0x36: {  	[tilespmem:s17], [sflag:$0x2] =	stream.indirect.gather [hbm4b:s4+s14], $0x40, s25, s14, $0xb8;
	[tilespmem:$0x13000] =	vst v63  }
0x37: {  	s25 =	sadd.s32 $0x2800, s24  }
0x38: {  	[spmem:s2] =	stream.indirect.scatter.add.f32 [tilespmem:s15], [sflag:$0x3], $0x40, s25, s14, $0xb8;
	[tilespmem:$0x13000] =	vst v63  }
0x39: {  	_ =	swait.ge [sflag:s10], $0x2000  }
0x3a: {  	[sflag:s10] =	ssyncset.done $0x0  }
0x3b: {  	[sflag:s10] =	ssyncadd.s32 $0xFFFFE000  }
0x3c: {  	_ =	swait.ge [sflag:s18], $0x2000  }
0x3d: {  	[sflag:s18] =	ssyncset.done $0x0  }
0x3e: {  	s25 =	sadd.s32 $0x100, s24;
	[sflag:s18] =	ssyncadd.s32 $0xFFFFE000  }
0x3f: {  	[tilespmem:s15], [sflag:$0x1] =	stream.indirect.gather [hbm4b:s4+s14], $0x40, s25, s14, $0xb8;
	[tilespmem:$0x13000] =	vst v63  }
.Ltmp0:
0x40: {  	_ = 	snop;
	(pc) =	sbr.rel @p0 .LBB2_2-.Ltmp0, $4  }
0x41: {  	s24 =	sadd.s32 $0x2880, s24  }
0x42: {  	[spmem:s2] =	stream.indirect.scatter.add.f32 [tilespmem:s17], [sflag:$0x3], $0x40, s24, s14, $0xb8;
	[tilespmem:$0x13000] =	vst v63  }
0x43: {  	_ =	swait.ge [sflag:s10], $0x2000  }
0x44: {  	[sflag:s10] =	ssyncset.done $0x0  }
0x45: {  	[sflag:s10] =	ssyncadd.s32 $0xFFFFE000  }
0x46: {  	_ =	swait.ge [sflag:s16], $0x2000  }
0x47: {  	[sflag:s16] =	ssyncset.done $0x0  }
0x48: {  	[sflag:s16] =	ssyncadd.s32 $0xFFFFE000  }
0x49: {  	[tilespmem:s17], [sflag:$0x2] =	stream.indirect.gather [hbm4b:s4+s14], $0x40, s19, s14, $0xb8;
	[tilespmem:$0x13000] =	vst v63  }
0x4a: {  	_ = 	snop  }
0x4b: {  	[spmem:s2] =	stream.indirect.scatter.add.f32 [tilespmem:s15], [sflag:$0x3], $0x40, s20, s14, $0xb8;
	[tilespmem:$0x13000] =	vst v63  }
0x4c: {  	_ =	swait.ge [sflag:s10], $0x2000  }
0x4d: {  	[sflag:s10] =	ssyncset.done $0x0  }
0x4e: {  	[sflag:s10] =	ssyncadd.s32 $0xFFFFE000  }
0x4f: {  	_ =	swait.ge [sflag:s18], $0x2000  }
0x50: {  	[sflag:s18] =	ssyncset.done $0x0  }
0x51: {  	[sflag:s18] =	ssyncadd.s32 $0xFFFFE000  }
0x52: {  	[spmem:s2] =	stream.indirect.scatter.add.f32 [tilespmem:s17], [sflag:$0x3], $0x40, s21, s14, $0xb8;
	[tilespmem:$0x13000] =	vst v63  }
0x53: {  	_ =	swait.ge [sflag:s10], $0x2000  }
0x54: {  	s22 =	sadd.s32 $0x1, s22;
	[sflag:s10] =	ssyncset.done $0x0  }
0x55: {  	p0 =	sne.s32 s22, s9;
	[sflag:s10] =	ssyncadd.s32 $0xFFFFE000  }
.Ltmp1:
0x56: {  	[bflag:$0x0] =	sbarrier.arrive $0xFFFF;
	(pc) =	sbr.rel @p0 .LBB2_1-.Ltmp1, $4  }
0x57: {  	[hbm:s8], [sflag:s12] =	dma.local [spmem:s13], $0x1400  }
0x58: {  	_ =	swait.ge [sflag:s10], $0x1400  }
0x59: {  	[sflag:s10] =	ssyncset.done $0x0  }
0x5a: {  	[sflag:s10] =	ssyncadd.s32 $0xFFFFEC00  }
0x5b: {  	_ =	sfence.sel $0x180000  }
0x5c: {  	[bflag:$0x0] =	sbarrier.arrive $0xFFFF  }
0x5d: {  	p0 =	sne.s32 s0, $0x0;
	_ =	strace $0x9000004A  }
0x5e: {  	s0 =	sadd.s32 @!p0 $0x100000, s1;
	[bflag:$0x2] =	sbarrier.arrive $0xFFFF  }
0x5f: {  	[sflag:s0] =	ssyncadd.tile.s32 @!p0 $0x1;
	_ =	shalt  }
.Lfunc_end2:
_tile_overlayer_lowered:
.L_overlay_start_2:
0x60: {  	(tag) =	ssettag $0x2  }
0x61: {  	s0 =	rddreg [dreg:$0x0];
	s2 =	stileid.u32  }
0x62: {  	s1 =	rddreg [dreg:$0x1];
	p0 =	sne.s32 s2, $0x0  }
0x63: {  	s3 =	rddreg [dreg:$0x2];
	[bflag:$0x3] =	sbarrier.arrive $0xFFFF;
	s2 =	simm.s32 @!p0 $0x1C03  }
0x64: {  	[timem:s3], [sflag:s2] =	dma.local @!p0 [hbm:s0], s1  }
0x65: {  	s0 =	simm.s32 @!p0 $0x3  }
0x66: {  	_ =	swait.ge @!p0 [sflag:s0], s1  }
0x67: {  	s1 =	ssub.s32 @!p0 $0x0, s1;
	[sflag:s0] =	ssyncset.done @!p0 $0x0  }
0x68: {  	[sflag:s0] =	ssyncadd.s32 @!p0 s1  }
0x69: {  	[bflag:$0x3] =	sbarrier.arrive $0xFFFF  }
0x6a: {  	_ =	shalt  }

// kernel: kernel.18.cloned.1.call-start
scs
__scs_entry_jumppad:
0x0: {  	(pc) =	sbr.rel $0x88, $3  }
0x1: {  	(tag) =	ssettag $0x0;
	lr =	simm.s32 $0x1  }
0x2: {  	[smem:$0x3F90] =	sst lr;
	_ =	strace $0xD0000000  }
0x3: {  	_ = 	snop  }
0x4: {  	_ = 	snop  }
0x5: {  	_ = 	snop  }
0x6: {  	_ = 	snop  }
0x7: {  	_ = 	snop  }
__scs_overlays_trampoline_lowered:
0x8: {  	[smem:$0x3F9F] =	sst s0  }
0x9: {  	[smem:$0x3FA0] =	sst s1  }
0xa: {  	[smem:$0x3FA1] =	sst s2  }
0xb: {  	[smem:$0x3FA2] =	sst s3  }
0xc: {  	[smem:$0x3FA3] =	sst s4  }
0xd: {  	[smem:$0x3FA4] =	sst s5  }
0xe: {  	[smem:$0x3FA5] =	sst s6  }
0xf: {  	[smem:$0x3FA6] =	sst s7  }
0x10: {  	[smem:$0x3FA7] =	sst s8  }
0x11: {  	[smem:$0x3FA8] =	sst s9;
	s0 =	simm.s32 @!p0 $0x0  }
0x12: {  	s1 =	sld [smem:$0x3F8E];
	s0 =	simm.s32 @p0 $0x1  }
0x13: {  	[smem:$0x3FA9] =	sst s0;
	s0 =	simm.s32 @!p1 $0x0  }
0x14: {  	s2 =	sld [smem:$0x3F8D];
	s0 =	simm.s32 @p1 $0x1  }
0x15: {  	[smem:$0x3FAA] =	sst s0;
	s0 =	simm.s32 @!p2 $0x0  }
0x16: {  	s3 =	sld [smem:$0x3FDB];
	s0 =	simm.s32 @p2 $0x1  }
0x17: {  	s4 =	simm.s32 $0x1BF5;
	[smem:$0x3FAC] =	sst s0  }
0x18: {  	s0 =	sld [smem:$0x3F8F];
	_ =	swait.ge [sflag:s4], $0x0  }
0x19: {  	s7 =	sld [smem:$0x3F90]  }
0x1a: {  	s8 =	sadd.s32 $0xFFFFE003, lr  }
0x1b: {  	s9 =	sadd.s32 $0xFFFFFEF7, lr;
	s5 =	simm.s32 $0xFFFFFFFF;
	p2 =	slt.u32 s8, $0xFFFFF086  }
0x1c: {  	p1 =	slt.u32 s9, $0xF7A;
	s5 =	simm.s32 @!p2 $0x0  }
0x1d: {  	s5 =	simm.s32 @p1 $0x1;
	p0 =	seq.s32 s7, s2  }
0x1e: {  	s7 =	smul.u32 @!p0 $0xF7A, s2;
	p2 =	seq.s32 @!p0 s5, $0x0  }
0x1f: {  	s9 =	smul.u32 $0xF7A, s1;
	s8 =	simm.s32 @!p0 $0x1BF5;
	p2 =	por !p2, p0  }
0x20: {  	[sflag:s8] =	ssyncset.s32 @!p0 $0xFFFFF086;
	s6 =	sadd.s32 @!p0 s3, s7;
	s7 =	simm.s32 @!p0 $0x108  }
0x21: {  	s3 =	sadd.s32 s3, s9;
	s6 =	sadd.s32 @!p0 $0x88, s6;
	s7 =	simm.s32 @p2 $0x1082  }
0x22: {  	[simem:s7], [sflag:s8] =	dma.local @!p0 [hbm:s6], $0xF7A  }
0x23: {  	s9 =	sor.u32 $0xD0000000, s2;
	s6 =	simm.s32 $0x108;
	_ =	swait.ge @!p0 [sflag:s8], $0x0  }
0x24: {  	s3 =	sadd.s32 $0x88, s3;
	s6 =	simm.s32 @!p1 $0x1082;
	[sflag:s4] =	ssyncset.s32 $0xFFFFF086  }
0x25: {  	[simem:s6], [sflag:s4] =	dma.local [hbm:s3], $0xF7A  }
0x26: {  	[smem:$0x3F90] =	sst s1;
	(tag) =	ssettag s2;
	_ =	strace s9  }
0x27: {  	s1 =	sld [smem:$0x3FA0]  }
0x28: {  	s2 =	sld [smem:$0x3FA1]  }
0x29: {  	s4 =	sld [smem:$0x3FA3]  }
0x2a: {  	p0 =	seq.s32 s5, $0x0;
	s5 =	sld [smem:$0x3FA4]  }
0x2b: {  	s6 =	sld [smem:$0x3FA5]  }
0x2c: {  	s7 =	sld [smem:$0x3FA6]  }
0x2d: {  	s3 =	simm.s32 $0x108;
	s8 =	sld [smem:$0x3FA7]  }
0x2e: {  	s3 =	simm.s32 @!p0 $0x1082;
	s9 =	sld [smem:$0x3FA8]  }
0x2f: {  	lr =	sadd.s32 s0, s3;
	s0 =	sld [smem:$0x3F9F]  }
0x30: {  	s3 =	sld [smem:$0x3FA2]  }
0x31: {  	[smem:$0x3FAB] =	sst s10  }
0x32: {  	s10 =	sld [smem:$0x3FA9];
	_ =	sdelay $0x3  }
0x33: {  	p0 =	seq.s32 s10, $0x1;
	s10 =	sld [smem:$0x3FAB];
	_ =	sdelay $0x3  }
0x34: {  	[smem:$0x3FAB] =	sst s10  }
0x35: {  	s10 =	sld [smem:$0x3FAA];
	_ =	sdelay $0x3  }
0x36: {  	p1 =	seq.s32 s10, $0x1;
	s10 =	sld [smem:$0x3FAB];
	_ =	sdelay $0x3  }
0x37: {  	[smem:$0x3FAB] =	sst s10  }
0x38: {  	s10 =	sld [smem:$0x3FAC]  }
0x39: {  	_ = 	snop;
	(pc) =	sbr.ind lr, $3  }
0x3a: {  	_ = 	snop  }
0x3b: {  	_ = 	snop  }
0x3c: {  	p2 =	seq.s32 s10, $0x1;
	s10 =	sld [smem:$0x3FAB]  }
0x3d: {  	_ =	shalt  }
0x3e: {  	_ =	shalt  }
0x3f: {  	_ =	shalt  }
0x40: {  	_ =	shalt  }
0x41: {  	_ =	shalt  }
0x42: {  	_ =	shalt  }
0x43: {  	_ =	shalt  }
0x44: {  	_ =	shalt  }
0x45: {  	_ =	shalt  }
0x46: {  	_ =	shalt  }
0x47: {  	_ =	shalt  }
0x48: {  	_ =	shalt  }
0x49: {  	_ =	shalt  }
0x4a: {  	_ =	shalt  }
0x4b: {  	_ =	shalt  }
0x4c: {  	_ =	shalt  }
0x4d: {  	_ =	shalt  }
0x4e: {  	_ =	shalt  }
0x4f: {  	_ =	shalt  }
0x50: {  	_ =	shalt  }
0x51: {  	_ =	shalt  }
0x52: {  	_ =	shalt  }
0x53: {  	_ =	shalt  }
0x54: {  	_ =	shalt  }
0x55: {  	_ =	shalt  }
0x56: {  	_ =	shalt  }
0x57: {  	_ =	shalt  }
0x58: {  	_ =	shalt  }
0x59: {  	_ =	shalt  }
0x5a: {  	_ =	shalt  }
0x5b: {  	_ =	shalt  }
0x5c: {  	_ =	shalt  }
0x5d: {  	_ =	shalt  }
0x5e: {  	_ =	shalt  }
0x5f: {  	_ =	shalt  }
0x60: {  	_ =	shalt  }
0x61: {  	_ =	shalt  }
0x62: {  	_ =	shalt  }
0x63: {  	_ =	shalt  }
0x64: {  	_ =	shalt  }
0x65: {  	_ =	shalt  }
0x66: {  	_ =	shalt  }
0x67: {  	_ =	shalt  }
0x68: {  	_ =	shalt  }
0x69: {  	_ =	shalt  }
0x6a: {  	_ =	shalt  }
0x6b: {  	_ =	shalt  }
0x6c: {  	_ =	shalt  }
0x6d: {  	_ =	shalt  }
0x6e: {  	_ =	shalt  }
0x6f: {  	_ =	shalt  }
0x70: {  	_ =	shalt  }
0x71: {  	_ =	shalt  }
0x72: {  	_ =	shalt  }
0x73: {  	_ =	shalt  }
0x74: {  	_ =	shalt  }
0x75: {  	_ =	shalt  }
0x76: {  	_ =	shalt  }
0x77: {  	_ =	shalt  }
0x78: {  	_ =	shalt  }
0x79: {  	_ =	shalt  }
0x7a: {  	_ =	shalt  }
0x7b: {  	_ =	shalt  }
0x7c: {  	_ =	shalt  }
0x7d: {  	_ =	shalt  }
0x7e: {  	_ =	shalt  }
0x7f: {  	_ =	shalt  }
0x80: {  	_ =	shalt  }
0x81: {  	_ =	shalt  }
0x82: {  	_ =	shalt  }
0x83: {  	_ =	shalt  }
0x84: {  	_ =	shalt  }
0x85: {  	_ =	shalt  }
0x86: {  	_ =	shalt  }
0x87: {  	_ =	shalt  }
.Lfunc_end0:
.L_simem_size_0:
called_computation.1_lowered:
.L_overlay_start_0:
0x88: {  	s2 =	sld [smem:$0x3FD9]  }
0x89: {  	s3 =	sld [smem:$0x3FFE];
	_ =	sdelay $0x1  }
0x8a: {  	s1 =	srdreg.scid  }
0x8b: {  	s0 =	sand.u32 $0x1, s1  }
0x8c: {  	s14 =	sshll.u32 s0, $0xA;
	s2 =	sadd.s32 s3, s2  }
0x8d: {  	s2 =	sadd.s32 s2, s14  }
0x8e: {  	[smem:$0x3FB7] =	sst s2  }
0x8f: {  	_ = 	snop  }
0x90: {  	s2 =	sld [smem:$0x3FD0];
	_ =	sdelay $0x2  }
0x91: {  	s15 =	simm.s32 $0xB;
	s4 =	simm.s32 $0x10  }
0x92: {  	[smem:s4], [sflag:s15] =	dma.local [hbm:s2], $0x1  }
0x93: {  	_ =	swait.eq [sflag:s15], $0x1  }
0x94: {  	[sflag:s15] =	ssyncset.done $0x0  }
0x95: {  	[sflag:s15] =	ssyncadd.s32 $0xFFFFFFFF  }
0x96: {  	s16 =	sld [smem:$0x10];
	(tm) =	ssettm $0x1  }
0x97: {  	s17 =	sld [smem:$0x3FFB];
	_ =	sdelay $0x3  }
0x98: {  	_ =	strace s17  }
0x99: {  	s3 =	sld [smem:$0x3FFC];
	_ =	sdelay $0x3  }
0x9a: {  	_ =	strace s3  }
0x9b: {  	s3 =	sld [smem:$0x3FFD];
	_ =	sdelay $0x3  }
0x9c: {  	_ =	strace s3  }
0x9d: {  	_ =	strace $0x8FFFFFFF  }
0x9e: {  	s18 =	sld [smem:$0x3FDB];
	_ =	sdelay $0x1  }
0x9f: {  	s19 =	simm.s32 $_scs_section_size  }
0xa0: {  	s5 =	simm.s32 $_size__tile_overlayer_lowered;
	s6 =	simm.s32 $_tile_overlayer_lowered  }
0xa1: {  	s22 =	simm.s32 $0x1BFF;
	s21 =	sshll.u32 s6, $0x1;
	s3 =	sadd.s32 s19, s18  }
0xa2: {  	s7 =	simm.s32 $0x0;
	s20 =	sshll.u32 s5, $0x1;
	s5 =	sadd.s32 s21, s3  }
0xa3: {  	[timem:s7], [sflag:s22] =	dma.local [hbm:s5], s20  }
0xa4: {  	_ =	swait.ge [sflag:s22], s20  }
0xa5: {  	s4 =	ssub.s32 $0x0, s20;
	[sflag:s22] =	ssyncset.done $0x0  }
0xa6: {  	[sflag:s22] =	ssyncadd.s32 s4;
	_ =	sdelay $0x1  }
0xa7: {  	s23 =	simm.s32 $0x1B8B  }
0xa8: {  	_ =	swait.ge [sflag:s23], $0x1  }
0xa9: {  	[sflag:s23] =	ssyncset.done $0x0  }
0xaa: {  	s25 =	simm.s32 $0x1B8E;
	s24 =	sld [smem:$0x3FFE];
	[sflag:s23] =	ssyncadd.s32 $0xFFFFFFFF  }
0xab: {  	s26 =	simm.s32 $execute0_lowered;
	[smem:$0x3FD2] =	sst s25  }
0xac: {  	s5 =	sshll.u32 s26, $0x1;
	_ =	strace $0x80000046;
	[dreg:$0x1] =	wrdreg $0xFFFFFFFF  }
0xad: {  	s28 =	simm.s32 $_size_execute0_lowered;
	s3 =	sadd.s32 s3, s5;
	[dreg:$0x0] =	wrdreg $0x0  }
0xae: {  	s5 =	sshll.u32 s28, $0x1;
	[dreg:$0x2] =	wrdreg s3  }
0xaf: {  	[dreg:$0x3] =	wrdreg s5  }
0xb0: {  	[dreg:$0x4] =	wrdreg $0xC0  }
0xb1: {  	_ =	task [dreg:s7], $0x5FFFF  }
0xb2: {  	[dreg:$0x1] =	wrdreg $0xFFFFFFFF  }
0xb3: {  	[dreg:$0x0] =	wrdreg $0x60  }
0xb4: {  	[dreg:$0x2] =	wrdreg s24  }
0xb5: {  	[dreg:$0x3] =	wrdreg s16  }
0xb6: {  	[dreg:$0x4] =	wrdreg $0x90000  }
0xb7: {  	[dreg:$0x5] =	wrdreg $0xA  }
0xb8: {  	_ =	task.clear_ibuf [dreg:s7], $0x6FFFF;
	_ =	strace $0x90000046  }
0xb9: {  	s29 =	simm.s32 $0xA;
	_ =	strace $0x80000048  }
0xba: {  	_ =	swait.ge [sflag:s29], $0x1  }
0xbb: {  	[sflag:s29] =	ssyncadd.s32 $0xFFFFFFFF  }
0xbc: {  	_ =	strace $0x90000048  }
0xbd: {  	_ =	sfence  }
0xbe: {  	s30 =	sld [smem:$0x0];
	_ =	sdelay $0x2  }
0xbf: {  	s31 =	sshll.u32 s1, $0xD;
	s1 =	sshrl.u32 s1, $0x2  }
0xc0: {  	s3 =	sand.u32 $0x4000, s31;
	s1 =	sadd.s32 s1, s30  }
0xc1: {  	s0 =	sor.u32 s3, s0;
	s1 =	sshll.u32 s1, $0x11  }
0xc2: {  	s0 =	sor.u32 s1, s0  }
0xc3: {  	s0 =	sadd.s32 $0x8F2B, s0  }
0xc4: {  	[sflag:s0] =	ssyncadd.remote.s32 $0x1  }
0xc5: {  	_ =	sfence.sel $0xFFFF  }
0xc6: {  	[dreg:$0x0] =	wrdreg $0xFFFFFFFF;
	(pc) =	sbr.abs _section_cstart, $3  }
0xc7: {  	[dreg:$0x1] =	wrdreg $0xFFFFFFFF  }
0xc8: {  	_ =	task.clear_ibuf [dreg:s7], $0x2FFFF;
	_ =	strace $0x9FFFFFFF  }
0xc9: {  	(tm) =	ssettm $0x7FFFFFFF  }
tec
execute0_lowered:
.L_overlay_start_1:
0x0: {  	(tag) =	ssettag $0x1  }
0x1: {  	s5 =	rddreg [dreg:$0x0]  }
0x2: {  	s8 =	rddreg [dreg:$0x1]  }
0x3: {  	s1 =	rddreg [dreg:$0x2]  }
0x4: {  	s2 =	srdreg.scid;
	s0 =	rddreg [dreg:$0x3];
	s3 =	simm.s32 $0x0  }
0x5: {  	s15 =	simm.s32 $0x5000;
	s16 =	simm.s32 $0x1;
	s17 =	simm.s32 $0x7000  }
0x6: {  	s18 =	simm.s32 $0x2;
	s19 =	simm.s32 $0x2780;
	s6 =	sand.u32 $0x1, s2  }
0x7: {  	s20 =	simm.s32 $0x4F00;
	s2 =	stileid.u32;
	s7 =	smul.u32 $0x28000, s6  }
0x8: {  	s21 =	simm.s32 $0x4F80;
	s22 =	simm.s32 $0x0;
	s9 =	smul.u32 $0x2800, s2  }
0x9: {  	[smem:$0x7FF] =	sst s3;
	s4 =	sadd.s32 $0xE800, s5;
	s26 =	smul.u32 $0xA000, s2  }
0xa: {  	_ =	strace $0x80000047;
	s10 =	ssub.s32 $0x2, s6;
	s11 =	smul.u32 $0x1400, s2  }
0xb: {  	s14 =	smul.u32 $0x14000, s6;
	s31 =	sshll.u32 s2, $0x6;
	s13 =	sshrl.u32 s10, $0x1  }
0xc: {  	s7 =	sadd.s32 s9, s7;
	s12 =	sshrl.u32 s26, $0x3;
	s10 =	ssub.s32 s10, s13  }
0xd: {  	s11 =	sadd.s32 s11, s14;
	s30 =	sadd.s32 s26, s1;
	s14 =	simm.s32 $0x80  }
0xe: {  	s7 =	sshrl.u32 s7, $0x3;
	s29 =	sadd.s32 s12, s5;
	s8 =	sadd.s32 s8, s11  }
0xf: {  	s9 =	smax.u32 s10, $0x1;
	s10 =	simm.s32 $0x3;
	s11 =	simm.s32 $0x2800  }
0x10: {  	s12 =	sor.u32 $0x1C03, s31;
	s13 =	sshrl.u32 s30, $0x3;
	s28 =	sadd.s32 s7, s5  }
0x11: {  	s7 =	sadd.s32 $0x2C800, s29;
	s5 =	sadd.s32 $0x4800, s28;
	s6 =	sadd.s32 $0x22800, s28  }
.LBB2_1:
0x12: {  	[tilespmem:s3], [sflag:$0x3] =	stream.linear.gather [hbm4b:s5+s3], $0x2800, $0x38;
	[tilespmem:$0x13000] =	vst v63  }
0x13: {  	_ =	swait.ge [sflag:s10], $0x2800  }
0x14: {  	[sflag:s10] =	ssyncset.done $0x0  }
0x15: {  	[sflag:s10] =	ssyncadd.s32 $0xFFFFD800  }
0x16: {  	[tilespmem:s11], [sflag:$0x3] =	stream.linear.gather [hbm4b:s6+s3], $0x2800, $0x38;
	[tilespmem:$0x13000] =	vst v63  }
0x17: {  	_ =	swait.ge [sflag:s10], $0x2800  }
0x18: {  	[sflag:s10] =	ssyncset.done $0x0  }
0x19: {  	[sflag:s10] =	ssyncadd.s32 $0xFFFFD800  }
0x1a: {  	[spmem:s13], [sflag:s12] =	dma.local [hbm:s7], $0x1400  }
0x1b: {  	_ =	swait.ge [sflag:s10], $0x1400  }
0x1c: {  	[sflag:s10] =	ssyncset.done $0x0  }
0x1d: {  	[sflag:s10] =	ssyncadd.s32 $0xFFFFEC00  }
0x1e: {  	[bflag:$0x0] =	sbarrier.arrive $0xFFFF  }
0x1f: {  	[tilespmem:s15], [sflag:$0x1] =	stream.indirect.gather [hbm4b:s4+s14], $0x40, s3, s14, $0xb8;
	[tilespmem:$0x13000] =	vst v63  }
0x20: {  	_ =	swait.ge [sflag:s16], $0x2000  }
0x21: {  	[sflag:s16] =	ssyncset.done $0x0  }
0x22: {  	s23 =	simm.s32 $0x80;
	[sflag:s16] =	ssyncadd.s32 $0xFFFFE000  }
0x23: {  	[tilespmem:s17], [sflag:$0x2] =	stream.indirect.gather [hbm4b:s4+s14], $0x40, s23, s14, $0xb8;
	[tilespmem:$0x13000] =	vst v63  }
0x24: {  	s29 =	simm.s32 $0x2800  }
0x25: {  	[spmem:s1] =	stream.indirect.scatter.add.f32 [tilespmem:s15], [sflag:$0x3], $0x40, s29, s14, $0xb8;
	[tilespmem:$0x13000] =	vst v63  }
0x26: {  	_ =	swait.ge [sflag:s10], $0x2000  }
0x27: {  	[sflag:s10] =	ssyncset.done $0x0  }
0x28: {  	[sflag:s10] =	ssyncadd.s32 $0xFFFFE000  }
0x29: {  	_ =	swait.ge [sflag:s18], $0x2000  }
0x2a: {  	[sflag:s18] =	ssyncset.done $0x0  }
0x2b: {  	s30 =	simm.s32 $0x100;
	[sflag:s18] =	ssyncadd.s32 $0xFFFFE000  }
0x2c: {  	[tilespmem:s15], [sflag:$0x1] =	stream.indirect.gather [hbm4b:s4+s14], $0x40, s30, s14, $0xb8;
	[tilespmem:$0x13000] =	vst v63  }
0x2d: {  	s31 =	simm.s32 $0x2880  }
0x2e: {  	[spmem:s1] =	stream.indirect.scatter.add.f32 [tilespmem:s17], [sflag:$0x3], $0x40, s31, s14, $0xb8;
	[tilespmem:$0x13000] =	vst v63  }
0x2f: {  	_ =	swait.ge [sflag:s10], $0x2000  }
0x30: {  	s23 =	simm.s32 $0x400;
	[sflag:s10] =	ssyncset.done $0x0  }
.LBB2_2:
0x31: {  	p0 =	sne.s32 s23, $0x9800  }
0x32: {  	[sflag:s10] =	ssyncadd.s32 $0xFFFFE000;
	s24 =	smov.u32 s23;
	s23 =	sadd.s32 $0x400, s23  }
0x33: {  	_ = 	snop  }
0x34: {  	_ =	swait.ge [sflag:s16], $0x2000  }
0x35: {  	s24 =	sshra.s32 s24, $0x2;
	[sflag:s16] =	ssyncset.done $0x0  }
0x36: {  	s25 =	sadd.s32 $0x80, s24;
	[sflag:s16] =	ssyncadd.s32 $0xFFFFE000  }
0x37: {  	[tilespmem:s17], [sflag:$0x2] =	stream.indirect.gather [hbm4b:s4+s14], $0x40, s25, s14, $0xb8;
	[tilespmem:$0x13000] =	vst v63  }
0x38: {  	s25 =	sadd.s32 $0x2800, s24  }
0x39: {  	[spmem:s1] =	stream.indirect.scatter.add.f32 [tilespmem:s15], [sflag:$0x3], $0x40, s25, s14, $0xb8;
	[tilespmem:$0x13000] =	vst v63  }
0x3a: {  	_ =	swait.ge [sflag:s10], $0x2000  }
0x3b: {  	[sflag:s10] =	ssyncset.done $0x0  }
0x3c: {  	[sflag:s10] =	ssyncadd.s32 $0xFFFFE000  }
0x3d: {  	_ =	swait.ge [sflag:s18], $0x2000  }
0x3e: {  	[sflag:s18] =	ssyncset.done $0x0  }
0x3f: {  	s25 =	sadd.s32 $0x100, s24;
	[sflag:s18] =	ssyncadd.s32 $0xFFFFE000  }
0x40: {  	[tilespmem:s15], [sflag:$0x1] =	stream.indirect.gather [hbm4b:s4+s14], $0x40, s25, s14, $0xb8;
	[tilespmem:$0x13000] =	vst v63  }
.Ltmp0:
0x41: {  	_ = 	snop;
	(pc) =	sbr.rel @p0 .LBB2_2-.Ltmp0, $4  }
0x42: {  	s24 =	sadd.s32 $0x2880, s24  }
0x43: {  	[spmem:s1] =	stream.indirect.scatter.add.f32 [tilespmem:s17], [sflag:$0x3], $0x40, s24, s14, $0xb8;
	[tilespmem:$0x13000] =	vst v63  }
0x44: {  	_ =	swait.ge [sflag:s10], $0x2000  }
0x45: {  	[sflag:s10] =	ssyncset.done $0x0  }
0x46: {  	[sflag:s10] =	ssyncadd.s32 $0xFFFFE000  }
0x47: {  	_ =	swait.ge [sflag:s16], $0x2000  }
0x48: {  	[sflag:s16] =	ssyncset.done $0x0  }
0x49: {  	[sflag:s16] =	ssyncadd.s32 $0xFFFFE000  }
0x4a: {  	[tilespmem:s17], [sflag:$0x2] =	stream.indirect.gather [hbm4b:s4+s14], $0x40, s19, s14, $0xb8;
	[tilespmem:$0x13000] =	vst v63  }
0x4b: {  	_ = 	snop  }
0x4c: {  	[spmem:s1] =	stream.indirect.scatter.add.f32 [tilespmem:s15], [sflag:$0x3], $0x40, s20, s14, $0xb8;
	[tilespmem:$0x13000] =	vst v63  }
0x4d: {  	_ =	swait.ge [sflag:s10], $0x2000  }
0x4e: {  	[sflag:s10] =	ssyncset.done $0x0  }
0x4f: {  	[sflag:s10] =	ssyncadd.s32 $0xFFFFE000  }
0x50: {  	_ =	swait.ge [sflag:s18], $0x2000  }
0x51: {  	[sflag:s18] =	ssyncset.done $0x0  }
0x52: {  	[sflag:s18] =	ssyncadd.s32 $0xFFFFE000  }
0x53: {  	[spmem:s1] =	stream.indirect.scatter.add.f32 [tilespmem:s17], [sflag:$0x3], $0x40, s21, s14, $0xb8;
	[tilespmem:$0x13000] =	vst v63  }
0x54: {  	_ =	swait.ge [sflag:s10], $0x2000  }
0x55: {  	s22 =	sadd.s32 $0x1, s22;
	[sflag:s10] =	ssyncset.done $0x0  }
0x56: {  	p0 =	sne.s32 s22, s9;
	[sflag:s10] =	ssyncadd.s32 $0xFFFFE000  }
.Ltmp1:
0x57: {  	[bflag:$0x0] =	sbarrier.arrive $0xFFFF;
	(pc) =	sbr.rel @p0 .LBB2_1-.Ltmp1, $4  }
0x58: {  	[hbm:s8], [sflag:s12] =	dma.local [spmem:s13], $0x1400  }
0x59: {  	_ =	swait.ge [sflag:s10], $0x1400  }
0x5a: {  	[sflag:s10] =	ssyncset.done $0x0  }
0x5b: {  	[sflag:s10] =	ssyncadd.s32 $0xFFFFEC00  }
0x5c: {  	_ =	sfence.sel $0x180000  }
0x5d: {  	[bflag:$0x0] =	sbarrier.arrive $0xFFFF  }
0x5e: {  	p0 =	sne.s32 s2, $0x0;
	_ =	strace $0x90000047  }
0x5f: {  	s0 =	sadd.s32 @!p0 $0x100000, s0;
	[bflag:$0x2] =	sbarrier.arrive $0xFFFF  }
0x60: {  	[sflag:s0] =	ssyncadd.tile.s32 @!p0 $0x1;
	_ =	shalt  }
.Lfunc_end2:
_tile_overlayer_lowered:
.L_overlay_start_2:
0x61: {  	(tag) =	ssettag $0x2  }
0x62: {  	s0 =	rddreg [dreg:$0x0];
	s2 =	stileid.u32  }
0x63: {  	s1 =	rddreg [dreg:$0x1];
	p0 =	sne.s32 s2, $0x0  }
0x64: {  	s3 =	rddreg [dreg:$0x2];
	[bflag:$0x3] =	sbarrier.arrive $0xFFFF;
	s2 =	simm.s32 @!p0 $0x1C03  }
0x65: {  	[timem:s3], [sflag:s2] =	dma.local @!p0 [hbm:s0], s1  }
0x66: {  	s0 =	simm.s32 @!p0 $0x3  }
0x67: {  	_ =	swait.ge @!p0 [sflag:s0], s1  }
0x68: {  	s1 =	ssub.s32 @!p0 $0x0, s1;
	[sflag:s0] =	ssyncset.done @!p0 $0x0  }
0x69: {  	[sflag:s0] =	ssyncadd.s32 @!p0 s1  }
0x6a: {  	[bflag:$0x3] =	sbarrier.arrive $0xFFFF  }
0x6b: {  	_ =	shalt  }

// kernel: kernel.21.cloned.1.call-start
scs
__scs_entry_jumppad:
0x0: {  	(pc) =	sbr.rel $0x88, $3  }
0x1: {  	(tag) =	ssettag $0x0;
	lr =	simm.s32 $0x1  }
0x2: {  	[smem:$0x3F90] =	sst lr;
	_ =	strace $0xD0000000  }
0x3: {  	_ = 	snop  }
0x4: {  	_ = 	snop  }
0x5: {  	_ = 	snop  }
0x6: {  	_ = 	snop  }
0x7: {  	_ = 	snop  }
__scs_overlays_trampoline_lowered:
0x8: {  	[smem:$0x3F9F] =	sst s0  }
0x9: {  	[smem:$0x3FA0] =	sst s1  }
0xa: {  	[smem:$0x3FA1] =	sst s2  }
0xb: {  	[smem:$0x3FA2] =	sst s3  }
0xc: {  	[smem:$0x3FA3] =	sst s4  }
0xd: {  	[smem:$0x3FA4] =	sst s5  }
0xe: {  	[smem:$0x3FA5] =	sst s6  }
0xf: {  	[smem:$0x3FA6] =	sst s7  }
0x10: {  	[smem:$0x3FA7] =	sst s8  }
0x11: {  	[smem:$0x3FA8] =	sst s9;
	s0 =	simm.s32 @!p0 $0x0  }
0x12: {  	s1 =	sld [smem:$0x3F8E];
	s0 =	simm.s32 @p0 $0x1  }
0x13: {  	[smem:$0x3FA9] =	sst s0;
	s0 =	simm.s32 @!p1 $0x0  }
0x14: {  	s2 =	sld [smem:$0x3F8D];
	s0 =	simm.s32 @p1 $0x1  }
0x15: {  	[smem:$0x3FAA] =	sst s0;
	s0 =	simm.s32 @!p2 $0x0  }
0x16: {  	s3 =	sld [smem:$0x3FDB];
	s0 =	simm.s32 @p2 $0x1  }
0x17: {  	s4 =	simm.s32 $0x1BF5;
	[smem:$0x3FAC] =	sst s0  }
0x18: {  	s0 =	sld [smem:$0x3F8F];
	_ =	swait.ge [sflag:s4], $0x0  }
0x19: {  	s7 =	sld [smem:$0x3F90]  }
0x1a: {  	s8 =	sadd.s32 $0xFFFFE003, lr  }
0x1b: {  	s9 =	sadd.s32 $0xFFFFFEF7, lr;
	s5 =	simm.s32 $0xFFFFFFFF;
	p2 =	slt.u32 s8, $0xFFFFF086  }
0x1c: {  	p1 =	slt.u32 s9, $0xF7A;
	s5 =	simm.s32 @!p2 $0x0  }
0x1d: {  	s5 =	simm.s32 @p1 $0x1;
	p0 =	seq.s32 s7, s2  }
0x1e: {  	s7 =	smul.u32 @!p0 $0xF7A, s2;
	p2 =	seq.s32 @!p0 s5, $0x0  }
0x1f: {  	s9 =	smul.u32 $0xF7A, s1;
	s8 =	simm.s32 @!p0 $0x1BF5;
	p2 =	por !p2, p0  }
0x20: {  	[sflag:s8] =	ssyncset.s32 @!p0 $0xFFFFF086;
	s6 =	sadd.s32 @!p0 s3, s7;
	s7 =	simm.s32 @!p0 $0x108  }
0x21: {  	s3 =	sadd.s32 s3, s9;
	s6 =	sadd.s32 @!p0 $0x88, s6;
	s7 =	simm.s32 @p2 $0x1082  }
0x22: {  	[simem:s7], [sflag:s8] =	dma.local @!p0 [hbm:s6], $0xF7A  }
0x23: {  	s9 =	sor.u32 $0xD0000000, s2;
	s6 =	simm.s32 $0x108;
	_ =	swait.ge @!p0 [sflag:s8], $0x0  }
0x24: {  	s3 =	sadd.s32 $0x88, s3;
	s6 =	simm.s32 @!p1 $0x1082;
	[sflag:s4] =	ssyncset.s32 $0xFFFFF086  }
0x25: {  	[simem:s6], [sflag:s4] =	dma.local [hbm:s3], $0xF7A  }
0x26: {  	[smem:$0x3F90] =	sst s1;
	(tag) =	ssettag s2;
	_ =	strace s9  }
0x27: {  	s1 =	sld [smem:$0x3FA0]  }
0x28: {  	s2 =	sld [smem:$0x3FA1]  }
0x29: {  	s4 =	sld [smem:$0x3FA3]  }
0x2a: {  	p0 =	seq.s32 s5, $0x0;
	s5 =	sld [smem:$0x3FA4]  }
0x2b: {  	s6 =	sld [smem:$0x3FA5]  }
0x2c: {  	s7 =	sld [smem:$0x3FA6]  }
0x2d: {  	s3 =	simm.s32 $0x108;
	s8 =	sld [smem:$0x3FA7]  }
0x2e: {  	s3 =	simm.s32 @!p0 $0x1082;
	s9 =	sld [smem:$0x3FA8]  }
0x2f: {  	lr =	sadd.s32 s0, s3;
	s0 =	sld [smem:$0x3F9F]  }
0x30: {  	s3 =	sld [smem:$0x3FA2]  }
0x31: {  	[smem:$0x3FAB] =	sst s10  }
0x32: {  	s10 =	sld [smem:$0x3FA9];
	_ =	sdelay $0x3  }
0x33: {  	p0 =	seq.s32 s10, $0x1;
	s10 =	sld [smem:$0x3FAB];
	_ =	sdelay $0x3  }
0x34: {  	[smem:$0x3FAB] =	sst s10  }
0x35: {  	s10 =	sld [smem:$0x3FAA];
	_ =	sdelay $0x3  }
0x36: {  	p1 =	seq.s32 s10, $0x1;
	s10 =	sld [smem:$0x3FAB];
	_ =	sdelay $0x3  }
0x37: {  	[smem:$0x3FAB] =	sst s10  }
0x38: {  	s10 =	sld [smem:$0x3FAC]  }
0x39: {  	_ = 	snop;
	(pc) =	sbr.ind lr, $3  }
0x3a: {  	_ = 	snop  }
0x3b: {  	_ = 	snop  }
0x3c: {  	p2 =	seq.s32 s10, $0x1;
	s10 =	sld [smem:$0x3FAB]  }
0x3d: {  	_ =	shalt  }
0x3e: {  	_ =	shalt  }
0x3f: {  	_ =	shalt  }
0x40: {  	_ =	shalt  }
0x41: {  	_ =	shalt  }
0x42: {  	_ =	shalt  }
0x43: {  	_ =	shalt  }
0x44: {  	_ =	shalt  }
0x45: {  	_ =	shalt  }
0x46: {  	_ =	shalt  }
0x47: {  	_ =	shalt  }
0x48: {  	_ =	shalt  }
0x49: {  	_ =	shalt  }
0x4a: {  	_ =	shalt  }
0x4b: {  	_ =	shalt  }
0x4c: {  	_ =	shalt  }
0x4d: {  	_ =	shalt  }
0x4e: {  	_ =	shalt  }
0x4f: {  	_ =	shalt  }
0x50: {  	_ =	shalt  }
0x51: {  	_ =	shalt  }
0x52: {  	_ =	shalt  }
0x53: {  	_ =	shalt  }
0x54: {  	_ =	shalt  }
0x55: {  	_ =	shalt  }
0x56: {  	_ =	shalt  }
0x57: {  	_ =	shalt  }
0x58: {  	_ =	shalt  }
0x59: {  	_ =	shalt  }
0x5a: {  	_ =	shalt  }
0x5b: {  	_ =	shalt  }
0x5c: {  	_ =	shalt  }
0x5d: {  	_ =	shalt  }
0x5e: {  	_ =	shalt  }
0x5f: {  	_ =	shalt  }
0x60: {  	_ =	shalt  }
0x61: {  	_ =	shalt  }
0x62: {  	_ =	shalt  }
0x63: {  	_ =	shalt  }
0x64: {  	_ =	shalt  }
0x65: {  	_ =	shalt  }
0x66: {  	_ =	shalt  }
0x67: {  	_ =	shalt  }
0x68: {  	_ =	shalt  }
0x69: {  	_ =	shalt  }
0x6a: {  	_ =	shalt  }
0x6b: {  	_ =	shalt  }
0x6c: {  	_ =	shalt  }
0x6d: {  	_ =	shalt  }
0x6e: {  	_ =	shalt  }
0x6f: {  	_ =	shalt  }
0x70: {  	_ =	shalt  }
0x71: {  	_ =	shalt  }
0x72: {  	_ =	shalt  }
0x73: {  	_ =	shalt  }
0x74: {  	_ =	shalt  }
0x75: {  	_ =	shalt  }
0x76: {  	_ =	shalt  }
0x77: {  	_ =	shalt  }
0x78: {  	_ =	shalt  }
0x79: {  	_ =	shalt  }
0x7a: {  	_ =	shalt  }
0x7b: {  	_ =	shalt  }
0x7c: {  	_ =	shalt  }
0x7d: {  	_ =	shalt  }
0x7e: {  	_ =	shalt  }
0x7f: {  	_ =	shalt  }
0x80: {  	_ =	shalt  }
0x81: {  	_ =	shalt  }
0x82: {  	_ =	shalt  }
0x83: {  	_ =	shalt  }
0x84: {  	_ =	shalt  }
0x85: {  	_ =	shalt  }
0x86: {  	_ =	shalt  }
0x87: {  	_ =	shalt  }
.Lfunc_end0:
.L_simem_size_0:
called_computation.2_lowered:
.L_overlay_start_0:
0x88: {  	s2 =	sld [smem:$0x3FD9]  }
0x89: {  	s3 =	sld [smem:$0x3FFE];
	_ =	sdelay $0x1  }
0x8a: {  	s1 =	srdreg.scid  }
0x8b: {  	s0 =	sand.u32 $0x1, s1  }
0x8c: {  	s15 =	sshll.u32 s0, $0xA;
	s2 =	sadd.s32 s3, s2  }
0x8d: {  	s2 =	sadd.s32 s2, s15  }
0x8e: {  	[smem:$0x3FB7] =	sst s2  }
0x8f: {  	_ = 	snop  }
0x90: {  	s2 =	sld [smem:$0x3FD0];
	_ =	sdelay $0x2  }
0x91: {  	s16 =	simm.s32 $0xB;
	s4 =	simm.s32 $0x10  }
0x92: {  	[smem:s4], [sflag:s16] =	dma.local [hbm:s2], $0x1  }
0x93: {  	_ =	swait.eq [sflag:s16], $0x1  }
0x94: {  	[sflag:s16] =	ssyncset.done $0x0  }
0x95: {  	[sflag:s16] =	ssyncadd.s32 $0xFFFFFFFF  }
0x96: {  	s17 =	sld [smem:$0x10];
	(tm) =	ssettm $0x1  }
0x97: {  	s18 =	sld [smem:$0x3FFB];
	_ =	sdelay $0x3  }
0x98: {  	_ =	strace s18  }
0x99: {  	s2 =	sld [smem:$0x3FFC];
	_ =	sdelay $0x3  }
0x9a: {  	_ =	strace s2  }
0x9b: {  	s2 =	sld [smem:$0x3FFD];
	_ =	sdelay $0x3  }
0x9c: {  	_ =	strace s2  }
0x9d: {  	_ =	strace $0x8FFFFFFF  }
0x9e: {  	s19 =	sld [smem:$0x3FDB];
	_ =	sdelay $0x1  }
0x9f: {  	s20 =	simm.s32 $_scs_section_size  }
0xa0: {  	s5 =	simm.s32 $_size__tile_overlayer_lowered;
	s6 =	simm.s32 $_tile_overlayer_lowered  }
0xa1: {  	s7 =	simm.s32 $0x1BFF;
	s21 =	sshll.u32 s6, $0x1;
	s4 =	sadd.s32 s20, s19  }
0xa2: {  	s22 =	simm.s32 $0x0;
	s5 =	sshll.u32 s5, $0x1;
	s6 =	sadd.s32 s21, s4  }
0xa3: {  	[timem:s22], [sflag:s7] =	dma.local [hbm:s6], s5  }
0xa4: {  	_ =	swait.ge [sflag:s7], s5  }
0xa5: {  	s5 =	ssub.s32 $0x0, s5;
	[sflag:s7] =	ssyncset.done $0x0  }
0xa6: {  	[sflag:s7] =	ssyncadd.s32 s5;
	_ =	sdelay $0x1  }
0xa7: {  	s23 =	simm.s32 $0x1B8B  }
0xa8: {  	_ =	swait.ge [sflag:s23], $0x1  }
0xa9: {  	[sflag:s23] =	ssyncset.done $0x0  }
0xaa: {  	[sflag:s23] =	ssyncadd.s32 $0xFFFFFFFF  }
0xab: {  	s5 =	sld [smem:$0x0]  }
0xac: {  	s6 =	sand.u32 $0xFFFFFFFE, s1  }
0xad: {  	p0 =	sne.s32 s1, s6  }
0xae: {  	s6 =	sshll.u32 @p0 s6, $0xE  }
0xaf: {  	s6 =	sadd.s32 @p0 $0x11B8D, s6;
	s7 =	sshll.u32 @p0 s5, $0x11  }
0xb0: {  	s6 =	sor.u32 @p0 s7, s6  }
0xb1: {  	[sflag:s6] =	ssyncadd.remote.s32 @p0 $0x1;
	_ =	sdelay $0x1  }
0xb2: {  	s6 =	simm.s32 @p0 $0x1B8D  }
0xb3: {  	_ =	swait.eq @p0 [sflag:s6], $0x1  }
0xb4: {  	[sflag:s6] =	ssyncadd.s32 @p0 $0xFFFFFFFF  }
0xb5: {  	s7 =	sshll.u32 @!p0 s1, $0xE  }
0xb6: {  	s7 =	sor.u32 @!p0 $0x4000, s7;
	s6 =	simm.s32 @!p0 $0x1B8D  }
0xb7: {  	s5 =	sshll.u32 @!p0 s5, $0x11;
	s7 =	sadd.s32 @!p0 $0x11B8D, s7;
	_ =	swait.eq @!p0 [sflag:s6], $0x1  }
0xb8: {  	s5 =	sor.u32 @!p0 s5, s7;
	[sflag:s6] =	ssyncadd.s32 @!p0 $0xFFFFFFFF  }
0xb9: {  	s25 =	simm.s32 $0x1B8E;
	s24 =	sld [smem:$0x3FFE];
	[sflag:s5] =	ssyncadd.remote.s32 @!p0 $0x1  }
0xba: {  	s26 =	simm.s32 $execute0_lowered;
	[smem:$0x3FD2] =	sst s25  }
0xbb: {  	s6 =	sshll.u32 s26, $0x1;
	_ =	strace $0x8000004F;
	[dreg:$0x1] =	wrdreg $0xFFFFFFFF  }
0xbc: {  	s28 =	simm.s32 $_size_execute0_lowered;
	s4 =	sadd.s32 s4, s6;
	[dreg:$0x0] =	wrdreg $0x0  }
0xbd: {  	s6 =	sshll.u32 s28, $0x1;
	[dreg:$0x2] =	wrdreg s4  }
0xbe: {  	[dreg:$0x3] =	wrdreg s6  }
0xbf: {  	[dreg:$0x4] =	wrdreg $0xC0  }
0xc0: {  	_ =	task [dreg:s22], $0x5FFFF  }
0xc1: {  	[dreg:$0x1] =	wrdreg $0xFFFFFFFF  }
0xc2: {  	[dreg:$0x0] =	wrdreg $0x60  }
0xc3: {  	[dreg:$0x2] =	wrdreg s17  }
0xc4: {  	[dreg:$0x3] =	wrdreg s24  }
0xc5: {  	[dreg:$0x4] =	wrdreg $0xE0000  }
0xc6: {  	[dreg:$0x5] =	wrdreg $0x9  }
0xc7: {  	_ =	task.clear_ibuf [dreg:s22], $0x6FFFF;
	_ =	strace $0x9000004F  }
0xc8: {  	s29 =	simm.s32 $0x9;
	_ =	strace $0x80000051  }
0xc9: {  	_ =	swait.ge [sflag:s29], $0x1  }
0xca: {  	[sflag:s29] =	ssyncadd.s32 $0xFFFFFFFF  }
0xcb: {  	_ =	strace $0x90000051  }
0xcc: {  	_ =	sfence  }
0xcd: {  	s30 =	sld [smem:$0x0];
	_ =	sdelay $0x2  }
0xce: {  	s31 =	sshll.u32 s1, $0xD;
	s1 =	sshrl.u32 s1, $0x2  }
0xcf: {  	s4 =	sand.u32 $0x4000, s31;
	s1 =	sadd.s32 s1, s30  }
0xd0: {  	s0 =	sor.u32 s4, s0;
	s1 =	sshll.u32 s1, $0x11  }
0xd1: {  	s0 =	sor.u32 s1, s0  }
0xd2: {  	s0 =	sadd.s32 $0x8F2B, s0  }
0xd3: {  	[sflag:s0] =	ssyncadd.remote.s32 $0x1  }
0xd4: {  	_ =	sfence.sel $0xFFFF  }
0xd5: {  	[dreg:$0x0] =	wrdreg $0xFFFFFFFF;
	(pc) =	sbr.abs _section_cstart, $3  }
0xd6: {  	[dreg:$0x1] =	wrdreg $0xFFFFFFFF  }
0xd7: {  	_ =	task.clear_ibuf [dreg:s22], $0x2FFFF;
	_ =	strace $0x9FFFFFFF  }
0xd8: {  	(tm) =	ssettm $0x7FFFFFFF  }
0xd9: {  	_ =	shalt  }
tec
execute0_lowered:
.L_overlay_start_1:
0x0: {  	(tag) =	ssettag $0x1  }
0x1: {  	s1 =	rddreg [dreg:$0x0]  }
0x2: {  	s5 =	rddreg [dreg:$0x1]  }
0x3: {  	s3 =	rddreg [dreg:$0x2]  }
0x4: {  	s0 =	srdreg.scid;
	s2 =	rddreg [dreg:$0x3];
	s4 =	simm.s32 $0x0  }
0x5: {  	s14 =	simm.s32 $0x80;
	s15 =	simm.s32 $0xA000;
	s6 =	sand.u32 $0x1, s0  }
0x6: {  	s16 =	simm.s32 $0x1;
	s0 =	stileid.u32;
	s7 =	smul.u32 $0x50000, s6  }
0x7: {  	s17 =	simm.s32 $0xC000;
	s18 =	simm.s32 $0x2;
	s8 =	smul.u32 $0x5000, s0  }
0x8: {  	s19 =	simm.s32 $0x4F80;
	s20 =	simm.s32 $0x9F00;
	s9 =	smul.u32 $0xA000, s0  }
0x9: {  	s21 =	simm.s32 $0x9F80;
	s22 =	simm.s32 $0x0;
	s28 =	smul.u32 $0x1400, s0  }
0xa: {  	[smem:$0x7FF] =	sst s4;
	s10 =	smul.u32 $0x14000, s6;
	s6 =	ssub.s32 $0x2, s6  }
0xb: {  	_ =	strace $0x80000050;
	s12 =	sshll.u32 s0, $0x6;
	s30 =	sshrl.u32 s6, $0x1  }
0xc: {  	s12 =	sor.u32 $0x1C03, s12;
	s7 =	sadd.s32 s8, s7;
	s11 =	sshrl.u32 s9, $0x3  }
0xd: {  	s8 =	sadd.s32 s28, s10;
	s31 =	ssub.s32 s6, s30;
	s13 =	sadd.s32 s9, s3  }
0xe: {  	s10 =	simm.s32 $0x3;
	s7 =	sshrl.u32 s7, $0x3;
	s29 =	sadd.s32 s11, s5  }
0xf: {  	s8 =	sadd.s32 s8, s5;
	s9 =	smax.u32 s31, $0x1;
	s11 =	simm.s32 $0x5000  }
0x10: {  	s13 =	sshrl.u32 s13, $0x3;
	s7 =	sadd.s32 s7, s5;
	s8 =	sadd.s32 $0xCC800, s8  }
0x11: {  	s5 =	sadd.s32 $0x90800, s7;
	s6 =	sadd.s32 $0x7C800, s7;
	s7 =	sadd.s32 $0x2C800, s29  }
.LBB2_1:
0x12: {  	[tilespmem:s4], [sflag:$0x3] =	stream.linear.gather [hbm4b:s5+s4], $0x5000, $0x38;
	[tilespmem:$0x18000] =	vst v63  }
0x13: {  	_ =	swait.ge [sflag:s10], $0x5000  }
0x14: {  	[sflag:s10] =	ssyncset.done $0x0  }
0x15: {  	[sflag:s10] =	ssyncadd.s32 $0xFFFFB000  }
0x16: {  	[tilespmem:s11], [sflag:$0x3] =	stream.linear.gather [hbm4b:s6+s4], $0x5000, $0x38;
	[tilespmem:$0x18000] =	vst v63  }
0x17: {  	_ =	swait.ge [sflag:s10], $0x5000  }
0x18: {  	[sflag:s10] =	ssyncset.done $0x0  }
0x19: {  	[sflag:s10] =	ssyncadd.s32 $0xFFFFB000  }
0x1a: {  	[spmem:s13], [sflag:s12] =	dma.local [hbm:s7], $0x1400  }
0x1b: {  	_ =	swait.ge [sflag:s10], $0x1400  }
0x1c: {  	[sflag:s10] =	ssyncset.done $0x0  }
0x1d: {  	[sflag:s10] =	ssyncadd.s32 $0xFFFFEC00  }
0x1e: {  	[bflag:$0x0] =	sbarrier.arrive $0xFFFF  }
0x1f: {  	[tilespmem:s15], [sflag:$0x1] =	stream.indirect.gather [hbm4b:s1+s14], $0x40, s4, s14, $0xb8;
	[tilespmem:$0x18000] =	vst v63  }
0x20: {  	_ =	swait.ge [sflag:s16], $0x2000  }
0x21: {  	[sflag:s16] =	ssyncset.done $0x0  }
0x22: {  	s23 =	simm.s32 $0x80;
	[sflag:s16] =	ssyncadd.s32 $0xFFFFE000  }
0x23: {  	[tilespmem:s17], [sflag:$0x2] =	stream.indirect.gather [hbm4b:s1+s14], $0x40, s23, s14, $0xb8;
	[tilespmem:$0x18000] =	vst v63  }
0x24: {  	s29 =	simm.s32 $0x5000  }
0x25: {  	[spmem:s3] =	stream.indirect.scatter.add.f32 [tilespmem:s15], [sflag:$0x3], $0x40, s29, s14, $0xb8;
	[tilespmem:$0x18000] =	vst v63  }
0x26: {  	_ =	swait.ge [sflag:s10], $0x2000  }
0x27: {  	[sflag:s10] =	ssyncset.done $0x0  }
0x28: {  	[sflag:s10] =	ssyncadd.s32 $0xFFFFE000  }
0x29: {  	_ =	swait.ge [sflag:s18], $0x2000  }
0x2a: {  	[sflag:s18] =	ssyncset.done $0x0  }
0x2b: {  	s30 =	simm.s32 $0x100;
	[sflag:s18] =	ssyncadd.s32 $0xFFFFE000  }
0x2c: {  	[tilespmem:s15], [sflag:$0x1] =	stream.indirect.gather [hbm4b:s1+s14], $0x40, s30, s14, $0xb8;
	[tilespmem:$0x18000] =	vst v63  }
0x2d: {  	s31 =	simm.s32 $0x5080  }
0x2e: {  	[spmem:s3] =	stream.indirect.scatter.add.f32 [tilespmem:s17], [sflag:$0x3], $0x40, s31, s14, $0xb8;
	[tilespmem:$0x18000] =	vst v63  }
0x2f: {  	_ =	swait.ge [sflag:s10], $0x2000  }
0x30: {  	s23 =	simm.s32 $0x400;
	[sflag:s10] =	ssyncset.done $0x0  }
.LBB2_2:
0x31: {  	p0 =	sne.s32 s23, $0x13800  }
0x32: {  	[sflag:s10] =	ssyncadd.s32 $0xFFFFE000;
	s24 =	smov.u32 s23;
	s23 =	sadd.s32 $0x400, s23  }
0x33: {  	_ = 	snop  }
0x34: {  	_ =	swait.ge [sflag:s16], $0x2000  }
0x35: {  	s24 =	sshra.s32 s24, $0x2;
	[sflag:s16] =	ssyncset.done $0x0  }
0x36: {  	s25 =	sadd.s32 $0x80, s24;
	[sflag:s16] =	ssyncadd.s32 $0xFFFFE000  }
0x37: {  	[tilespmem:s17], [sflag:$0x2] =	stream.indirect.gather [hbm4b:s1+s14], $0x40, s25, s14, $0xb8;
	[tilespmem:$0x18000] =	vst v63  }
0x38: {  	s25 =	sadd.s32 $0x5000, s24  }
0x39: {  	[spmem:s3] =	stream.indirect.scatter.add.f32 [tilespmem:s15], [sflag:$0x3], $0x40, s25, s14, $0xb8;
	[tilespmem:$0x18000] =	vst v63  }
0x3a: {  	_ =	swait.ge [sflag:s10], $0x2000  }
0x3b: {  	[sflag:s10] =	ssyncset.done $0x0  }
0x3c: {  	[sflag:s10] =	ssyncadd.s32 $0xFFFFE000  }
0x3d: {  	_ =	swait.ge [sflag:s18], $0x2000  }
0x3e: {  	[sflag:s18] =	ssyncset.done $0x0  }
0x3f: {  	s25 =	sadd.s32 $0x100, s24;
	[sflag:s18] =	ssyncadd.s32 $0xFFFFE000  }
0x40: {  	[tilespmem:s15], [sflag:$0x1] =	stream.indirect.gather [hbm4b:s1+s14], $0x40, s25, s14, $0xb8;
	[tilespmem:$0x18000] =	vst v63  }
.Ltmp0:
0x41: {  	_ = 	snop;
	(pc) =	sbr.rel @p0 .LBB2_2-.Ltmp0, $4  }
0x42: {  	s24 =	sadd.s32 $0x5080, s24  }
0x43: {  	[spmem:s3] =	stream.indirect.scatter.add.f32 [tilespmem:s17], [sflag:$0x3], $0x40, s24, s14, $0xb8;
	[tilespmem:$0x18000] =	vst v63  }
0x44: {  	_ =	swait.ge [sflag:s10], $0x2000  }
0x45: {  	[sflag:s10] =	ssyncset.done $0x0  }
0x46: {  	[sflag:s10] =	ssyncadd.s32 $0xFFFFE000  }
0x47: {  	_ =	swait.ge [sflag:s16], $0x2000  }
0x48: {  	[sflag:s16] =	ssyncset.done $0x0  }
0x49: {  	[sflag:s16] =	ssyncadd.s32 $0xFFFFE000  }
0x4a: {  	[tilespmem:s17], [sflag:$0x2] =	stream.indirect.gather [hbm4b:s1+s14], $0x40, s19, s14, $0xb8;
	[tilespmem:$0x18000] =	vst v63  }
0x4b: {  	_ = 	snop  }
0x4c: {  	[spmem:s3] =	stream.indirect.scatter.add.f32 [tilespmem:s15], [sflag:$0x3], $0x40, s20, s14, $0xb8;
	[tilespmem:$0x18000] =	vst v63  }
0x4d: {  	_ =	swait.ge [sflag:s10], $0x2000  }
0x4e: {  	[sflag:s10] =	ssyncset.done $0x0  }
0x4f: {  	[sflag:s10] =	ssyncadd.s32 $0xFFFFE000  }
0x50: {  	_ =	swait.ge [sflag:s18], $0x2000  }
0x51: {  	[sflag:s18] =	ssyncset.done $0x0  }
0x52: {  	[sflag:s18] =	ssyncadd.s32 $0xFFFFE000  }
0x53: {  	[spmem:s3] =	stream.indirect.scatter.add.f32 [tilespmem:s17], [sflag:$0x3], $0x40, s21, s14, $0xb8;
	[tilespmem:$0x18000] =	vst v63  }
0x54: {  	_ =	swait.ge [sflag:s10], $0x2000  }
0x55: {  	s22 =	sadd.s32 $0x1, s22;
	[sflag:s10] =	ssyncset.done $0x0  }
0x56: {  	p0 =	sne.s32 s22, s9;
	[sflag:s10] =	ssyncadd.s32 $0xFFFFE000  }
.Ltmp1:
0x57: {  	[bflag:$0x0] =	sbarrier.arrive $0xFFFF;
	(pc) =	sbr.rel @p0 .LBB2_1-.Ltmp1, $4  }
0x58: {  	[hbm:s8], [sflag:s12] =	dma.local [spmem:s13], $0x1400  }
0x59: {  	_ =	swait.ge [sflag:s10], $0x1400  }
0x5a: {  	[sflag:s10] =	ssyncset.done $0x0  }
0x5b: {  	[sflag:s10] =	ssyncadd.s32 $0xFFFFEC00  }
0x5c: {  	_ =	sfence.sel $0x180000  }
0x5d: {  	[bflag:$0x0] =	sbarrier.arrive $0xFFFF  }
0x5e: {  	p0 =	sne.s32 s0, $0x0;
	_ =	strace $0x90000050  }
0x5f: {  	s0 =	sadd.s32 @!p0 $0x100000, s2;
	[bflag:$0x2] =	sbarrier.arrive $0xFFFF  }
0x60: {  	[sflag:s0] =	ssyncadd.tile.s32 @!p0 $0x1;
	_ =	shalt  }
.Lfunc_end2:
_tile_overlayer_lowered:
.L_overlay_start_2:
0x61: {  	(tag) =	ssettag $0x2  }
0x62: {  	s0 =	rddreg [dreg:$0x0];
	s2 =	stileid.u32  }
0x63: {  	s1 =	rddreg [dreg:$0x1];
	p0 =	sne.s32 s2, $0x0  }
0x64: {  	s3 =	rddreg [dreg:$0x2];
	[bflag:$0x3] =	sbarrier.arrive $0xFFFF;
	s2 =	simm.s32 @!p0 $0x1C03  }
0x65: {  	[timem:s3], [sflag:s2] =	dma.local @!p0 [hbm:s0], s1  }
0x66: {  	s0 =	simm.s32 @!p0 $0x3  }
0x67: {  	_ =	swait.ge @!p0 [sflag:s0], s1  }
0x68: {  	s1 =	ssub.s32 @!p0 $0x0, s1;
	[sflag:s0] =	ssyncset.done @!p0 $0x0  }
0x69: {  	[sflag:s0] =	ssyncadd.s32 @!p0 s1  }
0x6a: {  	[bflag:$0x3] =	sbarrier.arrive $0xFFFF  }
0x6b: {  	_ =	shalt  }

// kernel: kernel.24.cloned.1.call-start
scs
__scs_entry_jumppad:
0x0: {  	(pc) =	sbr.rel $0x88, $3  }
0x1: {  	(tag) =	ssettag $0x0;
	lr =	simm.s32 $0x1  }
0x2: {  	[smem:$0x3F90] =	sst lr;
	_ =	strace $0xD0000000  }
0x3: {  	_ = 	snop  }
0x4: {  	_ = 	snop  }
0x5: {  	_ = 	snop  }
0x6: {  	_ = 	snop  }
0x7: {  	_ = 	snop  }
__scs_overlays_trampoline_lowered:
0x8: {  	[smem:$0x3F9F] =	sst s0  }
0x9: {  	[smem:$0x3FA0] =	sst s1  }
0xa: {  	[smem:$0x3FA1] =	sst s2  }
0xb: {  	[smem:$0x3FA2] =	sst s3  }
0xc: {  	[smem:$0x3FA3] =	sst s4  }
0xd: {  	[smem:$0x3FA4] =	sst s5  }
0xe: {  	[smem:$0x3FA5] =	sst s6  }
0xf: {  	[smem:$0x3FA6] =	sst s7  }
0x10: {  	[smem:$0x3FA7] =	sst s8  }
0x11: {  	[smem:$0x3FA8] =	sst s9;
	s0 =	simm.s32 @!p0 $0x0  }
0x12: {  	s1 =	sld [smem:$0x3F8E];
	s0 =	simm.s32 @p0 $0x1  }
0x13: {  	[smem:$0x3FA9] =	sst s0;
	s0 =	simm.s32 @!p1 $0x0  }
0x14: {  	s2 =	sld [smem:$0x3F8D];
	s0 =	simm.s32 @p1 $0x1  }
0x15: {  	[smem:$0x3FAA] =	sst s0;
	s0 =	simm.s32 @!p2 $0x0  }
0x16: {  	s3 =	sld [smem:$0x3FDB];
	s0 =	simm.s32 @p2 $0x1  }
0x17: {  	s4 =	simm.s32 $0x1BF5;
	[smem:$0x3FAC] =	sst s0  }
0x18: {  	s0 =	sld [smem:$0x3F8F];
	_ =	swait.ge [sflag:s4], $0x0  }
0x19: {  	s7 =	sld [smem:$0x3F90]  }
0x1a: {  	s8 =	sadd.s32 $0xFFFFE003, lr  }
0x1b: {  	s9 =	sadd.s32 $0xFFFFFEF7, lr;
	s5 =	simm.s32 $0xFFFFFFFF;
	p2 =	slt.u32 s8, $0xFFFFF086  }
0x1c: {  	p1 =	slt.u32 s9, $0xF7A;
	s5 =	simm.s32 @!p2 $0x0  }
0x1d: {  	s5 =	simm.s32 @p1 $0x1;
	p0 =	seq.s32 s7, s2  }
0x1e: {  	s7 =	smul.u32 @!p0 $0xF7A, s2;
	p2 =	seq.s32 @!p0 s5, $0x0  }
0x1f: {  	s9 =	smul.u32 $0xF7A, s1;
	s8 =	simm.s32 @!p0 $0x1BF5;
	p2 =	por !p2, p0  }
0x20: {  	[sflag:s8] =	ssyncset.s32 @!p0 $0xFFFFF086;
	s6 =	sadd.s32 @!p0 s3, s7;
	s7 =	simm.s32 @!p0 $0x108  }
0x21: {  	s3 =	sadd.s32 s3, s9;
	s6 =	sadd.s32 @!p0 $0x88, s6;
	s7 =	simm.s32 @p2 $0x1082  }
0x22: {  	[simem:s7], [sflag:s8] =	dma.local @!p0 [hbm:s6], $0xF7A  }
0x23: {  	s9 =	sor.u32 $0xD0000000, s2;
	s6 =	simm.s32 $0x108;
	_ =	swait.ge @!p0 [sflag:s8], $0x0  }
0x24: {  	s3 =	sadd.s32 $0x88, s3;
	s6 =	simm.s32 @!p1 $0x1082;
	[sflag:s4] =	ssyncset.s32 $0xFFFFF086  }
0x25: {  	[simem:s6], [sflag:s4] =	dma.local [hbm:s3], $0xF7A  }
0x26: {  	[smem:$0x3F90] =	sst s1;
	(tag) =	ssettag s2;
	_ =	strace s9  }
0x27: {  	s1 =	sld [smem:$0x3FA0]  }
0x28: {  	s2 =	sld [smem:$0x3FA1]  }
0x29: {  	s4 =	sld [smem:$0x3FA3]  }
0x2a: {  	p0 =	seq.s32 s5, $0x0;
	s5 =	sld [smem:$0x3FA4]  }
0x2b: {  	s6 =	sld [smem:$0x3FA5]  }
0x2c: {  	s7 =	sld [smem:$0x3FA6]  }
0x2d: {  	s3 =	simm.s32 $0x108;
	s8 =	sld [smem:$0x3FA7]  }
0x2e: {  	s3 =	simm.s32 @!p0 $0x1082;
	s9 =	sld [smem:$0x3FA8]  }
0x2f: {  	lr =	sadd.s32 s0, s3;
	s0 =	sld [smem:$0x3F9F]  }
0x30: {  	s3 =	sld [smem:$0x3FA2]  }
0x31: {  	[smem:$0x3FAB] =	sst s10  }
0x32: {  	s10 =	sld [smem:$0x3FA9];
	_ =	sdelay $0x3  }
0x33: {  	p0 =	seq.s32 s10, $0x1;
	s10 =	sld [smem:$0x3FAB];
	_ =	sdelay $0x3  }
0x34: {  	[smem:$0x3FAB] =	sst s10  }
0x35: {  	s10 =	sld [smem:$0x3FAA];
	_ =	sdelay $0x3  }
0x36: {  	p1 =	seq.s32 s10, $0x1;
	s10 =	sld [smem:$0x3FAB];
	_ =	sdelay $0x3  }
0x37: {  	[smem:$0x3FAB] =	sst s10  }
0x38: {  	s10 =	sld [smem:$0x3FAC]  }
0x39: {  	_ = 	snop;
	(pc) =	sbr.ind lr, $3  }
0x3a: {  	_ = 	snop  }
0x3b: {  	_ = 	snop  }
0x3c: {  	p2 =	seq.s32 s10, $0x1;
	s10 =	sld [smem:$0x3FAB]  }
0x3d: {  	_ =	shalt  }
0x3e: {  	_ =	shalt  }
0x3f: {  	_ =	shalt  }
0x40: {  	_ =	shalt  }
0x41: {  	_ =	shalt  }
0x42: {  	_ =	shalt  }
0x43: {  	_ =	shalt  }
0x44: {  	_ =	shalt  }
0x45: {  	_ =	shalt  }
0x46: {  	_ =	shalt  }
0x47: {  	_ =	shalt  }
0x48: {  	_ =	shalt  }
0x49: {  	_ =	shalt  }
0x4a: {  	_ =	shalt  }
0x4b: {  	_ =	shalt  }
0x4c: {  	_ =	shalt  }
0x4d: {  	_ =	shalt  }
0x4e: {  	_ =	shalt  }
0x4f: {  	_ =	shalt  }
0x50: {  	_ =	shalt  }
0x51: {  	_ =	shalt  }
0x52: {  	_ =	shalt  }
0x53: {  	_ =	shalt  }
0x54: {  	_ =	shalt  }
0x55: {  	_ =	shalt  }
0x56: {  	_ =	shalt  }
0x57: {  	_ =	shalt  }
0x58: {  	_ =	shalt  }
0x59: {  	_ =	shalt  }
0x5a: {  	_ =	shalt  }
0x5b: {  	_ =	shalt  }
0x5c: {  	_ =	shalt  }
0x5d: {  	_ =	shalt  }
0x5e: {  	_ =	shalt  }
0x5f: {  	_ =	shalt  }
0x60: {  	_ =	shalt  }
0x61: {  	_ =	shalt  }
0x62: {  	_ =	shalt  }
0x63: {  	_ =	shalt  }
0x64: {  	_ =	shalt  }
0x65: {  	_ =	shalt  }
0x66: {  	_ =	shalt  }
0x67: {  	_ =	shalt  }
0x68: {  	_ =	shalt  }
0x69: {  	_ =	shalt  }
0x6a: {  	_ =	shalt  }
0x6b: {  	_ =	shalt  }
0x6c: {  	_ =	shalt  }
0x6d: {  	_ =	shalt  }
0x6e: {  	_ =	shalt  }
0x6f: {  	_ =	shalt  }
0x70: {  	_ =	shalt  }
0x71: {  	_ =	shalt  }
0x72: {  	_ =	shalt  }
0x73: {  	_ =	shalt  }
0x74: {  	_ =	shalt  }
0x75: {  	_ =	shalt  }
0x76: {  	_ =	shalt  }
0x77: {  	_ =	shalt  }
0x78: {  	_ =	shalt  }
0x79: {  	_ =	shalt  }
0x7a: {  	_ =	shalt  }
0x7b: {  	_ =	shalt  }
0x7c: {  	_ =	shalt  }
0x7d: {  	_ =	shalt  }
0x7e: {  	_ =	shalt  }
0x7f: {  	_ =	shalt  }
0x80: {  	_ =	shalt  }
0x81: {  	_ =	shalt  }
0x82: {  	_ =	shalt  }
0x83: {  	_ =	shalt  }
0x84: {  	_ =	shalt  }
0x85: {  	_ =	shalt  }
0x86: {  	_ =	shalt  }
0x87: {  	_ =	shalt  }
.Lfunc_end0:
.L_simem_size_0:
called_computation.3_lowered:
.L_overlay_start_0:
0x88: {  	s2 =	sld [smem:$0x3FD9]  }
0x89: {  	s3 =	sld [smem:$0x3FFE];
	_ =	sdelay $0x1  }
0x8a: {  	s1 =	srdreg.scid  }
0x8b: {  	s0 =	sand.u32 $0x1, s1  }
0x8c: {  	s16 =	sshll.u32 s0, $0xA;
	s2 =	sadd.s32 s3, s2  }
0x8d: {  	s2 =	sadd.s32 s2, s16  }
0x8e: {  	[smem:$0x3FB7] =	sst s2  }
0x8f: {  	_ = 	snop  }
0x90: {  	(tm) =	ssettm $0x1  }
0x91: {  	s17 =	sld [smem:$0x3FFB];
	_ =	sdelay $0x3  }
0x92: {  	_ =	strace s17  }
0x93: {  	s2 =	sld [smem:$0x3FFC];
	_ =	sdelay $0x3  }
0x94: {  	_ =	strace s2  }
0x95: {  	s2 =	sld [smem:$0x3FFD];
	_ =	sdelay $0x3  }
0x96: {  	_ =	strace s2  }
0x97: {  	_ =	strace $0x8FFFFFFF  }
0x98: {  	s18 =	sld [smem:$0x3FDB];
	_ =	sdelay $0x1  }
0x99: {  	s19 =	simm.s32 $_scs_section_size  }
0x9a: {  	s4 =	simm.s32 $_size__tile_overlayer_lowered;
	s5 =	simm.s32 $_tile_overlayer_lowered  }
0x9b: {  	s22 =	simm.s32 $0x1BFF;
	s21 =	sshll.u32 s5, $0x1;
	s2 =	sadd.s32 s19, s18  }
0x9c: {  	s6 =	simm.s32 $0x0;
	s20 =	sshll.u32 s4, $0x1;
	s4 =	sadd.s32 s21, s2  }
0x9d: {  	[timem:s6], [sflag:s22] =	dma.local [hbm:s4], s20  }
0x9e: {  	_ =	swait.ge [sflag:s22], s20  }
0x9f: {  	s3 =	ssub.s32 $0x0, s20;
	[sflag:s22] =	ssyncset.done $0x0  }
0xa0: {  	[sflag:s22] =	ssyncadd.s32 s3;
	_ =	sdelay $0x1  }
0xa1: {  	s23 =	simm.s32 $0x1B8B  }
0xa2: {  	_ =	swait.ge [sflag:s23], $0x1  }
0xa3: {  	[sflag:s23] =	ssyncset.done $0x0  }
0xa4: {  	s25 =	simm.s32 $0x1B8E;
	s24 =	sld [smem:$0x3FFE];
	[sflag:s23] =	ssyncadd.s32 $0xFFFFFFFF  }
0xa5: {  	s26 =	simm.s32 $execute0_lowered;
	[smem:$0x3FD2] =	sst s25  }
0xa6: {  	s4 =	sshll.u32 s26, $0x1;
	_ =	strace $0x8000004C;
	[dreg:$0x1] =	wrdreg $0xFFFFFFFF  }
0xa7: {  	s28 =	simm.s32 $_size_execute0_lowered;
	s2 =	sadd.s32 s2, s4;
	[dreg:$0x0] =	wrdreg $0x0  }
0xa8: {  	s4 =	sshll.u32 s28, $0x1;
	[dreg:$0x2] =	wrdreg s2  }
0xa9: {  	[dreg:$0x3] =	wrdreg s4  }
0xaa: {  	[dreg:$0x4] =	wrdreg $0xC0  }
0xab: {  	_ =	task [dreg:s6], $0x5FFFF  }
0xac: {  	[dreg:$0x1] =	wrdreg $0xFFFFFFFF  }
0xad: {  	[dreg:$0x0] =	wrdreg $0x60  }
0xae: {  	[dreg:$0x2] =	wrdreg s24  }
0xaf: {  	[dreg:$0x3] =	wrdreg $0xE0000  }
0xb0: {  	[dreg:$0x4] =	wrdreg $0xA  }
0xb1: {  	_ =	task.clear_ibuf [dreg:s6], $0x5FFFF;
	_ =	strace $0x9000004C  }
0xb2: {  	s29 =	simm.s32 $0xA;
	_ =	strace $0x8000004E  }
0xb3: {  	_ =	swait.ge [sflag:s29], $0x1  }
0xb4: {  	[sflag:s29] =	ssyncadd.s32 $0xFFFFFFFF  }
0xb5: {  	_ =	strace $0x9000004E  }
0xb6: {  	_ =	sfence  }
0xb7: {  	s30 =	sld [smem:$0x0];
	_ =	sdelay $0x2  }
0xb8: {  	s31 =	sshll.u32 s1, $0xD;
	s1 =	sshrl.u32 s1, $0x2  }
0xb9: {  	s3 =	sand.u32 $0x4000, s31;
	s1 =	sadd.s32 s1, s30  }
0xba: {  	s0 =	sor.u32 s3, s0;
	s1 =	sshll.u32 s1, $0x11  }
0xbb: {  	s0 =	sor.u32 s1, s0  }
0xbc: {  	s0 =	sadd.s32 $0x8F2B, s0  }
0xbd: {  	[sflag:s0] =	ssyncadd.remote.s32 $0x1  }
0xbe: {  	_ =	sfence.sel $0xFFFF  }
0xbf: {  	[dreg:$0x0] =	wrdreg $0xFFFFFFFF;
	(pc) =	sbr.abs _section_cstart, $3  }
0xc0: {  	[dreg:$0x1] =	wrdreg $0xFFFFFFFF  }
0xc1: {  	_ =	task.clear_ibuf [dreg:s6], $0x2FFFF;
	_ =	strace $0x9FFFFFFF  }
0xc2: {  	(tm) =	ssettm $0x7FFFFFFF  }
0xc3: {  	_ =	shalt  }
tec
execute0_lowered:
.L_overlay_start_1:
0x0: {  	(tag) =	ssettag $0x1  }
0x1: {  	s5 =	rddreg [dreg:$0x0]  }
0x2: {  	s0 =	srdreg.scid;
	s2 =	rddreg [dreg:$0x1]  }
0x3: {  	s1 =	rddreg [dreg:$0x2];
	s3 =	simm.s32 $0x0;
	s14 =	simm.s32 $0x80  }
0x4: {  	s15 =	simm.s32 $0xA000;
	s16 =	simm.s32 $0x1;
	s6 =	sand.u32 $0x1, s0  }
0x5: {  	s17 =	simm.s32 $0xC000;
	s0 =	stileid.u32;
	s4 =	smul.u32 $0x50000, s6  }
0x6: {  	s18 =	simm.s32 $0x2;
	s19 =	simm.s32 $0x4F80;
	s7 =	smul.u32 $0x5000, s0  }
0x7: {  	s20 =	simm.s32 $0x9F00;
	s21 =	simm.s32 $0x9F80;
	s8 =	smul.u32 $0xA000, s0  }
0x8: {  	s22 =	simm.s32 $0x0;
	[smem:$0x7FF] =	sst s3;
	s26 =	smul.u32 $0x1400, s0  }
0x9: {  	s10 =	smul.u32 $0x14000, s6;
	_ =	strace $0x8000004D;
	s6 =	ssub.s32 $0x2, s6  }
0xa: {  	s31 =	sshll.u32 s0, $0x6;
	s30 =	sshrl.u32 s6, $0x1;
	s4 =	sadd.s32 s7, s4  }
0xb: {  	s11 =	sshrl.u32 s8, $0x3;
	s7 =	sadd.s32 s26, s10;
	s12 =	ssub.s32 s6, s30  }
0xc: {  	s13 =	sadd.s32 s8, s2;
	s10 =	simm.s32 $0x3;
	s9 =	sshrl.u32 s4, $0x3  }
0xd: {  	s4 =	sadd.s32 $0x40800, s5;
	s28 =	sadd.s32 s11, s5;
	s29 =	sadd.s32 s7, s5  }
0xe: {  	s11 =	simm.s32 $0x5000;
	s13 =	sshrl.u32 s13, $0x3;
	s9 =	sadd.s32 s9, s5  }
0xf: {  	s7 =	sadd.s32 $0x2C800, s28;
	s8 =	sadd.s32 $0xA4800, s29;
	s5 =	sadd.s32 $0x90800, s9  }
0x10: {  	s6 =	sadd.s32 $0x7C800, s9;
	s9 =	smax.u32 s12, $0x1;
	s12 =	sor.u32 $0x1C03, s31  }
.LBB2_1:
0x11: {  	[tilespmem:s3], [sflag:$0x3] =	stream.linear.gather [hbm4b:s5+s3], $0x5000, $0x38;
	[tilespmem:$0x18000] =	vst v63  }
0x12: {  	_ =	swait.ge [sflag:s10], $0x5000  }
0x13: {  	[sflag:s10] =	ssyncset.done $0x0  }
0x14: {  	[sflag:s10] =	ssyncadd.s32 $0xFFFFB000  }
0x15: {  	[tilespmem:s11], [sflag:$0x3] =	stream.linear.gather [hbm4b:s6+s3], $0x5000, $0x38;
	[tilespmem:$0x18000] =	vst v63  }
0x16: {  	_ =	swait.ge [sflag:s10], $0x5000  }
0x17: {  	[sflag:s10] =	ssyncset.done $0x0  }
0x18: {  	[sflag:s10] =	ssyncadd.s32 $0xFFFFB000  }
0x19: {  	[spmem:s13], [sflag:s12] =	dma.local [hbm:s7], $0x1400  }
0x1a: {  	_ =	swait.ge [sflag:s10], $0x1400  }
0x1b: {  	[sflag:s10] =	ssyncset.done $0x0  }
0x1c: {  	[sflag:s10] =	ssyncadd.s32 $0xFFFFEC00  }
0x1d: {  	[bflag:$0x0] =	sbarrier.arrive $0xFFFF  }
0x1e: {  	[tilespmem:s15], [sflag:$0x1] =	stream.indirect.gather [hbm4b:s4+s14], $0x40, s3, s14, $0xb8;
	[tilespmem:$0x18000] =	vst v63  }
0x1f: {  	_ =	swait.ge [sflag:s16], $0x2000  }
0x20: {  	[sflag:s16] =	ssyncset.done $0x0  }
0x21: {  	s23 =	simm.s32 $0x80;
	[sflag:s16] =	ssyncadd.s32 $0xFFFFE000  }
0x22: {  	[tilespmem:s17], [sflag:$0x2] =	stream.indirect.gather [hbm4b:s4+s14], $0x40, s23, s14, $0xb8;
	[tilespmem:$0x18000] =	vst v63  }
0x23: {  	s29 =	simm.s32 $0x5000  }
0x24: {  	[spmem:s2] =	stream.indirect.scatter.add.f32 [tilespmem:s15], [sflag:$0x3], $0x40, s29, s14, $0xb8;
	[tilespmem:$0x18000] =	vst v63  }
0x25: {  	_ =	swait.ge [sflag:s10], $0x2000  }
0x26: {  	[sflag:s10] =	ssyncset.done $0x0  }
0x27: {  	[sflag:s10] =	ssyncadd.s32 $0xFFFFE000  }
0x28: {  	_ =	swait.ge [sflag:s18], $0x2000  }
0x29: {  	[sflag:s18] =	ssyncset.done $0x0  }
0x2a: {  	s30 =	simm.s32 $0x100;
	[sflag:s18] =	ssyncadd.s32 $0xFFFFE000  }
0x2b: {  	[tilespmem:s15], [sflag:$0x1] =	stream.indirect.gather [hbm4b:s4+s14], $0x40, s30, s14, $0xb8;
	[tilespmem:$0x18000] =	vst v63  }
0x2c: {  	s31 =	simm.s32 $0x5080  }
0x2d: {  	[spmem:s2] =	stream.indirect.scatter.add.f32 [tilespmem:s17], [sflag:$0x3], $0x40, s31, s14, $0xb8;
	[tilespmem:$0x18000] =	vst v63  }
0x2e: {  	_ =	swait.ge [sflag:s10], $0x2000  }
0x2f: {  	s23 =	simm.s32 $0x400;
	[sflag:s10] =	ssyncset.done $0x0  }
.LBB2_2:
0x30: {  	p0 =	sne.s32 s23, $0x13800  }
0x31: {  	[sflag:s10] =	ssyncadd.s32 $0xFFFFE000;
	s24 =	smov.u32 s23;
	s23 =	sadd.s32 $0x400, s23  }
0x32: {  	_ = 	snop  }
0x33: {  	_ =	swait.ge [sflag:s16], $0x2000  }
0x34: {  	s24 =	sshra.s32 s24, $0x2;
	[sflag:s16] =	ssyncset.done $0x0  }
0x35: {  	s25 =	sadd.s32 $0x80, s24;
	[sflag:s16] =	ssyncadd.s32 $0xFFFFE000  }
0x36: {  	[tilespmem:s17], [sflag:$0x2] =	stream.indirect.gather [hbm4b:s4+s14], $0x40, s25, s14, $0xb8;
	[tilespmem:$0x18000] =	vst v63  }
0x37: {  	s25 =	sadd.s32 $0x5000, s24  }
0x38: {  	[spmem:s2] =	stream.indirect.scatter.add.f32 [tilespmem:s15], [sflag:$0x3], $0x40, s25, s14, $0xb8;
	[tilespmem:$0x18000] =	vst v63  }
0x39: {  	_ =	swait.ge [sflag:s10], $0x2000  }
0x3a: {  	[sflag:s10] =	ssyncset.done $0x0  }
0x3b: {  	[sflag:s10] =	ssyncadd.s32 $0xFFFFE000  }
0x3c: {  	_ =	swait.ge [sflag:s18], $0x2000  }
0x3d: {  	[sflag:s18] =	ssyncset.done $0x0  }
0x3e: {  	s25 =	sadd.s32 $0x100, s24;
	[sflag:s18] =	ssyncadd.s32 $0xFFFFE000  }
0x3f: {  	[tilespmem:s15], [sflag:$0x1] =	stream.indirect.gather [hbm4b:s4+s14], $0x40, s25, s14, $0xb8;
	[tilespmem:$0x18000] =	vst v63  }
.Ltmp0:
0x40: {  	_ = 	snop;
	(pc) =	sbr.rel @p0 .LBB2_2-.Ltmp0, $4  }
0x41: {  	s24 =	sadd.s32 $0x5080, s24  }
0x42: {  	[spmem:s2] =	stream.indirect.scatter.add.f32 [tilespmem:s17], [sflag:$0x3], $0x40, s24, s14, $0xb8;
	[tilespmem:$0x18000] =	vst v63  }
0x43: {  	_ =	swait.ge [sflag:s10], $0x2000  }
0x44: {  	[sflag:s10] =	ssyncset.done $0x0  }
0x45: {  	[sflag:s10] =	ssyncadd.s32 $0xFFFFE000  }
0x46: {  	_ =	swait.ge [sflag:s16], $0x2000  }
0x47: {  	[sflag:s16] =	ssyncset.done $0x0  }
0x48: {  	[sflag:s16] =	ssyncadd.s32 $0xFFFFE000  }
0x49: {  	[tilespmem:s17], [sflag:$0x2] =	stream.indirect.gather [hbm4b:s4+s14], $0x40, s19, s14, $0xb8;
	[tilespmem:$0x18000] =	vst v63  }
0x4a: {  	_ = 	snop  }
0x4b: {  	[spmem:s2] =	stream.indirect.scatter.add.f32 [tilespmem:s15], [sflag:$0x3], $0x40, s20, s14, $0xb8;
	[tilespmem:$0x18000] =	vst v63  }
0x4c: {  	_ =	swait.ge [sflag:s10], $0x2000  }
0x4d: {  	[sflag:s10] =	ssyncset.done $0x0  }
0x4e: {  	[sflag:s10] =	ssyncadd.s32 $0xFFFFE000  }
0x4f: {  	_ =	swait.ge [sflag:s18], $0x2000  }
0x50: {  	[sflag:s18] =	ssyncset.done $0x0  }
0x51: {  	[sflag:s18] =	ssyncadd.s32 $0xFFFFE000  }
0x52: {  	[spmem:s2] =	stream.indirect.scatter.add.f32 [tilespmem:s17], [sflag:$0x3], $0x40, s21, s14, $0xb8;
	[tilespmem:$0x18000] =	vst v63  }
0x53: {  	_ =	swait.ge [sflag:s10], $0x2000  }
0x54: {  	s22 =	sadd.s32 $0x1, s22;
	[sflag:s10] =	ssyncset.done $0x0  }
0x55: {  	p0 =	sne.s32 s22, s9;
	[sflag:s10] =	ssyncadd.s32 $0xFFFFE000  }
.Ltmp1:
0x56: {  	[bflag:$0x0] =	sbarrier.arrive $0xFFFF;
	(pc) =	sbr.rel @p0 .LBB2_1-.Ltmp1, $4  }
0x57: {  	[hbm:s8], [sflag:s12] =	dma.local [spmem:s13], $0x1400  }
0x58: {  	_ =	swait.ge [sflag:s10], $0x1400  }
0x59: {  	[sflag:s10] =	ssyncset.done $0x0  }
0x5a: {  	[sflag:s10] =	ssyncadd.s32 $0xFFFFEC00  }
0x5b: {  	_ =	sfence.sel $0x180000  }
0x5c: {  	[bflag:$0x0] =	sbarrier.arrive $0xFFFF  }
0x5d: {  	p0 =	sne.s32 s0, $0x0;
	_ =	strace $0x9000004D  }
0x5e: {  	s0 =	sadd.s32 @!p0 $0x100000, s1;
	[bflag:$0x2] =	sbarrier.arrive $0xFFFF  }
0x5f: {  	[sflag:s0] =	ssyncadd.tile.s32 @!p0 $0x1;
	_ =	shalt  }
.Lfunc_end2:
_tile_overlayer_lowered:
.L_overlay_start_2:
0x60: {  	(tag) =	ssettag $0x2  }
0x61: {  	s0 =	rddreg [dreg:$0x0];
	s2 =	stileid.u32  }
0x62: {  	s1 =	rddreg [dreg:$0x1];
	p0 =	sne.s32 s2, $0x0  }
0x63: {  	s3 =	rddreg [dreg:$0x2];
	[bflag:$0x3] =	sbarrier.arrive $0xFFFF;
	s2 =	simm.s32 @!p0 $0x1C03  }
0x64: {  	[timem:s3], [sflag:s2] =	dma.local @!p0 [hbm:s0], s1  }
0x65: {  	s0 =	simm.s32 @!p0 $0x3  }
0x66: {  	_ =	swait.ge @!p0 [sflag:s0], s1  }
0x67: {  	s1 =	ssub.s32 @!p0 $0x0, s1;
	[sflag:s0] =	ssyncset.done @!p0 $0x0  }
0x68: {  	[sflag:s0] =	ssyncadd.s32 @!p0 s1  }
0x69: {  	[bflag:$0x3] =	sbarrier.arrive $0xFFFF  }
0x6a: {  	_ =	shalt  }

// kernel: kernel.27.cloned.1.call-start
scs
__scs_entry_jumppad:
0x0: {  	(pc) =	sbr.rel $0x88, $3  }
0x1: {  	(tag) =	ssettag $0x0;
	lr =	simm.s32 $0x1  }
0x2: {  	[smem:$0x3F90] =	sst lr;
	_ =	strace $0xD0000000  }
0x3: {  	_ = 	snop  }
0x4: {  	_ = 	snop  }
0x5: {  	_ = 	snop  }
0x6: {  	_ = 	snop  }
0x7: {  	_ = 	snop  }
__scs_overlays_trampoline_lowered:
0x8: {  	[smem:$0x3F9F] =	sst s0  }
0x9: {  	[smem:$0x3FA0] =	sst s1  }
0xa: {  	[smem:$0x3FA1] =	sst s2  }
0xb: {  	[smem:$0x3FA2] =	sst s3  }
0xc: {  	[smem:$0x3FA3] =	sst s4  }
0xd: {  	[smem:$0x3FA4] =	sst s5  }
0xe: {  	[smem:$0x3FA5] =	sst s6  }
0xf: {  	[smem:$0x3FA6] =	sst s7  }
0x10: {  	[smem:$0x3FA7] =	sst s8  }
0x11: {  	[smem:$0x3FA8] =	sst s9;
	s0 =	simm.s32 @!p0 $0x0  }
0x12: {  	s1 =	sld [smem:$0x3F8E];
	s0 =	simm.s32 @p0 $0x1  }
0x13: {  	[smem:$0x3FA9] =	sst s0;
	s0 =	simm.s32 @!p1 $0x0  }
0x14: {  	s2 =	sld [smem:$0x3F8D];
	s0 =	simm.s32 @p1 $0x1  }
0x15: {  	[smem:$0x3FAA] =	sst s0;
	s0 =	simm.s32 @!p2 $0x0  }
0x16: {  	s3 =	sld [smem:$0x3FDB];
	s0 =	simm.s32 @p2 $0x1  }
0x17: {  	s4 =	simm.s32 $0x1BF5;
	[smem:$0x3FAC] =	sst s0  }
0x18: {  	s0 =	sld [smem:$0x3F8F];
	_ =	swait.ge [sflag:s4], $0x0  }
0x19: {  	s7 =	sld [smem:$0x3F90]  }
0x1a: {  	s8 =	sadd.s32 $0xFFFFE003, lr  }
0x1b: {  	s9 =	sadd.s32 $0xFFFFFEF7, lr;
	s5 =	simm.s32 $0xFFFFFFFF;
	p2 =	slt.u32 s8, $0xFFFFF086  }
0x1c: {  	p1 =	slt.u32 s9, $0xF7A;
	s5 =	simm.s32 @!p2 $0x0  }
0x1d: {  	s5 =	simm.s32 @p1 $0x1;
	p0 =	seq.s32 s7, s2  }
0x1e: {  	s7 =	smul.u32 @!p0 $0xF7A, s2;
	p2 =	seq.s32 @!p0 s5, $0x0  }
0x1f: {  	s9 =	smul.u32 $0xF7A, s1;
	s8 =	simm.s32 @!p0 $0x1BF5;
	p2 =	por !p2, p0  }
0x20: {  	[sflag:s8] =	ssyncset.s32 @!p0 $0xFFFFF086;
	s6 =	sadd.s32 @!p0 s3, s7;
	s7 =	simm.s32 @!p0 $0x108  }
0x21: {  	s3 =	sadd.s32 s3, s9;
	s6 =	sadd.s32 @!p0 $0x88, s6;
	s7 =	simm.s32 @p2 $0x1082  }
0x22: {  	[simem:s7], [sflag:s8] =	dma.local @!p0 [hbm:s6], $0xF7A  }
0x23: {  	s9 =	sor.u32 $0xD0000000, s2;
	s6 =	simm.s32 $0x108;
	_ =	swait.ge @!p0 [sflag:s8], $0x0  }
0x24: {  	s3 =	sadd.s32 $0x88, s3;
	s6 =	simm.s32 @!p1 $0x1082;
	[sflag:s4] =	ssyncset.s32 $0xFFFFF086  }
0x25: {  	[simem:s6], [sflag:s4] =	dma.local [hbm:s3], $0xF7A  }
0x26: {  	[smem:$0x3F90] =	sst s1;
	(tag) =	ssettag s2;
	_ =	strace s9  }
0x27: {  	s1 =	sld [smem:$0x3FA0]  }
0x28: {  	s2 =	sld [smem:$0x3FA1]  }
0x29: {  	s4 =	sld [smem:$0x3FA3]  }
0x2a: {  	p0 =	seq.s32 s5, $0x0;
	s5 =	sld [smem:$0x3FA4]  }
0x2b: {  	s6 =	sld [smem:$0x3FA5]  }
0x2c: {  	s7 =	sld [smem:$0x3FA6]  }
0x2d: {  	s3 =	simm.s32 $0x108;
	s8 =	sld [smem:$0x3FA7]  }
0x2e: {  	s3 =	simm.s32 @!p0 $0x1082;
	s9 =	sld [smem:$0x3FA8]  }
0x2f: {  	lr =	sadd.s32 s0, s3;
	s0 =	sld [smem:$0x3F9F]  }
0x30: {  	s3 =	sld [smem:$0x3FA2]  }
0x31: {  	[smem:$0x3FAB] =	sst s10  }
0x32: {  	s10 =	sld [smem:$0x3FA9];
	_ =	sdelay $0x3  }
0x33: {  	p0 =	seq.s32 s10, $0x1;
	s10 =	sld [smem:$0x3FAB];
	_ =	sdelay $0x3  }
0x34: {  	[smem:$0x3FAB] =	sst s10  }
0x35: {  	s10 =	sld [smem:$0x3FAA];
	_ =	sdelay $0x3  }
0x36: {  	p1 =	seq.s32 s10, $0x1;
	s10 =	sld [smem:$0x3FAB];
	_ =	sdelay $0x3  }
0x37: {  	[smem:$0x3FAB] =	sst s10  }
0x38: {  	s10 =	sld [smem:$0x3FAC]  }
0x39: {  	_ = 	snop;
	(pc) =	sbr.ind lr, $3  }
0x3a: {  	_ = 	snop  }
0x3b: {  	_ = 	snop  }
0x3c: {  	p2 =	seq.s32 s10, $0x1;
	s10 =	sld [smem:$0x3FAB]  }
0x3d: {  	_ =	shalt  }
0x3e: {  	_ =	shalt  }
0x3f: {  	_ =	shalt  }
0x40: {  	_ =	shalt  }
0x41: {  	_ =	shalt  }
0x42: {  	_ =	shalt  }
0x43: {  	_ =	shalt  }
0x44: {  	_ =	shalt  }
0x45: {  	_ =	shalt  }
0x46: {  	_ =	shalt  }
0x47: {  	_ =	shalt  }
0x48: {  	_ =	shalt  }
0x49: {  	_ =	shalt  }
0x4a: {  	_ =	shalt  }
0x4b: {  	_ =	shalt  }
0x4c: {  	_ =	shalt  }
0x4d: {  	_ =	shalt  }
0x4e: {  	_ =	shalt  }
0x4f: {  	_ =	shalt  }
0x50: {  	_ =	shalt  }
0x51: {  	_ =	shalt  }
0x52: {  	_ =	shalt  }
0x53: {  	_ =	shalt  }
0x54: {  	_ =	shalt  }
0x55: {  	_ =	shalt  }
0x56: {  	_ =	shalt  }
0x57: {  	_ =	shalt  }
0x58: {  	_ =	shalt  }
0x59: {  	_ =	shalt  }
0x5a: {  	_ =	shalt  }
0x5b: {  	_ =	shalt  }
0x5c: {  	_ =	shalt  }
0x5d: {  	_ =	shalt  }
0x5e: {  	_ =	shalt  }
0x5f: {  	_ =	shalt  }
0x60: {  	_ =	shalt  }
0x61: {  	_ =	shalt  }
0x62: {  	_ =	shalt  }
0x63: {  	_ =	shalt  }
0x64: {  	_ =	shalt  }
0x65: {  	_ =	shalt  }
0x66: {  	_ =	shalt  }
0x67: {  	_ =	shalt  }
0x68: {  	_ =	shalt  }
0x69: {  	_ =	shalt  }
0x6a: {  	_ =	shalt  }
0x6b: {  	_ =	shalt  }
0x6c: {  	_ =	shalt  }
0x6d: {  	_ =	shalt  }
0x6e: {  	_ =	shalt  }
0x6f: {  	_ =	shalt  }
0x70: {  	_ =	shalt  }
0x71: {  	_ =	shalt  }
0x72: {  	_ =	shalt  }
0x73: {  	_ =	shalt  }
0x74: {  	_ =	shalt  }
0x75: {  	_ =	shalt  }
0x76: {  	_ =	shalt  }
0x77: {  	_ =	shalt  }
0x78: {  	_ =	shalt  }
0x79: {  	_ =	shalt  }
0x7a: {  	_ =	shalt  }
0x7b: {  	_ =	shalt  }
0x7c: {  	_ =	shalt  }
0x7d: {  	_ =	shalt  }
0x7e: {  	_ =	shalt  }
0x7f: {  	_ =	shalt  }
0x80: {  	_ =	shalt  }
0x81: {  	_ =	shalt  }
0x82: {  	_ =	shalt  }
0x83: {  	_ =	shalt  }
0x84: {  	_ =	shalt  }
0x85: {  	_ =	shalt  }
0x86: {  	_ =	shalt  }
0x87: {  	_ =	shalt  }
.Lfunc_end0:
.L_simem_size_0:
called_computation.4_lowered:
.L_overlay_start_0:
0x88: {  	s2 =	sld [smem:$0x3FD9]  }
0x89: {  	s3 =	sld [smem:$0x3FFE];
	_ =	sdelay $0x1  }
0x8a: {  	s1 =	srdreg.scid  }
0x8b: {  	s0 =	sand.u32 $0x1, s1  }
0x8c: {  	s15 =	sshll.u32 s0, $0xA;
	s2 =	sadd.s32 s3, s2  }
0x8d: {  	s2 =	sadd.s32 s2, s15  }
0x8e: {  	[smem:$0x3FB7] =	sst s2  }
0x8f: {  	_ = 	snop  }
0x90: {  	s2 =	sld [smem:$0x3FD0];
	_ =	sdelay $0x2  }
0x91: {  	s16 =	simm.s32 $0xB;
	s4 =	simm.s32 $0x10  }
0x92: {  	[smem:s4], [sflag:s16] =	dma.local [hbm:s2], $0x1  }
0x93: {  	_ =	swait.eq [sflag:s16], $0x1  }
0x94: {  	[sflag:s16] =	ssyncset.done $0x0  }
0x95: {  	[sflag:s16] =	ssyncadd.s32 $0xFFFFFFFF  }
0x96: {  	s17 =	sld [smem:$0x10];
	(tm) =	ssettm $0x1  }
0x97: {  	s18 =	sld [smem:$0x3FFB];
	_ =	sdelay $0x3  }
0x98: {  	_ =	strace s18  }
0x99: {  	s2 =	sld [smem:$0x3FFC];
	_ =	sdelay $0x3  }
0x9a: {  	_ =	strace s2  }
0x9b: {  	s2 =	sld [smem:$0x3FFD];
	_ =	sdelay $0x3  }
0x9c: {  	_ =	strace s2  }
0x9d: {  	_ =	strace $0x8FFFFFFF  }
0x9e: {  	s19 =	sld [smem:$0x3FDB];
	_ =	sdelay $0x1  }
0x9f: {  	s20 =	simm.s32 $_scs_section_size  }
0xa0: {  	s5 =	simm.s32 $_size__tile_overlayer_lowered;
	s6 =	simm.s32 $_tile_overlayer_lowered  }
0xa1: {  	s7 =	simm.s32 $0x1BFF;
	s21 =	sshll.u32 s6, $0x1;
	s4 =	sadd.s32 s20, s19  }
0xa2: {  	s22 =	simm.s32 $0x0;
	s5 =	sshll.u32 s5, $0x1;
	s6 =	sadd.s32 s21, s4  }
0xa3: {  	[timem:s22], [sflag:s7] =	dma.local [hbm:s6], s5  }
0xa4: {  	_ =	swait.ge [sflag:s7], s5  }
0xa5: {  	s5 =	ssub.s32 $0x0, s5;
	[sflag:s7] =	ssyncset.done $0x0  }
0xa6: {  	[sflag:s7] =	ssyncadd.s32 s5;
	_ =	sdelay $0x1  }
0xa7: {  	s23 =	simm.s32 $0x1B8B  }
0xa8: {  	_ =	swait.ge [sflag:s23], $0x1  }
0xa9: {  	[sflag:s23] =	ssyncset.done $0x0  }
0xaa: {  	[sflag:s23] =	ssyncadd.s32 $0xFFFFFFFF  }
0xab: {  	s5 =	sld [smem:$0x0]  }
0xac: {  	s6 =	sand.u32 $0xFFFFFFFE, s1  }
0xad: {  	p0 =	sne.s32 s1, s6  }
0xae: {  	s6 =	sshll.u32 @p0 s6, $0xE  }
0xaf: {  	s6 =	sadd.s32 @p0 $0x11B8D, s6;
	s7 =	sshll.u32 @p0 s5, $0x11  }
0xb0: {  	s6 =	sor.u32 @p0 s7, s6  }
0xb1: {  	[sflag:s6] =	ssyncadd.remote.s32 @p0 $0x1;
	_ =	sdelay $0x1  }
0xb2: {  	s6 =	simm.s32 @p0 $0x1B8D  }
0xb3: {  	_ =	swait.eq @p0 [sflag:s6], $0x1  }
0xb4: {  	[sflag:s6] =	ssyncadd.s32 @p0 $0xFFFFFFFF  }
0xb5: {  	s7 =	sshll.u32 @!p0 s1, $0xE  }
0xb6: {  	s7 =	sor.u32 @!p0 $0x4000, s7;
	s6 =	simm.s32 @!p0 $0x1B8D  }
0xb7: {  	s5 =	sshll.u32 @!p0 s5, $0x11;
	s7 =	sadd.s32 @!p0 $0x11B8D, s7;
	_ =	swait.eq @!p0 [sflag:s6], $0x1  }
0xb8: {  	s5 =	sor.u32 @!p0 s5, s7;
	[sflag:s6] =	ssyncadd.s32 @!p0 $0xFFFFFFFF  }
0xb9: {  	s25 =	simm.s32 $0x1B8E;
	s24 =	sld [smem:$0x3FFE];
	[sflag:s5] =	ssyncadd.remote.s32 @!p0 $0x1  }
0xba: {  	s26 =	simm.s32 $execute0_lowered;
	[smem:$0x3FD2] =	sst s25  }
0xbb: {  	s6 =	sshll.u32 s26, $0x1;
	_ =	strace $0x80000055;
	[dreg:$0x1] =	wrdreg $0xFFFFFFFF  }
0xbc: {  	s28 =	simm.s32 $_size_execute0_lowered;
	s4 =	sadd.s32 s4, s6;
	[dreg:$0x0] =	wrdreg $0x0  }
0xbd: {  	s6 =	sshll.u32 s28, $0x1;
	[dreg:$0x2] =	wrdreg s4  }
0xbe: {  	[dreg:$0x3] =	wrdreg s6  }
0xbf: {  	[dreg:$0x4] =	wrdreg $0xC0  }
0xc0: {  	_ =	task [dreg:s22], $0x5FFFF  }
0xc1: {  	[dreg:$0x1] =	wrdreg $0xFFFFFFFF  }
0xc2: {  	[dreg:$0x0] =	wrdreg $0x60  }
0xc3: {  	[dreg:$0x2] =	wrdreg s17  }
0xc4: {  	[dreg:$0x3] =	wrdreg s24  }
0xc5: {  	[dreg:$0x4] =	wrdreg $0xE0000  }
0xc6: {  	[dreg:$0x5] =	wrdreg $0x9  }
0xc7: {  	_ =	task.clear_ibuf [dreg:s22], $0x6FFFF;
	_ =	strace $0x90000055  }
0xc8: {  	s29 =	simm.s32 $0x9;
	_ =	strace $0x80000057  }
0xc9: {  	_ =	swait.ge [sflag:s29], $0x1  }
0xca: {  	[sflag:s29] =	ssyncadd.s32 $0xFFFFFFFF  }
0xcb: {  	_ =	strace $0x90000057  }
0xcc: {  	_ =	sfence  }
0xcd: {  	s30 =	sld [smem:$0x0];
	_ =	sdelay $0x2  }
0xce: {  	s31 =	sshll.u32 s1, $0xD;
	s1 =	sshrl.u32 s1, $0x2  }
0xcf: {  	s4 =	sand.u32 $0x4000, s31;
	s1 =	sadd.s32 s1, s30  }
0xd0: {  	s0 =	sor.u32 s4, s0;
	s1 =	sshll.u32 s1, $0x11  }
0xd1: {  	s0 =	sor.u32 s1, s0  }
0xd2: {  	s0 =	sadd.s32 $0x8F2B, s0  }
0xd3: {  	[sflag:s0] =	ssyncadd.remote.s32 $0x1  }
0xd4: {  	_ =	sfence.sel $0xFFFF  }
0xd5: {  	[dreg:$0x0] =	wrdreg $0xFFFFFFFF;
	(pc) =	sbr.abs _section_cstart, $3  }
0xd6: {  	[dreg:$0x1] =	wrdreg $0xFFFFFFFF  }
0xd7: {  	_ =	task.clear_ibuf [dreg:s22], $0x2FFFF;
	_ =	strace $0x9FFFFFFF  }
0xd8: {  	(tm) =	ssettm $0x7FFFFFFF  }
0xd9: {  	_ =	shalt  }
tec
execute0_lowered:
.L_overlay_start_1:
0x0: {  	(tag) =	ssettag $0x1  }
0x1: {  	s1 =	rddreg [dreg:$0x0]  }
0x2: {  	s5 =	rddreg [dreg:$0x1]  }
0x3: {  	s3 =	rddreg [dreg:$0x2]  }
0x4: {  	s0 =	srdreg.scid;
	s2 =	rddreg [dreg:$0x3];
	s4 =	simm.s32 $0x0  }
0x5: {  	s14 =	simm.s32 $0x80;
	s15 =	simm.s32 $0xA000;
	s6 =	sand.u32 $0x1, s0  }
0x6: {  	s16 =	simm.s32 $0x1;
	s0 =	stileid.u32;
	s7 =	smul.u32 $0x50000, s6  }
0x7: {  	s17 =	simm.s32 $0xC000;
	s18 =	simm.s32 $0x2;
	s8 =	smul.u32 $0x5000, s0  }
0x8: {  	s19 =	simm.s32 $0x4F80;
	s20 =	simm.s32 $0x9F00;
	s9 =	smul.u32 $0xA000, s0  }
0x9: {  	s21 =	simm.s32 $0x9F80;
	s22 =	simm.s32 $0x0;
	s28 =	smul.u32 $0x1400, s0  }
0xa: {  	[smem:$0x7FF] =	sst s4;
	s10 =	smul.u32 $0x14000, s6;
	s6 =	ssub.s32 $0x2, s6  }
0xb: {  	_ =	strace $0x80000056;
	s12 =	sshll.u32 s0, $0x6;
	s30 =	sshrl.u32 s6, $0x1  }
0xc: {  	s12 =	sor.u32 $0x1C03, s12;
	s7 =	sadd.s32 s8, s7;
	s11 =	sshrl.u32 s9, $0x3  }
0xd: {  	s8 =	sadd.s32 s28, s10;
	s31 =	ssub.s32 s6, s30;
	s13 =	sadd.s32 s9, s3  }
0xe: {  	s10 =	simm.s32 $0x3;
	s7 =	sshrl.u32 s7, $0x3;
	s29 =	sadd.s32 s11, s5  }
0xf: {  	s8 =	sadd.s32 s8, s5;
	s9 =	smax.u32 s31, $0x1;
	s11 =	simm.s32 $0x5000  }
0x10: {  	s13 =	sshrl.u32 s13, $0x3;
	s7 =	sadd.s32 s7, s5;
	s8 =	sadd.s32 $0xCC800, s8  }
0x11: {  	s5 =	sadd.s32 $0x90800, s7;
	s6 =	sadd.s32 $0x7C800, s7;
	s7 =	sadd.s32 $0x2C800, s29  }
.LBB2_1:
0x12: {  	[tilespmem:s4], [sflag:$0x3] =	stream.linear.gather [hbm4b:s5+s4], $0x5000, $0x38;
	[tilespmem:$0x18000] =	vst v63  }
0x13: {  	_ =	swait.ge [sflag:s10], $0x5000  }
0x14: {  	[sflag:s10] =	ssyncset.done $0x0  }
0x15: {  	[sflag:s10] =	ssyncadd.s32 $0xFFFFB000  }
0x16: {  	[tilespmem:s11], [sflag:$0x3] =	stream.linear.gather [hbm4b:s6+s4], $0x5000, $0x38;
	[tilespmem:$0x18000] =	vst v63  }
0x17: {  	_ =	swait.ge [sflag:s10], $0x5000  }
0x18: {  	[sflag:s10] =	ssyncset.done $0x0  }
0x19: {  	[sflag:s10] =	ssyncadd.s32 $0xFFFFB000  }
0x1a: {  	[spmem:s13], [sflag:s12] =	dma.local [hbm:s7], $0x1400  }
0x1b: {  	_ =	swait.ge [sflag:s10], $0x1400  }
0x1c: {  	[sflag:s10] =	ssyncset.done $0x0  }
0x1d: {  	[sflag:s10] =	ssyncadd.s32 $0xFFFFEC00  }
0x1e: {  	[bflag:$0x0] =	sbarrier.arrive $0xFFFF  }
0x1f: {  	[tilespmem:s15], [sflag:$0x1] =	stream.indirect.gather [hbm4b:s1+s14], $0x40, s4, s14, $0xb8;
	[tilespmem:$0x18000] =	vst v63  }
0x20: {  	_ =	swait.ge [sflag:s16], $0x2000  }
0x21: {  	[sflag:s16] =	ssyncset.done $0x0  }
0x22: {  	s23 =	simm.s32 $0x80;
	[sflag:s16] =	ssyncadd.s32 $0xFFFFE000  }
0x23: {  	[tilespmem:s17], [sflag:$0x2] =	stream.indirect.gather [hbm4b:s1+s14], $0x40, s23, s14, $0xb8;
	[tilespmem:$0x18000] =	vst v63  }
0x24: {  	s29 =	simm.s32 $0x5000  }
0x25: {  	[spmem:s3] =	stream.indirect.scatter.add.f32 [tilespmem:s15], [sflag:$0x3], $0x40, s29, s14, $0xb8;
	[tilespmem:$0x18000] =	vst v63  }
0x26: {  	_ =	swait.ge [sflag:s10], $0x2000  }
0x27: {  	[sflag:s10] =	ssyncset.done $0x0  }
0x28: {  	[sflag:s10] =	ssyncadd.s32 $0xFFFFE000  }
0x29: {  	_ =	swait.ge [sflag:s18], $0x2000  }
0x2a: {  	[sflag:s18] =	ssyncset.done $0x0  }
0x2b: {  	s30 =	simm.s32 $0x100;
	[sflag:s18] =	ssyncadd.s32 $0xFFFFE000  }
0x2c: {  	[tilespmem:s15], [sflag:$0x1] =	stream.indirect.gather [hbm4b:s1+s14], $0x40, s30, s14, $0xb8;
	[tilespmem:$0x18000] =	vst v63  }
0x2d: {  	s31 =	simm.s32 $0x5080  }
0x2e: {  	[spmem:s3] =	stream.indirect.scatter.add.f32 [tilespmem:s17], [sflag:$0x3], $0x40, s31, s14, $0xb8;
	[tilespmem:$0x18000] =	vst v63  }
0x2f: {  	_ =	swait.ge [sflag:s10], $0x2000  }
0x30: {  	s23 =	simm.s32 $0x400;
	[sflag:s10] =	ssyncset.done $0x0  }
.LBB2_2:
0x31: {  	p0 =	sne.s32 s23, $0x13800  }
0x32: {  	[sflag:s10] =	ssyncadd.s32 $0xFFFFE000;
	s24 =	smov.u32 s23;
	s23 =	sadd.s32 $0x400, s23  }
0x33: {  	_ = 	snop  }
0x34: {  	_ =	swait.ge [sflag:s16], $0x2000  }
0x35: {  	s24 =	sshra.s32 s24, $0x2;
	[sflag:s16] =	ssyncset.done $0x0  }
0x36: {  	s25 =	sadd.s32 $0x80, s24;
	[sflag:s16] =	ssyncadd.s32 $0xFFFFE000  }
0x37: {  	[tilespmem:s17], [sflag:$0x2] =	stream.indirect.gather [hbm4b:s1+s14], $0x40, s25, s14, $0xb8;
	[tilespmem:$0x18000] =	vst v63  }
0x38: {  	s25 =	sadd.s32 $0x5000, s24  }
0x39: {  	[spmem:s3] =	stream.indirect.scatter.add.f32 [tilespmem:s15], [sflag:$0x3], $0x40, s25, s14, $0xb8;
	[tilespmem:$0x18000] =	vst v63  }
0x3a: {  	_ =	swait.ge [sflag:s10], $0x2000  }
0x3b: {  	[sflag:s10] =	ssyncset.done $0x0  }
0x3c: {  	[sflag:s10] =	ssyncadd.s32 $0xFFFFE000  }
0x3d: {  	_ =	swait.ge [sflag:s18], $0x2000  }
0x3e: {  	[sflag:s18] =	ssyncset.done $0x0  }
0x3f: {  	s25 =	sadd.s32 $0x100, s24;
	[sflag:s18] =	ssyncadd.s32 $0xFFFFE000  }
0x40: {  	[tilespmem:s15], [sflag:$0x1] =	stream.indirect.gather [hbm4b:s1+s14], $0x40, s25, s14, $0xb8;
	[tilespmem:$0x18000] =	vst v63  }
.Ltmp0:
0x41: {  	_ = 	snop;
	(pc) =	sbr.rel @p0 .LBB2_2-.Ltmp0, $4  }
0x42: {  	s24 =	sadd.s32 $0x5080, s24  }
0x43: {  	[spmem:s3] =	stream.indirect.scatter.add.f32 [tilespmem:s17], [sflag:$0x3], $0x40, s24, s14, $0xb8;
	[tilespmem:$0x18000] =	vst v63  }
0x44: {  	_ =	swait.ge [sflag:s10], $0x2000  }
0x45: {  	[sflag:s10] =	ssyncset.done $0x0  }
0x46: {  	[sflag:s10] =	ssyncadd.s32 $0xFFFFE000  }
0x47: {  	_ =	swait.ge [sflag:s16], $0x2000  }
0x48: {  	[sflag:s16] =	ssyncset.done $0x0  }
0x49: {  	[sflag:s16] =	ssyncadd.s32 $0xFFFFE000  }
0x4a: {  	[tilespmem:s17], [sflag:$0x2] =	stream.indirect.gather [hbm4b:s1+s14], $0x40, s19, s14, $0xb8;
	[tilespmem:$0x18000] =	vst v63  }
0x4b: {  	_ = 	snop  }
0x4c: {  	[spmem:s3] =	stream.indirect.scatter.add.f32 [tilespmem:s15], [sflag:$0x3], $0x40, s20, s14, $0xb8;
	[tilespmem:$0x18000] =	vst v63  }
0x4d: {  	_ =	swait.ge [sflag:s10], $0x2000  }
0x4e: {  	[sflag:s10] =	ssyncset.done $0x0  }
0x4f: {  	[sflag:s10] =	ssyncadd.s32 $0xFFFFE000  }
0x50: {  	_ =	swait.ge [sflag:s18], $0x2000  }
0x51: {  	[sflag:s18] =	ssyncset.done $0x0  }
0x52: {  	[sflag:s18] =	ssyncadd.s32 $0xFFFFE000  }
0x53: {  	[spmem:s3] =	stream.indirect.scatter.add.f32 [tilespmem:s17], [sflag:$0x3], $0x40, s21, s14, $0xb8;
	[tilespmem:$0x18000] =	vst v63  }
0x54: {  	_ =	swait.ge [sflag:s10], $0x2000  }
0x55: {  	s22 =	sadd.s32 $0x1, s22;
	[sflag:s10] =	ssyncset.done $0x0  }
0x56: {  	p0 =	sne.s32 s22, s9;
	[sflag:s10] =	ssyncadd.s32 $0xFFFFE000  }
.Ltmp1:
0x57: {  	[bflag:$0x0] =	sbarrier.arrive $0xFFFF;
	(pc) =	sbr.rel @p0 .LBB2_1-.Ltmp1, $4  }
0x58: {  	[hbm:s8], [sflag:s12] =	dma.local [spmem:s13], $0x1400  }
0x59: {  	_ =	swait.ge [sflag:s10], $0x1400  }
0x5a: {  	[sflag:s10] =	ssyncset.done $0x0  }
0x5b: {  	[sflag:s10] =	ssyncadd.s32 $0xFFFFEC00  }
0x5c: {  	_ =	sfence.sel $0x180000  }
0x5d: {  	[bflag:$0x0] =	sbarrier.arrive $0xFFFF  }
0x5e: {  	p0 =	sne.s32 s0, $0x0;
	_ =	strace $0x90000056  }
0x5f: {  	s0 =	sadd.s32 @!p0 $0x100000, s2;
	[bflag:$0x2] =	sbarrier.arrive $0xFFFF  }
0x60: {  	[sflag:s0] =	ssyncadd.tile.s32 @!p0 $0x1;
	_ =	shalt  }
.Lfunc_end2:
_tile_overlayer_lowered:
.L_overlay_start_2:
0x61: {  	(tag) =	ssettag $0x2  }
0x62: {  	s0 =	rddreg [dreg:$0x0];
	s2 =	stileid.u32  }
0x63: {  	s1 =	rddreg [dreg:$0x1];
	p0 =	sne.s32 s2, $0x0  }
0x64: {  	s3 =	rddreg [dreg:$0x2];
	[bflag:$0x3] =	sbarrier.arrive $0xFFFF;
	s2 =	simm.s32 @!p0 $0x1C03  }
0x65: {  	[timem:s3], [sflag:s2] =	dma.local @!p0 [hbm:s0], s1  }
0x66: {  	s0 =	simm.s32 @!p0 $0x3  }
0x67: {  	_ =	swait.ge @!p0 [sflag:s0], s1  }
0x68: {  	s1 =	ssub.s32 @!p0 $0x0, s1;
	[sflag:s0] =	ssyncset.done @!p0 $0x0  }
0x69: {  	[sflag:s0] =	ssyncadd.s32 @!p0 s1  }
0x6a: {  	[bflag:$0x3] =	sbarrier.arrive $0xFFFF  }
0x6b: {  	_ =	shalt  }

// kernel: kernel.30.cloned.1.call-start
scs
__scs_entry_jumppad:
0x0: {  	(pc) =	sbr.rel $0x88, $3  }
0x1: {  	(tag) =	ssettag $0x0;
	lr =	simm.s32 $0x1  }
0x2: {  	[smem:$0x3F90] =	sst lr;
	_ =	strace $0xD0000000  }
0x3: {  	_ = 	snop  }
0x4: {  	_ = 	snop  }
0x5: {  	_ = 	snop  }
0x6: {  	_ = 	snop  }
0x7: {  	_ = 	snop  }
__scs_overlays_trampoline_lowered:
0x8: {  	[smem:$0x3F9F] =	sst s0  }
0x9: {  	[smem:$0x3FA0] =	sst s1  }
0xa: {  	[smem:$0x3FA1] =	sst s2  }
0xb: {  	[smem:$0x3FA2] =	sst s3  }
0xc: {  	[smem:$0x3FA3] =	sst s4  }
0xd: {  	[smem:$0x3FA4] =	sst s5  }
0xe: {  	[smem:$0x3FA5] =	sst s6  }
0xf: {  	[smem:$0x3FA6] =	sst s7  }
0x10: {  	[smem:$0x3FA7] =	sst s8  }
0x11: {  	[smem:$0x3FA8] =	sst s9;
	s0 =	simm.s32 @!p0 $0x0  }
0x12: {  	s1 =	sld [smem:$0x3F8E];
	s0 =	simm.s32 @p0 $0x1  }
0x13: {  	[smem:$0x3FA9] =	sst s0;
	s0 =	simm.s32 @!p1 $0x0  }
0x14: {  	s2 =	sld [smem:$0x3F8D];
	s0 =	simm.s32 @p1 $0x1  }
0x15: {  	[smem:$0x3FAA] =	sst s0;
	s0 =	simm.s32 @!p2 $0x0  }
0x16: {  	s3 =	sld [smem:$0x3FDB];
	s0 =	simm.s32 @p2 $0x1  }
0x17: {  	s4 =	simm.s32 $0x1BF5;
	[smem:$0x3FAC] =	sst s0  }
0x18: {  	s0 =	sld [smem:$0x3F8F];
	_ =	swait.ge [sflag:s4], $0x0  }
0x19: {  	s7 =	sld [smem:$0x3F90]  }
0x1a: {  	s8 =	sadd.s32 $0xFFFFE003, lr  }
0x1b: {  	s9 =	sadd.s32 $0xFFFFFEF7, lr;
	s5 =	simm.s32 $0xFFFFFFFF;
	p2 =	slt.u32 s8, $0xFFFFF086  }
0x1c: {  	p1 =	slt.u32 s9, $0xF7A;
	s5 =	simm.s32 @!p2 $0x0  }
0x1d: {  	s5 =	simm.s32 @p1 $0x1;
	p0 =	seq.s32 s7, s2  }
0x1e: {  	s7 =	smul.u32 @!p0 $0xF7A, s2;
	p2 =	seq.s32 @!p0 s5, $0x0  }
0x1f: {  	s9 =	smul.u32 $0xF7A, s1;
	s8 =	simm.s32 @!p0 $0x1BF5;
	p2 =	por !p2, p0  }
0x20: {  	[sflag:s8] =	ssyncset.s32 @!p0 $0xFFFFF086;
	s6 =	sadd.s32 @!p0 s3, s7;
	s7 =	simm.s32 @!p0 $0x108  }
0x21: {  	s3 =	sadd.s32 s3, s9;
	s6 =	sadd.s32 @!p0 $0x88, s6;
	s7 =	simm.s32 @p2 $0x1082  }
0x22: {  	[simem:s7], [sflag:s8] =	dma.local @!p0 [hbm:s6], $0xF7A  }
0x23: {  	s9 =	sor.u32 $0xD0000000, s2;
	s6 =	simm.s32 $0x108;
	_ =	swait.ge @!p0 [sflag:s8], $0x0  }
0x24: {  	s3 =	sadd.s32 $0x88, s3;
	s6 =	simm.s32 @!p1 $0x1082;
	[sflag:s4] =	ssyncset.s32 $0xFFFFF086  }
0x25: {  	[simem:s6], [sflag:s4] =	dma.local [hbm:s3], $0xF7A  }
0x26: {  	[smem:$0x3F90] =	sst s1;
	(tag) =	ssettag s2;
	_ =	strace s9  }
0x27: {  	s1 =	sld [smem:$0x3FA0]  }
0x28: {  	s2 =	sld [smem:$0x3FA1]  }
0x29: {  	s4 =	sld [smem:$0x3FA3]  }
0x2a: {  	p0 =	seq.s32 s5, $0x0;
	s5 =	sld [smem:$0x3FA4]  }
0x2b: {  	s6 =	sld [smem:$0x3FA5]  }
0x2c: {  	s7 =	sld [smem:$0x3FA6]  }
0x2d: {  	s3 =	simm.s32 $0x108;
	s8 =	sld [smem:$0x3FA7]  }
0x2e: {  	s3 =	simm.s32 @!p0 $0x1082;
	s9 =	sld [smem:$0x3FA8]  }
0x2f: {  	lr =	sadd.s32 s0, s3;
	s0 =	sld [smem:$0x3F9F]  }
0x30: {  	s3 =	sld [smem:$0x3FA2]  }
0x31: {  	[smem:$0x3FAB] =	sst s10  }
0x32: {  	s10 =	sld [smem:$0x3FA9];
	_ =	sdelay $0x3  }
0x33: {  	p0 =	seq.s32 s10, $0x1;
	s10 =	sld [smem:$0x3FAB];
	_ =	sdelay $0x3  }
0x34: {  	[smem:$0x3FAB] =	sst s10  }
0x35: {  	s10 =	sld [smem:$0x3FAA];
	_ =	sdelay $0x3  }
0x36: {  	p1 =	seq.s32 s10, $0x1;
	s10 =	sld [smem:$0x3FAB];
	_ =	sdelay $0x3  }
0x37: {  	[smem:$0x3FAB] =	sst s10  }
0x38: {  	s10 =	sld [smem:$0x3FAC]  }
0x39: {  	_ = 	snop;
	(pc) =	sbr.ind lr, $3  }
0x3a: {  	_ = 	snop  }
0x3b: {  	_ = 	snop  }
0x3c: {  	p2 =	seq.s32 s10, $0x1;
	s10 =	sld [smem:$0x3FAB]  }
0x3d: {  	_ =	shalt  }
0x3e: {  	_ =	shalt  }
0x3f: {  	_ =	shalt  }
0x40: {  	_ =	shalt  }
0x41: {  	_ =	shalt  }
0x42: {  	_ =	shalt  }
0x43: {  	_ =	shalt  }
0x44: {  	_ =	shalt  }
0x45: {  	_ =	shalt  }
0x46: {  	_ =	shalt  }
0x47: {  	_ =	shalt  }
0x48: {  	_ =	shalt  }
0x49: {  	_ =	shalt  }
0x4a: {  	_ =	shalt  }
0x4b: {  	_ =	shalt  }
0x4c: {  	_ =	shalt  }
0x4d: {  	_ =	shalt  }
0x4e: {  	_ =	shalt  }
0x4f: {  	_ =	shalt  }
0x50: {  	_ =	shalt  }
0x51: {  	_ =	shalt  }
0x52: {  	_ =	shalt  }
0x53: {  	_ =	shalt  }
0x54: {  	_ =	shalt  }
0x55: {  	_ =	shalt  }
0x56: {  	_ =	shalt  }
0x57: {  	_ =	shalt  }
0x58: {  	_ =	shalt  }
0x59: {  	_ =	shalt  }
0x5a: {  	_ =	shalt  }
0x5b: {  	_ =	shalt  }
0x5c: {  	_ =	shalt  }
0x5d: {  	_ =	shalt  }
0x5e: {  	_ =	shalt  }
0x5f: {  	_ =	shalt  }
0x60: {  	_ =	shalt  }
0x61: {  	_ =	shalt  }
0x62: {  	_ =	shalt  }
0x63: {  	_ =	shalt  }
0x64: {  	_ =	shalt  }
0x65: {  	_ =	shalt  }
0x66: {  	_ =	shalt  }
0x67: {  	_ =	shalt  }
0x68: {  	_ =	shalt  }
0x69: {  	_ =	shalt  }
0x6a: {  	_ =	shalt  }
0x6b: {  	_ =	shalt  }
0x6c: {  	_ =	shalt  }
0x6d: {  	_ =	shalt  }
0x6e: {  	_ =	shalt  }
0x6f: {  	_ =	shalt  }
0x70: {  	_ =	shalt  }
0x71: {  	_ =	shalt  }
0x72: {  	_ =	shalt  }
0x73: {  	_ =	shalt  }
0x74: {  	_ =	shalt  }
0x75: {  	_ =	shalt  }
0x76: {  	_ =	shalt  }
0x77: {  	_ =	shalt  }
0x78: {  	_ =	shalt  }
0x79: {  	_ =	shalt  }
0x7a: {  	_ =	shalt  }
0x7b: {  	_ =	shalt  }
0x7c: {  	_ =	shalt  }
0x7d: {  	_ =	shalt  }
0x7e: {  	_ =	shalt  }
0x7f: {  	_ =	shalt  }
0x80: {  	_ =	shalt  }
0x81: {  	_ =	shalt  }
0x82: {  	_ =	shalt  }
0x83: {  	_ =	shalt  }
0x84: {  	_ =	shalt  }
0x85: {  	_ =	shalt  }
0x86: {  	_ =	shalt  }
0x87: {  	_ =	shalt  }
.Lfunc_end0:
.L_simem_size_0:
called_computation.5_lowered:
.L_overlay_start_0:
0x88: {  	s2 =	sld [smem:$0x3FD9]  }
0x89: {  	s3 =	sld [smem:$0x3FFE];
	_ =	sdelay $0x1  }
0x8a: {  	s1 =	srdreg.scid  }
0x8b: {  	s0 =	sand.u32 $0x1, s1  }
0x8c: {  	s16 =	sshll.u32 s0, $0xA;
	s2 =	sadd.s32 s3, s2  }
0x8d: {  	s2 =	sadd.s32 s2, s16  }
0x8e: {  	[smem:$0x3FB7] =	sst s2  }
0x8f: {  	_ = 	snop  }
0x90: {  	(tm) =	ssettm $0x1  }
0x91: {  	s17 =	sld [smem:$0x3FFB];
	_ =	sdelay $0x3  }
0x92: {  	_ =	strace s17  }
0x93: {  	s2 =	sld [smem:$0x3FFC];
	_ =	sdelay $0x3  }
0x94: {  	_ =	strace s2  }
0x95: {  	s2 =	sld [smem:$0x3FFD];
	_ =	sdelay $0x3  }
0x96: {  	_ =	strace s2  }
0x97: {  	_ =	strace $0x8FFFFFFF  }
0x98: {  	s18 =	sld [smem:$0x3FDB];
	_ =	sdelay $0x1  }
0x99: {  	s19 =	simm.s32 $_scs_section_size  }
0x9a: {  	s4 =	simm.s32 $_size__tile_overlayer_lowered;
	s5 =	simm.s32 $_tile_overlayer_lowered  }
0x9b: {  	s22 =	simm.s32 $0x1BFF;
	s21 =	sshll.u32 s5, $0x1;
	s2 =	sadd.s32 s19, s18  }
0x9c: {  	s6 =	simm.s32 $0x0;
	s20 =	sshll.u32 s4, $0x1;
	s4 =	sadd.s32 s21, s2  }
0x9d: {  	[timem:s6], [sflag:s22] =	dma.local [hbm:s4], s20  }
0x9e: {  	_ =	swait.ge [sflag:s22], s20  }
0x9f: {  	s3 =	ssub.s32 $0x0, s20;
	[sflag:s22] =	ssyncset.done $0x0  }
0xa0: {  	[sflag:s22] =	ssyncadd.s32 s3;
	_ =	sdelay $0x1  }
0xa1: {  	s23 =	simm.s32 $0x1B8B  }
0xa2: {  	_ =	swait.ge [sflag:s23], $0x1  }
0xa3: {  	[sflag:s23] =	ssyncset.done $0x0  }
0xa4: {  	s25 =	simm.s32 $0x1B8E;
	s24 =	sld [smem:$0x3FFE];
	[sflag:s23] =	ssyncadd.s32 $0xFFFFFFFF  }
0xa5: {  	s26 =	simm.s32 $execute0_lowered;
	[smem:$0x3FD2] =	sst s25  }
0xa6: {  	s4 =	sshll.u32 s26, $0x1;
	_ =	strace $0x80000052;
	[dreg:$0x1] =	wrdreg $0xFFFFFFFF  }
0xa7: {  	s28 =	simm.s32 $_size_execute0_lowered;
	s2 =	sadd.s32 s2, s4;
	[dreg:$0x0] =	wrdreg $0x0  }
0xa8: {  	s4 =	sshll.u32 s28, $0x1;
	[dreg:$0x2] =	wrdreg s2  }
0xa9: {  	[dreg:$0x3] =	wrdreg s4  }
0xaa: {  	[dreg:$0x4] =	wrdreg $0xC0  }
0xab: {  	_ =	task [dreg:s6], $0x5FFFF  }
0xac: {  	[dreg:$0x1] =	wrdreg $0xFFFFFFFF  }
0xad: {  	[dreg:$0x0] =	wrdreg $0x60  }
0xae: {  	[dreg:$0x2] =	wrdreg s24  }
0xaf: {  	[dreg:$0x3] =	wrdreg $0xE0000  }
0xb0: {  	[dreg:$0x4] =	wrdreg $0xA  }
0xb1: {  	_ =	task.clear_ibuf [dreg:s6], $0x5FFFF;
	_ =	strace $0x90000052  }
0xb2: {  	s29 =	simm.s32 $0xA;
	_ =	strace $0x80000054  }
0xb3: {  	_ =	swait.ge [sflag:s29], $0x1  }
0xb4: {  	[sflag:s29] =	ssyncadd.s32 $0xFFFFFFFF  }
0xb5: {  	_ =	strace $0x90000054  }
0xb6: {  	_ =	sfence  }
0xb7: {  	s30 =	sld [smem:$0x0];
	_ =	sdelay $0x2  }
0xb8: {  	s31 =	sshll.u32 s1, $0xD;
	s1 =	sshrl.u32 s1, $0x2  }
0xb9: {  	s3 =	sand.u32 $0x4000, s31;
	s1 =	sadd.s32 s1, s30  }
0xba: {  	s0 =	sor.u32 s3, s0;
	s1 =	sshll.u32 s1, $0x11  }
0xbb: {  	s0 =	sor.u32 s1, s0  }
0xbc: {  	s0 =	sadd.s32 $0x8F2B, s0  }
0xbd: {  	[sflag:s0] =	ssyncadd.remote.s32 $0x1  }
0xbe: {  	_ =	sfence.sel $0xFFFF  }
0xbf: {  	[dreg:$0x0] =	wrdreg $0xFFFFFFFF;
	(pc) =	sbr.abs _section_cstart, $3  }
0xc0: {  	[dreg:$0x1] =	wrdreg $0xFFFFFFFF  }
0xc1: {  	_ =	task.clear_ibuf [dreg:s6], $0x2FFFF;
	_ =	strace $0x9FFFFFFF  }
0xc2: {  	(tm) =	ssettm $0x7FFFFFFF  }
0xc3: {  	_ =	shalt  }
tec
execute0_lowered:
.L_overlay_start_1:
0x0: {  	(tag) =	ssettag $0x1  }
0x1: {  	s5 =	rddreg [dreg:$0x0]  }
0x2: {  	s0 =	srdreg.scid;
	s2 =	rddreg [dreg:$0x1]  }
0x3: {  	s1 =	rddreg [dreg:$0x2];
	s3 =	simm.s32 $0x0;
	s14 =	simm.s32 $0x80  }
0x4: {  	s15 =	simm.s32 $0xA000;
	s16 =	simm.s32 $0x1;
	s6 =	sand.u32 $0x1, s0  }
0x5: {  	s17 =	simm.s32 $0xC000;
	s0 =	stileid.u32;
	s4 =	smul.u32 $0x50000, s6  }
0x6: {  	s18 =	simm.s32 $0x2;
	s19 =	simm.s32 $0x4F80;
	s7 =	smul.u32 $0x5000, s0  }
0x7: {  	s20 =	simm.s32 $0x9F00;
	s21 =	simm.s32 $0x9F80;
	s8 =	smul.u32 $0xA000, s0  }
0x8: {  	s22 =	simm.s32 $0x0;
	[smem:$0x7FF] =	sst s3;
	s26 =	smul.u32 $0x1400, s0  }
0x9: {  	s10 =	smul.u32 $0x14000, s6;
	_ =	strace $0x80000053;
	s6 =	ssub.s32 $0x2, s6  }
0xa: {  	s31 =	sshll.u32 s0, $0x6;
	s30 =	sshrl.u32 s6, $0x1;
	s4 =	sadd.s32 s7, s4  }
0xb: {  	s11 =	sshrl.u32 s8, $0x3;
	s7 =	sadd.s32 s26, s10;
	s12 =	ssub.s32 s6, s30  }
0xc: {  	s13 =	sadd.s32 s8, s2;
	s10 =	simm.s32 $0x3;
	s9 =	sshrl.u32 s4, $0x3  }
0xd: {  	s4 =	sadd.s32 $0x40800, s5;
	s28 =	sadd.s32 s11, s5;
	s29 =	sadd.s32 s7, s5  }
0xe: {  	s11 =	simm.s32 $0x5000;
	s13 =	sshrl.u32 s13, $0x3;
	s9 =	sadd.s32 s9, s5  }
0xf: {  	s7 =	sadd.s32 $0x2C800, s28;
	s8 =	sadd.s32 $0xA4800, s29;
	s5 =	sadd.s32 $0x90800, s9  }
0x10: {  	s6 =	sadd.s32 $0x7C800, s9;
	s9 =	smax.u32 s12, $0x1;
	s12 =	sor.u32 $0x1C03, s31  }
.LBB2_1:
0x11: {  	[tilespmem:s3], [sflag:$0x3] =	stream.linear.gather [hbm4b:s5+s3], $0x5000, $0x38;
	[tilespmem:$0x18000] =	vst v63  }
0x12: {  	_ =	swait.ge [sflag:s10], $0x5000  }
0x13: {  	[sflag:s10] =	ssyncset.done $0x0  }
0x14: {  	[sflag:s10] =	ssyncadd.s32 $0xFFFFB000  }
0x15: {  	[tilespmem:s11], [sflag:$0x3] =	stream.linear.gather [hbm4b:s6+s3], $0x5000, $0x38;
	[tilespmem:$0x18000] =	vst v63  }
0x16: {  	_ =	swait.ge [sflag:s10], $0x5000  }
0x17: {  	[sflag:s10] =	ssyncset.done $0x0  }
0x18: {  	[sflag:s10] =	ssyncadd.s32 $0xFFFFB000  }
0x19: {  	[spmem:s13], [sflag:s12] =	dma.local [hbm:s7], $0x1400  }
0x1a: {  	_ =	swait.ge [sflag:s10], $0x1400  }
0x1b: {  	[sflag:s10] =	ssyncset.done $0x0  }
0x1c: {  	[sflag:s10] =	ssyncadd.s32 $0xFFFFEC00  }
0x1d: {  	[bflag:$0x0] =	sbarrier.arrive $0xFFFF  }
0x1e: {  	[tilespmem:s15], [sflag:$0x1] =	stream.indirect.gather [hbm4b:s4+s14], $0x40, s3, s14, $0xb8;
	[tilespmem:$0x18000] =	vst v63  }
0x1f: {  	_ =	swait.ge [sflag:s16], $0x2000  }
0x20: {  	[sflag:s16] =	ssyncset.done $0x0  }
0x21: {  	s23 =	simm.s32 $0x80;
	[sflag:s16] =	ssyncadd.s32 $0xFFFFE000  }
0x22: {  	[tilespmem:s17], [sflag:$0x2] =	stream.indirect.gather [hbm4b:s4+s14], $0x40, s23, s14, $0xb8;
	[tilespmem:$0x18000] =	vst v63  }
0x23: {  	s29 =	simm.s32 $0x5000  }
0x24: {  	[spmem:s2] =	stream.indirect.scatter.add.f32 [tilespmem:s15], [sflag:$0x3], $0x40, s29, s14, $0xb8;
	[tilespmem:$0x18000] =	vst v63  }
0x25: {  	_ =	swait.ge [sflag:s10], $0x2000  }
0x26: {  	[sflag:s10] =	ssyncset.done $0x0  }
0x27: {  	[sflag:s10] =	ssyncadd.s32 $0xFFFFE000  }
0x28: {  	_ =	swait.ge [sflag:s18], $0x2000  }
0x29: {  	[sflag:s18] =	ssyncset.done $0x0  }
0x2a: {  	s30 =	simm.s32 $0x100;
	[sflag:s18] =	ssyncadd.s32 $0xFFFFE000  }
0x2b: {  	[tilespmem:s15], [sflag:$0x1] =	stream.indirect.gather [hbm4b:s4+s14], $0x40, s30, s14, $0xb8;
	[tilespmem:$0x18000] =	vst v63  }
0x2c: {  	s31 =	simm.s32 $0x5080  }
0x2d: {  	[spmem:s2] =	stream.indirect.scatter.add.f32 [tilespmem:s17], [sflag:$0x3], $0x40, s31, s14, $0xb8;
	[tilespmem:$0x18000] =	vst v63  }
0x2e: {  	_ =	swait.ge [sflag:s10], $0x2000  }
0x2f: {  	s23 =	simm.s32 $0x400;
	[sflag:s10] =	ssyncset.done $0x0  }
.LBB2_2:
0x30: {  	p0 =	sne.s32 s23, $0x13800  }
0x31: {  	[sflag:s10] =	ssyncadd.s32 $0xFFFFE000;
	s24 =	smov.u32 s23;
	s23 =	sadd.s32 $0x400, s23  }
0x32: {  	_ = 	snop  }
0x33: {  	_ =	swait.ge [sflag:s16], $0x2000  }
0x34: {  	s24 =	sshra.s32 s24, $0x2;
	[sflag:s16] =	ssyncset.done $0x0  }
0x35: {  	s25 =	sadd.s32 $0x80, s24;
	[sflag:s16] =	ssyncadd.s32 $0xFFFFE000  }
0x36: {  	[tilespmem:s17], [sflag:$0x2] =	stream.indirect.gather [hbm4b:s4+s14], $0x40, s25, s14, $0xb8;
	[tilespmem:$0x18000] =	vst v63  }
0x37: {  	s25 =	sadd.s32 $0x5000, s24  }
0x38: {  	[spmem:s2] =	stream.indirect.scatter.add.f32 [tilespmem:s15], [sflag:$0x3], $0x40, s25, s14, $0xb8;
	[tilespmem:$0x18000] =	vst v63  }
0x39: {  	_ =	swait.ge [sflag:s10], $0x2000  }
0x3a: {  	[sflag:s10] =	ssyncset.done $0x0  }
0x3b: {  	[sflag:s10] =	ssyncadd.s32 $0xFFFFE000  }
0x3c: {  	_ =	swait.ge [sflag:s18], $0x2000  }
0x3d: {  	[sflag:s18] =	ssyncset.done $0x0  }
0x3e: {  	s25 =	sadd.s32 $0x100, s24;
	[sflag:s18] =	ssyncadd.s32 $0xFFFFE000  }
0x3f: {  	[tilespmem:s15], [sflag:$0x1] =	stream.indirect.gather [hbm4b:s4+s14], $0x40, s25, s14, $0xb8;
	[tilespmem:$0x18000] =	vst v63  }
.Ltmp0:
0x40: {  	_ = 	snop;
	(pc) =	sbr.rel @p0 .LBB2_2-.Ltmp0, $4  }
0x41: {  	s24 =	sadd.s32 $0x5080, s24  }
0x42: {  	[spmem:s2] =	stream.indirect.scatter.add.f32 [tilespmem:s17], [sflag:$0x3], $0x40, s24, s14, $0xb8;
	[tilespmem:$0x18000] =	vst v63  }
0x43: {  	_ =	swait.ge [sflag:s10], $0x2000  }
0x44: {  	[sflag:s10] =	ssyncset.done $0x0  }
0x45: {  	[sflag:s10] =	ssyncadd.s32 $0xFFFFE000  }
0x46: {  	_ =	swait.ge [sflag:s16], $0x2000  }
0x47: {  	[sflag:s16] =	ssyncset.done $0x0  }
0x48: {  	[sflag:s16] =	ssyncadd.s32 $0xFFFFE000  }
0x49: {  	[tilespmem:s17], [sflag:$0x2] =	stream.indirect.gather [hbm4b:s4+s14], $0x40, s19, s14, $0xb8;
	[tilespmem:$0x18000] =	vst v63  }
0x4a: {  	_ = 	snop  }
0x4b: {  	[spmem:s2] =	stream.indirect.scatter.add.f32 [tilespmem:s15], [sflag:$0x3], $0x40, s20, s14, $0xb8;
	[tilespmem:$0x18000] =	vst v63  }
0x4c: {  	_ =	swait.ge [sflag:s10], $0x2000  }
0x4d: {  	[sflag:s10] =	ssyncset.done $0x0  }
0x4e: {  	[sflag:s10] =	ssyncadd.s32 $0xFFFFE000  }
0x4f: {  	_ =	swait.ge [sflag:s18], $0x2000  }
0x50: {  	[sflag:s18] =	ssyncset.done $0x0  }
0x51: {  	[sflag:s18] =	ssyncadd.s32 $0xFFFFE000  }
0x52: {  	[spmem:s2] =	stream.indirect.scatter.add.f32 [tilespmem:s17], [sflag:$0x3], $0x40, s21, s14, $0xb8;
	[tilespmem:$0x18000] =	vst v63  }
0x53: {  	_ =	swait.ge [sflag:s10], $0x2000  }
0x54: {  	s22 =	sadd.s32 $0x1, s22;
	[sflag:s10] =	ssyncset.done $0x0  }
0x55: {  	p0 =	sne.s32 s22, s9;
	[sflag:s10] =	ssyncadd.s32 $0xFFFFE000  }
.Ltmp1:
0x56: {  	[bflag:$0x0] =	sbarrier.arrive $0xFFFF;
	(pc) =	sbr.rel @p0 .LBB2_1-.Ltmp1, $4  }
0x57: {  	[hbm:s8], [sflag:s12] =	dma.local [spmem:s13], $0x1400  }
0x58: {  	_ =	swait.ge [sflag:s10], $0x1400  }
0x59: {  	[sflag:s10] =	ssyncset.done $0x0  }
0x5a: {  	[sflag:s10] =	ssyncadd.s32 $0xFFFFEC00  }
0x5b: {  	_ =	sfence.sel $0x180000  }
0x5c: {  	[bflag:$0x0] =	sbarrier.arrive $0xFFFF  }
0x5d: {  	p0 =	sne.s32 s0, $0x0;
	_ =	strace $0x90000053  }
0x5e: {  	s0 =	sadd.s32 @!p0 $0x100000, s1;
	[bflag:$0x2] =	sbarrier.arrive $0xFFFF  }
0x5f: {  	[sflag:s0] =	ssyncadd.tile.s32 @!p0 $0x1;
	_ =	shalt  }
.Lfunc_end2:
_tile_overlayer_lowered:
.L_overlay_start_2:
0x60: {  	(tag) =	ssettag $0x2  }
0x61: {  	s0 =	rddreg [dreg:$0x0];
	s2 =	stileid.u32  }
0x62: {  	s1 =	rddreg [dreg:$0x1];
	p0 =	sne.s32 s2, $0x0  }
0x63: {  	s3 =	rddreg [dreg:$0x2];
	[bflag:$0x3] =	sbarrier.arrive $0xFFFF;
	s2 =	simm.s32 @!p0 $0x1C03  }
0x64: {  	[timem:s3], [sflag:s2] =	dma.local @!p0 [hbm:s0], s1  }
0x65: {  	s0 =	simm.s32 @!p0 $0x3  }
0x66: {  	_ =	swait.ge @!p0 [sflag:s0], s1  }
0x67: {  	s1 =	ssub.s32 @!p0 $0x0, s1;
	[sflag:s0] =	ssyncset.done @!p0 $0x0  }
0x68: {  	[sflag:s0] =	ssyncadd.s32 @!p0 s1  }
0x69: {  	[bflag:$0x3] =	sbarrier.arrive $0xFFFF  }
0x6a: {  	_ =	shalt  }

// kernel: kernel.33.cloned.1.call-start
scs
__scs_entry_jumppad:
0x0: {  	(pc) =	sbr.rel $0x88, $3  }
0x1: {  	(tag) =	ssettag $0x0;
	lr =	simm.s32 $0x1  }
0x2: {  	[smem:$0x3F90] =	sst lr;
	_ =	strace $0xD0000000  }
0x3: {  	_ = 	snop  }
0x4: {  	_ = 	snop  }
0x5: {  	_ = 	snop  }
0x6: {  	_ = 	snop  }
0x7: {  	_ = 	snop  }
__scs_overlays_trampoline_lowered:
0x8: {  	[smem:$0x3F9F] =	sst s0  }
0x9: {  	[smem:$0x3FA0] =	sst s1  }
0xa: {  	[smem:$0x3FA1] =	sst s2  }
0xb: {  	[smem:$0x3FA2] =	sst s3  }
0xc: {  	[smem:$0x3FA3] =	sst s4  }
0xd: {  	[smem:$0x3FA4] =	sst s5  }
0xe: {  	[smem:$0x3FA5] =	sst s6  }
0xf: {  	[smem:$0x3FA6] =	sst s7  }
0x10: {  	[smem:$0x3FA7] =	sst s8  }
0x11: {  	[smem:$0x3FA8] =	sst s9;
	s0 =	simm.s32 @!p0 $0x0  }
0x12: {  	s1 =	sld [smem:$0x3F8E];
	s0 =	simm.s32 @p0 $0x1  }
0x13: {  	[smem:$0x3FA9] =	sst s0;
	s0 =	simm.s32 @!p1 $0x0  }
0x14: {  	s2 =	sld [smem:$0x3F8D];
	s0 =	simm.s32 @p1 $0x1  }
0x15: {  	[smem:$0x3FAA] =	sst s0;
	s0 =	simm.s32 @!p2 $0x0  }
0x16: {  	s3 =	sld [smem:$0x3FDB];
	s0 =	simm.s32 @p2 $0x1  }
0x17: {  	s4 =	simm.s32 $0x1BF5;
	[smem:$0x3FAC] =	sst s0  }
0x18: {  	s0 =	sld [smem:$0x3F8F];
	_ =	swait.ge [sflag:s4], $0x0  }
0x19: {  	s7 =	sld [smem:$0x3F90]  }
0x1a: {  	s8 =	sadd.s32 $0xFFFFE003, lr  }
0x1b: {  	s9 =	sadd.s32 $0xFFFFFEF7, lr;
	s5 =	simm.s32 $0xFFFFFFFF;
	p2 =	slt.u32 s8, $0xFFFFF086  }
0x1c: {  	p1 =	slt.u32 s9, $0xF7A;
	s5 =	simm.s32 @!p2 $0x0  }
0x1d: {  	s5 =	simm.s32 @p1 $0x1;
	p0 =	seq.s32 s7, s2  }
0x1e: {  	s7 =	smul.u32 @!p0 $0xF7A, s2;
	p2 =	seq.s32 @!p0 s5, $0x0  }
0x1f: {  	s9 =	smul.u32 $0xF7A, s1;
	s8 =	simm.s32 @!p0 $0x1BF5;
	p2 =	por !p2, p0  }
0x20: {  	[sflag:s8] =	ssyncset.s32 @!p0 $0xFFFFF086;
	s6 =	sadd.s32 @!p0 s3, s7;
	s7 =	simm.s32 @!p0 $0x108  }
0x21: {  	s3 =	sadd.s32 s3, s9;
	s6 =	sadd.s32 @!p0 $0x88, s6;
	s7 =	simm.s32 @p2 $0x1082  }
0x22: {  	[simem:s7], [sflag:s8] =	dma.local @!p0 [hbm:s6], $0xF7A  }
0x23: {  	s9 =	sor.u32 $0xD0000000, s2;
	s6 =	simm.s32 $0x108;
	_ =	swait.ge @!p0 [sflag:s8], $0x0  }
0x24: {  	s3 =	sadd.s32 $0x88, s3;
	s6 =	simm.s32 @!p1 $0x1082;
	[sflag:s4] =	ssyncset.s32 $0xFFFFF086  }
0x25: {  	[simem:s6], [sflag:s4] =	dma.local [hbm:s3], $0xF7A  }
0x26: {  	[smem:$0x3F90] =	sst s1;
	(tag) =	ssettag s2;
	_ =	strace s9  }
0x27: {  	s1 =	sld [smem:$0x3FA0]  }
0x28: {  	s2 =	sld [smem:$0x3FA1]  }
0x29: {  	s4 =	sld [smem:$0x3FA3]  }
0x2a: {  	p0 =	seq.s32 s5, $0x0;
	s5 =	sld [smem:$0x3FA4]  }
0x2b: {  	s6 =	sld [smem:$0x3FA5]  }
0x2c: {  	s7 =	sld [smem:$0x3FA6]  }
0x2d: {  	s3 =	simm.s32 $0x108;
	s8 =	sld [smem:$0x3FA7]  }
0x2e: {  	s3 =	simm.s32 @!p0 $0x1082;
	s9 =	sld [smem:$0x3FA8]  }
0x2f: {  	lr =	sadd.s32 s0, s3;
	s0 =	sld [smem:$0x3F9F]  }
0x30: {  	s3 =	sld [smem:$0x3FA2]  }
0x31: {  	[smem:$0x3FAB] =	sst s10  }
0x32: {  	s10 =	sld [smem:$0x3FA9];
	_ =	sdelay $0x3  }
0x33: {  	p0 =	seq.s32 s10, $0x1;
	s10 =	sld [smem:$0x3FAB];
	_ =	sdelay $0x3  }
0x34: {  	[smem:$0x3FAB] =	sst s10  }
0x35: {  	s10 =	sld [smem:$0x3FAA];
	_ =	sdelay $0x3  }
0x36: {  	p1 =	seq.s32 s10, $0x1;
	s10 =	sld [smem:$0x3FAB];
	_ =	sdelay $0x3  }
0x37: {  	[smem:$0x3FAB] =	sst s10  }
0x38: {  	s10 =	sld [smem:$0x3FAC]  }
0x39: {  	_ = 	snop;
	(pc) =	sbr.ind lr, $3  }
0x3a: {  	_ = 	snop  }
0x3b: {  	_ = 	snop  }
0x3c: {  	p2 =	seq.s32 s10, $0x1;
	s10 =	sld [smem:$0x3FAB]  }
0x3d: {  	_ =	shalt  }
0x3e: {  	_ =	shalt  }
0x3f: {  	_ =	shalt  }
0x40: {  	_ =	shalt  }
0x41: {  	_ =	shalt  }
0x42: {  	_ =	shalt  }
0x43: {  	_ =	shalt  }
0x44: {  	_ =	shalt  }
0x45: {  	_ =	shalt  }
0x46: {  	_ =	shalt  }
0x47: {  	_ =	shalt  }
0x48: {  	_ =	shalt  }
0x49: {  	_ =	shalt  }
0x4a: {  	_ =	shalt  }
0x4b: {  	_ =	shalt  }
0x4c: {  	_ =	shalt  }
0x4d: {  	_ =	shalt  }
0x4e: {  	_ =	shalt  }
0x4f: {  	_ =	shalt  }
0x50: {  	_ =	shalt  }
0x51: {  	_ =	shalt  }
0x52: {  	_ =	shalt  }
0x53: {  	_ =	shalt  }
0x54: {  	_ =	shalt  }
0x55: {  	_ =	shalt  }
0x56: {  	_ =	shalt  }
0x57: {  	_ =	shalt  }
0x58: {  	_ =	shalt  }
0x59: {  	_ =	shalt  }
0x5a: {  	_ =	shalt  }
0x5b: {  	_ =	shalt  }
0x5c: {  	_ =	shalt  }
0x5d: {  	_ =	shalt  }
0x5e: {  	_ =	shalt  }
0x5f: {  	_ =	shalt  }
0x60: {  	_ =	shalt  }
0x61: {  	_ =	shalt  }
0x62: {  	_ =	shalt  }
0x63: {  	_ =	shalt  }
0x64: {  	_ =	shalt  }
0x65: {  	_ =	shalt  }
0x66: {  	_ =	shalt  }
0x67: {  	_ =	shalt  }
0x68: {  	_ =	shalt  }
0x69: {  	_ =	shalt  }
0x6a: {  	_ =	shalt  }
0x6b: {  	_ =	shalt  }
0x6c: {  	_ =	shalt  }
0x6d: {  	_ =	shalt  }
0x6e: {  	_ =	shalt  }
0x6f: {  	_ =	shalt  }
0x70: {  	_ =	shalt  }
0x71: {  	_ =	shalt  }
0x72: {  	_ =	shalt  }
0x73: {  	_ =	shalt  }
0x74: {  	_ =	shalt  }
0x75: {  	_ =	shalt  }
0x76: {  	_ =	shalt  }
0x77: {  	_ =	shalt  }
0x78: {  	_ =	shalt  }
0x79: {  	_ =	shalt  }
0x7a: {  	_ =	shalt  }
0x7b: {  	_ =	shalt  }
0x7c: {  	_ =	shalt  }
0x7d: {  	_ =	shalt  }
0x7e: {  	_ =	shalt  }
0x7f: {  	_ =	shalt  }
0x80: {  	_ =	shalt  }
0x81: {  	_ =	shalt  }
0x82: {  	_ =	shalt  }
0x83: {  	_ =	shalt  }
0x84: {  	_ =	shalt  }
0x85: {  	_ =	shalt  }
0x86: {  	_ =	shalt  }
0x87: {  	_ =	shalt  }
.Lfunc_end0:
.L_simem_size_0:
called_computation.6_lowered:
.L_overlay_start_0:
0x88: {  	s2 =	sld [smem:$0x3FD9]  }
0x89: {  	s3 =	sld [smem:$0x3FFE];
	_ =	sdelay $0x1  }
0x8a: {  	s1 =	srdreg.scid  }
0x8b: {  	s0 =	sand.u32 $0x1, s1  }
0x8c: {  	s17 =	sshll.u32 s0, $0xA;
	s2 =	sadd.s32 s3, s2  }
0x8d: {  	s2 =	sadd.s32 s2, s17  }
0x8e: {  	[smem:$0x3FB7] =	sst s2  }
0x8f: {  	_ = 	snop  }
0x90: {  	(tm) =	ssettm $0x1  }
0x91: {  	s18 =	sld [smem:$0x3FFB];
	_ =	sdelay $0x3  }
0x92: {  	_ =	strace s18  }
0x93: {  	s2 =	sld [smem:$0x3FFC];
	_ =	sdelay $0x3  }
0x94: {  	_ =	strace s2  }
0x95: {  	s2 =	sld [smem:$0x3FFD];
	_ =	sdelay $0x3  }
0x96: {  	_ =	strace s2  }
0x97: {  	_ =	strace $0x8FFFFFFF  }
0x98: {  	s19 =	sld [smem:$0x3FDB];
	_ =	sdelay $0x1  }
0x99: {  	s20 =	simm.s32 $_scs_section_size  }
0x9a: {  	s4 =	simm.s32 $_size__tile_overlayer_lowered;
	s5 =	simm.s32 $_tile_overlayer_lowered  }
0x9b: {  	s6 =	simm.s32 $0x1BFF;
	s21 =	sshll.u32 s5, $0x1;
	s3 =	sadd.s32 s20, s19  }
0x9c: {  	s22 =	simm.s32 $0x0;
	s4 =	sshll.u32 s4, $0x1;
	s5 =	sadd.s32 s21, s3  }
0x9d: {  	[timem:s22], [sflag:s6] =	dma.local [hbm:s5], s4  }
0x9e: {  	_ =	swait.ge [sflag:s6], s4  }
0x9f: {  	s4 =	ssub.s32 $0x0, s4;
	[sflag:s6] =	ssyncset.done $0x0  }
0xa0: {  	[sflag:s6] =	ssyncadd.s32 s4;
	_ =	sdelay $0x1  }
0xa1: {  	s23 =	simm.s32 $0x1B8B  }
0xa2: {  	_ =	swait.ge [sflag:s23], $0x1  }
0xa3: {  	[sflag:s23] =	ssyncset.done $0x0  }
0xa4: {  	[sflag:s23] =	ssyncadd.s32 $0xFFFFFFFF  }
0xa5: {  	s4 =	sld [smem:$0x0]  }
0xa6: {  	s5 =	sand.u32 $0xFFFFFFFE, s1  }
0xa7: {  	p0 =	sne.s32 s1, s5  }
0xa8: {  	s5 =	sshll.u32 @p0 s5, $0xE  }
0xa9: {  	s5 =	sadd.s32 @p0 $0x11B8D, s5;
	s6 =	sshll.u32 @p0 s4, $0x11  }
0xaa: {  	s5 =	sor.u32 @p0 s6, s5  }
0xab: {  	[sflag:s5] =	ssyncadd.remote.s32 @p0 $0x1;
	_ =	sdelay $0x1  }
0xac: {  	s5 =	simm.s32 @p0 $0x1B8D  }
0xad: {  	_ =	swait.eq @p0 [sflag:s5], $0x1  }
0xae: {  	[sflag:s5] =	ssyncadd.s32 @p0 $0xFFFFFFFF  }
0xaf: {  	s6 =	sshll.u32 @!p0 s1, $0xE  }
0xb0: {  	s6 =	sor.u32 @!p0 $0x4000, s6;
	s5 =	simm.s32 @!p0 $0x1B8D  }
0xb1: {  	s4 =	sshll.u32 @!p0 s4, $0x11;
	s6 =	sadd.s32 @!p0 $0x11B8D, s6;
	_ =	swait.eq @!p0 [sflag:s5], $0x1  }
0xb2: {  	s4 =	sor.u32 @!p0 s4, s6;
	[sflag:s5] =	ssyncadd.s32 @!p0 $0xFFFFFFFF  }
0xb3: {  	s25 =	simm.s32 $0x1B8E;
	s24 =	sld [smem:$0x3FFE];
	[sflag:s4] =	ssyncadd.remote.s32 @!p0 $0x1  }
0xb4: {  	s26 =	simm.s32 $execute0_lowered;
	[smem:$0x3FD2] =	sst s25  }
0xb5: {  	s5 =	sshll.u32 s26, $0x1;
	_ =	strace $0x8000005B;
	[dreg:$0x1] =	wrdreg $0xFFFFFFFF  }
0xb6: {  	s28 =	simm.s32 $_size_execute0_lowered;
	s3 =	sadd.s32 s3, s5;
	[dreg:$0x0] =	wrdreg $0x0  }
0xb7: {  	s5 =	sshll.u32 s28, $0x1;
	[dreg:$0x2] =	wrdreg s3  }
0xb8: {  	[dreg:$0x3] =	wrdreg s5  }
0xb9: {  	[dreg:$0x4] =	wrdreg $0xC0  }
0xba: {  	_ =	task [dreg:s22], $0x5FFFF  }
0xbb: {  	[dreg:$0x1] =	wrdreg $0xFFFFFFFF  }
0xbc: {  	[dreg:$0x0] =	wrdreg $0x60  }
0xbd: {  	[dreg:$0x2] =	wrdreg s24  }
0xbe: {  	[dreg:$0x3] =	wrdreg $0x90000  }
0xbf: {  	[dreg:$0x4] =	wrdreg $0x9  }
0xc0: {  	_ =	task.clear_ibuf [dreg:s22], $0x5FFFF;
	_ =	strace $0x9000005B  }
0xc1: {  	s29 =	simm.s32 $0x9;
	_ =	strace $0x8000005D  }
0xc2: {  	_ =	swait.ge [sflag:s29], $0x1  }
0xc3: {  	[sflag:s29] =	ssyncadd.s32 $0xFFFFFFFF  }
0xc4: {  	_ =	strace $0x9000005D  }
0xc5: {  	_ =	sfence  }
0xc6: {  	s30 =	sld [smem:$0x0];
	_ =	sdelay $0x2  }
0xc7: {  	s31 =	sshll.u32 s1, $0xD;
	s1 =	sshrl.u32 s1, $0x2  }
0xc8: {  	s4 =	sand.u32 $0x4000, s31;
	s1 =	sadd.s32 s1, s30  }
0xc9: {  	s0 =	sor.u32 s4, s0;
	s1 =	sshll.u32 s1, $0x11  }
0xca: {  	s0 =	sor.u32 s1, s0  }
0xcb: {  	s0 =	sadd.s32 $0x8F2B, s0  }
0xcc: {  	[sflag:s0] =	ssyncadd.remote.s32 $0x1  }
0xcd: {  	_ =	sfence.sel $0xFFFF  }
0xce: {  	[dreg:$0x0] =	wrdreg $0xFFFFFFFF;
	(pc) =	sbr.abs _section_cstart, $3  }
0xcf: {  	[dreg:$0x1] =	wrdreg $0xFFFFFFFF  }
0xd0: {  	_ =	task.clear_ibuf [dreg:s22], $0x2FFFF;
	_ =	strace $0x9FFFFFFF  }
0xd1: {  	(tm) =	ssettm $0x7FFFFFFF  }
tec
execute0_lowered:
.L_overlay_start_1:
0x0: {  	(tag) =	ssettag $0x1  }
0x1: {  	s5 =	rddreg [dreg:$0x0]  }
0x2: {  	s0 =	srdreg.scid;
	s2 =	rddreg [dreg:$0x1]  }
0x3: {  	s1 =	rddreg [dreg:$0x2];
	s3 =	simm.s32 $0x0;
	s14 =	simm.s32 $0x80  }
0x4: {  	s15 =	simm.s32 $0x5000;
	s16 =	simm.s32 $0x1;
	s6 =	sand.u32 $0x1, s0  }
0x5: {  	s17 =	simm.s32 $0x7000;
	s0 =	stileid.u32;
	s4 =	smul.u32 $0x28000, s6  }
0x6: {  	s18 =	simm.s32 $0x2;
	s19 =	simm.s32 $0x2780;
	s7 =	smul.u32 $0x2800, s0  }
0x7: {  	s20 =	simm.s32 $0x4F00;
	s21 =	simm.s32 $0x4F80;
	s8 =	smul.u32 $0xA000, s0  }
0x8: {  	s22 =	simm.s32 $0x0;
	[smem:$0x7FF] =	sst s3;
	s26 =	smul.u32 $0x1400, s0  }
0x9: {  	s10 =	smul.u32 $0x14000, s6;
	_ =	strace $0x8000005C;
	s6 =	ssub.s32 $0x2, s6  }
0xa: {  	s31 =	sshll.u32 s0, $0x6;
	s30 =	sshrl.u32 s6, $0x1;
	s4 =	sadd.s32 s7, s4  }
0xb: {  	s11 =	sshrl.u32 s8, $0x3;
	s7 =	sadd.s32 s26, s10;
	s12 =	ssub.s32 s6, s30  }
0xc: {  	s13 =	sadd.s32 s8, s2;
	s10 =	simm.s32 $0x3;
	s9 =	sshrl.u32 s4, $0x3  }
0xd: {  	s4 =	sadd.s32 $0x68800, s5;
	s28 =	sadd.s32 s11, s5;
	s29 =	sadd.s32 s7, s5  }
0xe: {  	s11 =	simm.s32 $0x2800;
	s13 =	sshrl.u32 s13, $0x3;
	s9 =	sadd.s32 s9, s5  }
0xf: {  	s7 =	sadd.s32 $0x2C800, s28;
	s8 =	sadd.s32 $0x7C800, s29;
	s5 =	sadd.s32 $0x4800, s9  }
0x10: {  	s6 =	sadd.s32 $0x22800, s9;
	s9 =	smax.u32 s12, $0x1;
	s12 =	sor.u32 $0x1C03, s31  }
.LBB2_1:
0x11: {  	[tilespmem:s3], [sflag:$0x3] =	stream.linear.gather [hbm4b:s5+s3], $0x2800, $0x38;
	[tilespmem:$0x13000] =	vst v63  }
0x12: {  	_ =	swait.ge [sflag:s10], $0x2800  }
0x13: {  	[sflag:s10] =	ssyncset.done $0x0  }
0x14: {  	[sflag:s10] =	ssyncadd.s32 $0xFFFFD800  }
0x15: {  	[tilespmem:s11], [sflag:$0x3] =	stream.linear.gather [hbm4b:s6+s3], $0x2800, $0x38;
	[tilespmem:$0x13000] =	vst v63  }
0x16: {  	_ =	swait.ge [sflag:s10], $0x2800  }
0x17: {  	[sflag:s10] =	ssyncset.done $0x0  }
0x18: {  	[sflag:s10] =	ssyncadd.s32 $0xFFFFD800  }
0x19: {  	[spmem:s13], [sflag:s12] =	dma.local [hbm:s7], $0x1400  }
0x1a: {  	_ =	swait.ge [sflag:s10], $0x1400  }
0x1b: {  	[sflag:s10] =	ssyncset.done $0x0  }
0x1c: {  	[sflag:s10] =	ssyncadd.s32 $0xFFFFEC00  }
0x1d: {  	[bflag:$0x0] =	sbarrier.arrive $0xFFFF  }
0x1e: {  	[tilespmem:s15], [sflag:$0x1] =	stream.indirect.gather [hbm4b:s4+s14], $0x40, s3, s14, $0xb8;
	[tilespmem:$0x13000] =	vst v63  }
0x1f: {  	_ =	swait.ge [sflag:s16], $0x2000  }
0x20: {  	[sflag:s16] =	ssyncset.done $0x0  }
0x21: {  	s23 =	simm.s32 $0x80;
	[sflag:s16] =	ssyncadd.s32 $0xFFFFE000  }
0x22: {  	[tilespmem:s17], [sflag:$0x2] =	stream.indirect.gather [hbm4b:s4+s14], $0x40, s23, s14, $0xb8;
	[tilespmem:$0x13000] =	vst v63  }
0x23: {  	s29 =	simm.s32 $0x2800  }
0x24: {  	[spmem:s2] =	stream.indirect.scatter.add.f32 [tilespmem:s15], [sflag:$0x3], $0x40, s29, s14, $0xb8;
	[tilespmem:$0x13000] =	vst v63  }
0x25: {  	_ =	swait.ge [sflag:s10], $0x2000  }
0x26: {  	[sflag:s10] =	ssyncset.done $0x0  }
0x27: {  	[sflag:s10] =	ssyncadd.s32 $0xFFFFE000  }
0x28: {  	_ =	swait.ge [sflag:s18], $0x2000  }
0x29: {  	[sflag:s18] =	ssyncset.done $0x0  }
0x2a: {  	s30 =	simm.s32 $0x100;
	[sflag:s18] =	ssyncadd.s32 $0xFFFFE000  }
0x2b: {  	[tilespmem:s15], [sflag:$0x1] =	stream.indirect.gather [hbm4b:s4+s14], $0x40, s30, s14, $0xb8;
	[tilespmem:$0x13000] =	vst v63  }
0x2c: {  	s31 =	simm.s32 $0x2880  }
0x2d: {  	[spmem:s2] =	stream.indirect.scatter.add.f32 [tilespmem:s17], [sflag:$0x3], $0x40, s31, s14, $0xb8;
	[tilespmem:$0x13000] =	vst v63  }
0x2e: {  	_ =	swait.ge [sflag:s10], $0x2000  }
0x2f: {  	s23 =	simm.s32 $0x400;
	[sflag:s10] =	ssyncset.done $0x0  }
.LBB2_2:
0x30: {  	p0 =	sne.s32 s23, $0x9800  }
0x31: {  	[sflag:s10] =	ssyncadd.s32 $0xFFFFE000;
	s24 =	smov.u32 s23;
	s23 =	sadd.s32 $0x400, s23  }
0x32: {  	_ = 	snop  }
0x33: {  	_ =	swait.ge [sflag:s16], $0x2000  }
0x34: {  	s24 =	sshra.s32 s24, $0x2;
	[sflag:s16] =	ssyncset.done $0x0  }
0x35: {  	s25 =	sadd.s32 $0x80, s24;
	[sflag:s16] =	ssyncadd.s32 $0xFFFFE000  }
0x36: {  	[tilespmem:s17], [sflag:$0x2] =	stream.indirect.gather [hbm4b:s4+s14], $0x40, s25, s14, $0xb8;
	[tilespmem:$0x13000] =	vst v63  }
0x37: {  	s25 =	sadd.s32 $0x2800, s24  }
0x38: {  	[spmem:s2] =	stream.indirect.scatter.add.f32 [tilespmem:s15], [sflag:$0x3], $0x40, s25, s14, $0xb8;
	[tilespmem:$0x13000] =	vst v63  }
0x39: {  	_ =	swait.ge [sflag:s10], $0x2000  }
0x3a: {  	[sflag:s10] =	ssyncset.done $0x0  }
0x3b: {  	[sflag:s10] =	ssyncadd.s32 $0xFFFFE000  }
0x3c: {  	_ =	swait.ge [sflag:s18], $0x2000  }
0x3d: {  	[sflag:s18] =	ssyncset.done $0x0  }
0x3e: {  	s25 =	sadd.s32 $0x100, s24;
	[sflag:s18] =	ssyncadd.s32 $0xFFFFE000  }
0x3f: {  	[tilespmem:s15], [sflag:$0x1] =	stream.indirect.gather [hbm4b:s4+s14], $0x40, s25, s14, $0xb8;
	[tilespmem:$0x13000] =	vst v63  }
.Ltmp0:
0x40: {  	_ = 	snop;
	(pc) =	sbr.rel @p0 .LBB2_2-.Ltmp0, $4  }
0x41: {  	s24 =	sadd.s32 $0x2880, s24  }
0x42: {  	[spmem:s2] =	stream.indirect.scatter.add.f32 [tilespmem:s17], [sflag:$0x3], $0x40, s24, s14, $0xb8;
	[tilespmem:$0x13000] =	vst v63  }
0x43: {  	_ =	swait.ge [sflag:s10], $0x2000  }
0x44: {  	[sflag:s10] =	ssyncset.done $0x0  }
0x45: {  	[sflag:s10] =	ssyncadd.s32 $0xFFFFE000  }
0x46: {  	_ =	swait.ge [sflag:s16], $0x2000  }
0x47: {  	[sflag:s16] =	ssyncset.done $0x0  }
0x48: {  	[sflag:s16] =	ssyncadd.s32 $0xFFFFE000  }
0x49: {  	[tilespmem:s17], [sflag:$0x2] =	stream.indirect.gather [hbm4b:s4+s14], $0x40, s19, s14, $0xb8;
	[tilespmem:$0x13000] =	vst v63  }
0x4a: {  	_ = 	snop  }
0x4b: {  	[spmem:s2] =	stream.indirect.scatter.add.f32 [tilespmem:s15], [sflag:$0x3], $0x40, s20, s14, $0xb8;
	[tilespmem:$0x13000] =	vst v63  }
0x4c: {  	_ =	swait.ge [sflag:s10], $0x2000  }
0x4d: {  	[sflag:s10] =	ssyncset.done $0x0  }
0x4e: {  	[sflag:s10] =	ssyncadd.s32 $0xFFFFE000  }
0x4f: {  	_ =	swait.ge [sflag:s18], $0x2000  }
0x50: {  	[sflag:s18] =	ssyncset.done $0x0  }
0x51: {  	[sflag:s18] =	ssyncadd.s32 $0xFFFFE000  }
0x52: {  	[spmem:s2] =	stream.indirect.scatter.add.f32 [tilespmem:s17], [sflag:$0x3], $0x40, s21, s14, $0xb8;
	[tilespmem:$0x13000] =	vst v63  }
0x53: {  	_ =	swait.ge [sflag:s10], $0x2000  }
0x54: {  	s22 =	sadd.s32 $0x1, s22;
	[sflag:s10] =	ssyncset.done $0x0  }
0x55: {  	p0 =	sne.s32 s22, s9;
	[sflag:s10] =	ssyncadd.s32 $0xFFFFE000  }
.Ltmp1:
0x56: {  	[bflag:$0x0] =	sbarrier.arrive $0xFFFF;
	(pc) =	sbr.rel @p0 .LBB2_1-.Ltmp1, $4  }
0x57: {  	[hbm:s8], [sflag:s12] =	dma.local [spmem:s13], $0x1400  }
0x58: {  	_ =	swait.ge [sflag:s10], $0x1400  }
0x59: {  	[sflag:s10] =	ssyncset.done $0x0  }
0x5a: {  	[sflag:s10] =	ssyncadd.s32 $0xFFFFEC00  }
0x5b: {  	_ =	sfence.sel $0x180000  }
0x5c: {  	[bflag:$0x0] =	sbarrier.arrive $0xFFFF  }
0x5d: {  	p0 =	sne.s32 s0, $0x0;
	_ =	strace $0x9000005C  }
0x5e: {  	s0 =	sadd.s32 @!p0 $0x100000, s1;
	[bflag:$0x2] =	sbarrier.arrive $0xFFFF  }
0x5f: {  	[sflag:s0] =	ssyncadd.tile.s32 @!p0 $0x1;
	_ =	shalt  }
.Lfunc_end2:
_tile_overlayer_lowered:
.L_overlay_start_2:
0x60: {  	(tag) =	ssettag $0x2  }
0x61: {  	s0 =	rddreg [dreg:$0x0];
	s2 =	stileid.u32  }
0x62: {  	s1 =	rddreg [dreg:$0x1];
	p0 =	sne.s32 s2, $0x0  }
0x63: {  	s3 =	rddreg [dreg:$0x2];
	[bflag:$0x3] =	sbarrier.arrive $0xFFFF;
	s2 =	simm.s32 @!p0 $0x1C03  }
0x64: {  	[timem:s3], [sflag:s2] =	dma.local @!p0 [hbm:s0], s1  }
0x65: {  	s0 =	simm.s32 @!p0 $0x3  }
0x66: {  	_ =	swait.ge @!p0 [sflag:s0], s1  }
0x67: {  	s1 =	ssub.s32 @!p0 $0x0, s1;
	[sflag:s0] =	ssyncset.done @!p0 $0x0  }
0x68: {  	[sflag:s0] =	ssyncadd.s32 @!p0 s1  }
0x69: {  	[bflag:$0x3] =	sbarrier.arrive $0xFFFF  }
0x6a: {  	_ =	shalt  }

// kernel: kernel.36.cloned.1.call-start
scs
__scs_entry_jumppad:
0x0: {  	(pc) =	sbr.rel $0x88, $3  }
0x1: {  	(tag) =	ssettag $0x0;
	lr =	simm.s32 $0x1  }
0x2: {  	[smem:$0x3F90] =	sst lr;
	_ =	strace $0xD0000000  }
0x3: {  	_ = 	snop  }
0x4: {  	_ = 	snop  }
0x5: {  	_ = 	snop  }
0x6: {  	_ = 	snop  }
0x7: {  	_ = 	snop  }
__scs_overlays_trampoline_lowered:
0x8: {  	[smem:$0x3F9F] =	sst s0  }
0x9: {  	[smem:$0x3FA0] =	sst s1  }
0xa: {  	[smem:$0x3FA1] =	sst s2  }
0xb: {  	[smem:$0x3FA2] =	sst s3  }
0xc: {  	[smem:$0x3FA3] =	sst s4  }
0xd: {  	[smem:$0x3FA4] =	sst s5  }
0xe: {  	[smem:$0x3FA5] =	sst s6  }
0xf: {  	[smem:$0x3FA6] =	sst s7  }
0x10: {  	[smem:$0x3FA7] =	sst s8  }
0x11: {  	[smem:$0x3FA8] =	sst s9;
	s0 =	simm.s32 @!p0 $0x0  }
0x12: {  	s1 =	sld [smem:$0x3F8E];
	s0 =	simm.s32 @p0 $0x1  }
0x13: {  	[smem:$0x3FA9] =	sst s0;
	s0 =	simm.s32 @!p1 $0x0  }
0x14: {  	s2 =	sld [smem:$0x3F8D];
	s0 =	simm.s32 @p1 $0x1  }
0x15: {  	[smem:$0x3FAA] =	sst s0;
	s0 =	simm.s32 @!p2 $0x0  }
0x16: {  	s3 =	sld [smem:$0x3FDB];
	s0 =	simm.s32 @p2 $0x1  }
0x17: {  	s4 =	simm.s32 $0x1BF5;
	[smem:$0x3FAC] =	sst s0  }
0x18: {  	s0 =	sld [smem:$0x3F8F];
	_ =	swait.ge [sflag:s4], $0x0  }
0x19: {  	s7 =	sld [smem:$0x3F90]  }
0x1a: {  	s8 =	sadd.s32 $0xFFFFE003, lr  }
0x1b: {  	s9 =	sadd.s32 $0xFFFFFEF7, lr;
	s5 =	simm.s32 $0xFFFFFFFF;
	p2 =	slt.u32 s8, $0xFFFFF086  }
0x1c: {  	p1 =	slt.u32 s9, $0xF7A;
	s5 =	simm.s32 @!p2 $0x0  }
0x1d: {  	s5 =	simm.s32 @p1 $0x1;
	p0 =	seq.s32 s7, s2  }
0x1e: {  	s7 =	smul.u32 @!p0 $0xF7A, s2;
	p2 =	seq.s32 @!p0 s5, $0x0  }
0x1f: {  	s9 =	smul.u32 $0xF7A, s1;
	s8 =	simm.s32 @!p0 $0x1BF5;
	p2 =	por !p2, p0  }
0x20: {  	[sflag:s8] =	ssyncset.s32 @!p0 $0xFFFFF086;
	s6 =	sadd.s32 @!p0 s3, s7;
	s7 =	simm.s32 @!p0 $0x108  }
0x21: {  	s3 =	sadd.s32 s3, s9;
	s6 =	sadd.s32 @!p0 $0x88, s6;
	s7 =	simm.s32 @p2 $0x1082  }
0x22: {  	[simem:s7], [sflag:s8] =	dma.local @!p0 [hbm:s6], $0xF7A  }
0x23: {  	s9 =	sor.u32 $0xD0000000, s2;
	s6 =	simm.s32 $0x108;
	_ =	swait.ge @!p0 [sflag:s8], $0x0  }
0x24: {  	s3 =	sadd.s32 $0x88, s3;
	s6 =	simm.s32 @!p1 $0x1082;
	[sflag:s4] =	ssyncset.s32 $0xFFFFF086  }
0x25: {  	[simem:s6], [sflag:s4] =	dma.local [hbm:s3], $0xF7A  }
0x26: {  	[smem:$0x3F90] =	sst s1;
	(tag) =	ssettag s2;
	_ =	strace s9  }
0x27: {  	s1 =	sld [smem:$0x3FA0]  }
0x28: {  	s2 =	sld [smem:$0x3FA1]  }
0x29: {  	s4 =	sld [smem:$0x3FA3]  }
0x2a: {  	p0 =	seq.s32 s5, $0x0;
	s5 =	sld [smem:$0x3FA4]  }
0x2b: {  	s6 =	sld [smem:$0x3FA5]  }
0x2c: {  	s7 =	sld [smem:$0x3FA6]  }
0x2d: {  	s3 =	simm.s32 $0x108;
	s8 =	sld [smem:$0x3FA7]  }
0x2e: {  	s3 =	simm.s32 @!p0 $0x1082;
	s9 =	sld [smem:$0x3FA8]  }
0x2f: {  	lr =	sadd.s32 s0, s3;
	s0 =	sld [smem:$0x3F9F]  }
0x30: {  	s3 =	sld [smem:$0x3FA2]  }
0x31: {  	[smem:$0x3FAB] =	sst s10  }
0x32: {  	s10 =	sld [smem:$0x3FA9];
	_ =	sdelay $0x3  }
0x33: {  	p0 =	seq.s32 s10, $0x1;
	s10 =	sld [smem:$0x3FAB];
	_ =	sdelay $0x3  }
0x34: {  	[smem:$0x3FAB] =	sst s10  }
0x35: {  	s10 =	sld [smem:$0x3FAA];
	_ =	sdelay $0x3  }
0x36: {  	p1 =	seq.s32 s10, $0x1;
	s10 =	sld [smem:$0x3FAB];
	_ =	sdelay $0x3  }
0x37: {  	[smem:$0x3FAB] =	sst s10  }
0x38: {  	s10 =	sld [smem:$0x3FAC]  }
0x39: {  	_ = 	snop;
	(pc) =	sbr.ind lr, $3  }
0x3a: {  	_ = 	snop  }
0x3b: {  	_ = 	snop  }
0x3c: {  	p2 =	seq.s32 s10, $0x1;
	s10 =	sld [smem:$0x3FAB]  }
0x3d: {  	_ =	shalt  }
0x3e: {  	_ =	shalt  }
0x3f: {  	_ =	shalt  }
0x40: {  	_ =	shalt  }
0x41: {  	_ =	shalt  }
0x42: {  	_ =	shalt  }
0x43: {  	_ =	shalt  }
0x44: {  	_ =	shalt  }
0x45: {  	_ =	shalt  }
0x46: {  	_ =	shalt  }
0x47: {  	_ =	shalt  }
0x48: {  	_ =	shalt  }
0x49: {  	_ =	shalt  }
0x4a: {  	_ =	shalt  }
0x4b: {  	_ =	shalt  }
0x4c: {  	_ =	shalt  }
0x4d: {  	_ =	shalt  }
0x4e: {  	_ =	shalt  }
0x4f: {  	_ =	shalt  }
0x50: {  	_ =	shalt  }
0x51: {  	_ =	shalt  }
0x52: {  	_ =	shalt  }
0x53: {  	_ =	shalt  }
0x54: {  	_ =	shalt  }
0x55: {  	_ =	shalt  }
0x56: {  	_ =	shalt  }
0x57: {  	_ =	shalt  }
0x58: {  	_ =	shalt  }
0x59: {  	_ =	shalt  }
0x5a: {  	_ =	shalt  }
0x5b: {  	_ =	shalt  }
0x5c: {  	_ =	shalt  }
0x5d: {  	_ =	shalt  }
0x5e: {  	_ =	shalt  }
0x5f: {  	_ =	shalt  }
0x60: {  	_ =	shalt  }
0x61: {  	_ =	shalt  }
0x62: {  	_ =	shalt  }
0x63: {  	_ =	shalt  }
0x64: {  	_ =	shalt  }
0x65: {  	_ =	shalt  }
0x66: {  	_ =	shalt  }
0x67: {  	_ =	shalt  }
0x68: {  	_ =	shalt  }
0x69: {  	_ =	shalt  }
0x6a: {  	_ =	shalt  }
0x6b: {  	_ =	shalt  }
0x6c: {  	_ =	shalt  }
0x6d: {  	_ =	shalt  }
0x6e: {  	_ =	shalt  }
0x6f: {  	_ =	shalt  }
0x70: {  	_ =	shalt  }
0x71: {  	_ =	shalt  }
0x72: {  	_ =	shalt  }
0x73: {  	_ =	shalt  }
0x74: {  	_ =	shalt  }
0x75: {  	_ =	shalt  }
0x76: {  	_ =	shalt  }
0x77: {  	_ =	shalt  }
0x78: {  	_ =	shalt  }
0x79: {  	_ =	shalt  }
0x7a: {  	_ =	shalt  }
0x7b: {  	_ =	shalt  }
0x7c: {  	_ =	shalt  }
0x7d: {  	_ =	shalt  }
0x7e: {  	_ =	shalt  }
0x7f: {  	_ =	shalt  }
0x80: {  	_ =	shalt  }
0x81: {  	_ =	shalt  }
0x82: {  	_ =	shalt  }
0x83: {  	_ =	shalt  }
0x84: {  	_ =	shalt  }
0x85: {  	_ =	shalt  }
0x86: {  	_ =	shalt  }
0x87: {  	_ =	shalt  }
.Lfunc_end0:
.L_simem_size_0:
called_computation.7_lowered:
.L_overlay_start_0:
0x88: {  	s2 =	sld [smem:$0x3FD9]  }
0x89: {  	s3 =	sld [smem:$0x3FFE];
	_ =	sdelay $0x1  }
0x8a: {  	s1 =	srdreg.scid  }
0x8b: {  	s0 =	sand.u32 $0x1, s1  }
0x8c: {  	s14 =	sshll.u32 s0, $0xA;
	s2 =	sadd.s32 s3, s2  }
0x8d: {  	s2 =	sadd.s32 s2, s14  }
0x8e: {  	[smem:$0x3FB7] =	sst s2  }
0x8f: {  	_ = 	snop  }
0x90: {  	s2 =	sld [smem:$0x3FD0];
	_ =	sdelay $0x2  }
0x91: {  	s15 =	simm.s32 $0xB;
	s4 =	simm.s32 $0x10  }
0x92: {  	[smem:s4], [sflag:s15] =	dma.local [hbm:s2], $0x1  }
0x93: {  	_ =	swait.eq [sflag:s15], $0x1  }
0x94: {  	[sflag:s15] =	ssyncset.done $0x0  }
0x95: {  	[sflag:s15] =	ssyncadd.s32 $0xFFFFFFFF  }
0x96: {  	s16 =	sld [smem:$0x10];
	(tm) =	ssettm $0x1  }
0x97: {  	s17 =	sld [smem:$0x3FFB];
	_ =	sdelay $0x3  }
0x98: {  	_ =	strace s17  }
0x99: {  	s3 =	sld [smem:$0x3FFC];
	_ =	sdelay $0x3  }
0x9a: {  	_ =	strace s3  }
0x9b: {  	s3 =	sld [smem:$0x3FFD];
	_ =	sdelay $0x3  }
0x9c: {  	_ =	strace s3  }
0x9d: {  	_ =	strace $0x8FFFFFFF  }
0x9e: {  	s18 =	sld [smem:$0x3FDB];
	_ =	sdelay $0x1  }
0x9f: {  	s19 =	simm.s32 $_scs_section_size  }
0xa0: {  	s5 =	simm.s32 $_size__tile_overlayer_lowered;
	s6 =	simm.s32 $_tile_overlayer_lowered  }
0xa1: {  	s22 =	simm.s32 $0x1BFF;
	s21 =	sshll.u32 s6, $0x1;
	s3 =	sadd.s32 s19, s18  }
0xa2: {  	s7 =	simm.s32 $0x0;
	s20 =	sshll.u32 s5, $0x1;
	s5 =	sadd.s32 s21, s3  }
0xa3: {  	[timem:s7], [sflag:s22] =	dma.local [hbm:s5], s20  }
0xa4: {  	_ =	swait.ge [sflag:s22], s20  }
0xa5: {  	s4 =	ssub.s32 $0x0, s20;
	[sflag:s22] =	ssyncset.done $0x0  }
0xa6: {  	[sflag:s22] =	ssyncadd.s32 s4;
	_ =	sdelay $0x1  }
0xa7: {  	s23 =	simm.s32 $0x1B8B  }
0xa8: {  	_ =	swait.ge [sflag:s23], $0x1  }
0xa9: {  	[sflag:s23] =	ssyncset.done $0x0  }
0xaa: {  	s25 =	simm.s32 $0x1B8E;
	s24 =	sld [smem:$0x3FFE];
	[sflag:s23] =	ssyncadd.s32 $0xFFFFFFFF  }
0xab: {  	s26 =	simm.s32 $execute0_lowered;
	[smem:$0x3FD2] =	sst s25  }
0xac: {  	s5 =	sshll.u32 s26, $0x1;
	_ =	strace $0x80000058;
	[dreg:$0x1] =	wrdreg $0xFFFFFFFF  }
0xad: {  	s28 =	simm.s32 $_size_execute0_lowered;
	s3 =	sadd.s32 s3, s5;
	[dreg:$0x0] =	wrdreg $0x0  }
0xae: {  	s5 =	sshll.u32 s28, $0x1;
	[dreg:$0x2] =	wrdreg s3  }
0xaf: {  	[dreg:$0x3] =	wrdreg s5  }
0xb0: {  	[dreg:$0x4] =	wrdreg $0xC0  }
0xb1: {  	_ =	task [dreg:s7], $0x5FFFF  }
0xb2: {  	[dreg:$0x1] =	wrdreg $0xFFFFFFFF  }
0xb3: {  	[dreg:$0x0] =	wrdreg $0x60  }
0xb4: {  	[dreg:$0x2] =	wrdreg s24  }
0xb5: {  	[dreg:$0x3] =	wrdreg s16  }
0xb6: {  	[dreg:$0x4] =	wrdreg $0x90000  }
0xb7: {  	[dreg:$0x5] =	wrdreg $0xA  }
0xb8: {  	_ =	task.clear_ibuf [dreg:s7], $0x6FFFF;
	_ =	strace $0x90000058  }
0xb9: {  	s29 =	simm.s32 $0xA;
	_ =	strace $0x8000005A  }
0xba: {  	_ =	swait.ge [sflag:s29], $0x1  }
0xbb: {  	[sflag:s29] =	ssyncadd.s32 $0xFFFFFFFF  }
0xbc: {  	_ =	strace $0x9000005A  }
0xbd: {  	_ =	sfence  }
0xbe: {  	s30 =	sld [smem:$0x0];
	_ =	sdelay $0x2  }
0xbf: {  	s31 =	sshll.u32 s1, $0xD;
	s1 =	sshrl.u32 s1, $0x2  }
0xc0: {  	s3 =	sand.u32 $0x4000, s31;
	s1 =	sadd.s32 s1, s30  }
0xc1: {  	s0 =	sor.u32 s3, s0;
	s1 =	sshll.u32 s1, $0x11  }
0xc2: {  	s0 =	sor.u32 s1, s0  }
0xc3: {  	s0 =	sadd.s32 $0x8F2B, s0  }
0xc4: {  	[sflag:s0] =	ssyncadd.remote.s32 $0x1  }
0xc5: {  	_ =	sfence.sel $0xFFFF  }
0xc6: {  	[dreg:$0x0] =	wrdreg $0xFFFFFFFF;
	(pc) =	sbr.abs _section_cstart, $3  }
0xc7: {  	[dreg:$0x1] =	wrdreg $0xFFFFFFFF  }
0xc8: {  	_ =	task.clear_ibuf [dreg:s7], $0x2FFFF;
	_ =	strace $0x9FFFFFFF  }
0xc9: {  	(tm) =	ssettm $0x7FFFFFFF  }
tec
execute0_lowered:
.L_overlay_start_1:
0x0: {  	(tag) =	ssettag $0x1  }
0x1: {  	s5 =	rddreg [dreg:$0x0]  }
0x2: {  	s8 =	rddreg [dreg:$0x1]  }
0x3: {  	s1 =	rddreg [dreg:$0x2]  }
0x4: {  	s2 =	srdreg.scid;
	s0 =	rddreg [dreg:$0x3];
	s3 =	simm.s32 $0x0  }
0x5: {  	s15 =	simm.s32 $0x5000;
	s16 =	simm.s32 $0x1;
	s17 =	simm.s32 $0x7000  }
0x6: {  	s18 =	simm.s32 $0x2;
	s19 =	simm.s32 $0x2780;
	s6 =	sand.u32 $0x1, s2  }
0x7: {  	s20 =	simm.s32 $0x4F00;
	s2 =	stileid.u32;
	s7 =	smul.u32 $0x28000, s6  }
0x8: {  	s21 =	simm.s32 $0x4F80;
	s22 =	simm.s32 $0x0;
	s9 =	smul.u32 $0x2800, s2  }
0x9: {  	[smem:$0x7FF] =	sst s3;
	s4 =	sadd.s32 $0xE800, s5;
	s26 =	smul.u32 $0xA000, s2  }
0xa: {  	_ =	strace $0x80000059;
	s10 =	ssub.s32 $0x2, s6;
	s11 =	smul.u32 $0x1400, s2  }
0xb: {  	s14 =	smul.u32 $0x14000, s6;
	s31 =	sshll.u32 s2, $0x6;
	s13 =	sshrl.u32 s10, $0x1  }
0xc: {  	s7 =	sadd.s32 s9, s7;
	s12 =	sshrl.u32 s26, $0x3;
	s10 =	ssub.s32 s10, s13  }
0xd: {  	s11 =	sadd.s32 s11, s14;
	s30 =	sadd.s32 s26, s1;
	s14 =	simm.s32 $0x80  }
0xe: {  	s7 =	sshrl.u32 s7, $0x3;
	s29 =	sadd.s32 s12, s5;
	s8 =	sadd.s32 s8, s11  }
0xf: {  	s9 =	smax.u32 s10, $0x1;
	s10 =	simm.s32 $0x3;
	s11 =	simm.s32 $0x2800  }
0x10: {  	s12 =	sor.u32 $0x1C03, s31;
	s13 =	sshrl.u32 s30, $0x3;
	s28 =	sadd.s32 s7, s5  }
0x11: {  	s7 =	sadd.s32 $0x2C800, s29;
	s5 =	sadd.s32 $0x4800, s28;
	s6 =	sadd.s32 $0x22800, s28  }
.LBB2_1:
0x12: {  	[tilespmem:s3], [sflag:$0x3] =	stream.linear.gather [hbm4b:s5+s3], $0x2800, $0x38;
	[tilespmem:$0x13000] =	vst v63  }
0x13: {  	_ =	swait.ge [sflag:s10], $0x2800  }
0x14: {  	[sflag:s10] =	ssyncset.done $0x0  }
0x15: {  	[sflag:s10] =	ssyncadd.s32 $0xFFFFD800  }
0x16: {  	[tilespmem:s11], [sflag:$0x3] =	stream.linear.gather [hbm4b:s6+s3], $0x2800, $0x38;
	[tilespmem:$0x13000] =	vst v63  }
0x17: {  	_ =	swait.ge [sflag:s10], $0x2800  }
0x18: {  	[sflag:s10] =	ssyncset.done $0x0  }
0x19: {  	[sflag:s10] =	ssyncadd.s32 $0xFFFFD800  }
0x1a: {  	[spmem:s13], [sflag:s12] =	dma.local [hbm:s7], $0x1400  }
0x1b: {  	_ =	swait.ge [sflag:s10], $0x1400  }
0x1c: {  	[sflag:s10] =	ssyncset.done $0x0  }
0x1d: {  	[sflag:s10] =	ssyncadd.s32 $0xFFFFEC00  }
0x1e: {  	[bflag:$0x0] =	sbarrier.arrive $0xFFFF  }
0x1f: {  	[tilespmem:s15], [sflag:$0x1] =	stream.indirect.gather [hbm4b:s4+s14], $0x40, s3, s14, $0xb8;
	[tilespmem:$0x13000] =	vst v63  }
0x20: {  	_ =	swait.ge [sflag:s16], $0x2000  }
0x21: {  	[sflag:s16] =	ssyncset.done $0x0  }
0x22: {  	s23 =	simm.s32 $0x80;
	[sflag:s16] =	ssyncadd.s32 $0xFFFFE000  }
0x23: {  	[tilespmem:s17], [sflag:$0x2] =	stream.indirect.gather [hbm4b:s4+s14], $0x40, s23, s14, $0xb8;
	[tilespmem:$0x13000] =	vst v63  }
0x24: {  	s29 =	simm.s32 $0x2800  }
0x25: {  	[spmem:s1] =	stream.indirect.scatter.add.f32 [tilespmem:s15], [sflag:$0x3], $0x40, s29, s14, $0xb8;
	[tilespmem:$0x13000] =	vst v63  }
0x26: {  	_ =	swait.ge [sflag:s10], $0x2000  }
0x27: {  	[sflag:s10] =	ssyncset.done $0x0  }
0x28: {  	[sflag:s10] =	ssyncadd.s32 $0xFFFFE000  }
0x29: {  	_ =	swait.ge [sflag:s18], $0x2000  }
0x2a: {  	[sflag:s18] =	ssyncset.done $0x0  }
0x2b: {  	s30 =	simm.s32 $0x100;
	[sflag:s18] =	ssyncadd.s32 $0xFFFFE000  }
0x2c: {  	[tilespmem:s15], [sflag:$0x1] =	stream.indirect.gather [hbm4b:s4+s14], $0x40, s30, s14, $0xb8;
	[tilespmem:$0x13000] =	vst v63  }
0x2d: {  	s31 =	simm.s32 $0x2880  }
0x2e: {  	[spmem:s1] =	stream.indirect.scatter.add.f32 [tilespmem:s17], [sflag:$0x3], $0x40, s31, s14, $0xb8;
	[tilespmem:$0x13000] =	vst v63  }
0x2f: {  	_ =	swait.ge [sflag:s10], $0x2000  }
0x30: {  	s23 =	simm.s32 $0x400;
	[sflag:s10] =	ssyncset.done $0x0  }
.LBB2_2:
0x31: {  	p0 =	sne.s32 s23, $0x9800  }
0x32: {  	[sflag:s10] =	ssyncadd.s32 $0xFFFFE000;
	s24 =	smov.u32 s23;
	s23 =	sadd.s32 $0x400, s23  }
0x33: {  	_ = 	snop  }
0x34: {  	_ =	swait.ge [sflag:s16], $0x2000  }
0x35: {  	s24 =	sshra.s32 s24, $0x2;
	[sflag:s16] =	ssyncset.done $0x0  }
0x36: {  	s25 =	sadd.s32 $0x80, s24;
	[sflag:s16] =	ssyncadd.s32 $0xFFFFE000  }
0x37: {  	[tilespmem:s17], [sflag:$0x2] =	stream.indirect.gather [hbm4b:s4+s14], $0x40, s25, s14, $0xb8;
	[tilespmem:$0x13000] =	vst v63  }
0x38: {  	s25 =	sadd.s32 $0x2800, s24  }
0x39: {  	[spmem:s1] =	stream.indirect.scatter.add.f32 [tilespmem:s15], [sflag:$0x3], $0x40, s25, s14, $0xb8;
	[tilespmem:$0x13000] =	vst v63  }
0x3a: {  	_ =	swait.ge [sflag:s10], $0x2000  }
0x3b: {  	[sflag:s10] =	ssyncset.done $0x0  }
0x3c: {  	[sflag:s10] =	ssyncadd.s32 $0xFFFFE000  }
0x3d: {  	_ =	swait.ge [sflag:s18], $0x2000  }
0x3e: {  	[sflag:s18] =	ssyncset.done $0x0  }
0x3f: {  	s25 =	sadd.s32 $0x100, s24;
	[sflag:s18] =	ssyncadd.s32 $0xFFFFE000  }
0x40: {  	[tilespmem:s15], [sflag:$0x1] =	stream.indirect.gather [hbm4b:s4+s14], $0x40, s25, s14, $0xb8;
	[tilespmem:$0x13000] =	vst v63  }
.Ltmp0:
0x41: {  	_ = 	snop;
	(pc) =	sbr.rel @p0 .LBB2_2-.Ltmp0, $4  }
0x42: {  	s24 =	sadd.s32 $0x2880, s24  }
0x43: {  	[spmem:s1] =	stream.indirect.scatter.add.f32 [tilespmem:s17], [sflag:$0x3], $0x40, s24, s14, $0xb8;
	[tilespmem:$0x13000] =	vst v63  }
0x44: {  	_ =	swait.ge [sflag:s10], $0x2000  }
0x45: {  	[sflag:s10] =	ssyncset.done $0x0  }
0x46: {  	[sflag:s10] =	ssyncadd.s32 $0xFFFFE000  }
0x47: {  	_ =	swait.ge [sflag:s16], $0x2000  }
0x48: {  	[sflag:s16] =	ssyncset.done $0x0  }
0x49: {  	[sflag:s16] =	ssyncadd.s32 $0xFFFFE000  }
0x4a: {  	[tilespmem:s17], [sflag:$0x2] =	stream.indirect.gather [hbm4b:s4+s14], $0x40, s19, s14, $0xb8;
	[tilespmem:$0x13000] =	vst v63  }
0x4b: {  	_ = 	snop  }
0x4c: {  	[spmem:s1] =	stream.indirect.scatter.add.f32 [tilespmem:s15], [sflag:$0x3], $0x40, s20, s14, $0xb8;
	[tilespmem:$0x13000] =	vst v63  }
0x4d: {  	_ =	swait.ge [sflag:s10], $0x2000  }
0x4e: {  	[sflag:s10] =	ssyncset.done $0x0  }
0x4f: {  	[sflag:s10] =	ssyncadd.s32 $0xFFFFE000  }
0x50: {  	_ =	swait.ge [sflag:s18], $0x2000  }
0x51: {  	[sflag:s18] =	ssyncset.done $0x0  }
0x52: {  	[sflag:s18] =	ssyncadd.s32 $0xFFFFE000  }
0x53: {  	[spmem:s1] =	stream.indirect.scatter.add.f32 [tilespmem:s17], [sflag:$0x3], $0x40, s21, s14, $0xb8;
	[tilespmem:$0x13000] =	vst v63  }
0x54: {  	_ =	swait.ge [sflag:s10], $0x2000  }
0x55: {  	s22 =	sadd.s32 $0x1, s22;
	[sflag:s10] =	ssyncset.done $0x0  }
0x56: {  	p0 =	sne.s32 s22, s9;
	[sflag:s10] =	ssyncadd.s32 $0xFFFFE000  }
.Ltmp1:
0x57: {  	[bflag:$0x0] =	sbarrier.arrive $0xFFFF;
	(pc) =	sbr.rel @p0 .LBB2_1-.Ltmp1, $4  }
0x58: {  	[hbm:s8], [sflag:s12] =	dma.local [spmem:s13], $0x1400  }
0x59: {  	_ =	swait.ge [sflag:s10], $0x1400  }
0x5a: {  	[sflag:s10] =	ssyncset.done $0x0  }
0x5b: {  	[sflag:s10] =	ssyncadd.s32 $0xFFFFEC00  }
0x5c: {  	_ =	sfence.sel $0x180000  }
0x5d: {  	[bflag:$0x0] =	sbarrier.arrive $0xFFFF  }
0x5e: {  	p0 =	sne.s32 s2, $0x0;
	_ =	strace $0x90000059  }
0x5f: {  	s0 =	sadd.s32 @!p0 $0x100000, s0;
	[bflag:$0x2] =	sbarrier.arrive $0xFFFF  }
0x60: {  	[sflag:s0] =	ssyncadd.tile.s32 @!p0 $0x1;
	_ =	shalt  }
.Lfunc_end2:
_tile_overlayer_lowered:
.L_overlay_start_2:
0x61: {  	(tag) =	ssettag $0x2  }
0x62: {  	s0 =	rddreg [dreg:$0x0];
	s2 =	stileid.u32  }
0x63: {  	s1 =	rddreg [dreg:$0x1];
	p0 =	sne.s32 s2, $0x0  }
0x64: {  	s3 =	rddreg [dreg:$0x2];
	[bflag:$0x3] =	sbarrier.arrive $0xFFFF;
	s2 =	simm.s32 @!p0 $0x1C03  }
0x65: {  	[timem:s3], [sflag:s2] =	dma.local @!p0 [hbm:s0], s1  }
0x66: {  	s0 =	simm.s32 @!p0 $0x3  }
0x67: {  	_ =	swait.ge @!p0 [sflag:s0], s1  }
0x68: {  	s1 =	ssub.s32 @!p0 $0x0, s1;
	[sflag:s0] =	ssyncset.done @!p0 $0x0  }
0x69: {  	[sflag:s0] =	ssyncadd.s32 @!p0 s1  }
0x6a: {  	[bflag:$0x3] =	sbarrier.arrive $0xFFFF  }
0x6b: {  	_ =	shalt  }

</sc_bundles>
